<compile_context>
chip_gen: v7x
topology: tpu7x:2x2x1
jax: 0.10.2.dev20260603
libtpu: 0.0.44.dev20260713+nightly
codegen_flags: <defaults>
</compile_context>

<pallas_src>
import functools

import jax
import jax.numpy as jnp
from jax import lax
from jax.experimental import pallas as pl
from jax.experimental.pallas import tpu as pltpu
from jax.experimental.pallas import tpu_sc as plsc

N = 10000
E = 160000
G = 64
DIM = 256
NE = 3
HALF = 128
NSUB = 16
EPS16 = E // NSUB
K = 128
EPW = 10240
CH = EPW // K
HCH = CH // 2
ACC = 10240
SRPS = ACC // NSUB
CSLAB = 200
BN = 2000
NB = N // BN
EPS = 1e-5



def _prep_body(src_ref, attr_ref, dst_ref, g_ref, dp_ref):
    g_ref[...] = attr_ref[...] * N + src_ref[...]
    dst = dst_ref[...]
    rowi = lax.broadcasted_iota(jnp.int32, (NSUB, EPW), 0)
    dp_ref[...] = jnp.where(dst < N, dst, N + rowi)


def _prep_call(src2, attr2, dst2):
    return pl.pallas_call(
        _prep_body,
        out_shape=[jax.ShapeDtypeStruct((NSUB, EPW), jnp.int32)] * 2,
    )(src2, attr2, dst2)


def _bn_scale_shift(stats_ref, g_ref, b_ref):
    mean = stats_ref[0:1, :] * (1.0 / N)
    var = stats_ref[1:2, :] * (1.0 / N) - mean * mean
    sc = lax.rsqrt(var + EPS) * g_ref[...]
    sh = b_ref[...] - mean * sc
    return sc, sh


def _ymat_body(h_ref, w_ref, y0_ref, y1_ref):
    w = w_ref[0]
    out = lax.dot_general(h_ref[...], w, (((1,), (1,)), ((), ())),
                          preferred_element_type=jnp.float32,
                          precision=lax.Precision.HIGHEST)
    y0_ref[...] = out[:, :HALF]
    y1_ref[...] = out[:, HALF:]


def _ymat_bn_body(h_ref, w_ref, stats_ref, g_ref, b_ref, y0_ref, y1_ref):
    w = w_ref[0]
    sc, sh = _bn_scale_shift(stats_ref, g_ref, b_ref)
    out = lax.dot_general(h_ref[...], w * sc, (((1,), (1,)), ((), ())),
                          preferred_element_type=jnp.float32,
                          precision=lax.Precision.HIGHEST)
    out = out + lax.dot_general(sh, w, (((1,), (1,)), ((), ())),
                                preferred_element_type=jnp.float32)
    y0_ref[...] = out[:, :HALF]
    y1_ref[...] = out[:, HALF:]


def _ymat_call(h, cw, bn=None):
    din = h.shape[1]
    yspec = [
        pl.BlockSpec((BN, HALF), lambda i, et: (et * NB + i, 0)),
        pl.BlockSpec((BN, HALF), lambda i, et: (et * NB + i, 0)),
    ]
    yshape = [jax.ShapeDtypeStruct((NE * N, HALF), jnp.float32)] * 2
    hw_specs = [
        pl.BlockSpec((BN, din), lambda i, et: (i, 0)),
        pl.BlockSpec((1, DIM, din), lambda i, et: (et, 0, 0)),
    ]
    if bn is None:
        return pl.pallas_call(
            _ymat_body, grid=(NB, NE), in_specs=hw_specs,
            out_specs=yspec, out_shape=yshape)(h, cw)
    stats, bg2, bb2 = bn
    return pl.pallas_call(
        _ymat_bn_body,
        grid=(NB, NE),
        in_specs=hw_specs + [
            pl.BlockSpec((8, din), lambda i, et: (0, 0)),
            pl.BlockSpec((1, din), lambda i, et: (0, 0)),
            pl.BlockSpec((1, din), lambda i, et: (0, 0)),
        ],
        out_specs=yspec, out_shape=yshape)(h, cw, stats, bg2, bb2)


def _layer_core(i, h, a0_ref, a1_ref, lw, bias, b3_ref,
                hr_ref, stats_ref, seg_ref, cnt_ref, pool_ref,
                og_ref, ob_ref):
    out = lax.dot_general(h, lw, (((1,), (1,)), ((), ())),
                          preferred_element_type=jnp.float32)
    out = out + bias
    out = out + jnp.concatenate([a0_ref[...], a1_ref[...]], axis=1)
    hr = jnp.maximum(out, 0.0)
    hr_ref[...] = hr

    @pl.when(i == 0)
    def _():
        stats_ref[...] = jnp.zeros_like(stats_ref)
        seg_ref[...] = jnp.zeros_like(seg_ref)
        cnt_ref[...] = jnp.zeros_like(cnt_ref)

    stats_ref[0:1, :] += jnp.sum(hr, axis=0)[None, :]
    stats_ref[1:2, :] += jnp.sum(hr * hr, axis=0)[None, :]
    b = b3_ref[0]
    oh = (lax.broadcasted_iota(jnp.int32, (G, BN), 0) == b).astype(jnp.float32)
    seg_ref[...] += lax.dot_general(oh, hr, (((1,), (0,)), ((), ())),
                                    preferred_element_type=jnp.float32,
                                    precision=lax.Precision.HIGHEST)
    cnt_ref[...] += jnp.broadcast_to(jnp.sum(oh, axis=1)[:, None], (G, HALF))

    @pl.when(i == NB - 1)
    def _():
        sc, sh = _bn_scale_shift(stats_ref, og_ref, ob_ref)
        cnt = cnt_ref[:, 0:1]
        pooled = seg_ref[...] * sc + cnt * sh
        pool_ref[...] = pooled * lax.rsqrt(cnt)


def _layer_body(h_ref, a0_ref, a1_ref, lw_ref, lb_ref, cb_ref, b3_ref,
                og_ref, ob_ref,
                hr_ref, stats_ref, seg_ref, cnt_ref, pool_ref):
    i = pl.program_id(0)
    bias = (lb_ref[0, :] + cb_ref[0, :] + cb_ref[1, :] + cb_ref[2, :])[None, :]
    _layer_core(i, h_ref[...], a0_ref, a1_ref, lw_ref[...], bias, b3_ref,
                hr_ref, stats_ref, seg_ref, cnt_ref, pool_ref, og_ref, ob_ref)


def _layer_bn_body(h_ref, a0_ref, a1_ref, lw_ref, lb_ref, cb_ref, b3_ref,
                   og_ref, ob_ref, stats_ref_in, g_ref, b_ref,
                   hr_ref, stats_ref, seg_ref, cnt_ref, pool_ref):
    i = pl.program_id(0)
    lw = lw_ref[...]
    sc, sh = _bn_scale_shift(stats_ref_in, g_ref, b_ref)
    bias = (lb_ref[0, :] + cb_ref[0, :] + cb_ref[1, :] + cb_ref[2, :])[None, :]
    bias = bias + lax.dot_general(sh, lw, (((1,), (1,)), ((), ())),
                                  preferred_element_type=jnp.float32)
    _layer_core(i, h_ref[...], a0_ref, a1_ref, lw * sc, bias, b3_ref,
                hr_ref, stats_ref, seg_ref, cnt_ref, pool_ref, og_ref, ob_ref)


def _layer_call(h, a0, a1, lw, lb2, cb, batch3, og2, ob2, bn=None):
    din = h.shape[1]
    in_specs = [
        pl.BlockSpec((BN, din), lambda i: (i, 0)),
        pl.BlockSpec((BN, HALF), lambda i: (i, 0)),
        pl.BlockSpec((BN, HALF), lambda i: (i, 0)),
        pl.BlockSpec((DIM, din), lambda i: (0, 0)),
        pl.BlockSpec((1, DIM), lambda i: (0, 0)),
        pl.BlockSpec((NE, DIM), lambda i: (0, 0)),
        pl.BlockSpec((1, 1, BN), lambda i: (i, 0, 0)),
        pl.BlockSpec((1, DIM), lambda i: (0, 0)),
        pl.BlockSpec((1, DIM), lambda i: (0, 0)),
    ]
    out_specs = [
        pl.BlockSpec((BN, DIM), lambda i: (i, 0)),
        pl.BlockSpec((8, DIM), lambda i: (0, 0)),
        pl.BlockSpec((G, DIM), lambda i: (0, 0)),
        pl.BlockSpec((G, HALF), lambda i: (0, 0)),
        pl.BlockSpec((G, DIM), lambda i: (0, 0)),
    ]
    out_shape = [
        jax.ShapeDtypeStruct((N, DIM), jnp.float32),
        jax.ShapeDtypeStruct((8, DIM), jnp.float32),
        jax.ShapeDtypeStruct((G, DIM), jnp.float32),
        jax.ShapeDtypeStruct((G, HALF), jnp.float32),
        jax.ShapeDtypeStruct((G, DIM), jnp.float32),
    ]
    args = (h, a0, a1, lw, lb2, cb, batch3, og2, ob2)
    if bn is None:
        return pl.pallas_call(
            _layer_body, grid=(NB,), in_specs=in_specs,
            out_specs=out_specs, out_shape=out_shape)(*args)
    stats, bg2, bb2 = bn
    in_specs += [
        pl.BlockSpec((8, din), lambda i: (0, 0)),
        pl.BlockSpec((1, din), lambda i: (0, 0)),
        pl.BlockSpec((1, din), lambda i: (0, 0)),
    ]
    return pl.pallas_call(
        _layer_bn_body, grid=(NB,), in_specs=in_specs,
        out_specs=out_specs, out_shape=out_shape)(*args, stats, bg2, bb2)



@functools.lru_cache(maxsize=None)
def _sc_scatter_kernel():
    mesh = plsc.VectorSubcoreMesh(core_axis_name="c", subcore_axis_name="s")

    @functools.partial(
        pl.kernel,
        out_type=(jax.ShapeDtypeStruct((N, HALF), jnp.float32),
                  jax.ShapeDtypeStruct((N, HALF), jnp.float32)),
        mesh=mesh,
        scratch_types=[
            pltpu.VMEM((CH, K), jnp.int32),
            pltpu.VMEM((HCH, K), jnp.int32),
            pltpu.VMEM((K, HALF), jnp.float32),
            pltpu.VMEM((K, HALF), jnp.float32),
            pltpu.VMEM_SHARED((ACC, HALF), jnp.float32),
            pltpu.SemaphoreType.DMA,
            pltpu.SemaphoreType.DMA,
        ],
    )
    def _sc_scatter(y0_hbm, y1_hbm, gidx_hbm, dst_hbm,
                    agg0_hbm, agg1_hbm,
                    gidx_t, dst_t, rows0, rows1, acc, sem0, sem1):
        c = lax.axis_index("c")
        s = lax.axis_index("s")
        pltpu.sync_copy(gidx_hbm.at[s], gidx_t)

        @pl.loop(0, K)
        def _(r):
            @pl.loop(0, HALF, step=16)
            def _(f):
                rows0[r, pl.ds(f, 16)] = jnp.zeros((16,), jnp.float32)

        zbase = s * SRPS
        for k in range(SRPS // K):
            pltpu.sync_copy(rows0, acc.at[pl.ds(zbase + k * K, K)])
        plsc.subcore_barrier()

        def run_core(y_hbm, agg_hbm):
            bufs = (rows0, rows1)
            sems = (sem0, sem1)
            for half in range(2):
                pltpu.sync_copy(dst_hbm.at[2 * s + half], dst_t)
                for b in range(2):
                    pltpu.make_async_copy(
                        y_hbm.at[gidx_t.at[half * HCH + b]], bufs[b],
                        sems[b]).start()

                @pl.loop(0, HCH, step=2)
                def _(j):
                    for b in range(2):
                        jj = j + b
                        pltpu.make_async_copy(
                            y_hbm.at[gidx_t.at[half * HCH + jj]], bufs[b],
                            sems[b]).wait()
                        pltpu.sync_copy(bufs[b], acc.at[dst_t.at[jj]],
                                        add=True)

                        @pl.when(jj + 2 < HCH)
                        def _():
                            pltpu.make_async_copy(
                                y_hbm.at[gidx_t.at[half * HCH + jj + 2]],
                                bufs[b], sems[b]).start()

            plsc.subcore_barrier()

            for q in range(3):
                slab = s + 16 * q
                pltpu.sync_copy(
                    acc.at[pl.ds(slab * CSLAB, CSLAB)],
                    agg_hbm.at[pl.ds(slab * CSLAB, CSLAB)])

            @pl.when(s < 2)
            def _():
                slab = s + 48
                pltpu.sync_copy(
                    acc.at[pl.ds(slab * CSLAB, CSLAB)],
                    agg_hbm.at[pl.ds(slab * CSLAB, CSLAB)])

        @pl.when(c == 0)
        def _():
            run_core(y0_hbm, agg0_hbm)

        @pl.when(c == 1)
        def _():
            run_core(y1_hbm, agg1_hbm)

    return _sc_scatter


def _sc_apply(y0, y1, gidx3, dst3):
    return _sc_scatter_kernel()(y0, y1, gidx3, dst3)



def kernel(x, edge_index, edge_attr, batch,
           conv_w0, conv_b0, lin_w0, lin_b0, bn_g0, bn_b0,
           conv_w1, conv_b1, lin_w1, lin_b1, bn_g1, bn_b1,
           conv_w2, conv_b2, lin_w2, lin_b2, bn_g2, bn_b2):
    pad = EPW - EPS16
    src2 = jnp.pad(edge_index[0].reshape(NSUB, EPS16), ((0, 0), (0, pad)))
    attr2 = jnp.pad(edge_attr.reshape(NSUB, EPS16), ((0, 0), (0, pad)))
    dst2 = jnp.pad(edge_index[1].reshape(NSUB, EPS16), ((0, 0), (0, pad)),
                   constant_values=N)
    gidx, dstp = _prep_call(src2, attr2, dst2)
    gidx3 = gidx.reshape(NSUB, CH, K)
    dst3 = dstp.reshape(NSUB * 2, HCH, K)
    batch3 = batch.reshape(NB, 1, BN)

    params = [
        (conv_w0, conv_b0, lin_w0, lin_b0, bn_g0, bn_b0),
        (conv_w1, conv_b1, lin_w1, lin_b1, bn_g1, bn_b1),
        (conv_w2, conv_b2, lin_w2, lin_b2, bn_g2, bn_b2),
    ]
    h = x
    bn = None
    pooled = []
    for cw, cb, lw, lb, bg, bb in params:
        bg2, bb2 = bg.reshape(1, DIM), bb.reshape(1, DIM)
        y0, y1 = _ymat_call(h, cw, bn=bn)
        a0, a1 = _sc_apply(y0, y1, gidx3, dst3)
        h, stats, seg, cnt, pool = _layer_call(
            h, a0, a1, lw, lb.reshape(1, DIM), cb, batch3, bg2, bb2, bn=bn)
        bn = (stats, bg2, bb2)
        pooled.append(pool)
    return jnp.concatenate(pooled, axis=1)

# --- scband reference (transcript-rebuilt; emitter-appended) ---
"""Pipeline reference for scband-embedder-52106543235735 (READ-ONLY COPY).

The authoritative reference and input builder live on the scoring server;
editing this copy changes nothing except your own understanding.
"""

import jax, jax.numpy as jnp
import numpy as np

N = 10000
E = 160000
G = 64
DIM_IN = 128
DIM = 256
NUM_LAYERS = 3
NUM_ETYPES = 3


def setup_inputs(seed: int = 0) -> dict:
    key = jax.random.key(seed)
    ks = jax.random.split(key, 40)
    inp = {}
    inp["x"] = jax.random.normal(ks[0], (N, DIM_IN), dtype=jnp.float32)
    inp["edge_index"] = jax.random.randint(ks[1], (2, E), 0, N, dtype=jnp.int32)
    inp["edge_attr"] = jax.random.randint(ks[2], (E,), 0, NUM_ETYPES, dtype=jnp.int32)
    inp["batch"] = jnp.sort(jax.random.randint(ks[3], (N,), 0, G, dtype=jnp.int32))
    kidx = 4
    for l in range(NUM_LAYERS):
        din = DIM_IN if l == 0 else DIM
        inp["conv_w%d" % l] = jax.random.normal(ks[kidx], (NUM_ETYPES, DIM, din), dtype=jnp.float32) * 0.05
        kidx += 1
        inp["conv_b%d" % l] = jnp.zeros((NUM_ETYPES, DIM), dtype=jnp.float32)
        inp["lin_w%d" % l] = jax.random.normal(ks[kidx], (DIM, din), dtype=jnp.float32) * 0.05
        kidx += 1
        inp["lin_b%d" % l] = jnp.zeros((DIM,), dtype=jnp.float32)
        inp["bn_g%d" % l] = jnp.ones((DIM,), dtype=jnp.float32)
        inp["bn_b%d" % l] = jnp.zeros((DIM,), dtype=jnp.float32)
    return inp


def _graph_conv_layer(x, edge_index, edge_attr, conv_w, conv_b, lin_w, lin_b, bn_g, bn_b):
    # GraphConv: per-edge-type GC conv (scatter-add aggregation of source feats,
    # then linear) + root linear, then ReLU + BatchNorm1d (training-mode batch stats).
    src = edge_index[0]
    dst = edge_index[1]
    out = x @ lin_w.T + lin_b
    for et in range(NUM_ETYPES):
        # edge_index[:, edge_attr == et] is math-equivalent to masking messages to zero
        mask = (edge_attr == et).astype(x.dtype)
        msgs = x[src] * mask[:, None]
        agg = jnp.zeros_like(x).at[dst].add(msgs)
        out = out + agg @ conv_w[et].T + conv_b[et]
    h = jax.nn.relu(out)
    mean = jnp.mean(h, axis=0)
    var = jnp.var(h, axis=0)
    hn = (h - mean) / jnp.sqrt(var + 1e-5)
    return hn * bn_g + bn_b


def _norm_pool(x, batch):
    s = jax.ops.segment_sum(x, batch, num_segments=G)
    cnt = jax.ops.segment_sum(jnp.ones((x.shape[0],), x.dtype), batch, num_segments=G)
    return s / jnp.sqrt(cnt)[:, None]


def reference(x, edge_index, edge_attr, batch,
              conv_w0, conv_b0, lin_w0, lin_b0, bn_g0, bn_b0,
              conv_w1, conv_b1, lin_w1, lin_b1, bn_g1, bn_b1,
              conv_w2, conv_b2, lin_w2, lin_b2, bn_g2, bn_b2):
    params = [
        (conv_w0, conv_b0, lin_w0, lin_b0, bn_g0, bn_b0),
        (conv_w1, conv_b1, lin_w1, lin_b1, bn_g1, bn_b1),
        (conv_w2, conv_b2, lin_w2, lin_b2, bn_g2, bn_b2),
    ]
    outputs = []
    h = x
    for p in params:
        h = _graph_conv_layer(h, edge_index, edge_attr, *p)
        outputs.append(_norm_pool(h, batch))
    return jnp.concatenate(outputs, axis=1)

if __name__ == "__main__":
    import jax
    _d = setup_inputs()
    print(jax.jit(kernel)(*tuple(_d.values())))

</pallas_src>

<mosaic_0001>
#map = affine_map<(d0, d1) -> (0, 0)>
#map1 = affine_map<(d0, d1) -> (0, 0, 0)>
module attributes {stable_mosaic.version = 14 : i64} {
  func.func @_sc_scatter(%arg0: i32, %arg1: i32, %arg2: memref<30000x128xf32, #tpu.memory_space<hbm>>, %arg3: memref<30000x128xf32, #tpu.memory_space<hbm>>, %arg4: memref<16x80x128xi32, #tpu.memory_space<hbm>>, %arg5: memref<32x40x128xi32, #tpu.memory_space<hbm>>, %arg6: memref<10000x128xf32, #tpu.memory_space<hbm>>, %arg7: memref<10000x128xf32, #tpu.memory_space<hbm>>, %arg8: memref<80x128xi32, #tpu.memory_space<vmem>>, %arg9: memref<40x128xi32, #tpu.memory_space<vmem>>, %arg10: memref<128x128xf32, #tpu.memory_space<vmem>>, %arg11: memref<128x128xf32, #tpu.memory_space<vmem>>, %arg12: memref<10240x128xf32, #tpu.memory_space<vmem_shared>>, %arg13: memref<!tpu.dma_semaphore, #tpu.memory_space<semaphore_mem>>, %arg14: memref<!tpu.dma_semaphore, #tpu.memory_space<semaphore_mem>>) attributes {dimension_semantics = [#tpu.dimension_semantics<core_parallel>, #tpu.dimension_semantics<subcore_parallel>], iteration_bounds = array<i64: 2, 16>, scalar_prefetch = 0 : i64, scratch_operands = 7 : i64, tpu.core_type = #tpu.core_type<sc_vector_subcore>, window_params = [{transform_indices = #map}, {transform_indices = #map}, {transform_indices = #map1}, {transform_indices = #map1}, {transform_indices = #map}, {transform_indices = #map}]} {
    "tpu.region"() ({
      %run_scoped3A = tpu.sem_alloc : memref<!tpu.dma_semaphore, #tpu.memory_space<semaphore_mem>>
      %dma_start3A = arith.constant 0 : i32
      %dma_start3A_21 = arith.constant 0 : i32
      %dma_start3A_22 = tpu.memref_slice %arg4[%arg1, %dma_start3A, %dma_start3A_21] : memref<16x80x128xi32, #tpu.memory_space<hbm>> -> memref<1x80x128xi32, #tpu.memory_space<hbm>>
      %dma_start3A_23 = tpu.memref_squeeze %dma_start3A_22 : memref<1x80x128xi32, #tpu.memory_space<hbm>> -> memref<80x128xi32, #tpu.memory_space<hbm>>
      %dma_start3A_24 = arith.constant 0 : i32
      %dma_start3A_25 = arith.constant 0 : i32
      %dma_start3A_26 = tpu.memref_slice %arg4[%arg1, %dma_start3A_24, %dma_start3A_25] : memref<16x80x128xi32, #tpu.memory_space<hbm>> -> memref<1x80x128xi32, #tpu.memory_space<hbm>>
      %dma_start3A_27 = tpu.memref_squeeze %dma_start3A_26 : memref<1x80x128xi32, #tpu.memory_space<hbm>> -> memref<80x128xi32, #tpu.memory_space<hbm>>
      tpu.enqueue_dma source(%dma_start3A_27 : memref<80x128xi32, #tpu.memory_space<hbm>>) target(%arg8 : memref<80x128xi32, #tpu.memory_space<vmem>>) target_semaphore(%run_scoped3A : memref<!tpu.dma_semaphore, #tpu.memory_space<semaphore_mem>>)
      %dma_wait3A = arith.constant 0 : i32
      %dma_wait3A_28 = arith.constant 0 : i32
      %dma_wait3A_29 = tpu.memref_slice %arg4[%arg1, %dma_wait3A, %dma_wait3A_28] : memref<16x80x128xi32, #tpu.memory_space<hbm>> -> memref<1x80x128xi32, #tpu.memory_space<hbm>>
      %dma_wait3A_30 = tpu.memref_squeeze %dma_wait3A_29 : memref<1x80x128xi32, #tpu.memory_space<hbm>> -> memref<80x128xi32, #tpu.memory_space<hbm>>
      %dma_wait3A_31 = arith.constant 0 : i32
      %dma_wait3A_32 = arith.constant 0 : i32
      %dma_wait3A_33 = tpu.memref_slice %arg4[%arg1, %dma_wait3A_31, %dma_wait3A_32] : memref<16x80x128xi32, #tpu.memory_space<hbm>> -> memref<1x80x128xi32, #tpu.memory_space<hbm>>
      %dma_wait3A_34 = tpu.memref_squeeze %dma_wait3A_33 : memref<1x80x128xi32, #tpu.memory_space<hbm>> -> memref<80x128xi32, #tpu.memory_space<hbm>>
      tpu.wait_dma2 semaphore(%run_scoped3A : memref<!tpu.dma_semaphore, #tpu.memory_space<semaphore_mem>>) src(%dma_wait3A_34 : memref<80x128xi32, #tpu.memory_space<hbm>>) dst(%arg8 : memref<80x128xi32, #tpu.memory_space<vmem>>)
      tpu.yield
    }) : () -> ()
    %scan3A = arith.constant 0 : i32
    %scan3A_0 = arith.constant 128 : i32
    %scan3A_1 = arith.addi %scan3A, %scan3A_0 : i32
    %scan3A_2 = arith.constant 1 : i32
    scf.for %scan3A_21 = %scan3A to %scan3A_1 step %scan3A_2  : i32 {
      %mul3A_22 = arith.constant 1 : i32
      %mul3A_23 = arith.muli %scan3A_21, %mul3A_22 : i32
      %add3A_24 = arith.constant 0 : i32
      %add3A_25 = arith.addi %add3A_24, %mul3A_23 : i32
      %scan3A_26 = arith.constant 0 : i32
      %scan3A_27 = arith.constant 8 : i32
      %scan3A_28 = arith.addi %scan3A_26, %scan3A_27 : i32
      %scan3A_29 = arith.constant 1 : i32
      scf.for %scan3A_31 = %scan3A_26 to %scan3A_28 step %scan3A_29  : i32 {
        %mul3A_32 = arith.constant 16 : i32
        %mul3A_33 = arith.muli %scan3A_31, %mul3A_32 : i32
        %add3A_34 = arith.constant 0 : i32
        %add3A_35 = arith.addi %add3A_34, %mul3A_33 : i32
        %broadcast_in_dim3A = arith.constant 0.000000e+00 : f32
        %broadcast_in_dim3A_36 = vector.broadcast %broadcast_in_dim3A : f32 to vector<16xf32>
        %swap3A = arith.index_cast %add3A_25 : i32 to index
        %swap3A_37 = arith.index_cast %add3A_35 : i32 to index
        %swap3A_38 = tpu.vector_load %arg10[%swap3A, %swap3A_37] {strides = array<i32>} : memref<128x128xf32, #tpu.memory_space<vmem>>, vector<1x16xf32>,
        %swap3A_39 = vector.shape_cast %swap3A_38 : vector<1x16xf32> to vector<16xf32>
        %swap3A_40 = vector.shape_cast %broadcast_in_dim3A_36 : vector<16xf32> to vector<1x16xf32>
        tpu.vector_store %arg10[%swap3A, %swap3A_37], %swap3A_40 {strides = array<i32>} : memref<128x128xf32, #tpu.memory_space<vmem>>, vector<1x16xf32>,
      }
      %scan3A_30 = arith.constant 8 : i32
    }
    %scan3A_3 = arith.constant 128 : i32
    %mul3A = arith.constant 640 : i32
    %mul3A_4 = arith.muli %arg1, %mul3A : i32
    %add3A = arith.constant 0 : i32
    %add3A_5 = arith.addi %mul3A_4, %add3A : i32
    "tpu.region"() ({
      %run_scoped3A = tpu.sem_alloc : memref<!tpu.dma_semaphore, #tpu.memory_space<semaphore_mem>>
      %dma_start3A = arith.constant 0 : i32
      %dma_start3A_21 = tpu.memref_slice %arg12[%add3A_5, %dma_start3A] : memref<10240x128xf32, #tpu.memory_space<vmem_shared>> -> memref<128x128xf32, #tpu.memory_space<vmem_shared>>
      %dma_start3A_22 = arith.constant 0 : i32
      %dma_start3A_23 = tpu.memref_slice %arg12[%add3A_5, %dma_start3A_22] : memref<10240x128xf32, #tpu.memory_space<vmem_shared>> -> memref<128x128xf32, #tpu.memory_space<vmem_shared>>
      tpu.enqueue_dma source(%arg10 : memref<128x128xf32, #tpu.memory_space<vmem>>) target(%dma_start3A_23 : memref<128x128xf32, #tpu.memory_space<vmem_shared>>) target_semaphore(%run_scoped3A : memref<!tpu.dma_semaphore, #tpu.memory_space<semaphore_mem>>)
      %dma_wait3A = arith.constant 0 : i32
      %dma_wait3A_24 = tpu.memref_slice %arg12[%add3A_5, %dma_wait3A] : memref<10240x128xf32, #tpu.memory_space<vmem_shared>> -> memref<128x128xf32, #tpu.memory_space<vmem_shared>>
      %dma_wait3A_25 = arith.constant 0 : i32
      %dma_wait3A_26 = tpu.memref_slice %arg12[%add3A_5, %dma_wait3A_25] : memref<10240x128xf32, #tpu.memory_space<vmem_shared>> -> memref<128x128xf32, #tpu.memory_space<vmem_shared>>
      tpu.wait_dma2 semaphore(%run_scoped3A : memref<!tpu.dma_semaphore, #tpu.memory_space<semaphore_mem>>) src(%arg10 : memref<128x128xf32, #tpu.memory_space<vmem>>) dst(%dma_wait3A_26 : memref<128x128xf32, #tpu.memory_space<vmem_shared>>)
      tpu.yield
    }) : () -> ()
    %add3A_6 = arith.constant 128 : i32
    %add3A_7 = arith.addi %mul3A_4, %add3A_6 : i32
    "tpu.region"() ({
      %run_scoped3A = tpu.sem_alloc : memref<!tpu.dma_semaphore, #tpu.memory_space<semaphore_mem>>
      %dma_start3A = arith.constant 0 : i32
      %dma_start3A_21 = tpu.memref_slice %arg12[%add3A_7, %dma_start3A] : memref<10240x128xf32, #tpu.memory_space<vmem_shared>> -> memref<128x128xf32, #tpu.memory_space<vmem_shared>>
      %dma_start3A_22 = arith.constant 0 : i32
      %dma_start3A_23 = tpu.memref_slice %arg12[%add3A_7, %dma_start3A_22] : memref<10240x128xf32, #tpu.memory_space<vmem_shared>> -> memref<128x128xf32, #tpu.memory_space<vmem_shared>>
      tpu.enqueue_dma source(%arg10 : memref<128x128xf32, #tpu.memory_space<vmem>>) target(%dma_start3A_23 : memref<128x128xf32, #tpu.memory_space<vmem_shared>>) target_semaphore(%run_scoped3A : memref<!tpu.dma_semaphore, #tpu.memory_space<semaphore_mem>>)
      %dma_wait3A = arith.constant 0 : i32
      %dma_wait3A_24 = tpu.memref_slice %arg12[%add3A_7, %dma_wait3A] : memref<10240x128xf32, #tpu.memory_space<vmem_shared>> -> memref<128x128xf32, #tpu.memory_space<vmem_shared>>
      %dma_wait3A_25 = arith.constant 0 : i32
      %dma_wait3A_26 = tpu.memref_slice %arg12[%add3A_7, %dma_wait3A_25] : memref<10240x128xf32, #tpu.memory_space<vmem_shared>> -> memref<128x128xf32, #tpu.memory_space<vmem_shared>>
      tpu.wait_dma2 semaphore(%run_scoped3A : memref<!tpu.dma_semaphore, #tpu.memory_space<semaphore_mem>>) src(%arg10 : memref<128x128xf32, #tpu.memory_space<vmem>>) dst(%dma_wait3A_26 : memref<128x128xf32, #tpu.memory_space<vmem_shared>>)
      tpu.yield
    }) : () -> ()
    %add3A_8 = arith.constant 256 : i32
    %add3A_9 = arith.addi %mul3A_4, %add3A_8 : i32
    "tpu.region"() ({
      %run_scoped3A = tpu.sem_alloc : memref<!tpu.dma_semaphore, #tpu.memory_space<semaphore_mem>>
      %dma_start3A = arith.constant 0 : i32
      %dma_start3A_21 = tpu.memref_slice %arg12[%add3A_9, %dma_start3A] : memref<10240x128xf32, #tpu.memory_space<vmem_shared>> -> memref<128x128xf32, #tpu.memory_space<vmem_shared>>
      %dma_start3A_22 = arith.constant 0 : i32
      %dma_start3A_23 = tpu.memref_slice %arg12[%add3A_9, %dma_start3A_22] : memref<10240x128xf32, #tpu.memory_space<vmem_shared>> -> memref<128x128xf32, #tpu.memory_space<vmem_shared>>
      tpu.enqueue_dma source(%arg10 : memref<128x128xf32, #tpu.memory_space<vmem>>) target(%dma_start3A_23 : memref<128x128xf32, #tpu.memory_space<vmem_shared>>) target_semaphore(%run_scoped3A : memref<!tpu.dma_semaphore, #tpu.memory_space<semaphore_mem>>)
      %dma_wait3A = arith.constant 0 : i32
      %dma_wait3A_24 = tpu.memref_slice %arg12[%add3A_9, %dma_wait3A] : memref<10240x128xf32, #tpu.memory_space<vmem_shared>> -> memref<128x128xf32, #tpu.memory_space<vmem_shared>>
      %dma_wait3A_25 = arith.constant 0 : i32
      %dma_wait3A_26 = tpu.memref_slice %arg12[%add3A_9, %dma_wait3A_25] : memref<10240x128xf32, #tpu.memory_space<vmem_shared>> -> memref<128x128xf32, #tpu.memory_space<vmem_shared>>
      tpu.wait_dma2 semaphore(%run_scoped3A : memref<!tpu.dma_semaphore, #tpu.memory_space<semaphore_mem>>) src(%arg10 : memref<128x128xf32, #tpu.memory_space<vmem>>) dst(%dma_wait3A_26 : memref<128x128xf32, #tpu.memory_space<vmem_shared>>)
      tpu.yield
    }) : () -> ()
    %add3A_10 = arith.constant 384 : i32
    %add3A_11 = arith.addi %mul3A_4, %add3A_10 : i32
    "tpu.region"() ({
      %run_scoped3A = tpu.sem_alloc : memref<!tpu.dma_semaphore, #tpu.memory_space<semaphore_mem>>
      %dma_start3A = arith.constant 0 : i32
      %dma_start3A_21 = tpu.memref_slice %arg12[%add3A_11, %dma_start3A] : memref<10240x128xf32, #tpu.memory_space<vmem_shared>> -> memref<128x128xf32, #tpu.memory_space<vmem_shared>>
      %dma_start3A_22 = arith.constant 0 : i32
      %dma_start3A_23 = tpu.memref_slice %arg12[%add3A_11, %dma_start3A_22] : memref<10240x128xf32, #tpu.memory_space<vmem_shared>> -> memref<128x128xf32, #tpu.memory_space<vmem_shared>>
      tpu.enqueue_dma source(%arg10 : memref<128x128xf32, #tpu.memory_space<vmem>>) target(%dma_start3A_23 : memref<128x128xf32, #tpu.memory_space<vmem_shared>>) target_semaphore(%run_scoped3A : memref<!tpu.dma_semaphore, #tpu.memory_space<semaphore_mem>>)
      %dma_wait3A = arith.constant 0 : i32
      %dma_wait3A_24 = tpu.memref_slice %arg12[%add3A_11, %dma_wait3A] : memref<10240x128xf32, #tpu.memory_space<vmem_shared>> -> memref<128x128xf32, #tpu.memory_space<vmem_shared>>
      %dma_wait3A_25 = arith.constant 0 : i32
      %dma_wait3A_26 = tpu.memref_slice %arg12[%add3A_11, %dma_wait3A_25] : memref<10240x128xf32, #tpu.memory_space<vmem_shared>> -> memref<128x128xf32, #tpu.memory_space<vmem_shared>>
      tpu.wait_dma2 semaphore(%run_scoped3A : memref<!tpu.dma_semaphore, #tpu.memory_space<semaphore_mem>>) src(%arg10 : memref<128x128xf32, #tpu.memory_space<vmem>>) dst(%dma_wait3A_26 : memref<128x128xf32, #tpu.memory_space<vmem_shared>>)
      tpu.yield
    }) : () -> ()
    %add3A_12 = arith.constant 512 : i32
    %add3A_13 = arith.addi %mul3A_4, %add3A_12 : i32
    "tpu.region"() ({
      %run_scoped3A = tpu.sem_alloc : memref<!tpu.dma_semaphore, #tpu.memory_space<semaphore_mem>>
      %dma_start3A = arith.constant 0 : i32
      %dma_start3A_21 = tpu.memref_slice %arg12[%add3A_13, %dma_start3A] : memref<10240x128xf32, #tpu.memory_space<vmem_shared>> -> memref<128x128xf32, #tpu.memory_space<vmem_shared>>
      %dma_start3A_22 = arith.constant 0 : i32
      %dma_start3A_23 = tpu.memref_slice %arg12[%add3A_13, %dma_start3A_22] : memref<10240x128xf32, #tpu.memory_space<vmem_shared>> -> memref<128x128xf32, #tpu.memory_space<vmem_shared>>
      tpu.enqueue_dma source(%arg10 : memref<128x128xf32, #tpu.memory_space<vmem>>) target(%dma_start3A_23 : memref<128x128xf32, #tpu.memory_space<vmem_shared>>) target_semaphore(%run_scoped3A : memref<!tpu.dma_semaphore, #tpu.memory_space<semaphore_mem>>)
      %dma_wait3A = arith.constant 0 : i32
      %dma_wait3A_24 = tpu.memref_slice %arg12[%add3A_13, %dma_wait3A] : memref<10240x128xf32, #tpu.memory_space<vmem_shared>> -> memref<128x128xf32, #tpu.memory_space<vmem_shared>>
      %dma_wait3A_25 = arith.constant 0 : i32
      %dma_wait3A_26 = tpu.memref_slice %arg12[%add3A_13, %dma_wait3A_25] : memref<10240x128xf32, #tpu.memory_space<vmem_shared>> -> memref<128x128xf32, #tpu.memory_space<vmem_shared>>
      tpu.wait_dma2 semaphore(%run_scoped3A : memref<!tpu.dma_semaphore, #tpu.memory_space<semaphore_mem>>) src(%arg10 : memref<128x128xf32, #tpu.memory_space<vmem>>) dst(%dma_wait3A_26 : memref<128x128xf32, #tpu.memory_space<vmem_shared>>)
      tpu.yield
    }) : () -> ()
    %barrier3A = arith.constant 0 : index
    tpu.barrier barrier_id(%barrier3A)
    %eq3A = arith.constant 0 : i32
    %eq3A_14 = arith.cmpi eq, %arg0, %eq3A : i32
    %convert_element_type3A = arith.extui %eq3A_14 : i1 to i32
    %cond3A = arith.constant 0 : i32
    %cond3A_15 = arith.cmpi ne, %convert_element_type3A, %cond3A : i32
    scf.if %cond3A_15 {
      %mul3A_21 = arith.constant 2 : i32
      %mul3A_22 = arith.muli %mul3A_21, %arg1 : i32
      %add3A_23 = arith.constant 0 : i32
      %add3A_24 = arith.addi %mul3A_22, %add3A_23 : i32
      "tpu.region"() ({
        %run_scoped3A = tpu.sem_alloc : memref<!tpu.dma_semaphore, #tpu.memory_space<semaphore_mem>>
        %dma_start3A_89 = arith.constant 0 : i32
        %dma_start3A_90 = arith.constant 0 : i32
        %dma_start3A_91 = tpu.memref_slice %arg5[%add3A_24, %dma_start3A_89, %dma_start3A_90] : memref<32x40x128xi32, #tpu.memory_space<hbm>> -> memref<1x40x128xi32, #tpu.memory_space<hbm>>
        %dma_start3A_92 = tpu.memref_squeeze %dma_start3A_91 : memref<1x40x128xi32, #tpu.memory_space<hbm>> -> memref<40x128xi32, #tpu.memory_space<hbm>>
        %dma_start3A_93 = arith.constant 0 : i32
        %dma_start3A_94 = arith.constant 0 : i32
        %dma_start3A_95 = tpu.memref_slice %arg5[%add3A_24, %dma_start3A_93, %dma_start3A_94] : memref<32x40x128xi32, #tpu.memory_space<hbm>> -> memref<1x40x128xi32, #tpu.memory_space<hbm>>
        %dma_start3A_96 = tpu.memref_squeeze %dma_start3A_95 : memref<1x40x128xi32, #tpu.memory_space<hbm>> -> memref<40x128xi32, #tpu.memory_space<hbm>>
        tpu.enqueue_dma source(%dma_start3A_96 : memref<40x128xi32, #tpu.memory_space<hbm>>) target(%arg9 : memref<40x128xi32, #tpu.memory_space<vmem>>) target_semaphore(%run_scoped3A : memref<!tpu.dma_semaphore, #tpu.memory_space<semaphore_mem>>)
        %dma_wait3A = arith.constant 0 : i32
        %dma_wait3A_97 = arith.constant 0 : i32
        %dma_wait3A_98 = tpu.memref_slice %arg5[%add3A_24, %dma_wait3A, %dma_wait3A_97] : memref<32x40x128xi32, #tpu.memory_space<hbm>> -> memref<1x40x128xi32, #tpu.memory_space<hbm>>
        %dma_wait3A_99 = tpu.memref_squeeze %dma_wait3A_98 : memref<1x40x128xi32, #tpu.memory_space<hbm>> -> memref<40x128xi32, #tpu.memory_space<hbm>>
        %dma_wait3A_100 = arith.constant 0 : i32
        %dma_wait3A_101 = arith.constant 0 : i32
        %dma_wait3A_102 = tpu.memref_slice %arg5[%add3A_24, %dma_wait3A_100, %dma_wait3A_101] : memref<32x40x128xi32, #tpu.memory_space<hbm>> -> memref<1x40x128xi32, #tpu.memory_space<hbm>>
        %dma_wait3A_103 = tpu.memref_squeeze %dma_wait3A_102 : memref<1x40x128xi32, #tpu.memory_space<hbm>> -> memref<40x128xi32, #tpu.memory_space<hbm>>
        tpu.wait_dma2 semaphore(%run_scoped3A : memref<!tpu.dma_semaphore, #tpu.memory_space<semaphore_mem>>) src(%dma_wait3A_103 : memref<40x128xi32, #tpu.memory_space<hbm>>) dst(%arg9 : memref<40x128xi32, #tpu.memory_space<vmem>>)
        tpu.yield
      }) : () -> ()
      %dma_start3A = arith.constant 0 : i32
      %dma_start3A_25 = arith.constant 0 : i32
      %dma_start3A_26 = tpu.memref_slice %arg8[%dma_start3A, %dma_start3A_25] : memref<80x128xi32, #tpu.memory_space<vmem>> -> memref<1x128xi32, #tpu.memory_space<vmem>>
      %dma_start3A_27 = tpu.memref_squeeze %dma_start3A_26 : memref<1x128xi32, #tpu.memory_space<vmem>> -> memref<128xi32, #tpu.memory_space<vmem>>
      %dma_start3A_28 = arith.constant 0 : i32
      %dma_start3A_29 = arith.constant 0 : i32
      %dma_start3A_30 = tpu.memref_slice %arg2[%dma_start3A_28, %dma_start3A_29] : memref<30000x128xf32, #tpu.memory_space<hbm>> -> memref<30000x128xf32, #tpu.memory_space<hbm>>
      tpu.enqueue_indirect_dma source(%dma_start3A_30 : memref<30000x128xf32, #tpu.memory_space<hbm>>) target(%arg10 : memref<128x128xf32, #tpu.memory_space<vmem>>) offsets(%dma_start3A_27 : memref<128xi32, #tpu.memory_space<vmem>>) semaphore(%arg13 : memref<!tpu.dma_semaphore, #tpu.memory_space<semaphore_mem>>)
      %dma_start3A_31 = arith.constant 1 : i32
      %dma_start3A_32 = arith.constant 0 : i32
      %dma_start3A_33 = tpu.memref_slice %arg8[%dma_start3A_31, %dma_start3A_32] : memref<80x128xi32, #tpu.memory_space<vmem>> -> memref<1x128xi32, #tpu.memory_space<vmem>>
      %dma_start3A_34 = tpu.memref_squeeze %dma_start3A_33 : memref<1x128xi32, #tpu.memory_space<vmem>> -> memref<128xi32, #tpu.memory_space<vmem>>
      %dma_start3A_35 = arith.constant 0 : i32
      %dma_start3A_36 = arith.constant 0 : i32
      %dma_start3A_37 = tpu.memref_slice %arg2[%dma_start3A_35, %dma_start3A_36] : memref<30000x128xf32, #tpu.memory_space<hbm>> -> memref<30000x128xf32, #tpu.memory_space<hbm>>
      tpu.enqueue_indirect_dma source(%dma_start3A_37 : memref<30000x128xf32, #tpu.memory_space<hbm>>) target(%arg11 : memref<128x128xf32, #tpu.memory_space<vmem>>) offsets(%dma_start3A_34 : memref<128xi32, #tpu.memory_space<vmem>>) semaphore(%arg14 : memref<!tpu.dma_semaphore, #tpu.memory_space<semaphore_mem>>)
      %scan3A_38 = arith.constant 0 : i32
      %scan3A_39 = arith.constant 20 : i32
      %scan3A_40 = arith.addi %scan3A_38, %scan3A_39 : i32
      %scan3A_41 = arith.constant 1 : i32
      scf.for %scan3A_89 = %scan3A_38 to %scan3A_40 step %scan3A_41  : i32 {
        %mul3A_90 = arith.constant 2 : i32
        %mul3A_91 = arith.muli %scan3A_89, %mul3A_90 : i32
        %add3A_92 = arith.constant 0 : i32
        %add3A_93 = arith.addi %add3A_92, %mul3A_91 : i32
        %add3A_94 = arith.constant 0 : i32
        %add3A_95 = arith.addi %add3A_93, %add3A_94 : i32
        %add3A_96 = arith.constant 0 : i32
        %add3A_97 = arith.addi %add3A_96, %add3A_95 : i32
        %dma_wait3A = arith.constant 0 : i32
        %dma_wait3A_98 = tpu.memref_slice %arg8[%add3A_97, %dma_wait3A] : memref<80x128xi32, #tpu.memory_space<vmem>> -> memref<1x128xi32, #tpu.memory_space<vmem>>
        %dma_wait3A_99 = tpu.memref_squeeze %dma_wait3A_98 : memref<1x128xi32, #tpu.memory_space<vmem>> -> memref<128xi32, #tpu.memory_space<vmem>>
        %dma_wait3A_100 = arith.constant 0 : i32
        %dma_wait3A_101 = arith.constant 0 : i32
        %dma_wait3A_102 = tpu.memref_slice %arg2[%dma_wait3A_100, %dma_wait3A_101] : memref<30000x128xf32, #tpu.memory_space<hbm>> -> memref<30000x128xf32, #tpu.memory_space<hbm>>
        tpu.wait_indirect_dma semaphore(%arg13 : memref<!tpu.dma_semaphore, #tpu.memory_space<semaphore_mem>>) src(%dma_wait3A_102 : memref<30000x128xf32, #tpu.memory_space<hbm>>) dst(%arg10 : memref<128x128xf32, #tpu.memory_space<vmem>>)
        "tpu.region"() ({
          %run_scoped3A = tpu.sem_alloc : memref<!tpu.dma_semaphore, #tpu.memory_space<semaphore_mem>>
          %dma_start3A_127 = arith.constant 0 : i32
          %dma_start3A_128 = tpu.memref_slice %arg9[%add3A_95, %dma_start3A_127] : memref<40x128xi32, #tpu.memory_space<vmem>> -> memref<1x128xi32, #tpu.memory_space<vmem>>
          %dma_start3A_129 = tpu.memref_squeeze %dma_start3A_128 : memref<1x128xi32, #tpu.memory_space<vmem>> -> memref<128xi32, #tpu.memory_space<vmem>>
          %dma_start3A_130 = arith.constant 0 : i32
          %dma_start3A_131 = arith.constant 0 : i32
          %dma_start3A_132 = tpu.memref_slice %arg12[%dma_start3A_130, %dma_start3A_131] : memref<10240x128xf32, #tpu.memory_space<vmem_shared>> -> memref<10240x128xf32, #tpu.memory_space<vmem_shared>>
          tpu.enqueue_indirect_dma source(%arg10 : memref<128x128xf32, #tpu.memory_space<vmem>>) target(%dma_start3A_132 : memref<10240x128xf32, #tpu.memory_space<vmem_shared>>) offsets(%dma_start3A_129 : memref<128xi32, #tpu.memory_space<vmem>>) semaphore(%run_scoped3A : memref<!tpu.dma_semaphore, #tpu.memory_space<semaphore_mem>>) {add = true}
          %dma_wait3A_133 = arith.constant 0 : i32
          %dma_wait3A_134 = tpu.memref_slice %arg9[%add3A_95, %dma_wait3A_133] : memref<40x128xi32, #tpu.memory_space<vmem>> -> memref<1x128xi32, #tpu.memory_space<vmem>>
          %dma_wait3A_135 = tpu.memref_squeeze %dma_wait3A_134 : memref<1x128xi32, #tpu.memory_space<vmem>> -> memref<128xi32, #tpu.memory_space<vmem>>
          %dma_wait3A_136 = arith.constant 0 : i32
          %dma_wait3A_137 = arith.constant 0 : i32
          %dma_wait3A_138 = tpu.memref_slice %arg12[%dma_wait3A_136, %dma_wait3A_137] : memref<10240x128xf32, #tpu.memory_space<vmem_shared>> -> memref<10240x128xf32, #tpu.memory_space<vmem_shared>>
          tpu.wait_indirect_dma semaphore(%run_scoped3A : memref<!tpu.dma_semaphore, #tpu.memory_space<semaphore_mem>>) src(%arg10 : memref<128x128xf32, #tpu.memory_space<vmem>>) dst(%dma_wait3A_138 : memref<10240x128xf32, #tpu.memory_space<vmem_shared>>)
          tpu.yield
        }) : () -> ()
        %add3A_103 = arith.constant 2 : i32
        %add3A_104 = arith.addi %add3A_95, %add3A_103 : i32
        %lt3A_105 = arith.constant 40 : i32
        %lt3A_106 = arith.cmpi slt, %add3A_104, %lt3A_105 : i32
        %convert_element_type3A_107 = arith.extui %lt3A_106 : i1 to i32
        %cond3A_108 = arith.constant 0 : i32
        %cond3A_109 = arith.cmpi ne, %convert_element_type3A_107, %cond3A_108 : i32
        scf.if %cond3A_109 {
          %add3A_127 = arith.constant 0 : i32
          %add3A_128 = arith.addi %add3A_127, %add3A_95 : i32
          %add3A_129 = arith.constant 2 : i32
          %add3A_130 = arith.addi %add3A_128, %add3A_129 : i32
          %dma_start3A_131 = arith.constant 0 : i32
          %dma_start3A_132 = tpu.memref_slice %arg8[%add3A_130, %dma_start3A_131] : memref<80x128xi32, #tpu.memory_space<vmem>> -> memref<1x128xi32, #tpu.memory_space<vmem>>
          %dma_start3A_133 = tpu.memref_squeeze %dma_start3A_132 : memref<1x128xi32, #tpu.memory_space<vmem>> -> memref<128xi32, #tpu.memory_space<vmem>>
          %dma_start3A_134 = arith.constant 0 : i32
          %dma_start3A_135 = arith.constant 0 : i32
          %dma_start3A_136 = tpu.memref_slice %arg2[%dma_start3A_134, %dma_start3A_135] : memref<30000x128xf32, #tpu.memory_space<hbm>> -> memref<30000x128xf32, #tpu.memory_space<hbm>>
          tpu.enqueue_indirect_dma source(%dma_start3A_136 : memref<30000x128xf32, #tpu.memory_space<hbm>>) target(%arg10 : memref<128x128xf32, #tpu.memory_space<vmem>>) offsets(%dma_start3A_133 : memref<128xi32, #tpu.memory_space<vmem>>) semaphore(%arg13 : memref<!tpu.dma_semaphore, #tpu.memory_space<semaphore_mem>>)
        } else {
        }
        %add3A_110 = arith.constant 1 : i32
        %add3A_111 = arith.addi %add3A_93, %add3A_110 : i32
        %add3A_112 = arith.constant 0 : i32
        %add3A_113 = arith.addi %add3A_112, %add3A_111 : i32
        %dma_wait3A_114 = arith.constant 0 : i32
        %dma_wait3A_115 = tpu.memref_slice %arg8[%add3A_113, %dma_wait3A_114] : memref<80x128xi32, #tpu.memory_space<vmem>> -> memref<1x128xi32, #tpu.memory_space<vmem>>
        %dma_wait3A_116 = tpu.memref_squeeze %dma_wait3A_115 : memref<1x128xi32, #tpu.memory_space<vmem>> -> memref<128xi32, #tpu.memory_space<vmem>>
        %dma_wait3A_117 = arith.constant 0 : i32
        %dma_wait3A_118 = arith.constant 0 : i32
        %dma_wait3A_119 = tpu.memref_slice %arg2[%dma_wait3A_117, %dma_wait3A_118] : memref<30000x128xf32, #tpu.memory_space<hbm>> -> memref<30000x128xf32, #tpu.memory_space<hbm>>
        tpu.wait_indirect_dma semaphore(%arg14 : memref<!tpu.dma_semaphore, #tpu.memory_space<semaphore_mem>>) src(%dma_wait3A_119 : memref<30000x128xf32, #tpu.memory_space<hbm>>) dst(%arg11 : memref<128x128xf32, #tpu.memory_space<vmem>>)
        "tpu.region"() ({
          %run_scoped3A = tpu.sem_alloc : memref<!tpu.dma_semaphore, #tpu.memory_space<semaphore_mem>>
          %dma_start3A_127 = arith.constant 0 : i32
          %dma_start3A_128 = tpu.memref_slice %arg9[%add3A_111, %dma_start3A_127] : memref<40x128xi32, #tpu.memory_space<vmem>> -> memref<1x128xi32, #tpu.memory_space<vmem>>
          %dma_start3A_129 = tpu.memref_squeeze %dma_start3A_128 : memref<1x128xi32, #tpu.memory_space<vmem>> -> memref<128xi32, #tpu.memory_space<vmem>>
          %dma_start3A_130 = arith.constant 0 : i32
          %dma_start3A_131 = arith.constant 0 : i32
          %dma_start3A_132 = tpu.memref_slice %arg12[%dma_start3A_130, %dma_start3A_131] : memref<10240x128xf32, #tpu.memory_space<vmem_shared>> -> memref<10240x128xf32, #tpu.memory_space<vmem_shared>>
          tpu.enqueue_indirect_dma source(%arg11 : memref<128x128xf32, #tpu.memory_space<vmem>>) target(%dma_start3A_132 : memref<10240x128xf32, #tpu.memory_space<vmem_shared>>) offsets(%dma_start3A_129 : memref<128xi32, #tpu.memory_space<vmem>>) semaphore(%run_scoped3A : memref<!tpu.dma_semaphore, #tpu.memory_space<semaphore_mem>>) {add = true}
          %dma_wait3A_133 = arith.constant 0 : i32
          %dma_wait3A_134 = tpu.memref_slice %arg9[%add3A_111, %dma_wait3A_133] : memref<40x128xi32, #tpu.memory_space<vmem>> -> memref<1x128xi32, #tpu.memory_space<vmem>>
          %dma_wait3A_135 = tpu.memref_squeeze %dma_wait3A_134 : memref<1x128xi32, #tpu.memory_space<vmem>> -> memref<128xi32, #tpu.memory_space<vmem>>
          %dma_wait3A_136 = arith.constant 0 : i32
          %dma_wait3A_137 = arith.constant 0 : i32
          %dma_wait3A_138 = tpu.memref_slice %arg12[%dma_wait3A_136, %dma_wait3A_137] : memref<10240x128xf32, #tpu.memory_space<vmem_shared>> -> memref<10240x128xf32, #tpu.memory_space<vmem_shared>>
          tpu.wait_indirect_dma semaphore(%run_scoped3A : memref<!tpu.dma_semaphore, #tpu.memory_space<semaphore_mem>>) src(%arg11 : memref<128x128xf32, #tpu.memory_space<vmem>>) dst(%dma_wait3A_138 : memref<10240x128xf32, #tpu.memory_space<vmem_shared>>)
          tpu.yield
        }) : () -> ()
        %add3A_120 = arith.constant 2 : i32
        %add3A_121 = arith.addi %add3A_111, %add3A_120 : i32
        %lt3A_122 = arith.constant 40 : i32
        %lt3A_123 = arith.cmpi slt, %add3A_121, %lt3A_122 : i32
        %convert_element_type3A_124 = arith.extui %lt3A_123 : i1 to i32
        %cond3A_125 = arith.constant 0 : i32
        %cond3A_126 = arith.cmpi ne, %convert_element_type3A_124, %cond3A_125 : i32
        scf.if %cond3A_126 {
          %add3A_127 = arith.constant 0 : i32
          %add3A_128 = arith.addi %add3A_127, %add3A_111 : i32
          %add3A_129 = arith.constant 2 : i32
          %add3A_130 = arith.addi %add3A_128, %add3A_129 : i32
          %dma_start3A_131 = arith.constant 0 : i32
          %dma_start3A_132 = tpu.memref_slice %arg8[%add3A_130, %dma_start3A_131] : memref<80x128xi32, #tpu.memory_space<vmem>> -> memref<1x128xi32, #tpu.memory_space<vmem>>
          %dma_start3A_133 = tpu.memref_squeeze %dma_start3A_132 : memref<1x128xi32, #tpu.memory_space<vmem>> -> memref<128xi32, #tpu.memory_space<vmem>>
          %dma_start3A_134 = arith.constant 0 : i32
          %dma_start3A_135 = arith.constant 0 : i32
          %dma_start3A_136 = tpu.memref_slice %arg2[%dma_start3A_134, %dma_start3A_135] : memref<30000x128xf32, #tpu.memory_space<hbm>> -> memref<30000x128xf32, #tpu.memory_space<hbm>>
          tpu.enqueue_indirect_dma source(%dma_start3A_136 : memref<30000x128xf32, #tpu.memory_space<hbm>>) target(%arg11 : memref<128x128xf32, #tpu.memory_space<vmem>>) offsets(%dma_start3A_133 : memref<128xi32, #tpu.memory_space<vmem>>) semaphore(%arg14 : memref<!tpu.dma_semaphore, #tpu.memory_space<semaphore_mem>>)
        } else {
        }
      }
      %scan3A_42 = arith.constant 20 : i32
      %mul3A_43 = arith.constant 2 : i32
      %mul3A_44 = arith.muli %mul3A_43, %arg1 : i32
      %add3A_45 = arith.constant 1 : i32
      %add3A_46 = arith.addi %mul3A_44, %add3A_45 : i32
      "tpu.region"() ({
        %run_scoped3A = tpu.sem_alloc : memref<!tpu.dma_semaphore, #tpu.memory_space<semaphore_mem>>
        %dma_start3A_89 = arith.constant 0 : i32
        %dma_start3A_90 = arith.constant 0 : i32
        %dma_start3A_91 = tpu.memref_slice %arg5[%add3A_46, %dma_start3A_89, %dma_start3A_90] : memref<32x40x128xi32, #tpu.memory_space<hbm>> -> memref<1x40x128xi32, #tpu.memory_space<hbm>>
        %dma_start3A_92 = tpu.memref_squeeze %dma_start3A_91 : memref<1x40x128xi32, #tpu.memory_space<hbm>> -> memref<40x128xi32, #tpu.memory_space<hbm>>
        %dma_start3A_93 = arith.constant 0 : i32
        %dma_start3A_94 = arith.constant 0 : i32
        %dma_start3A_95 = tpu.memref_slice %arg5[%add3A_46, %dma_start3A_93, %dma_start3A_94] : memref<32x40x128xi32, #tpu.memory_space<hbm>> -> memref<1x40x128xi32, #tpu.memory_space<hbm>>
        %dma_start3A_96 = tpu.memref_squeeze %dma_start3A_95 : memref<1x40x128xi32, #tpu.memory_space<hbm>> -> memref<40x128xi32, #tpu.memory_space<hbm>>
        tpu.enqueue_dma source(%dma_start3A_96 : memref<40x128xi32, #tpu.memory_space<hbm>>) target(%arg9 : memref<40x128xi32, #tpu.memory_space<vmem>>) target_semaphore(%run_scoped3A : memref<!tpu.dma_semaphore, #tpu.memory_space<semaphore_mem>>)
        %dma_wait3A = arith.constant 0 : i32
        %dma_wait3A_97 = arith.constant 0 : i32
        %dma_wait3A_98 = tpu.memref_slice %arg5[%add3A_46, %dma_wait3A, %dma_wait3A_97] : memref<32x40x128xi32, #tpu.memory_space<hbm>> -> memref<1x40x128xi32, #tpu.memory_space<hbm>>
        %dma_wait3A_99 = tpu.memref_squeeze %dma_wait3A_98 : memref<1x40x128xi32, #tpu.memory_space<hbm>> -> memref<40x128xi32, #tpu.memory_space<hbm>>
        %dma_wait3A_100 = arith.constant 0 : i32
        %dma_wait3A_101 = arith.constant 0 : i32
        %dma_wait3A_102 = tpu.memref_slice %arg5[%add3A_46, %dma_wait3A_100, %dma_wait3A_101] : memref<32x40x128xi32, #tpu.memory_space<hbm>> -> memref<1x40x128xi32, #tpu.memory_space<hbm>>
        %dma_wait3A_103 = tpu.memref_squeeze %dma_wait3A_102 : memref<1x40x128xi32, #tpu.memory_space<hbm>> -> memref<40x128xi32, #tpu.memory_space<hbm>>
        tpu.wait_dma2 semaphore(%run_scoped3A : memref<!tpu.dma_semaphore, #tpu.memory_space<semaphore_mem>>) src(%dma_wait3A_103 : memref<40x128xi32, #tpu.memory_space<hbm>>) dst(%arg9 : memref<40x128xi32, #tpu.memory_space<vmem>>)
        tpu.yield
      }) : () -> ()
      %dma_start3A_47 = arith.constant 40 : i32
      %dma_start3A_48 = arith.constant 0 : i32
      %dma_start3A_49 = tpu.memref_slice %arg8[%dma_start3A_47, %dma_start3A_48] : memref<80x128xi32, #tpu.memory_space<vmem>> -> memref<1x128xi32, #tpu.memory_space<vmem>>
      %dma_start3A_50 = tpu.memref_squeeze %dma_start3A_49 : memref<1x128xi32, #tpu.memory_space<vmem>> -> memref<128xi32, #tpu.memory_space<vmem>>
      %dma_start3A_51 = arith.constant 0 : i32
      %dma_start3A_52 = arith.constant 0 : i32
      %dma_start3A_53 = tpu.memref_slice %arg2[%dma_start3A_51, %dma_start3A_52] : memref<30000x128xf32, #tpu.memory_space<hbm>> -> memref<30000x128xf32, #tpu.memory_space<hbm>>
      tpu.enqueue_indirect_dma source(%dma_start3A_53 : memref<30000x128xf32, #tpu.memory_space<hbm>>) target(%arg10 : memref<128x128xf32, #tpu.memory_space<vmem>>) offsets(%dma_start3A_50 : memref<128xi32, #tpu.memory_space<vmem>>) semaphore(%arg13 : memref<!tpu.dma_semaphore, #tpu.memory_space<semaphore_mem>>)
      %dma_start3A_54 = arith.constant 41 : i32
      %dma_start3A_55 = arith.constant 0 : i32
      %dma_start3A_56 = tpu.memref_slice %arg8[%dma_start3A_54, %dma_start3A_55] : memref<80x128xi32, #tpu.memory_space<vmem>> -> memref<1x128xi32, #tpu.memory_space<vmem>>
      %dma_start3A_57 = tpu.memref_squeeze %dma_start3A_56 : memref<1x128xi32, #tpu.memory_space<vmem>> -> memref<128xi32, #tpu.memory_space<vmem>>
      %dma_start3A_58 = arith.constant 0 : i32
      %dma_start3A_59 = arith.constant 0 : i32
      %dma_start3A_60 = tpu.memref_slice %arg2[%dma_start3A_58, %dma_start3A_59] : memref<30000x128xf32, #tpu.memory_space<hbm>> -> memref<30000x128xf32, #tpu.memory_space<hbm>>
      tpu.enqueue_indirect_dma source(%dma_start3A_60 : memref<30000x128xf32, #tpu.memory_space<hbm>>) target(%arg11 : memref<128x128xf32, #tpu.memory_space<vmem>>) offsets(%dma_start3A_57 : memref<128xi32, #tpu.memory_space<vmem>>) semaphore(%arg14 : memref<!tpu.dma_semaphore, #tpu.memory_space<semaphore_mem>>)
      %scan3A_61 = arith.constant 0 : i32
      %scan3A_62 = arith.constant 20 : i32
      %scan3A_63 = arith.addi %scan3A_61, %scan3A_62 : i32
      %scan3A_64 = arith.constant 1 : i32
      scf.for %scan3A_89 = %scan3A_61 to %scan3A_63 step %scan3A_64  : i32 {
        %mul3A_90 = arith.constant 2 : i32
        %mul3A_91 = arith.muli %scan3A_89, %mul3A_90 : i32
        %add3A_92 = arith.constant 0 : i32
        %add3A_93 = arith.addi %add3A_92, %mul3A_91 : i32
        %add3A_94 = arith.constant 0 : i32
        %add3A_95 = arith.addi %add3A_93, %add3A_94 : i32
        %add3A_96 = arith.constant 40 : i32
        %add3A_97 = arith.addi %add3A_96, %add3A_95 : i32
        %dma_wait3A = arith.constant 0 : i32
        %dma_wait3A_98 = tpu.memref_slice %arg8[%add3A_97, %dma_wait3A] : memref<80x128xi32, #tpu.memory_space<vmem>> -> memref<1x128xi32, #tpu.memory_space<vmem>>
        %dma_wait3A_99 = tpu.memref_squeeze %dma_wait3A_98 : memref<1x128xi32, #tpu.memory_space<vmem>> -> memref<128xi32, #tpu.memory_space<vmem>>
        %dma_wait3A_100 = arith.constant 0 : i32
        %dma_wait3A_101 = arith.constant 0 : i32
        %dma_wait3A_102 = tpu.memref_slice %arg2[%dma_wait3A_100, %dma_wait3A_101] : memref<30000x128xf32, #tpu.memory_space<hbm>> -> memref<30000x128xf32, #tpu.memory_space<hbm>>
        tpu.wait_indirect_dma semaphore(%arg13 : memref<!tpu.dma_semaphore, #tpu.memory_space<semaphore_mem>>) src(%dma_wait3A_102 : memref<30000x128xf32, #tpu.memory_space<hbm>>) dst(%arg10 : memref<128x128xf32, #tpu.memory_space<vmem>>)
        "tpu.region"() ({
          %run_scoped3A = tpu.sem_alloc : memref<!tpu.dma_semaphore, #tpu.memory_space<semaphore_mem>>
          %dma_start3A_127 = arith.constant 0 : i32
          %dma_start3A_128 = tpu.memref_slice %arg9[%add3A_95, %dma_start3A_127] : memref<40x128xi32, #tpu.memory_space<vmem>> -> memref<1x128xi32, #tpu.memory_space<vmem>>
          %dma_start3A_129 = tpu.memref_squeeze %dma_start3A_128 : memref<1x128xi32, #tpu.memory_space<vmem>> -> memref<128xi32, #tpu.memory_space<vmem>>
          %dma_start3A_130 = arith.constant 0 : i32
          %dma_start3A_131 = arith.constant 0 : i32
          %dma_start3A_132 = tpu.memref_slice %arg12[%dma_start3A_130, %dma_start3A_131] : memref<10240x128xf32, #tpu.memory_space<vmem_shared>> -> memref<10240x128xf32, #tpu.memory_space<vmem_shared>>
          tpu.enqueue_indirect_dma source(%arg10 : memref<128x128xf32, #tpu.memory_space<vmem>>) target(%dma_start3A_132 : memref<10240x128xf32, #tpu.memory_space<vmem_shared>>) offsets(%dma_start3A_129 : memref<128xi32, #tpu.memory_space<vmem>>) semaphore(%run_scoped3A : memref<!tpu.dma_semaphore, #tpu.memory_space<semaphore_mem>>) {add = true}
          %dma_wait3A_133 = arith.constant 0 : i32
          %dma_wait3A_134 = tpu.memref_slice %arg9[%add3A_95, %dma_wait3A_133] : memref<40x128xi32, #tpu.memory_space<vmem>> -> memref<1x128xi32, #tpu.memory_space<vmem>>
          %dma_wait3A_135 = tpu.memref_squeeze %dma_wait3A_134 : memref<1x128xi32, #tpu.memory_space<vmem>> -> memref<128xi32, #tpu.memory_space<vmem>>
          %dma_wait3A_136 = arith.constant 0 : i32
          %dma_wait3A_137 = arith.constant 0 : i32
          %dma_wait3A_138 = tpu.memref_slice %arg12[%dma_wait3A_136, %dma_wait3A_137] : memref<10240x128xf32, #tpu.memory_space<vmem_shared>> -> memref<10240x128xf32, #tpu.memory_space<vmem_shared>>
          tpu.wait_indirect_dma semaphore(%run_scoped3A : memref<!tpu.dma_semaphore, #tpu.memory_space<semaphore_mem>>) src(%arg10 : memref<128x128xf32, #tpu.memory_space<vmem>>) dst(%dma_wait3A_138 : memref<10240x128xf32, #tpu.memory_space<vmem_shared>>)
          tpu.yield
        }) : () -> ()
        %add3A_103 = arith.constant 2 : i32
        %add3A_104 = arith.addi %add3A_95, %add3A_103 : i32
        %lt3A_105 = arith.constant 40 : i32
        %lt3A_106 = arith.cmpi slt, %add3A_104, %lt3A_105 : i32
        %convert_element_type3A_107 = arith.extui %lt3A_106 : i1 to i32
        %cond3A_108 = arith.constant 0 : i32
        %cond3A_109 = arith.cmpi ne, %convert_element_type3A_107, %cond3A_108 : i32
        scf.if %cond3A_109 {
          %add3A_127 = arith.constant 40 : i32
          %add3A_128 = arith.addi %add3A_127, %add3A_95 : i32
          %add3A_129 = arith.constant 2 : i32
          %add3A_130 = arith.addi %add3A_128, %add3A_129 : i32
          %dma_start3A_131 = arith.constant 0 : i32
          %dma_start3A_132 = tpu.memref_slice %arg8[%add3A_130, %dma_start3A_131] : memref<80x128xi32, #tpu.memory_space<vmem>> -> memref<1x128xi32, #tpu.memory_space<vmem>>
          %dma_start3A_133 = tpu.memref_squeeze %dma_start3A_132 : memref<1x128xi32, #tpu.memory_space<vmem>> -> memref<128xi32, #tpu.memory_space<vmem>>
          %dma_start3A_134 = arith.constant 0 : i32
          %dma_start3A_135 = arith.constant 0 : i32
          %dma_start3A_136 = tpu.memref_slice %arg2[%dma_start3A_134, %dma_start3A_135] : memref<30000x128xf32, #tpu.memory_space<hbm>> -> memref<30000x128xf32, #tpu.memory_space<hbm>>
          tpu.enqueue_indirect_dma source(%dma_start3A_136 : memref<30000x128xf32, #tpu.memory_space<hbm>>) target(%arg10 : memref<128x128xf32, #tpu.memory_space<vmem>>) offsets(%dma_start3A_133 : memref<128xi32, #tpu.memory_space<vmem>>) semaphore(%arg13 : memref<!tpu.dma_semaphore, #tpu.memory_space<semaphore_mem>>)
        } else {
        }
        %add3A_110 = arith.constant 1 : i32
        %add3A_111 = arith.addi %add3A_93, %add3A_110 : i32
        %add3A_112 = arith.constant 40 : i32
        %add3A_113 = arith.addi %add3A_112, %add3A_111 : i32
        %dma_wait3A_114 = arith.constant 0 : i32
        %dma_wait3A_115 = tpu.memref_slice %arg8[%add3A_113, %dma_wait3A_114] : memref<80x128xi32, #tpu.memory_space<vmem>> -> memref<1x128xi32, #tpu.memory_space<vmem>>
        %dma_wait3A_116 = tpu.memref_squeeze %dma_wait3A_115 : memref<1x128xi32, #tpu.memory_space<vmem>> -> memref<128xi32, #tpu.memory_space<vmem>>
        %dma_wait3A_117 = arith.constant 0 : i32
        %dma_wait3A_118 = arith.constant 0 : i32
        %dma_wait3A_119 = tpu.memref_slice %arg2[%dma_wait3A_117, %dma_wait3A_118] : memref<30000x128xf32, #tpu.memory_space<hbm>> -> memref<30000x128xf32, #tpu.memory_space<hbm>>
        tpu.wait_indirect_dma semaphore(%arg14 : memref<!tpu.dma_semaphore, #tpu.memory_space<semaphore_mem>>) src(%dma_wait3A_119 : memref<30000x128xf32, #tpu.memory_space<hbm>>) dst(%arg11 : memref<128x128xf32, #tpu.memory_space<vmem>>)
        "tpu.region"() ({
          %run_scoped3A = tpu.sem_alloc : memref<!tpu.dma_semaphore, #tpu.memory_space<semaphore_mem>>
          %dma_start3A_127 = arith.constant 0 : i32
          %dma_start3A_128 = tpu.memref_slice %arg9[%add3A_111, %dma_start3A_127] : memref<40x128xi32, #tpu.memory_space<vmem>> -> memref<1x128xi32, #tpu.memory_space<vmem>>
          %dma_start3A_129 = tpu.memref_squeeze %dma_start3A_128 : memref<1x128xi32, #tpu.memory_space<vmem>> -> memref<128xi32, #tpu.memory_space<vmem>>
          %dma_start3A_130 = arith.constant 0 : i32
          %dma_start3A_131 = arith.constant 0 : i32
          %dma_start3A_132 = tpu.memref_slice %arg12[%dma_start3A_130, %dma_start3A_131] : memref<10240x128xf32, #tpu.memory_space<vmem_shared>> -> memref<10240x128xf32, #tpu.memory_space<vmem_shared>>
          tpu.enqueue_indirect_dma source(%arg11 : memref<128x128xf32, #tpu.memory_space<vmem>>) target(%dma_start3A_132 : memref<10240x128xf32, #tpu.memory_space<vmem_shared>>) offsets(%dma_start3A_129 : memref<128xi32, #tpu.memory_space<vmem>>) semaphore(%run_scoped3A : memref<!tpu.dma_semaphore, #tpu.memory_space<semaphore_mem>>) {add = true}
          %dma_wait3A_133 = arith.constant 0 : i32
          %dma_wait3A_134 = tpu.memref_slice %arg9[%add3A_111, %dma_wait3A_133] : memref<40x128xi32, #tpu.memory_space<vmem>> -> memref<1x128xi32, #tpu.memory_space<vmem>>
          %dma_wait3A_135 = tpu.memref_squeeze %dma_wait3A_134 : memref<1x128xi32, #tpu.memory_space<vmem>> -> memref<128xi32, #tpu.memory_space<vmem>>
          %dma_wait3A_136 = arith.constant 0 : i32
          %dma_wait3A_137 = arith.constant 0 : i32
          %dma_wait3A_138 = tpu.memref_slice %arg12[%dma_wait3A_136, %dma_wait3A_137] : memref<10240x128xf32, #tpu.memory_space<vmem_shared>> -> memref<10240x128xf32, #tpu.memory_space<vmem_shared>>
          tpu.wait_indirect_dma semaphore(%run_scoped3A : memref<!tpu.dma_semaphore, #tpu.memory_space<semaphore_mem>>) src(%arg11 : memref<128x128xf32, #tpu.memory_space<vmem>>) dst(%dma_wait3A_138 : memref<10240x128xf32, #tpu.memory_space<vmem_shared>>)
          tpu.yield
        }) : () -> ()
        %add3A_120 = arith.constant 2 : i32
        %add3A_121 = arith.addi %add3A_111, %add3A_120 : i32
        %lt3A_122 = arith.constant 40 : i32
        %lt3A_123 = arith.cmpi slt, %add3A_121, %lt3A_122 : i32
        %convert_element_type3A_124 = arith.extui %lt3A_123 : i1 to i32
        %cond3A_125 = arith.constant 0 : i32
        %cond3A_126 = arith.cmpi ne, %convert_element_type3A_124, %cond3A_125 : i32
        scf.if %cond3A_126 {
          %add3A_127 = arith.constant 40 : i32
          %add3A_128 = arith.addi %add3A_127, %add3A_111 : i32
          %add3A_129 = arith.constant 2 : i32
          %add3A_130 = arith.addi %add3A_128, %add3A_129 : i32
          %dma_start3A_131 = arith.constant 0 : i32
          %dma_start3A_132 = tpu.memref_slice %arg8[%add3A_130, %dma_start3A_131] : memref<80x128xi32, #tpu.memory_space<vmem>> -> memref<1x128xi32, #tpu.memory_space<vmem>>
          %dma_start3A_133 = tpu.memref_squeeze %dma_start3A_132 : memref<1x128xi32, #tpu.memory_space<vmem>> -> memref<128xi32, #tpu.memory_space<vmem>>
          %dma_start3A_134 = arith.constant 0 : i32
          %dma_start3A_135 = arith.constant 0 : i32
          %dma_start3A_136 = tpu.memref_slice %arg2[%dma_start3A_134, %dma_start3A_135] : memref<30000x128xf32, #tpu.memory_space<hbm>> -> memref<30000x128xf32, #tpu.memory_space<hbm>>
          tpu.enqueue_indirect_dma source(%dma_start3A_136 : memref<30000x128xf32, #tpu.memory_space<hbm>>) target(%arg11 : memref<128x128xf32, #tpu.memory_space<vmem>>) offsets(%dma_start3A_133 : memref<128xi32, #tpu.memory_space<vmem>>) semaphore(%arg14 : memref<!tpu.dma_semaphore, #tpu.memory_space<semaphore_mem>>)
        } else {
        }
      }
      %scan3A_65 = arith.constant 20 : i32
      %barrier3A_66 = arith.constant 0 : index
      tpu.barrier barrier_id(%barrier3A_66)
      %add3A_67 = arith.constant 0 : i32
      %add3A_68 = arith.addi %arg1, %add3A_67 : i32
      %mul3A_69 = arith.constant 200 : i32
      %mul3A_70 = arith.muli %add3A_68, %mul3A_69 : i32
      %mul3A_71 = arith.constant 200 : i32
      %mul3A_72 = arith.muli %add3A_68, %mul3A_71 : i32
      "tpu.region"() ({
        %run_scoped3A = tpu.sem_alloc : memref<!tpu.dma_semaphore, #tpu.memory_space<semaphore_mem>>
        %dma_start3A_89 = arith.constant 0 : i32
        %dma_start3A_90 = tpu.memref_slice %arg6[%mul3A_72, %dma_start3A_89] : memref<10000x128xf32, #tpu.memory_space<hbm>> -> memref<200x128xf32, #tpu.memory_space<hbm>>
        %dma_start3A_91 = arith.constant 0 : i32
        %dma_start3A_92 = tpu.memref_slice %arg12[%mul3A_70, %dma_start3A_91] : memref<10240x128xf32, #tpu.memory_space<vmem_shared>> -> memref<200x128xf32, #tpu.memory_space<vmem_shared>>
        tpu.enqueue_dma source(%dma_start3A_92 : memref<200x128xf32, #tpu.memory_space<vmem_shared>>) target(%dma_start3A_90 : memref<200x128xf32, #tpu.memory_space<hbm>>) target_semaphore(%run_scoped3A : memref<!tpu.dma_semaphore, #tpu.memory_space<semaphore_mem>>)
        %dma_wait3A = arith.constant 0 : i32
        %dma_wait3A_93 = tpu.memref_slice %arg6[%mul3A_72, %dma_wait3A] : memref<10000x128xf32, #tpu.memory_space<hbm>> -> memref<200x128xf32, #tpu.memory_space<hbm>>
        %dma_wait3A_94 = arith.constant 0 : i32
        %dma_wait3A_95 = tpu.memref_slice %arg12[%mul3A_70, %dma_wait3A_94] : memref<10240x128xf32, #tpu.memory_space<vmem_shared>> -> memref<200x128xf32, #tpu.memory_space<vmem_shared>>
        tpu.wait_dma2 semaphore(%run_scoped3A : memref<!tpu.dma_semaphore, #tpu.memory_space<semaphore_mem>>) src(%dma_wait3A_95 : memref<200x128xf32, #tpu.memory_space<vmem_shared>>) dst(%dma_wait3A_93 : memref<200x128xf32, #tpu.memory_space<hbm>>)
        tpu.yield
      }) : () -> ()
      %add3A_73 = arith.constant 16 : i32
      %add3A_74 = arith.addi %arg1, %add3A_73 : i32
      %mul3A_75 = arith.constant 200 : i32
      %mul3A_76 = arith.muli %add3A_74, %mul3A_75 : i32
      %mul3A_77 = arith.constant 200 : i32
      %mul3A_78 = arith.muli %add3A_74, %mul3A_77 : i32
      "tpu.region"() ({
        %run_scoped3A = tpu.sem_alloc : memref<!tpu.dma_semaphore, #tpu.memory_space<semaphore_mem>>
        %dma_start3A_89 = arith.constant 0 : i32
        %dma_start3A_90 = tpu.memref_slice %arg6[%mul3A_78, %dma_start3A_89] : memref<10000x128xf32, #tpu.memory_space<hbm>> -> memref<200x128xf32, #tpu.memory_space<hbm>>
        %dma_start3A_91 = arith.constant 0 : i32
        %dma_start3A_92 = tpu.memref_slice %arg12[%mul3A_76, %dma_start3A_91] : memref<10240x128xf32, #tpu.memory_space<vmem_shared>> -> memref<200x128xf32, #tpu.memory_space<vmem_shared>>
        tpu.enqueue_dma source(%dma_start3A_92 : memref<200x128xf32, #tpu.memory_space<vmem_shared>>) target(%dma_start3A_90 : memref<200x128xf32, #tpu.memory_space<hbm>>) target_semaphore(%run_scoped3A : memref<!tpu.dma_semaphore, #tpu.memory_space<semaphore_mem>>)
        %dma_wait3A = arith.constant 0 : i32
        %dma_wait3A_93 = tpu.memref_slice %arg6[%mul3A_78, %dma_wait3A] : memref<10000x128xf32, #tpu.memory_space<hbm>> -> memref<200x128xf32, #tpu.memory_space<hbm>>
        %dma_wait3A_94 = arith.constant 0 : i32
        %dma_wait3A_95 = tpu.memref_slice %arg12[%mul3A_76, %dma_wait3A_94] : memref<10240x128xf32, #tpu.memory_space<vmem_shared>> -> memref<200x128xf32, #tpu.memory_space<vmem_shared>>
        tpu.wait_dma2 semaphore(%run_scoped3A : memref<!tpu.dma_semaphore, #tpu.memory_space<semaphore_mem>>) src(%dma_wait3A_95 : memref<200x128xf32, #tpu.memory_space<vmem_shared>>) dst(%dma_wait3A_93 : memref<200x128xf32, #tpu.memory_space<hbm>>)
        tpu.yield
      }) : () -> ()
      %add3A_79 = arith.constant 32 : i32
      %add3A_80 = arith.addi %arg1, %add3A_79 : i32
      %mul3A_81 = arith.constant 200 : i32
      %mul3A_82 = arith.muli %add3A_80, %mul3A_81 : i32
      %mul3A_83 = arith.constant 200 : i32
      %mul3A_84 = arith.muli %add3A_80, %mul3A_83 : i32
      "tpu.region"() ({
        %run_scoped3A = tpu.sem_alloc : memref<!tpu.dma_semaphore, #tpu.memory_space<semaphore_mem>>
        %dma_start3A_89 = arith.constant 0 : i32
        %dma_start3A_90 = tpu.memref_slice %arg6[%mul3A_84, %dma_start3A_89] : memref<10000x128xf32, #tpu.memory_space<hbm>> -> memref<200x128xf32, #tpu.memory_space<hbm>>
        %dma_start3A_91 = arith.constant 0 : i32
        %dma_start3A_92 = tpu.memref_slice %arg12[%mul3A_82, %dma_start3A_91] : memref<10240x128xf32, #tpu.memory_space<vmem_shared>> -> memref<200x128xf32, #tpu.memory_space<vmem_shared>>
        tpu.enqueue_dma source(%dma_start3A_92 : memref<200x128xf32, #tpu.memory_space<vmem_shared>>) target(%dma_start3A_90 : memref<200x128xf32, #tpu.memory_space<hbm>>) target_semaphore(%run_scoped3A : memref<!tpu.dma_semaphore, #tpu.memory_space<semaphore_mem>>)
        %dma_wait3A = arith.constant 0 : i32
        %dma_wait3A_93 = tpu.memref_slice %arg6[%mul3A_84, %dma_wait3A] : memref<10000x128xf32, #tpu.memory_space<hbm>> -> memref<200x128xf32, #tpu.memory_space<hbm>>
        %dma_wait3A_94 = arith.constant 0 : i32
        %dma_wait3A_95 = tpu.memref_slice %arg12[%mul3A_82, %dma_wait3A_94] : memref<10240x128xf32, #tpu.memory_space<vmem_shared>> -> memref<200x128xf32, #tpu.memory_space<vmem_shared>>
        tpu.wait_dma2 semaphore(%run_scoped3A : memref<!tpu.dma_semaphore, #tpu.memory_space<semaphore_mem>>) src(%dma_wait3A_95 : memref<200x128xf32, #tpu.memory_space<vmem_shared>>) dst(%dma_wait3A_93 : memref<200x128xf32, #tpu.memory_space<hbm>>)
        tpu.yield
      }) : () -> ()
      %lt3A = arith.constant 2 : i32
      %lt3A_85 = arith.cmpi slt, %arg1, %lt3A : i32
      %convert_element_type3A_86 = arith.extui %lt3A_85 : i1 to i32
      %cond3A_87 = arith.constant 0 : i32
      %cond3A_88 = arith.cmpi ne, %convert_element_type3A_86, %cond3A_87 : i32
      scf.if %cond3A_88 {
        %add3A_89 = arith.constant 48 : i32
        %add3A_90 = arith.addi %arg1, %add3A_89 : i32
        %mul3A_91 = arith.constant 200 : i32
        %mul3A_92 = arith.muli %add3A_90, %mul3A_91 : i32
        %mul3A_93 = arith.constant 200 : i32
        %mul3A_94 = arith.muli %add3A_90, %mul3A_93 : i32
        "tpu.region"() ({
          %run_scoped3A = tpu.sem_alloc : memref<!tpu.dma_semaphore, #tpu.memory_space<semaphore_mem>>
          %dma_start3A_95 = arith.constant 0 : i32
          %dma_start3A_96 = tpu.memref_slice %arg6[%mul3A_94, %dma_start3A_95] : memref<10000x128xf32, #tpu.memory_space<hbm>> -> memref<200x128xf32, #tpu.memory_space<hbm>>
          %dma_start3A_97 = arith.constant 0 : i32
          %dma_start3A_98 = tpu.memref_slice %arg12[%mul3A_92, %dma_start3A_97] : memref<10240x128xf32, #tpu.memory_space<vmem_shared>> -> memref<200x128xf32, #tpu.memory_space<vmem_shared>>
          tpu.enqueue_dma source(%dma_start3A_98 : memref<200x128xf32, #tpu.memory_space<vmem_shared>>) target(%dma_start3A_96 : memref<200x128xf32, #tpu.memory_space<hbm>>) target_semaphore(%run_scoped3A : memref<!tpu.dma_semaphore, #tpu.memory_space<semaphore_mem>>)
          %dma_wait3A = arith.constant 0 : i32
          %dma_wait3A_99 = tpu.memref_slice %arg6[%mul3A_94, %dma_wait3A] : memref<10000x128xf32, #tpu.memory_space<hbm>> -> memref<200x128xf32, #tpu.memory_space<hbm>>
          %dma_wait3A_100 = arith.constant 0 : i32
          %dma_wait3A_101 = tpu.memref_slice %arg12[%mul3A_92, %dma_wait3A_100] : memref<10240x128xf32, #tpu.memory_space<vmem_shared>> -> memref<200x128xf32, #tpu.memory_space<vmem_shared>>
          tpu.wait_dma2 semaphore(%run_scoped3A : memref<!tpu.dma_semaphore, #tpu.memory_space<semaphore_mem>>) src(%dma_wait3A_101 : memref<200x128xf32, #tpu.memory_space<vmem_shared>>) dst(%dma_wait3A_99 : memref<200x128xf32, #tpu.memory_space<hbm>>)
          tpu.yield
        }) : () -> ()
      } else {
      }
    } else {
    }
    %eq3A_16 = arith.constant 1 : i32
    %eq3A_17 = arith.cmpi eq, %arg0, %eq3A_16 : i32
    %convert_element_type3A_18 = arith.extui %eq3A_17 : i1 to i32
    %cond3A_19 = arith.constant 0 : i32
    %cond3A_20 = arith.cmpi ne, %convert_element_type3A_18, %cond3A_19 : i32
    scf.if %cond3A_20 {
      %mul3A_21 = arith.constant 2 : i32
      %mul3A_22 = arith.muli %mul3A_21, %arg1 : i32
      %add3A_23 = arith.constant 0 : i32
      %add3A_24 = arith.addi %mul3A_22, %add3A_23 : i32
      "tpu.region"() ({
        %run_scoped3A = tpu.sem_alloc : memref<!tpu.dma_semaphore, #tpu.memory_space<semaphore_mem>>
        %dma_start3A_89 = arith.constant 0 : i32
        %dma_start3A_90 = arith.constant 0 : i32
        %dma_start3A_91 = tpu.memref_slice %arg5[%add3A_24, %dma_start3A_89, %dma_start3A_90] : memref<32x40x128xi32, #tpu.memory_space<hbm>> -> memref<1x40x128xi32, #tpu.memory_space<hbm>>
        %dma_start3A_92 = tpu.memref_squeeze %dma_start3A_91 : memref<1x40x128xi32, #tpu.memory_space<hbm>> -> memref<40x128xi32, #tpu.memory_space<hbm>>
        %dma_start3A_93 = arith.constant 0 : i32
        %dma_start3A_94 = arith.constant 0 : i32
        %dma_start3A_95 = tpu.memref_slice %arg5[%add3A_24, %dma_start3A_93, %dma_start3A_94] : memref<32x40x128xi32, #tpu.memory_space<hbm>> -> memref<1x40x128xi32, #tpu.memory_space<hbm>>
        %dma_start3A_96 = tpu.memref_squeeze %dma_start3A_95 : memref<1x40x128xi32, #tpu.memory_space<hbm>> -> memref<40x128xi32, #tpu.memory_space<hbm>>
        tpu.enqueue_dma source(%dma_start3A_96 : memref<40x128xi32, #tpu.memory_space<hbm>>) target(%arg9 : memref<40x128xi32, #tpu.memory_space<vmem>>) target_semaphore(%run_scoped3A : memref<!tpu.dma_semaphore, #tpu.memory_space<semaphore_mem>>)
        %dma_wait3A = arith.constant 0 : i32
        %dma_wait3A_97 = arith.constant 0 : i32
        %dma_wait3A_98 = tpu.memref_slice %arg5[%add3A_24, %dma_wait3A, %dma_wait3A_97] : memref<32x40x128xi32, #tpu.memory_space<hbm>> -> memref<1x40x128xi32, #tpu.memory_space<hbm>>
        %dma_wait3A_99 = tpu.memref_squeeze %dma_wait3A_98 : memref<1x40x128xi32, #tpu.memory_space<hbm>> -> memref<40x128xi32, #tpu.memory_space<hbm>>
        %dma_wait3A_100 = arith.constant 0 : i32
        %dma_wait3A_101 = arith.constant 0 : i32
        %dma_wait3A_102 = tpu.memref_slice %arg5[%add3A_24, %dma_wait3A_100, %dma_wait3A_101] : memref<32x40x128xi32, #tpu.memory_space<hbm>> -> memref<1x40x128xi32, #tpu.memory_space<hbm>>
        %dma_wait3A_103 = tpu.memref_squeeze %dma_wait3A_102 : memref<1x40x128xi32, #tpu.memory_space<hbm>> -> memref<40x128xi32, #tpu.memory_space<hbm>>
        tpu.wait_dma2 semaphore(%run_scoped3A : memref<!tpu.dma_semaphore, #tpu.memory_space<semaphore_mem>>) src(%dma_wait3A_103 : memref<40x128xi32, #tpu.memory_space<hbm>>) dst(%arg9 : memref<40x128xi32, #tpu.memory_space<vmem>>)
        tpu.yield
      }) : () -> ()
      %dma_start3A = arith.constant 0 : i32
      %dma_start3A_25 = arith.constant 0 : i32
      %dma_start3A_26 = tpu.memref_slice %arg8[%dma_start3A, %dma_start3A_25] : memref<80x128xi32, #tpu.memory_space<vmem>> -> memref<1x128xi32, #tpu.memory_space<vmem>>
      %dma_start3A_27 = tpu.memref_squeeze %dma_start3A_26 : memref<1x128xi32, #tpu.memory_space<vmem>> -> memref<128xi32, #tpu.memory_space<vmem>>
      %dma_start3A_28 = arith.constant 0 : i32
      %dma_start3A_29 = arith.constant 0 : i32
      %dma_start3A_30 = tpu.memref_slice %arg3[%dma_start3A_28, %dma_start3A_29] : memref<30000x128xf32, #tpu.memory_space<hbm>> -> memref<30000x128xf32, #tpu.memory_space<hbm>>
      tpu.enqueue_indirect_dma source(%dma_start3A_30 : memref<30000x128xf32, #tpu.memory_space<hbm>>) target(%arg10 : memref<128x128xf32, #tpu.memory_space<vmem>>) offsets(%dma_start3A_27 : memref<128xi32, #tpu.memory_space<vmem>>) semaphore(%arg13 : memref<!tpu.dma_semaphore, #tpu.memory_space<semaphore_mem>>)
      %dma_start3A_31 = arith.constant 1 : i32
      %dma_start3A_32 = arith.constant 0 : i32
      %dma_start3A_33 = tpu.memref_slice %arg8[%dma_start3A_31, %dma_start3A_32] : memref<80x128xi32, #tpu.memory_space<vmem>> -> memref<1x128xi32, #tpu.memory_space<vmem>>
      %dma_start3A_34 = tpu.memref_squeeze %dma_start3A_33 : memref<1x128xi32, #tpu.memory_space<vmem>> -> memref<128xi32, #tpu.memory_space<vmem>>
      %dma_start3A_35 = arith.constant 0 : i32
      %dma_start3A_36 = arith.constant 0 : i32
      %dma_start3A_37 = tpu.memref_slice %arg3[%dma_start3A_35, %dma_start3A_36] : memref<30000x128xf32, #tpu.memory_space<hbm>> -> memref<30000x128xf32, #tpu.memory_space<hbm>>
      tpu.enqueue_indirect_dma source(%dma_start3A_37 : memref<30000x128xf32, #tpu.memory_space<hbm>>) target(%arg11 : memref<128x128xf32, #tpu.memory_space<vmem>>) offsets(%dma_start3A_34 : memref<128xi32, #tpu.memory_space<vmem>>) semaphore(%arg14 : memref<!tpu.dma_semaphore, #tpu.memory_space<semaphore_mem>>)
      %scan3A_38 = arith.constant 0 : i32
      %scan3A_39 = arith.constant 20 : i32
      %scan3A_40 = arith.addi %scan3A_38, %scan3A_39 : i32
      %scan3A_41 = arith.constant 1 : i32
      scf.for %scan3A_89 = %scan3A_38 to %scan3A_40 step %scan3A_41  : i32 {
        %mul3A_90 = arith.constant 2 : i32
        %mul3A_91 = arith.muli %scan3A_89, %mul3A_90 : i32
        %add3A_92 = arith.constant 0 : i32
        %add3A_93 = arith.addi %add3A_92, %mul3A_91 : i32
        %add3A_94 = arith.constant 0 : i32
        %add3A_95 = arith.addi %add3A_93, %add3A_94 : i32
        %add3A_96 = arith.constant 0 : i32
        %add3A_97 = arith.addi %add3A_96, %add3A_95 : i32
        %dma_wait3A = arith.constant 0 : i32
        %dma_wait3A_98 = tpu.memref_slice %arg8[%add3A_97, %dma_wait3A] : memref<80x128xi32, #tpu.memory_space<vmem>> -> memref<1x128xi32, #tpu.memory_space<vmem>>
        %dma_wait3A_99 = tpu.memref_squeeze %dma_wait3A_98 : memref<1x128xi32, #tpu.memory_space<vmem>> -> memref<128xi32, #tpu.memory_space<vmem>>
        %dma_wait3A_100 = arith.constant 0 : i32
        %dma_wait3A_101 = arith.constant 0 : i32
        %dma_wait3A_102 = tpu.memref_slice %arg3[%dma_wait3A_100, %dma_wait3A_101] : memref<30000x128xf32, #tpu.memory_space<hbm>> -> memref<30000x128xf32, #tpu.memory_space<hbm>>
        tpu.wait_indirect_dma semaphore(%arg13 : memref<!tpu.dma_semaphore, #tpu.memory_space<semaphore_mem>>) src(%dma_wait3A_102 : memref<30000x128xf32, #tpu.memory_space<hbm>>) dst(%arg10 : memref<128x128xf32, #tpu.memory_space<vmem>>)
        "tpu.region"() ({
          %run_scoped3A = tpu.sem_alloc : memref<!tpu.dma_semaphore, #tpu.memory_space<semaphore_mem>>
          %dma_start3A_127 = arith.constant 0 : i32
          %dma_start3A_128 = tpu.memref_slice %arg9[%add3A_95, %dma_start3A_127] : memref<40x128xi32, #tpu.memory_space<vmem>> -> memref<1x128xi32, #tpu.memory_space<vmem>>
          %dma_start3A_129 = tpu.memref_squeeze %dma_start3A_128 : memref<1x128xi32, #tpu.memory_space<vmem>> -> memref<128xi32, #tpu.memory_space<vmem>>
          %dma_start3A_130 = arith.constant 0 : i32
          %dma_start3A_131 = arith.constant 0 : i32
          %dma_start3A_132 = tpu.memref_slice %arg12[%dma_start3A_130, %dma_start3A_131] : memref<10240x128xf32, #tpu.memory_space<vmem_shared>> -> memref<10240x128xf32, #tpu.memory_space<vmem_shared>>
          tpu.enqueue_indirect_dma source(%arg10 : memref<128x128xf32, #tpu.memory_space<vmem>>) target(%dma_start3A_132 : memref<10240x128xf32, #tpu.memory_space<vmem_shared>>) offsets(%dma_start3A_129 : memref<128xi32, #tpu.memory_space<vmem>>) semaphore(%run_scoped3A : memref<!tpu.dma_semaphore, #tpu.memory_space<semaphore_mem>>) {add = true}
          %dma_wait3A_133 = arith.constant 0 : i32
          %dma_wait3A_134 = tpu.memref_slice %arg9[%add3A_95, %dma_wait3A_133] : memref<40x128xi32, #tpu.memory_space<vmem>> -> memref<1x128xi32, #tpu.memory_space<vmem>>
          %dma_wait3A_135 = tpu.memref_squeeze %dma_wait3A_134 : memref<1x128xi32, #tpu.memory_space<vmem>> -> memref<128xi32, #tpu.memory_space<vmem>>
          %dma_wait3A_136 = arith.constant 0 : i32
          %dma_wait3A_137 = arith.constant 0 : i32
          %dma_wait3A_138 = tpu.memref_slice %arg12[%dma_wait3A_136, %dma_wait3A_137] : memref<10240x128xf32, #tpu.memory_space<vmem_shared>> -> memref<10240x128xf32, #tpu.memory_space<vmem_shared>>
          tpu.wait_indirect_dma semaphore(%run_scoped3A : memref<!tpu.dma_semaphore, #tpu.memory_space<semaphore_mem>>) src(%arg10 : memref<128x128xf32, #tpu.memory_space<vmem>>) dst(%dma_wait3A_138 : memref<10240x128xf32, #tpu.memory_space<vmem_shared>>)
          tpu.yield
        }) : () -> ()
        %add3A_103 = arith.constant 2 : i32
        %add3A_104 = arith.addi %add3A_95, %add3A_103 : i32
        %lt3A_105 = arith.constant 40 : i32
        %lt3A_106 = arith.cmpi slt, %add3A_104, %lt3A_105 : i32
        %convert_element_type3A_107 = arith.extui %lt3A_106 : i1 to i32
        %cond3A_108 = arith.constant 0 : i32
        %cond3A_109 = arith.cmpi ne, %convert_element_type3A_107, %cond3A_108 : i32
        scf.if %cond3A_109 {
          %add3A_127 = arith.constant 0 : i32
          %add3A_128 = arith.addi %add3A_127, %add3A_95 : i32
          %add3A_129 = arith.constant 2 : i32
          %add3A_130 = arith.addi %add3A_128, %add3A_129 : i32
          %dma_start3A_131 = arith.constant 0 : i32
          %dma_start3A_132 = tpu.memref_slice %arg8[%add3A_130, %dma_start3A_131] : memref<80x128xi32, #tpu.memory_space<vmem>> -> memref<1x128xi32, #tpu.memory_space<vmem>>
          %dma_start3A_133 = tpu.memref_squeeze %dma_start3A_132 : memref<1x128xi32, #tpu.memory_space<vmem>> -> memref<128xi32, #tpu.memory_space<vmem>>
          %dma_start3A_134 = arith.constant 0 : i32
          %dma_start3A_135 = arith.constant 0 : i32
          %dma_start3A_136 = tpu.memref_slice %arg3[%dma_start3A_134, %dma_start3A_135] : memref<30000x128xf32, #tpu.memory_space<hbm>> -> memref<30000x128xf32, #tpu.memory_space<hbm>>
          tpu.enqueue_indirect_dma source(%dma_start3A_136 : memref<30000x128xf32, #tpu.memory_space<hbm>>) target(%arg10 : memref<128x128xf32, #tpu.memory_space<vmem>>) offsets(%dma_start3A_133 : memref<128xi32, #tpu.memory_space<vmem>>) semaphore(%arg13 : memref<!tpu.dma_semaphore, #tpu.memory_space<semaphore_mem>>)
        } else {
        }
        %add3A_110 = arith.constant 1 : i32
        %add3A_111 = arith.addi %add3A_93, %add3A_110 : i32
        %add3A_112 = arith.constant 0 : i32
        %add3A_113 = arith.addi %add3A_112, %add3A_111 : i32
        %dma_wait3A_114 = arith.constant 0 : i32
        %dma_wait3A_115 = tpu.memref_slice %arg8[%add3A_113, %dma_wait3A_114] : memref<80x128xi32, #tpu.memory_space<vmem>> -> memref<1x128xi32, #tpu.memory_space<vmem>>
        %dma_wait3A_116 = tpu.memref_squeeze %dma_wait3A_115 : memref<1x128xi32, #tpu.memory_space<vmem>> -> memref<128xi32, #tpu.memory_space<vmem>>
        %dma_wait3A_117 = arith.constant 0 : i32
        %dma_wait3A_118 = arith.constant 0 : i32
        %dma_wait3A_119 = tpu.memref_slice %arg3[%dma_wait3A_117, %dma_wait3A_118] : memref<30000x128xf32, #tpu.memory_space<hbm>> -> memref<30000x128xf32, #tpu.memory_space<hbm>>
        tpu.wait_indirect_dma semaphore(%arg14 : memref<!tpu.dma_semaphore, #tpu.memory_space<semaphore_mem>>) src(%dma_wait3A_119 : memref<30000x128xf32, #tpu.memory_space<hbm>>) dst(%arg11 : memref<128x128xf32, #tpu.memory_space<vmem>>)
        "tpu.region"() ({
          %run_scoped3A = tpu.sem_alloc : memref<!tpu.dma_semaphore, #tpu.memory_space<semaphore_mem>>
          %dma_start3A_127 = arith.constant 0 : i32
          %dma_start3A_128 = tpu.memref_slice %arg9[%add3A_111, %dma_start3A_127] : memref<40x128xi32, #tpu.memory_space<vmem>> -> memref<1x128xi32, #tpu.memory_space<vmem>>
          %dma_start3A_129 = tpu.memref_squeeze %dma_start3A_128 : memref<1x128xi32, #tpu.memory_space<vmem>> -> memref<128xi32, #tpu.memory_space<vmem>>
          %dma_start3A_130 = arith.constant 0 : i32
          %dma_start3A_131 = arith.constant 0 : i32
          %dma_start3A_132 = tpu.memref_slice %arg12[%dma_start3A_130, %dma_start3A_131] : memref<10240x128xf32, #tpu.memory_space<vmem_shared>> -> memref<10240x128xf32, #tpu.memory_space<vmem_shared>>
          tpu.enqueue_indirect_dma source(%arg11 : memref<128x128xf32, #tpu.memory_space<vmem>>) target(%dma_start3A_132 : memref<10240x128xf32, #tpu.memory_space<vmem_shared>>) offsets(%dma_start3A_129 : memref<128xi32, #tpu.memory_space<vmem>>) semaphore(%run_scoped3A : memref<!tpu.dma_semaphore, #tpu.memory_space<semaphore_mem>>) {add = true}
          %dma_wait3A_133 = arith.constant 0 : i32
          %dma_wait3A_134 = tpu.memref_slice %arg9[%add3A_111, %dma_wait3A_133] : memref<40x128xi32, #tpu.memory_space<vmem>> -> memref<1x128xi32, #tpu.memory_space<vmem>>
          %dma_wait3A_135 = tpu.memref_squeeze %dma_wait3A_134 : memref<1x128xi32, #tpu.memory_space<vmem>> -> memref<128xi32, #tpu.memory_space<vmem>>
          %dma_wait3A_136 = arith.constant 0 : i32
          %dma_wait3A_137 = arith.constant 0 : i32
          %dma_wait3A_138 = tpu.memref_slice %arg12[%dma_wait3A_136, %dma_wait3A_137] : memref<10240x128xf32, #tpu.memory_space<vmem_shared>> -> memref<10240x128xf32, #tpu.memory_space<vmem_shared>>
          tpu.wait_indirect_dma semaphore(%run_scoped3A : memref<!tpu.dma_semaphore, #tpu.memory_space<semaphore_mem>>) src(%arg11 : memref<128x128xf32, #tpu.memory_space<vmem>>) dst(%dma_wait3A_138 : memref<10240x128xf32, #tpu.memory_space<vmem_shared>>)
          tpu.yield
        }) : () -> ()
        %add3A_120 = arith.constant 2 : i32
        %add3A_121 = arith.addi %add3A_111, %add3A_120 : i32
        %lt3A_122 = arith.constant 40 : i32
        %lt3A_123 = arith.cmpi slt, %add3A_121, %lt3A_122 : i32
        %convert_element_type3A_124 = arith.extui %lt3A_123 : i1 to i32
        %cond3A_125 = arith.constant 0 : i32
        %cond3A_126 = arith.cmpi ne, %convert_element_type3A_124, %cond3A_125 : i32
        scf.if %cond3A_126 {
          %add3A_127 = arith.constant 0 : i32
          %add3A_128 = arith.addi %add3A_127, %add3A_111 : i32
          %add3A_129 = arith.constant 2 : i32
          %add3A_130 = arith.addi %add3A_128, %add3A_129 : i32
          %dma_start3A_131 = arith.constant 0 : i32
          %dma_start3A_132 = tpu.memref_slice %arg8[%add3A_130, %dma_start3A_131] : memref<80x128xi32, #tpu.memory_space<vmem>> -> memref<1x128xi32, #tpu.memory_space<vmem>>
          %dma_start3A_133 = tpu.memref_squeeze %dma_start3A_132 : memref<1x128xi32, #tpu.memory_space<vmem>> -> memref<128xi32, #tpu.memory_space<vmem>>
          %dma_start3A_134 = arith.constant 0 : i32
          %dma_start3A_135 = arith.constant 0 : i32
          %dma_start3A_136 = tpu.memref_slice %arg3[%dma_start3A_134, %dma_start3A_135] : memref<30000x128xf32, #tpu.memory_space<hbm>> -> memref<30000x128xf32, #tpu.memory_space<hbm>>
          tpu.enqueue_indirect_dma source(%dma_start3A_136 : memref<30000x128xf32, #tpu.memory_space<hbm>>) target(%arg11 : memref<128x128xf32, #tpu.memory_space<vmem>>) offsets(%dma_start3A_133 : memref<128xi32, #tpu.memory_space<vmem>>) semaphore(%arg14 : memref<!tpu.dma_semaphore, #tpu.memory_space<semaphore_mem>>)
        } else {
        }
      }
      %scan3A_42 = arith.constant 20 : i32
      %mul3A_43 = arith.constant 2 : i32
      %mul3A_44 = arith.muli %mul3A_43, %arg1 : i32
      %add3A_45 = arith.constant 1 : i32
      %add3A_46 = arith.addi %mul3A_44, %add3A_45 : i32
      "tpu.region"() ({
        %run_scoped3A = tpu.sem_alloc : memref<!tpu.dma_semaphore, #tpu.memory_space<semaphore_mem>>
        %dma_start3A_89 = arith.constant 0 : i32
        %dma_start3A_90 = arith.constant 0 : i32
        %dma_start3A_91 = tpu.memref_slice %arg5[%add3A_46, %dma_start3A_89, %dma_start3A_90] : memref<32x40x128xi32, #tpu.memory_space<hbm>> -> memref<1x40x128xi32, #tpu.memory_space<hbm>>
        %dma_start3A_92 = tpu.memref_squeeze %dma_start3A_91 : memref<1x40x128xi32, #tpu.memory_space<hbm>> -> memref<40x128xi32, #tpu.memory_space<hbm>>
        %dma_start3A_93 = arith.constant 0 : i32
        %dma_start3A_94 = arith.constant 0 : i32
        %dma_start3A_95 = tpu.memref_slice %arg5[%add3A_46, %dma_start3A_93, %dma_start3A_94] : memref<32x40x128xi32, #tpu.memory_space<hbm>> -> memref<1x40x128xi32, #tpu.memory_space<hbm>>
        %dma_start3A_96 = tpu.memref_squeeze %dma_start3A_95 : memref<1x40x128xi32, #tpu.memory_space<hbm>> -> memref<40x128xi32, #tpu.memory_space<hbm>>
        tpu.enqueue_dma source(%dma_start3A_96 : memref<40x128xi32, #tpu.memory_space<hbm>>) target(%arg9 : memref<40x128xi32, #tpu.memory_space<vmem>>) target_semaphore(%run_scoped3A : memref<!tpu.dma_semaphore, #tpu.memory_space<semaphore_mem>>)
        %dma_wait3A = arith.constant 0 : i32
        %dma_wait3A_97 = arith.constant 0 : i32
        %dma_wait3A_98 = tpu.memref_slice %arg5[%add3A_46, %dma_wait3A, %dma_wait3A_97] : memref<32x40x128xi32, #tpu.memory_space<hbm>> -> memref<1x40x128xi32, #tpu.memory_space<hbm>>
        %dma_wait3A_99 = tpu.memref_squeeze %dma_wait3A_98 : memref<1x40x128xi32, #tpu.memory_space<hbm>> -> memref<40x128xi32, #tpu.memory_space<hbm>>
        %dma_wait3A_100 = arith.constant 0 : i32
        %dma_wait3A_101 = arith.constant 0 : i32
        %dma_wait3A_102 = tpu.memref_slice %arg5[%add3A_46, %dma_wait3A_100, %dma_wait3A_101] : memref<32x40x128xi32, #tpu.memory_space<hbm>> -> memref<1x40x128xi32, #tpu.memory_space<hbm>>
        %dma_wait3A_103 = tpu.memref_squeeze %dma_wait3A_102 : memref<1x40x128xi32, #tpu.memory_space<hbm>> -> memref<40x128xi32, #tpu.memory_space<hbm>>
        tpu.wait_dma2 semaphore(%run_scoped3A : memref<!tpu.dma_semaphore, #tpu.memory_space<semaphore_mem>>) src(%dma_wait3A_103 : memref<40x128xi32, #tpu.memory_space<hbm>>) dst(%arg9 : memref<40x128xi32, #tpu.memory_space<vmem>>)
        tpu.yield
      }) : () -> ()
      %dma_start3A_47 = arith.constant 40 : i32
      %dma_start3A_48 = arith.constant 0 : i32
      %dma_start3A_49 = tpu.memref_slice %arg8[%dma_start3A_47, %dma_start3A_48] : memref<80x128xi32, #tpu.memory_space<vmem>> -> memref<1x128xi32, #tpu.memory_space<vmem>>
      %dma_start3A_50 = tpu.memref_squeeze %dma_start3A_49 : memref<1x128xi32, #tpu.memory_space<vmem>> -> memref<128xi32, #tpu.memory_space<vmem>>
      %dma_start3A_51 = arith.constant 0 : i32
      %dma_start3A_52 = arith.constant 0 : i32
      %dma_start3A_53 = tpu.memref_slice %arg3[%dma_start3A_51, %dma_start3A_52] : memref<30000x128xf32, #tpu.memory_space<hbm>> -> memref<30000x128xf32, #tpu.memory_space<hbm>>
      tpu.enqueue_indirect_dma source(%dma_start3A_53 : memref<30000x128xf32, #tpu.memory_space<hbm>>) target(%arg10 : memref<128x128xf32, #tpu.memory_space<vmem>>) offsets(%dma_start3A_50 : memref<128xi32, #tpu.memory_space<vmem>>) semaphore(%arg13 : memref<!tpu.dma_semaphore, #tpu.memory_space<semaphore_mem>>)
      %dma_start3A_54 = arith.constant 41 : i32
      %dma_start3A_55 = arith.constant 0 : i32
      %dma_start3A_56 = tpu.memref_slice %arg8[%dma_start3A_54, %dma_start3A_55] : memref<80x128xi32, #tpu.memory_space<vmem>> -> memref<1x128xi32, #tpu.memory_space<vmem>>
      %dma_start3A_57 = tpu.memref_squeeze %dma_start3A_56 : memref<1x128xi32, #tpu.memory_space<vmem>> -> memref<128xi32, #tpu.memory_space<vmem>>
      %dma_start3A_58 = arith.constant 0 : i32
      %dma_start3A_59 = arith.constant 0 : i32
      %dma_start3A_60 = tpu.memref_slice %arg3[%dma_start3A_58, %dma_start3A_59] : memref<30000x128xf32, #tpu.memory_space<hbm>> -> memref<30000x128xf32, #tpu.memory_space<hbm>>
      tpu.enqueue_indirect_dma source(%dma_start3A_60 : memref<30000x128xf32, #tpu.memory_space<hbm>>) target(%arg11 : memref<128x128xf32, #tpu.memory_space<vmem>>) offsets(%dma_start3A_57 : memref<128xi32, #tpu.memory_space<vmem>>) semaphore(%arg14 : memref<!tpu.dma_semaphore, #tpu.memory_space<semaphore_mem>>)
      %scan3A_61 = arith.constant 0 : i32
      %scan3A_62 = arith.constant 20 : i32
      %scan3A_63 = arith.addi %scan3A_61, %scan3A_62 : i32
      %scan3A_64 = arith.constant 1 : i32
      scf.for %scan3A_89 = %scan3A_61 to %scan3A_63 step %scan3A_64  : i32 {
        %mul3A_90 = arith.constant 2 : i32
        %mul3A_91 = arith.muli %scan3A_89, %mul3A_90 : i32
        %add3A_92 = arith.constant 0 : i32
        %add3A_93 = arith.addi %add3A_92, %mul3A_91 : i32
        %add3A_94 = arith.constant 0 : i32
        %add3A_95 = arith.addi %add3A_93, %add3A_94 : i32
        %add3A_96 = arith.constant 40 : i32
        %add3A_97 = arith.addi %add3A_96, %add3A_95 : i32
        %dma_wait3A = arith.constant 0 : i32
        %dma_wait3A_98 = tpu.memref_slice %arg8[%add3A_97, %dma_wait3A] : memref<80x128xi32, #tpu.memory_space<vmem>> -> memref<1x128xi32, #tpu.memory_space<vmem>>
        %dma_wait3A_99 = tpu.memref_squeeze %dma_wait3A_98 : memref<1x128xi32, #tpu.memory_space<vmem>> -> memref<128xi32, #tpu.memory_space<vmem>>
        %dma_wait3A_100 = arith.constant 0 : i32
        %dma_wait3A_101 = arith.constant 0 : i32
        %dma_wait3A_102 = tpu.memref_slice %arg3[%dma_wait3A_100, %dma_wait3A_101] : memref<30000x128xf32, #tpu.memory_space<hbm>> -> memref<30000x128xf32, #tpu.memory_space<hbm>>
        tpu.wait_indirect_dma semaphore(%arg13 : memref<!tpu.dma_semaphore, #tpu.memory_space<semaphore_mem>>) src(%dma_wait3A_102 : memref<30000x128xf32, #tpu.memory_space<hbm>>) dst(%arg10 : memref<128x128xf32, #tpu.memory_space<vmem>>)
        "tpu.region"() ({
          %run_scoped3A = tpu.sem_alloc : memref<!tpu.dma_semaphore, #tpu.memory_space<semaphore_mem>>
          %dma_start3A_127 = arith.constant 0 : i32
          %dma_start3A_128 = tpu.memref_slice %arg9[%add3A_95, %dma_start3A_127] : memref<40x128xi32, #tpu.memory_space<vmem>> -> memref<1x128xi32, #tpu.memory_space<vmem>>
          %dma_start3A_129 = tpu.memref_squeeze %dma_start3A_128 : memref<1x128xi32, #tpu.memory_space<vmem>> -> memref<128xi32, #tpu.memory_space<vmem>>
          %dma_start3A_130 = arith.constant 0 : i32
          %dma_start3A_131 = arith.constant 0 : i32
          %dma_start3A_132 = tpu.memref_slice %arg12[%dma_start3A_130, %dma_start3A_131] : memref<10240x128xf32, #tpu.memory_space<vmem_shared>> -> memref<10240x128xf32, #tpu.memory_space<vmem_shared>>
          tpu.enqueue_indirect_dma source(%arg10 : memref<128x128xf32, #tpu.memory_space<vmem>>) target(%dma_start3A_132 : memref<10240x128xf32, #tpu.memory_space<vmem_shared>>) offsets(%dma_start3A_129 : memref<128xi32, #tpu.memory_space<vmem>>) semaphore(%run_scoped3A : memref<!tpu.dma_semaphore, #tpu.memory_space<semaphore_mem>>) {add = true}
          %dma_wait3A_133 = arith.constant 0 : i32
          %dma_wait3A_134 = tpu.memref_slice %arg9[%add3A_95, %dma_wait3A_133] : memref<40x128xi32, #tpu.memory_space<vmem>> -> memref<1x128xi32, #tpu.memory_space<vmem>>
          %dma_wait3A_135 = tpu.memref_squeeze %dma_wait3A_134 : memref<1x128xi32, #tpu.memory_space<vmem>> -> memref<128xi32, #tpu.memory_space<vmem>>
          %dma_wait3A_136 = arith.constant 0 : i32
          %dma_wait3A_137 = arith.constant 0 : i32
          %dma_wait3A_138 = tpu.memref_slice %arg12[%dma_wait3A_136, %dma_wait3A_137] : memref<10240x128xf32, #tpu.memory_space<vmem_shared>> -> memref<10240x128xf32, #tpu.memory_space<vmem_shared>>
          tpu.wait_indirect_dma semaphore(%run_scoped3A : memref<!tpu.dma_semaphore, #tpu.memory_space<semaphore_mem>>) src(%arg10 : memref<128x128xf32, #tpu.memory_space<vmem>>) dst(%dma_wait3A_138 : memref<10240x128xf32, #tpu.memory_space<vmem_shared>>)
          tpu.yield
        }) : () -> ()
        %add3A_103 = arith.constant 2 : i32
        %add3A_104 = arith.addi %add3A_95, %add3A_103 : i32
        %lt3A_105 = arith.constant 40 : i32
        %lt3A_106 = arith.cmpi slt, %add3A_104, %lt3A_105 : i32
        %convert_element_type3A_107 = arith.extui %lt3A_106 : i1 to i32
        %cond3A_108 = arith.constant 0 : i32
        %cond3A_109 = arith.cmpi ne, %convert_element_type3A_107, %cond3A_108 : i32
        scf.if %cond3A_109 {
          %add3A_127 = arith.constant 40 : i32
          %add3A_128 = arith.addi %add3A_127, %add3A_95 : i32
          %add3A_129 = arith.constant 2 : i32
          %add3A_130 = arith.addi %add3A_128, %add3A_129 : i32
          %dma_start3A_131 = arith.constant 0 : i32
          %dma_start3A_132 = tpu.memref_slice %arg8[%add3A_130, %dma_start3A_131] : memref<80x128xi32, #tpu.memory_space<vmem>> -> memref<1x128xi32, #tpu.memory_space<vmem>>
          %dma_start3A_133 = tpu.memref_squeeze %dma_start3A_132 : memref<1x128xi32, #tpu.memory_space<vmem>> -> memref<128xi32, #tpu.memory_space<vmem>>
          %dma_start3A_134 = arith.constant 0 : i32
          %dma_start3A_135 = arith.constant 0 : i32
          %dma_start3A_136 = tpu.memref_slice %arg3[%dma_start3A_134, %dma_start3A_135] : memref<30000x128xf32, #tpu.memory_space<hbm>> -> memref<30000x128xf32, #tpu.memory_space<hbm>>
          tpu.enqueue_indirect_dma source(%dma_start3A_136 : memref<30000x128xf32, #tpu.memory_space<hbm>>) target(%arg10 : memref<128x128xf32, #tpu.memory_space<vmem>>) offsets(%dma_start3A_133 : memref<128xi32, #tpu.memory_space<vmem>>) semaphore(%arg13 : memref<!tpu.dma_semaphore, #tpu.memory_space<semaphore_mem>>)
        } else {
        }
        %add3A_110 = arith.constant 1 : i32
        %add3A_111 = arith.addi %add3A_93, %add3A_110 : i32
        %add3A_112 = arith.constant 40 : i32
        %add3A_113 = arith.addi %add3A_112, %add3A_111 : i32
        %dma_wait3A_114 = arith.constant 0 : i32
        %dma_wait3A_115 = tpu.memref_slice %arg8[%add3A_113, %dma_wait3A_114] : memref<80x128xi32, #tpu.memory_space<vmem>> -> memref<1x128xi32, #tpu.memory_space<vmem>>
        %dma_wait3A_116 = tpu.memref_squeeze %dma_wait3A_115 : memref<1x128xi32, #tpu.memory_space<vmem>> -> memref<128xi32, #tpu.memory_space<vmem>>
        %dma_wait3A_117 = arith.constant 0 : i32
        %dma_wait3A_118 = arith.constant 0 : i32
        %dma_wait3A_119 = tpu.memref_slice %arg3[%dma_wait3A_117, %dma_wait3A_118] : memref<30000x128xf32, #tpu.memory_space<hbm>> -> memref<30000x128xf32, #tpu.memory_space<hbm>>
        tpu.wait_indirect_dma semaphore(%arg14 : memref<!tpu.dma_semaphore, #tpu.memory_space<semaphore_mem>>) src(%dma_wait3A_119 : memref<30000x128xf32, #tpu.memory_space<hbm>>) dst(%arg11 : memref<128x128xf32, #tpu.memory_space<vmem>>)
        "tpu.region"() ({
          %run_scoped3A = tpu.sem_alloc : memref<!tpu.dma_semaphore, #tpu.memory_space<semaphore_mem>>
          %dma_start3A_127 = arith.constant 0 : i32
          %dma_start3A_128 = tpu.memref_slice %arg9[%add3A_111, %dma_start3A_127] : memref<40x128xi32, #tpu.memory_space<vmem>> -> memref<1x128xi32, #tpu.memory_space<vmem>>
          %dma_start3A_129 = tpu.memref_squeeze %dma_start3A_128 : memref<1x128xi32, #tpu.memory_space<vmem>> -> memref<128xi32, #tpu.memory_space<vmem>>
          %dma_start3A_130 = arith.constant 0 : i32
          %dma_start3A_131 = arith.constant 0 : i32
          %dma_start3A_132 = tpu.memref_slice %arg12[%dma_start3A_130, %dma_start3A_131] : memref<10240x128xf32, #tpu.memory_space<vmem_shared>> -> memref<10240x128xf32, #tpu.memory_space<vmem_shared>>
          tpu.enqueue_indirect_dma source(%arg11 : memref<128x128xf32, #tpu.memory_space<vmem>>) target(%dma_start3A_132 : memref<10240x128xf32, #tpu.memory_space<vmem_shared>>) offsets(%dma_start3A_129 : memref<128xi32, #tpu.memory_space<vmem>>) semaphore(%run_scoped3A : memref<!tpu.dma_semaphore, #tpu.memory_space<semaphore_mem>>) {add = true}
          %dma_wait3A_133 = arith.constant 0 : i32
          %dma_wait3A_134 = tpu.memref_slice %arg9[%add3A_111, %dma_wait3A_133] : memref<40x128xi32, #tpu.memory_space<vmem>> -> memref<1x128xi32, #tpu.memory_space<vmem>>
          %dma_wait3A_135 = tpu.memref_squeeze %dma_wait3A_134 : memref<1x128xi32, #tpu.memory_space<vmem>> -> memref<128xi32, #tpu.memory_space<vmem>>
          %dma_wait3A_136 = arith.constant 0 : i32
          %dma_wait3A_137 = arith.constant 0 : i32
          %dma_wait3A_138 = tpu.memref_slice %arg12[%dma_wait3A_136, %dma_wait3A_137] : memref<10240x128xf32, #tpu.memory_space<vmem_shared>> -> memref<10240x128xf32, #tpu.memory_space<vmem_shared>>
          tpu.wait_indirect_dma semaphore(%run_scoped3A : memref<!tpu.dma_semaphore, #tpu.memory_space<semaphore_mem>>) src(%arg11 : memref<128x128xf32, #tpu.memory_space<vmem>>) dst(%dma_wait3A_138 : memref<10240x128xf32, #tpu.memory_space<vmem_shared>>)
          tpu.yield
        }) : () -> ()
        %add3A_120 = arith.constant 2 : i32
        %add3A_121 = arith.addi %add3A_111, %add3A_120 : i32
        %lt3A_122 = arith.constant 40 : i32
        %lt3A_123 = arith.cmpi slt, %add3A_121, %lt3A_122 : i32
        %convert_element_type3A_124 = arith.extui %lt3A_123 : i1 to i32
        %cond3A_125 = arith.constant 0 : i32
        %cond3A_126 = arith.cmpi ne, %convert_element_type3A_124, %cond3A_125 : i32
        scf.if %cond3A_126 {
          %add3A_127 = arith.constant 40 : i32
          %add3A_128 = arith.addi %add3A_127, %add3A_111 : i32
          %add3A_129 = arith.constant 2 : i32
          %add3A_130 = arith.addi %add3A_128, %add3A_129 : i32
          %dma_start3A_131 = arith.constant 0 : i32
          %dma_start3A_132 = tpu.memref_slice %arg8[%add3A_130, %dma_start3A_131] : memref<80x128xi32, #tpu.memory_space<vmem>> -> memref<1x128xi32, #tpu.memory_space<vmem>>
          %dma_start3A_133 = tpu.memref_squeeze %dma_start3A_132 : memref<1x128xi32, #tpu.memory_space<vmem>> -> memref<128xi32, #tpu.memory_space<vmem>>
          %dma_start3A_134 = arith.constant 0 : i32
          %dma_start3A_135 = arith.constant 0 : i32
          %dma_start3A_136 = tpu.memref_slice %arg3[%dma_start3A_134, %dma_start3A_135] : memref<30000x128xf32, #tpu.memory_space<hbm>> -> memref<30000x128xf32, #tpu.memory_space<hbm>>
          tpu.enqueue_indirect_dma source(%dma_start3A_136 : memref<30000x128xf32, #tpu.memory_space<hbm>>) target(%arg11 : memref<128x128xf32, #tpu.memory_space<vmem>>) offsets(%dma_start3A_133 : memref<128xi32, #tpu.memory_space<vmem>>) semaphore(%arg14 : memref<!tpu.dma_semaphore, #tpu.memory_space<semaphore_mem>>)
        } else {
        }
      }
      %scan3A_65 = arith.constant 20 : i32
      %barrier3A_66 = arith.constant 0 : index
      tpu.barrier barrier_id(%barrier3A_66)
      %add3A_67 = arith.constant 0 : i32
      %add3A_68 = arith.addi %arg1, %add3A_67 : i32
      %mul3A_69 = arith.constant 200 : i32
      %mul3A_70 = arith.muli %add3A_68, %mul3A_69 : i32
      %mul3A_71 = arith.constant 200 : i32
      %mul3A_72 = arith.muli %add3A_68, %mul3A_71 : i32
      "tpu.region"() ({
        %run_scoped3A = tpu.sem_alloc : memref<!tpu.dma_semaphore, #tpu.memory_space<semaphore_mem>>
        %dma_start3A_89 = arith.constant 0 : i32
        %dma_start3A_90 = tpu.memref_slice %arg7[%mul3A_72, %dma_start3A_89] : memref<10000x128xf32, #tpu.memory_space<hbm>> -> memref<200x128xf32, #tpu.memory_space<hbm>>
        %dma_start3A_91 = arith.constant 0 : i32
        %dma_start3A_92 = tpu.memref_slice %arg12[%mul3A_70, %dma_start3A_91] : memref<10240x128xf32, #tpu.memory_space<vmem_shared>> -> memref<200x128xf32, #tpu.memory_space<vmem_shared>>
        tpu.enqueue_dma source(%dma_start3A_92 : memref<200x128xf32, #tpu.memory_space<vmem_shared>>) target(%dma_start3A_90 : memref<200x128xf32, #tpu.memory_space<hbm>>) target_semaphore(%run_scoped3A : memref<!tpu.dma_semaphore, #tpu.memory_space<semaphore_mem>>)
        %dma_wait3A = arith.constant 0 : i32
        %dma_wait3A_93 = tpu.memref_slice %arg7[%mul3A_72, %dma_wait3A] : memref<10000x128xf32, #tpu.memory_space<hbm>> -> memref<200x128xf32, #tpu.memory_space<hbm>>
        %dma_wait3A_94 = arith.constant 0 : i32
        %dma_wait3A_95 = tpu.memref_slice %arg12[%mul3A_70, %dma_wait3A_94] : memref<10240x128xf32, #tpu.memory_space<vmem_shared>> -> memref<200x128xf32, #tpu.memory_space<vmem_shared>>
        tpu.wait_dma2 semaphore(%run_scoped3A : memref<!tpu.dma_semaphore, #tpu.memory_space<semaphore_mem>>) src(%dma_wait3A_95 : memref<200x128xf32, #tpu.memory_space<vmem_shared>>) dst(%dma_wait3A_93 : memref<200x128xf32, #tpu.memory_space<hbm>>)
        tpu.yield
      }) : () -> ()
      %add3A_73 = arith.constant 16 : i32
      %add3A_74 = arith.addi %arg1, %add3A_73 : i32
      %mul3A_75 = arith.constant 200 : i32
      %mul3A_76 = arith.muli %add3A_74, %mul3A_75 : i32
      %mul3A_77 = arith.constant 200 : i32
      %mul3A_78 = arith.muli %add3A_74, %mul3A_77 : i32
      "tpu.region"() ({
        %run_scoped3A = tpu.sem_alloc : memref<!tpu.dma_semaphore, #tpu.memory_space<semaphore_mem>>
        %dma_start3A_89 = arith.constant 0 : i32
        %dma_start3A_90 = tpu.memref_slice %arg7[%mul3A_78, %dma_start3A_89] : memref<10000x128xf32, #tpu.memory_space<hbm>> -> memref<200x128xf32, #tpu.memory_space<hbm>>
        %dma_start3A_91 = arith.constant 0 : i32
        %dma_start3A_92 = tpu.memref_slice %arg12[%mul3A_76, %dma_start3A_91] : memref<10240x128xf32, #tpu.memory_space<vmem_shared>> -> memref<200x128xf32, #tpu.memory_space<vmem_shared>>
        tpu.enqueue_dma source(%dma_start3A_92 : memref<200x128xf32, #tpu.memory_space<vmem_shared>>) target(%dma_start3A_90 : memref<200x128xf32, #tpu.memory_space<hbm>>) target_semaphore(%run_scoped3A : memref<!tpu.dma_semaphore, #tpu.memory_space<semaphore_mem>>)
        %dma_wait3A = arith.constant 0 : i32
        %dma_wait3A_93 = tpu.memref_slice %arg7[%mul3A_78, %dma_wait3A] : memref<10000x128xf32, #tpu.memory_space<hbm>> -> memref<200x128xf32, #tpu.memory_space<hbm>>
        %dma_wait3A_94 = arith.constant 0 : i32
        %dma_wait3A_95 = tpu.memref_slice %arg12[%mul3A_76, %dma_wait3A_94] : memref<10240x128xf32, #tpu.memory_space<vmem_shared>> -> memref<200x128xf32, #tpu.memory_space<vmem_shared>>
        tpu.wait_dma2 semaphore(%run_scoped3A : memref<!tpu.dma_semaphore, #tpu.memory_space<semaphore_mem>>) src(%dma_wait3A_95 : memref<200x128xf32, #tpu.memory_space<vmem_shared>>) dst(%dma_wait3A_93 : memref<200x128xf32, #tpu.memory_space<hbm>>)
        tpu.yield
      }) : () -> ()
      %add3A_79 = arith.constant 32 : i32
      %add3A_80 = arith.addi %arg1, %add3A_79 : i32
      %mul3A_81 = arith.constant 200 : i32
      %mul3A_82 = arith.muli %add3A_80, %mul3A_81 : i32
      %mul3A_83 = arith.constant 200 : i32
      %mul3A_84 = arith.muli %add3A_80, %mul3A_83 : i32
      "tpu.region"() ({
        %run_scoped3A = tpu.sem_alloc : memref<!tpu.dma_semaphore, #tpu.memory_space<semaphore_mem>>
        %dma_start3A_89 = arith.constant 0 : i32
        %dma_start3A_90 = tpu.memref_slice %arg7[%mul3A_84, %dma_start3A_89] : memref<10000x128xf32, #tpu.memory_space<hbm>> -> memref<200x128xf32, #tpu.memory_space<hbm>>
        %dma_start3A_91 = arith.constant 0 : i32
        %dma_start3A_92 = tpu.memref_slice %arg12[%mul3A_82, %dma_start3A_91] : memref<10240x128xf32, #tpu.memory_space<vmem_shared>> -> memref<200x128xf32, #tpu.memory_space<vmem_shared>>
        tpu.enqueue_dma source(%dma_start3A_92 : memref<200x128xf32, #tpu.memory_space<vmem_shared>>) target(%dma_start3A_90 : memref<200x128xf32, #tpu.memory_space<hbm>>) target_semaphore(%run_scoped3A : memref<!tpu.dma_semaphore, #tpu.memory_space<semaphore_mem>>)
        %dma_wait3A = arith.constant 0 : i32
        %dma_wait3A_93 = tpu.memref_slice %arg7[%mul3A_84, %dma_wait3A] : memref<10000x128xf32, #tpu.memory_space<hbm>> -> memref<200x128xf32, #tpu.memory_space<hbm>>
        %dma_wait3A_94 = arith.constant 0 : i32
        %dma_wait3A_95 = tpu.memref_slice %arg12[%mul3A_82, %dma_wait3A_94] : memref<10240x128xf32, #tpu.memory_space<vmem_shared>> -> memref<200x128xf32, #tpu.memory_space<vmem_shared>>
        tpu.wait_dma2 semaphore(%run_scoped3A : memref<!tpu.dma_semaphore, #tpu.memory_space<semaphore_mem>>) src(%dma_wait3A_95 : memref<200x128xf32, #tpu.memory_space<vmem_shared>>) dst(%dma_wait3A_93 : memref<200x128xf32, #tpu.memory_space<hbm>>)
        tpu.yield
      }) : () -> ()
      %lt3A = arith.constant 2 : i32
      %lt3A_85 = arith.cmpi slt, %arg1, %lt3A : i32
      %convert_element_type3A_86 = arith.extui %lt3A_85 : i1 to i32
      %cond3A_87 = arith.constant 0 : i32
      %cond3A_88 = arith.cmpi ne, %convert_element_type3A_86, %cond3A_87 : i32
      scf.if %cond3A_88 {
        %add3A_89 = arith.constant 48 : i32
        %add3A_90 = arith.addi %arg1, %add3A_89 : i32
        %mul3A_91 = arith.constant 200 : i32
        %mul3A_92 = arith.muli %add3A_90, %mul3A_91 : i32
        %mul3A_93 = arith.constant 200 : i32
        %mul3A_94 = arith.muli %add3A_90, %mul3A_93 : i32
        "tpu.region"() ({
          %run_scoped3A = tpu.sem_alloc : memref<!tpu.dma_semaphore, #tpu.memory_space<semaphore_mem>>
          %dma_start3A_95 = arith.constant 0 : i32
          %dma_start3A_96 = tpu.memref_slice %arg7[%mul3A_94, %dma_start3A_95] : memref<10000x128xf32, #tpu.memory_space<hbm>> -> memref<200x128xf32, #tpu.memory_space<hbm>>
          %dma_start3A_97 = arith.constant 0 : i32
          %dma_start3A_98 = tpu.memref_slice %arg12[%mul3A_92, %dma_start3A_97] : memref<10240x128xf32, #tpu.memory_space<vmem_shared>> -> memref<200x128xf32, #tpu.memory_space<vmem_shared>>
          tpu.enqueue_dma source(%dma_start3A_98 : memref<200x128xf32, #tpu.memory_space<vmem_shared>>) target(%dma_start3A_96 : memref<200x128xf32, #tpu.memory_space<hbm>>) target_semaphore(%run_scoped3A : memref<!tpu.dma_semaphore, #tpu.memory_space<semaphore_mem>>)
          %dma_wait3A = arith.constant 0 : i32
          %dma_wait3A_99 = tpu.memref_slice %arg7[%mul3A_94, %dma_wait3A] : memref<10000x128xf32, #tpu.memory_space<hbm>> -> memref<200x128xf32, #tpu.memory_space<hbm>>
          %dma_wait3A_100 = arith.constant 0 : i32
          %dma_wait3A_101 = tpu.memref_slice %arg12[%mul3A_92, %dma_wait3A_100] : memref<10240x128xf32, #tpu.memory_space<vmem_shared>> -> memref<200x128xf32, #tpu.memory_space<vmem_shared>>
          tpu.wait_dma2 semaphore(%run_scoped3A : memref<!tpu.dma_semaphore, #tpu.memory_space<semaphore_mem>>) src(%dma_wait3A_101 : memref<200x128xf32, #tpu.memory_space<vmem_shared>>) dst(%dma_wait3A_99 : memref<200x128xf32, #tpu.memory_space<hbm>>)
          tpu.yield
        }) : () -> ()
      } else {
      }
    } else {
    }
    return
  }
}

#map = affine_map<(d0, d1) -> (0, 0)>
#map1 = affine_map<(d0, d1) -> (0, 0, 0)>
module attributes {stable_mosaic.version = 14 : i64} {
  func.func @_sc_scatter(%arg0: i32, %arg1: i32, %arg2: memref<30000x128xf32, #tpu.memory_space<hbm>>, %arg3: memref<30000x128xf32, #tpu.memory_space<hbm>>, %arg4: memref<16x80x128xi32, #tpu.memory_space<hbm>>, %arg5: memref<32x40x128xi32, #tpu.memory_space<hbm>>, %arg6: memref<10000x128xf32, #tpu.memory_space<hbm>>, %arg7: memref<10000x128xf32, #tpu.memory_space<hbm>>, %arg8: memref<80x128xi32, #tpu.memory_space<vmem>>, %arg9: memref<40x128xi32, #tpu.memory_space<vmem>>, %arg10: memref<128x128xf32, #tpu.memory_space<vmem>>, %arg11: memref<128x128xf32, #tpu.memory_space<vmem>>, %arg12: memref<10240x128xf32, #tpu.memory_space<vmem_shared>>, %arg13: memref<!tpu.dma_semaphore, #tpu.memory_space<semaphore_mem>>, %arg14: memref<!tpu.dma_semaphore, #tpu.memory_space<semaphore_mem>>) attributes {dimension_semantics = [#tpu.dimension_semantics<core_parallel>, #tpu.dimension_semantics<subcore_parallel>], iteration_bounds = array<i64: 2, 16>, scalar_prefetch = 0 : i64, scratch_operands = 7 : i64, tpu.core_type = #tpu.core_type<sc_vector_subcore>, window_params = [{transform_indices = #map}, {transform_indices = #map}, {transform_indices = #map1}, {transform_indices = #map1}, {transform_indices = #map}, {transform_indices = #map}]} {
    "tpu.region"() ({
      %run_scoped3A = tpu.sem_alloc : memref<!tpu.dma_semaphore, #tpu.memory_space<semaphore_mem>>
      %dma_start3A = arith.constant 0 : i32
      %dma_start3A_21 = arith.constant 0 : i32
      %dma_start3A_22 = tpu.memref_slice %arg4[%arg1, %dma_start3A, %dma_start3A_21] : memref<16x80x128xi32, #tpu.memory_space<hbm>> -> memref<1x80x128xi32, #tpu.memory_space<hbm>>
      %dma_start3A_23 = tpu.memref_squeeze %dma_start3A_22 : memref<1x80x128xi32, #tpu.memory_space<hbm>> -> memref<80x128xi32, #tpu.memory_space<hbm>>
      %dma_start3A_24 = arith.constant 0 : i32
      %dma_start3A_25 = arith.constant 0 : i32
      %dma_start3A_26 = tpu.memref_slice %arg4[%arg1, %dma_start3A_24, %dma_start3A_25] : memref<16x80x128xi32, #tpu.memory_space<hbm>> -> memref<1x80x128xi32, #tpu.memory_space<hbm>>
      %dma_start3A_27 = tpu.memref_squeeze %dma_start3A_26 : memref<1x80x128xi32, #tpu.memory_space<hbm>> -> memref<80x128xi32, #tpu.memory_space<hbm>>
      tpu.enqueue_dma source(%dma_start3A_27 : memref<80x128xi32, #tpu.memory_space<hbm>>) target(%arg8 : memref<80x128xi32, #tpu.memory_space<vmem>>) target_semaphore(%run_scoped3A : memref<!tpu.dma_semaphore, #tpu.memory_space<semaphore_mem>>)
      %dma_wait3A = arith.constant 0 : i32
      %dma_wait3A_28 = arith.constant 0 : i32
      %dma_wait3A_29 = tpu.memref_slice %arg4[%arg1, %dma_wait3A, %dma_wait3A_28] : memref<16x80x128xi32, #tpu.memory_space<hbm>> -> memref<1x80x128xi32, #tpu.memory_space<hbm>>
      %dma_wait3A_30 = tpu.memref_squeeze %dma_wait3A_29 : memref<1x80x128xi32, #tpu.memory_space<hbm>> -> memref<80x128xi32, #tpu.memory_space<hbm>>
      %dma_wait3A_31 = arith.constant 0 : i32
      %dma_wait3A_32 = arith.constant 0 : i32
      %dma_wait3A_33 = tpu.memref_slice %arg4[%arg1, %dma_wait3A_31, %dma_wait3A_32] : memref<16x80x128xi32, #tpu.memory_space<hbm>> -> memref<1x80x128xi32, #tpu.memory_space<hbm>>
      %dma_wait3A_34 = tpu.memref_squeeze %dma_wait3A_33 : memref<1x80x128xi32, #tpu.memory_space<hbm>> -> memref<80x128xi32, #tpu.memory_space<hbm>>
      tpu.wait_dma2 semaphore(%run_scoped3A : memref<!tpu.dma_semaphore, #tpu.memory_space<semaphore_mem>>) src(%dma_wait3A_34 : memref<80x128xi32, #tpu.memory_space<hbm>>) dst(%arg8 : memref<80x128xi32, #tpu.memory_space<vmem>>)
      tpu.yield
    }) : () -> ()
    %scan3A = arith.constant 0 : i32
    %scan3A_0 = arith.constant 128 : i32
    %scan3A_1 = arith.addi %scan3A, %scan3A_0 : i32
    %scan3A_2 = arith.constant 1 : i32
    scf.for %scan3A_21 = %scan3A to %scan3A_1 step %scan3A_2  : i32 {
      %mul3A_22 = arith.constant 1 : i32
      %mul3A_23 = arith.muli %scan3A_21, %mul3A_22 : i32
      %add3A_24 = arith.constant 0 : i32
      %add3A_25 = arith.addi %add3A_24, %mul3A_23 : i32
      %scan3A_26 = arith.constant 0 : i32
      %scan3A_27 = arith.constant 8 : i32
      %scan3A_28 = arith.addi %scan3A_26, %scan3A_27 : i32
      %scan3A_29 = arith.constant 1 : i32
      scf.for %scan3A_31 = %scan3A_26 to %scan3A_28 step %scan3A_29  : i32 {
        %mul3A_32 = arith.constant 16 : i32
        %mul3A_33 = arith.muli %scan3A_31, %mul3A_32 : i32
        %add3A_34 = arith.constant 0 : i32
        %add3A_35 = arith.addi %add3A_34, %mul3A_33 : i32
        %broadcast_in_dim3A = arith.constant 0.000000e+00 : f32
        %broadcast_in_dim3A_36 = vector.broadcast %broadcast_in_dim3A : f32 to vector<16xf32>
        %swap3A = arith.index_cast %add3A_25 : i32 to index
        %swap3A_37 = arith.index_cast %add3A_35 : i32 to index
        %swap3A_38 = tpu.vector_load %arg10[%swap3A, %swap3A_37] {strides = array<i32>} : memref<128x128xf32, #tpu.memory_space<vmem>>, vector<1x16xf32>,
        %swap3A_39 = vector.shape_cast %swap3A_38 : vector<1x16xf32> to vector<16xf32>
        %swap3A_40 = vector.shape_cast %broadcast_in_dim3A_36 : vector<16xf32> to vector<1x16xf32>
        tpu.vector_store %arg10[%swap3A, %swap3A_37], %swap3A_40 {strides = array<i32>} : memref<128x128xf32, #tpu.memory_space<vmem>>, vector<1x16xf32>,
      }
      %scan3A_30 = arith.constant 8 : i32
    }
    %scan3A_3 = arith.constant 128 : i32
    %mul3A = arith.constant 640 : i32
    %mul3A_4 = arith.muli %arg1, %mul3A : i32
    %add3A = arith.constant 0 : i32
    %add3A_5 = arith.addi %mul3A_4, %add3A : i32
    "tpu.region"() ({
      %run_scoped3A = tpu.sem_alloc : memref<!tpu.dma_semaphore, #tpu.memory_space<semaphore_mem>>
      %dma_start3A = arith.constant 0 : i32
      %dma_start3A_21 = tpu.memref_slice %arg12[%add3A_5, %dma_start3A] : memref<10240x128xf32, #tpu.memory_space<vmem_shared>> -> memref<128x128xf32, #tpu.memory_space<vmem_shared>>
      %dma_start3A_22 = arith.constant 0 : i32
      %dma_start3A_23 = tpu.memref_slice %arg12[%add3A_5, %dma_start3A_22] : memref<10240x128xf32, #tpu.memory_space<vmem_shared>> -> memref<128x128xf32, #tpu.memory_space<vmem_shared>>
      tpu.enqueue_dma source(%arg10 : memref<128x128xf32, #tpu.memory_space<vmem>>) target(%dma_start3A_23 : memref<128x128xf32, #tpu.memory_space<vmem_shared>>) target_semaphore(%run_scoped3A : memref<!tpu.dma_semaphore, #tpu.memory_space<semaphore_mem>>)
      %dma_wait3A = arith.constant 0 : i32
      %dma_wait3A_24 = tpu.memref_slice %arg12[%add3A_5, %dma_wait3A] : memref<10240x128xf32, #tpu.memory_space<vmem_shared>> -> memref<128x128xf32, #tpu.memory_space<vmem_shared>>
      %dma_wait3A_25 = arith.constant 0 : i32
      %dma_wait3A_26 = tpu.memref_slice %arg12[%add3A_5, %dma_wait3A_25] : memref<10240x128xf32, #tpu.memory_space<vmem_shared>> -> memref<128x128xf32, #tpu.memory_space<vmem_shared>>
      tpu.wait_dma2 semaphore(%run_scoped3A : memref<!tpu.dma_semaphore, #tpu.memory_space<semaphore_mem>>) src(%arg10 : memref<128x128xf32, #tpu.memory_space<vmem>>) dst(%dma_wait3A_26 : memref<128x128xf32, #tpu.memory_space<vmem_shared>>)
      tpu.yield
    }) : () -> ()
    %add3A_6 = arith.constant 128 : i32
    %add3A_7 = arith.addi %mul3A_4, %add3A_6 : i32
    "tpu.region"() ({
      %run_scoped3A = tpu.sem_alloc : memref<!tpu.dma_semaphore, #tpu.memory_space<semaphore_mem>>
      %dma_start3A = arith.constant 0 : i32
      %dma_start3A_21 = tpu.memref_slice %arg12[%add3A_7, %dma_start3A] : memref<10240x128xf32, #tpu.memory_space<vmem_shared>> -> memref<128x128xf32, #tpu.memory_space<vmem_shared>>
      %dma_start3A_22 = arith.constant 0 : i32
      %dma_start3A_23 = tpu.memref_slice %arg12[%add3A_7, %dma_start3A_22] : memref<10240x128xf32, #tpu.memory_space<vmem_shared>> -> memref<128x128xf32, #tpu.memory_space<vmem_shared>>
      tpu.enqueue_dma source(%arg10 : memref<128x128xf32, #tpu.memory_space<vmem>>) target(%dma_start3A_23 : memref<128x128xf32, #tpu.memory_space<vmem_shared>>) target_semaphore(%run_scoped3A : memref<!tpu.dma_semaphore, #tpu.memory_space<semaphore_mem>>)
      %dma_wait3A = arith.constant 0 : i32
      %dma_wait3A_24 = tpu.memref_slice %arg12[%add3A_7, %dma_wait3A] : memref<10240x128xf32, #tpu.memory_space<vmem_shared>> -> memref<128x128xf32, #tpu.memory_space<vmem_shared>>
      %dma_wait3A_25 = arith.constant 0 : i32
      %dma_wait3A_26 = tpu.memref_slice %arg12[%add3A_7, %dma_wait3A_25] : memref<10240x128xf32, #tpu.memory_space<vmem_shared>> -> memref<128x128xf32, #tpu.memory_space<vmem_shared>>
      tpu.wait_dma2 semaphore(%run_scoped3A : memref<!tpu.dma_semaphore, #tpu.memory_space<semaphore_mem>>) src(%arg10 : memref<128x128xf32, #tpu.memory_space<vmem>>) dst(%dma_wait3A_26 : memref<128x128xf32, #tpu.memory_space<vmem_shared>>)
      tpu.yield
    }) : () -> ()
    %add3A_8 = arith.constant 256 : i32
    %add3A_9 = arith.addi %mul3A_4, %add3A_8 : i32
    "tpu.region"() ({
      %run_scoped3A = tpu.sem_alloc : memref<!tpu.dma_semaphore, #tpu.memory_space<semaphore_mem>>
      %dma_start3A = arith.constant 0 : i32
      %dma_start3A_21 = tpu.memref_slice %arg12[%add3A_9, %dma_start3A] : memref<10240x128xf32, #tpu.memory_space<vmem_shared>> -> memref<128x128xf32, #tpu.memory_space<vmem_shared>>
      %dma_start3A_22 = arith.constant 0 : i32
      %dma_start3A_23 = tpu.memref_slice %arg12[%add3A_9, %dma_start3A_22] : memref<10240x128xf32, #tpu.memory_space<vmem_shared>> -> memref<128x128xf32, #tpu.memory_space<vmem_shared>>
      tpu.enqueue_dma source(%arg10 : memref<128x128xf32, #tpu.memory_space<vmem>>) target(%dma_start3A_23 : memref<128x128xf32, #tpu.memory_space<vmem_shared>>) target_semaphore(%run_scoped3A : memref<!tpu.dma_semaphore, #tpu.memory_space<semaphore_mem>>)
      %dma_wait3A = arith.constant 0 : i32
      %dma_wait3A_24 = tpu.memref_slice %arg12[%add3A_9, %dma_wait3A] : memref<10240x128xf32, #tpu.memory_space<vmem_shared>> -> memref<128x128xf32, #tpu.memory_space<vmem_shared>>
      %dma_wait3A_25 = arith.constant 0 : i32
      %dma_wait3A_26 = tpu.memref_slice %arg12[%add3A_9, %dma_wait3A_25] : memref<10240x128xf32, #tpu.memory_space<vmem_shared>> -> memref<128x128xf32, #tpu.memory_space<vmem_shared>>
      tpu.wait_dma2 semaphore(%run_scoped3A : memref<!tpu.dma_semaphore, #tpu.memory_space<semaphore_mem>>) src(%arg10 : memref<128x128xf32, #tpu.memory_space<vmem>>) dst(%dma_wait3A_26 : memref<128x128xf32, #tpu.memory_space<vmem_shared>>)
      tpu.yield
    }) : () -> ()
    %add3A_10 = arith.constant 384 : i32
    %add3A_11 = arith.addi %mul3A_4, %add3A_10 : i32
    "tpu.region"() ({
      %run_scoped3A = tpu.sem_alloc : memref<!tpu.dma_semaphore, #tpu.memory_space<semaphore_mem>>
      %dma_start3A = arith.constant 0 : i32
      %dma_start3A_21 = tpu.memref_slice %arg12[%add3A_11, %dma_start3A] : memref<10240x128xf32, #tpu.memory_space<vmem_shared>> -> memref<128x128xf32, #tpu.memory_space<vmem_shared>>
      %dma_start3A_22 = arith.constant 0 : i32
      %dma_start3A_23 = tpu.memref_slice %arg12[%add3A_11, %dma_start3A_22] : memref<10240x128xf32, #tpu.memory_space<vmem_shared>> -> memref<128x128xf32, #tpu.memory_space<vmem_shared>>
      tpu.enqueue_dma source(%arg10 : memref<128x128xf32, #tpu.memory_space<vmem>>) target(%dma_start3A_23 : memref<128x128xf32, #tpu.memory_space<vmem_shared>>) target_semaphore(%run_scoped3A : memref<!tpu.dma_semaphore, #tpu.memory_space<semaphore_mem>>)
      %dma_wait3A = arith.constant 0 : i32
      %dma_wait3A_24 = tpu.memref_slice %arg12[%add3A_11, %dma_wait3A] : memref<10240x128xf32, #tpu.memory_space<vmem_shared>> -> memref<128x128xf32, #tpu.memory_space<vmem_shared>>
      %dma_wait3A_25 = arith.constant 0 : i32
      %dma_wait3A_26 = tpu.memref_slice %arg12[%add3A_11, %dma_wait3A_25] : memref<10240x128xf32, #tpu.memory_space<vmem_shared>> -> memref<128x128xf32, #tpu.memory_space<vmem_shared>>
      tpu.wait_dma2 semaphore(%run_scoped3A : memref<!tpu.dma_semaphore, #tpu.memory_space<semaphore_mem>>) src(%arg10 : memref<128x128xf32, #tpu.memory_space<vmem>>) dst(%dma_wait3A_26 : memref<128x128xf32, #tpu.memory_space<vmem_shared>>)
      tpu.yield
    }) : () -> ()
    %add3A_12 = arith.constant 512 : i32
    %add3A_13 = arith.addi %mul3A_4, %add3A_12 : i32
    "tpu.region"() ({
      %run_scoped3A = tpu.sem_alloc : memref<!tpu.dma_semaphore, #tpu.memory_space<semaphore_mem>>
      %dma_start3A = arith.constant 0 : i32
      %dma_start3A_21 = tpu.memref_slice %arg12[%add3A_13, %dma_start3A] : memref<10240x128xf32, #tpu.memory_space<vmem_shared>> -> memref<128x128xf32, #tpu.memory_space<vmem_shared>>
      %dma_start3A_22 = arith.constant 0 : i32
      %dma_start3A_23 = tpu.memref_slice %arg12[%add3A_13, %dma_start3A_22] : memref<10240x128xf32, #tpu.memory_space<vmem_shared>> -> memref<128x128xf32, #tpu.memory_space<vmem_shared>>
      tpu.enqueue_dma source(%arg10 : memref<128x128xf32, #tpu.memory_space<vmem>>) target(%dma_start3A_23 : memref<128x128xf32, #tpu.memory_space<vmem_shared>>) target_semaphore(%run_scoped3A : memref<!tpu.dma_semaphore, #tpu.memory_space<semaphore_mem>>)
      %dma_wait3A = arith.constant 0 : i32
      %dma_wait3A_24 = tpu.memref_slice %arg12[%add3A_13, %dma_wait3A] : memref<10240x128xf32, #tpu.memory_space<vmem_shared>> -> memref<128x128xf32, #tpu.memory_space<vmem_shared>>
      %dma_wait3A_25 = arith.constant 0 : i32
      %dma_wait3A_26 = tpu.memref_slice %arg12[%add3A_13, %dma_wait3A_25] : memref<10240x128xf32, #tpu.memory_space<vmem_shared>> -> memref<128x128xf32, #tpu.memory_space<vmem_shared>>
      tpu.wait_dma2 semaphore(%run_scoped3A : memref<!tpu.dma_semaphore, #tpu.memory_space<semaphore_mem>>) src(%arg10 : memref<128x128xf32, #tpu.memory_space<vmem>>) dst(%dma_wait3A_26 : memref<128x128xf32, #tpu.memory_space<vmem_shared>>)
      tpu.yield
    }) : () -> ()
    %barrier3A = arith.constant 0 : index
    tpu.barrier barrier_id(%barrier3A)
    %eq3A = arith.constant 0 : i32
    %eq3A_14 = arith.cmpi eq, %arg0, %eq3A : i32
    %convert_element_type3A = arith.extui %eq3A_14 : i1 to i32
    %cond3A = arith.constant 0 : i32
    %cond3A_15 = arith.cmpi ne, %convert_element_type3A, %cond3A : i32
    scf.if %cond3A_15 {
      %mul3A_21 = arith.constant 2 : i32
      %mul3A_22 = arith.muli %mul3A_21, %arg1 : i32
      %add3A_23 = arith.constant 0 : i32
      %add3A_24 = arith.addi %mul3A_22, %add3A_23 : i32
      "tpu.region"() ({
        %run_scoped3A = tpu.sem_alloc : memref<!tpu.dma_semaphore, #tpu.memory_space<semaphore_mem>>
        %dma_start3A_89 = arith.constant 0 : i32
        %dma_start3A_90 = arith.constant 0 : i32
        %dma_start3A_91 = tpu.memref_slice %arg5[%add3A_24, %dma_start3A_89, %dma_start3A_90] : memref<32x40x128xi32, #tpu.memory_space<hbm>> -> memref<1x40x128xi32, #tpu.memory_space<hbm>>
        %dma_start3A_92 = tpu.memref_squeeze %dma_start3A_91 : memref<1x40x128xi32, #tpu.memory_space<hbm>> -> memref<40x128xi32, #tpu.memory_space<hbm>>
        %dma_start3A_93 = arith.constant 0 : i32
        %dma_start3A_94 = arith.constant 0 : i32
        %dma_start3A_95 = tpu.memref_slice %arg5[%add3A_24, %dma_start3A_93, %dma_start3A_94] : memref<32x40x128xi32, #tpu.memory_space<hbm>> -> memref<1x40x128xi32, #tpu.memory_space<hbm>>
        %dma_start3A_96 = tpu.memref_squeeze %dma_start3A_95 : memref<1x40x128xi32, #tpu.memory_space<hbm>> -> memref<40x128xi32, #tpu.memory_space<hbm>>
        tpu.enqueue_dma source(%dma_start3A_96 : memref<40x128xi32, #tpu.memory_space<hbm>>) target(%arg9 : memref<40x128xi32, #tpu.memory_space<vmem>>) target_semaphore(%run_scoped3A : memref<!tpu.dma_semaphore, #tpu.memory_space<semaphore_mem>>)
        %dma_wait3A = arith.constant 0 : i32
        %dma_wait3A_97 = arith.constant 0 : i32
        %dma_wait3A_98 = tpu.memref_slice %arg5[%add3A_24, %dma_wait3A, %dma_wait3A_97] : memref<32x40x128xi32, #tpu.memory_space<hbm>> -> memref<1x40x128xi32, #tpu.memory_space<hbm>>
        %dma_wait3A_99 = tpu.memref_squeeze %dma_wait3A_98 : memref<1x40x128xi32, #tpu.memory_space<hbm>> -> memref<40x128xi32, #tpu.memory_space<hbm>>
        %dma_wait3A_100 = arith.constant 0 : i32
        %dma_wait3A_101 = arith.constant 0 : i32
        %dma_wait3A_102 = tpu.memref_slice %arg5[%add3A_24, %dma_wait3A_100, %dma_wait3A_101] : memref<32x40x128xi32, #tpu.memory_space<hbm>> -> memref<1x40x128xi32, #tpu.memory_space<hbm>>
        %dma_wait3A_103 = tpu.memref_squeeze %dma_wait3A_102 : memref<1x40x128xi32, #tpu.memory_space<hbm>> -> memref<40x128xi32, #tpu.memory_space<hbm>>
        tpu.wait_dma2 semaphore(%run_scoped3A : memref<!tpu.dma_semaphore, #tpu.memory_space<semaphore_mem>>) src(%dma_wait3A_103 : memref<40x128xi32, #tpu.memory_space<hbm>>) dst(%arg9 : memref<40x128xi32, #tpu.memory_space<vmem>>)
        tpu.yield
      }) : () -> ()
      %dma_start3A = arith.constant 0 : i32
      %dma_start3A_25 = arith.constant 0 : i32
      %dma_start3A_26 = tpu.memref_slice %arg8[%dma_start3A, %dma_start3A_25] : memref<80x128xi32, #tpu.memory_space<vmem>> -> memref<1x128xi32, #tpu.memory_space<vmem>>
      %dma_start3A_27 = tpu.memref_squeeze %dma_start3A_26 : memref<1x128xi32, #tpu.memory_space<vmem>> -> memref<128xi32, #tpu.memory_space<vmem>>
      %dma_start3A_28 = arith.constant 0 : i32
      %dma_start3A_29 = arith.constant 0 : i32
      %dma_start3A_30 = tpu.memref_slice %arg2[%dma_start3A_28, %dma_start3A_29] : memref<30000x128xf32, #tpu.memory_space<hbm>> -> memref<30000x128xf32, #tpu.memory_space<hbm>>
      tpu.enqueue_indirect_dma source(%dma_start3A_30 : memref<30000x128xf32, #tpu.memory_space<hbm>>) target(%arg10 : memref<128x128xf32, #tpu.memory_space<vmem>>) offsets(%dma_start3A_27 : memref<128xi32, #tpu.memory_space<vmem>>) semaphore(%arg13 : memref<!tpu.dma_semaphore, #tpu.memory_space<semaphore_mem>>)
      %dma_start3A_31 = arith.constant 1 : i32
      %dma_start3A_32 = arith.constant 0 : i32
      %dma_start3A_33 = tpu.memref_slice %arg8[%dma_start3A_31, %dma_start3A_32] : memref<80x128xi32, #tpu.memory_space<vmem>> -> memref<1x128xi32, #tpu.memory_space<vmem>>
      %dma_start3A_34 = tpu.memref_squeeze %dma_start3A_33 : memref<1x128xi32, #tpu.memory_space<vmem>> -> memref<128xi32, #tpu.memory_space<vmem>>
      %dma_start3A_35 = arith.constant 0 : i32
      %dma_start3A_36 = arith.constant 0 : i32
      %dma_start3A_37 = tpu.memref_slice %arg2[%dma_start3A_35, %dma_start3A_36] : memref<30000x128xf32, #tpu.memory_space<hbm>> -> memref<30000x128xf32, #tpu.memory_space<hbm>>
      tpu.enqueue_indirect_dma source(%dma_start3A_37 : memref<30000x128xf32, #tpu.memory_space<hbm>>) target(%arg11 : memref<128x128xf32, #tpu.memory_space<vmem>>) offsets(%dma_start3A_34 : memref<128xi32, #tpu.memory_space<vmem>>) semaphore(%arg14 : memref<!tpu.dma_semaphore, #tpu.memory_space<semaphore_mem>>)
      %scan3A_38 = arith.constant 0 : i32
      %scan3A_39 = arith.constant 20 : i32
      %scan3A_40 = arith.addi %scan3A_38, %scan3A_39 : i32
      %scan3A_41 = arith.constant 1 : i32
      scf.for %scan3A_89 = %scan3A_38 to %scan3A_40 step %scan3A_41  : i32 {
        %mul3A_90 = arith.constant 2 : i32
        %mul3A_91 = arith.muli %scan3A_89, %mul3A_90 : i32
        %add3A_92 = arith.constant 0 : i32
        %add3A_93 = arith.addi %add3A_92, %mul3A_91 : i32
        %add3A_94 = arith.constant 0 : i32
        %add3A_95 = arith.addi %add3A_93, %add3A_94 : i32
        %add3A_96 = arith.constant 0 : i32
        %add3A_97 = arith.addi %add3A_96, %add3A_95 : i32
        %dma_wait3A = arith.constant 0 : i32
        %dma_wait3A_98 = tpu.memref_slice %arg8[%add3A_97, %dma_wait3A] : memref<80x128xi32, #tpu.memory_space<vmem>> -> memref<1x128xi32, #tpu.memory_space<vmem>>
        %dma_wait3A_99 = tpu.memref_squeeze %dma_wait3A_98 : memref<1x128xi32, #tpu.memory_space<vmem>> -> memref<128xi32, #tpu.memory_space<vmem>>
        %dma_wait3A_100 = arith.constant 0 : i32
        %dma_wait3A_101 = arith.constant 0 : i32
        %dma_wait3A_102 = tpu.memref_slice %arg2[%dma_wait3A_100, %dma_wait3A_101] : memref<30000x128xf32, #tpu.memory_space<hbm>> -> memref<30000x128xf32, #tpu.memory_space<hbm>>
        tpu.wait_indirect_dma semaphore(%arg13 : memref<!tpu.dma_semaphore, #tpu.memory_space<semaphore_mem>>) src(%dma_wait3A_102 : memref<30000x128xf32, #tpu.memory_space<hbm>>) dst(%arg10 : memref<128x128xf32, #tpu.memory_space<vmem>>)
        "tpu.region"() ({
          %run_scoped3A = tpu.sem_alloc : memref<!tpu.dma_semaphore, #tpu.memory_space<semaphore_mem>>
          %dma_start3A_127 = arith.constant 0 : i32
          %dma_start3A_128 = tpu.memref_slice %arg9[%add3A_95, %dma_start3A_127] : memref<40x128xi32, #tpu.memory_space<vmem>> -> memref<1x128xi32, #tpu.memory_space<vmem>>
          %dma_start3A_129 = tpu.memref_squeeze %dma_start3A_128 : memref<1x128xi32, #tpu.memory_space<vmem>> -> memref<128xi32, #tpu.memory_space<vmem>>
          %dma_start3A_130 = arith.constant 0 : i32
          %dma_start3A_131 = arith.constant 0 : i32
          %dma_start3A_132 = tpu.memref_slice %arg12[%dma_start3A_130, %dma_start3A_131] : memref<10240x128xf32, #tpu.memory_space<vmem_shared>> -> memref<10240x128xf32, #tpu.memory_space<vmem_shared>>
          tpu.enqueue_indirect_dma source(%arg10 : memref<128x128xf32, #tpu.memory_space<vmem>>) target(%dma_start3A_132 : memref<10240x128xf32, #tpu.memory_space<vmem_shared>>) offsets(%dma_start3A_129 : memref<128xi32, #tpu.memory_space<vmem>>) semaphore(%run_scoped3A : memref<!tpu.dma_semaphore, #tpu.memory_space<semaphore_mem>>) {add = true}
          %dma_wait3A_133 = arith.constant 0 : i32
          %dma_wait3A_134 = tpu.memref_slice %arg9[%add3A_95, %dma_wait3A_133] : memref<40x128xi32, #tpu.memory_space<vmem>> -> memref<1x128xi32, #tpu.memory_space<vmem>>
          %dma_wait3A_135 = tpu.memref_squeeze %dma_wait3A_134 : memref<1x128xi32, #tpu.memory_space<vmem>> -> memref<128xi32, #tpu.memory_space<vmem>>
          %dma_wait3A_136 = arith.constant 0 : i32
          %dma_wait3A_137 = arith.constant 0 : i32
          %dma_wait3A_138 = tpu.memref_slice %arg12[%dma_wait3A_136, %dma_wait3A_137] : memref<10240x128xf32, #tpu.memory_space<vmem_shared>> -> memref<10240x128xf32, #tpu.memory_space<vmem_shared>>
          tpu.wait_indirect_dma semaphore(%run_scoped3A : memref<!tpu.dma_semaphore, #tpu.memory_space<semaphore_mem>>) src(%arg10 : memref<128x128xf32, #tpu.memory_space<vmem>>) dst(%dma_wait3A_138 : memref<10240x128xf32, #tpu.memory_space<vmem_shared>>)
          tpu.yield
        }) : () -> ()
        %add3A_103 = arith.constant 2 : i32
        %add3A_104 = arith.addi %add3A_95, %add3A_103 : i32
        %lt3A_105 = arith.constant 40 : i32
        %lt3A_106 = arith.cmpi slt, %add3A_104, %lt3A_105 : i32
        %convert_element_type3A_107 = arith.extui %lt3A_106 : i1 to i32
        %cond3A_108 = arith.constant 0 : i32
        %cond3A_109 = arith.cmpi ne, %convert_element_type3A_107, %cond3A_108 : i32
        scf.if %cond3A_109 {
          %add3A_127 = arith.constant 0 : i32
          %add3A_128 = arith.addi %add3A_127, %add3A_95 : i32
          %add3A_129 = arith.constant 2 : i32
          %add3A_130 = arith.addi %add3A_128, %add3A_129 : i32
          %dma_start3A_131 = arith.constant 0 : i32
          %dma_start3A_132 = tpu.memref_slice %arg8[%add3A_130, %dma_start3A_131] : memref<80x128xi32, #tpu.memory_space<vmem>> -> memref<1x128xi32, #tpu.memory_space<vmem>>
          %dma_start3A_133 = tpu.memref_squeeze %dma_start3A_132 : memref<1x128xi32, #tpu.memory_space<vmem>> -> memref<128xi32, #tpu.memory_space<vmem>>
          %dma_start3A_134 = arith.constant 0 : i32
          %dma_start3A_135 = arith.constant 0 : i32
          %dma_start3A_136 = tpu.memref_slice %arg2[%dma_start3A_134, %dma_start3A_135] : memref<30000x128xf32, #tpu.memory_space<hbm>> -> memref<30000x128xf32, #tpu.memory_space<hbm>>
          tpu.enqueue_indirect_dma source(%dma_start3A_136 : memref<30000x128xf32, #tpu.memory_space<hbm>>) target(%arg10 : memref<128x128xf32, #tpu.memory_space<vmem>>) offsets(%dma_start3A_133 : memref<128xi32, #tpu.memory_space<vmem>>) semaphore(%arg13 : memref<!tpu.dma_semaphore, #tpu.memory_space<semaphore_mem>>)
        } else {
        }
        %add3A_110 = arith.constant 1 : i32
        %add3A_111 = arith.addi %add3A_93, %add3A_110 : i32
        %add3A_112 = arith.constant 0 : i32
        %add3A_113 = arith.addi %add3A_112, %add3A_111 : i32
        %dma_wait3A_114 = arith.constant 0 : i32
        %dma_wait3A_115 = tpu.memref_slice %arg8[%add3A_113, %dma_wait3A_114] : memref<80x128xi32, #tpu.memory_space<vmem>> -> memref<1x128xi32, #tpu.memory_space<vmem>>
        %dma_wait3A_116 = tpu.memref_squeeze %dma_wait3A_115 : memref<1x128xi32, #tpu.memory_space<vmem>> -> memref<128xi32, #tpu.memory_space<vmem>>
        %dma_wait3A_117 = arith.constant 0 : i32
        %dma_wait3A_118 = arith.constant 0 : i32
        %dma_wait3A_119 = tpu.memref_slice %arg2[%dma_wait3A_117, %dma_wait3A_118] : memref<30000x128xf32, #tpu.memory_space<hbm>> -> memref<30000x128xf32, #tpu.memory_space<hbm>>
        tpu.wait_indirect_dma semaphore(%arg14 : memref<!tpu.dma_semaphore, #tpu.memory_space<semaphore_mem>>) src(%dma_wait3A_119 : memref<30000x128xf32, #tpu.memory_space<hbm>>) dst(%arg11 : memref<128x128xf32, #tpu.memory_space<vmem>>)
        "tpu.region"() ({
          %run_scoped3A = tpu.sem_alloc : memref<!tpu.dma_semaphore, #tpu.memory_space<semaphore_mem>>
          %dma_start3A_127 = arith.constant 0 : i32
          %dma_start3A_128 = tpu.memref_slice %arg9[%add3A_111, %dma_start3A_127] : memref<40x128xi32, #tpu.memory_space<vmem>> -> memref<1x128xi32, #tpu.memory_space<vmem>>
          %dma_start3A_129 = tpu.memref_squeeze %dma_start3A_128 : memref<1x128xi32, #tpu.memory_space<vmem>> -> memref<128xi32, #tpu.memory_space<vmem>>
          %dma_start3A_130 = arith.constant 0 : i32
          %dma_start3A_131 = arith.constant 0 : i32
          %dma_start3A_132 = tpu.memref_slice %arg12[%dma_start3A_130, %dma_start3A_131] : memref<10240x128xf32, #tpu.memory_space<vmem_shared>> -> memref<10240x128xf32, #tpu.memory_space<vmem_shared>>
          tpu.enqueue_indirect_dma source(%arg11 : memref<128x128xf32, #tpu.memory_space<vmem>>) target(%dma_start3A_132 : memref<10240x128xf32, #tpu.memory_space<vmem_shared>>) offsets(%dma_start3A_129 : memref<128xi32, #tpu.memory_space<vmem>>) semaphore(%run_scoped3A : memref<!tpu.dma_semaphore, #tpu.memory_space<semaphore_mem>>) {add = true}
          %dma_wait3A_133 = arith.constant 0 : i32
          %dma_wait3A_134 = tpu.memref_slice %arg9[%add3A_111, %dma_wait3A_133] : memref<40x128xi32, #tpu.memory_space<vmem>> -> memref<1x128xi32, #tpu.memory_space<vmem>>
          %dma_wait3A_135 = tpu.memref_squeeze %dma_wait3A_134 : memref<1x128xi32, #tpu.memory_space<vmem>> -> memref<128xi32, #tpu.memory_space<vmem>>
          %dma_wait3A_136 = arith.constant 0 : i32
          %dma_wait3A_137 = arith.constant 0 : i32
          %dma_wait3A_138 = tpu.memref_slice %arg12[%dma_wait3A_136, %dma_wait3A_137] : memref<10240x128xf32, #tpu.memory_space<vmem_shared>> -> memref<10240x128xf32, #tpu.memory_space<vmem_shared>>
          tpu.wait_indirect_dma semaphore(%run_scoped3A : memref<!tpu.dma_semaphore, #tpu.memory_space<semaphore_mem>>) src(%arg11 : memref<128x128xf32, #tpu.memory_space<vmem>>) dst(%dma_wait3A_138 : memref<10240x128xf32, #tpu.memory_space<vmem_shared>>)
          tpu.yield
        }) : () -> ()
        %add3A_120 = arith.constant 2 : i32
        %add3A_121 = arith.addi %add3A_111, %add3A_120 : i32
        %lt3A_122 = arith.constant 40 : i32
        %lt3A_123 = arith.cmpi slt, %add3A_121, %lt3A_122 : i32
        %convert_element_type3A_124 = arith.extui %lt3A_123 : i1 to i32
        %cond3A_125 = arith.constant 0 : i32
        %cond3A_126 = arith.cmpi ne, %convert_element_type3A_124, %cond3A_125 : i32
        scf.if %cond3A_126 {
          %add3A_127 = arith.constant 0 : i32
          %add3A_128 = arith.addi %add3A_127, %add3A_111 : i32
          %add3A_129 = arith.constant 2 : i32
          %add3A_130 = arith.addi %add3A_128, %add3A_129 : i32
          %dma_start3A_131 = arith.constant 0 : i32
          %dma_start3A_132 = tpu.memref_slice %arg8[%add3A_130, %dma_start3A_131] : memref<80x128xi32, #tpu.memory_space<vmem>> -> memref<1x128xi32, #tpu.memory_space<vmem>>
          %dma_start3A_133 = tpu.memref_squeeze %dma_start3A_132 : memref<1x128xi32, #tpu.memory_space<vmem>> -> memref<128xi32, #tpu.memory_space<vmem>>
          %dma_start3A_134 = arith.constant 0 : i32
          %dma_start3A_135 = arith.constant 0 : i32
          %dma_start3A_136 = tpu.memref_slice %arg2[%dma_start3A_134, %dma_start3A_135] : memref<30000x128xf32, #tpu.memory_space<hbm>> -> memref<30000x128xf32, #tpu.memory_space<hbm>>
          tpu.enqueue_indirect_dma source(%dma_start3A_136 : memref<30000x128xf32, #tpu.memory_space<hbm>>) target(%arg11 : memref<128x128xf32, #tpu.memory_space<vmem>>) offsets(%dma_start3A_133 : memref<128xi32, #tpu.memory_space<vmem>>) semaphore(%arg14 : memref<!tpu.dma_semaphore, #tpu.memory_space<semaphore_mem>>)
        } else {
        }
      }
      %scan3A_42 = arith.constant 20 : i32
      %mul3A_43 = arith.constant 2 : i32
      %mul3A_44 = arith.muli %mul3A_43, %arg1 : i32
      %add3A_45 = arith.constant 1 : i32
      %add3A_46 = arith.addi %mul3A_44, %add3A_45 : i32
      "tpu.region"() ({
        %run_scoped3A = tpu.sem_alloc : memref<!tpu.dma_semaphore, #tpu.memory_space<semaphore_mem>>
        %dma_start3A_89 = arith.constant 0 : i32
        %dma_start3A_90 = arith.constant 0 : i32
        %dma_start3A_91 = tpu.memref_slice %arg5[%add3A_46, %dma_start3A_89, %dma_start3A_90] : memref<32x40x128xi32, #tpu.memory_space<hbm>> -> memref<1x40x128xi32, #tpu.memory_space<hbm>>
        %dma_start3A_92 = tpu.memref_squeeze %dma_start3A_91 : memref<1x40x128xi32, #tpu.memory_space<hbm>> -> memref<40x128xi32, #tpu.memory_space<hbm>>
        %dma_start3A_93 = arith.constant 0 : i32
        %dma_start3A_94 = arith.constant 0 : i32
        %dma_start3A_95 = tpu.memref_slice %arg5[%add3A_46, %dma_start3A_93, %dma_start3A_94] : memref<32x40x128xi32, #tpu.memory_space<hbm>> -> memref<1x40x128xi32, #tpu.memory_space<hbm>>
        %dma_start3A_96 = tpu.memref_squeeze %dma_start3A_95 : memref<1x40x128xi32, #tpu.memory_space<hbm>> -> memref<40x128xi32, #tpu.memory_space<hbm>>
        tpu.enqueue_dma source(%dma_start3A_96 : memref<40x128xi32, #tpu.memory_space<hbm>>) target(%arg9 : memref<40x128xi32, #tpu.memory_space<vmem>>) target_semaphore(%run_scoped3A : memref<!tpu.dma_semaphore, #tpu.memory_space<semaphore_mem>>)
        %dma_wait3A = arith.constant 0 : i32
        %dma_wait3A_97 = arith.constant 0 : i32
        %dma_wait3A_98 = tpu.memref_slice %arg5[%add3A_46, %dma_wait3A, %dma_wait3A_97] : memref<32x40x128xi32, #tpu.memory_space<hbm>> -> memref<1x40x128xi32, #tpu.memory_space<hbm>>
        %dma_wait3A_99 = tpu.memref_squeeze %dma_wait3A_98 : memref<1x40x128xi32, #tpu.memory_space<hbm>> -> memref<40x128xi32, #tpu.memory_space<hbm>>
        %dma_wait3A_100 = arith.constant 0 : i32
        %dma_wait3A_101 = arith.constant 0 : i32
        %dma_wait3A_102 = tpu.memref_slice %arg5[%add3A_46, %dma_wait3A_100, %dma_wait3A_101] : memref<32x40x128xi32, #tpu.memory_space<hbm>> -> memref<1x40x128xi32, #tpu.memory_space<hbm>>
        %dma_wait3A_103 = tpu.memref_squeeze %dma_wait3A_102 : memref<1x40x128xi32, #tpu.memory_space<hbm>> -> memref<40x128xi32, #tpu.memory_space<hbm>>
        tpu.wait_dma2 semaphore(%run_scoped3A : memref<!tpu.dma_semaphore, #tpu.memory_space<semaphore_mem>>) src(%dma_wait3A_103 : memref<40x128xi32, #tpu.memory_space<hbm>>) dst(%arg9 : memref<40x128xi32, #tpu.memory_space<vmem>>)
        tpu.yield
      }) : () -> ()
      %dma_start3A_47 = arith.constant 40 : i32
      %dma_start3A_48 = arith.constant 0 : i32
      %dma_start3A_49 = tpu.memref_slice %arg8[%dma_start3A_47, %dma_start3A_48] : memref<80x128xi32, #tpu.memory_space<vmem>> -> memref<1x128xi32, #tpu.memory_space<vmem>>
      %dma_start3A_50 = tpu.memref_squeeze %dma_start3A_49 : memref<1x128xi32, #tpu.memory_space<vmem>> -> memref<128xi32, #tpu.memory_space<vmem>>
      %dma_start3A_51 = arith.constant 0 : i32
      %dma_start3A_52 = arith.constant 0 : i32
      %dma_start3A_53 = tpu.memref_slice %arg2[%dma_start3A_51, %dma_start3A_52] : memref<30000x128xf32, #tpu.memory_space<hbm>> -> memref<30000x128xf32, #tpu.memory_space<hbm>>
      tpu.enqueue_indirect_dma source(%dma_start3A_53 : memref<30000x128xf32, #tpu.memory_space<hbm>>) target(%arg10 : memref<128x128xf32, #tpu.memory_space<vmem>>) offsets(%dma_start3A_50 : memref<128xi32, #tpu.memory_space<vmem>>) semaphore(%arg13 : memref<!tpu.dma_semaphore, #tpu.memory_space<semaphore_mem>>)
      %dma_start3A_54 = arith.constant 41 : i32
      %dma_start3A_55 = arith.constant 0 : i32
      %dma_start3A_56 = tpu.memref_slice %arg8[%dma_start3A_54, %dma_start3A_55] : memref<80x128xi32, #tpu.memory_space<vmem>> -> memref<1x128xi32, #tpu.memory_space<vmem>>
      %dma_start3A_57 = tpu.memref_squeeze %dma_start3A_56 : memref<1x128xi32, #tpu.memory_space<vmem>> -> memref<128xi32, #tpu.memory_space<vmem>>
      %dma_start3A_58 = arith.constant 0 : i32
      %dma_start3A_59 = arith.constant 0 : i32
      %dma_start3A_60 = tpu.memref_slice %arg2[%dma_start3A_58, %dma_start3A_59] : memref<30000x128xf32, #tpu.memory_space<hbm>> -> memref<30000x128xf32, #tpu.memory_space<hbm>>
      tpu.enqueue_indirect_dma source(%dma_start3A_60 : memref<30000x128xf32, #tpu.memory_space<hbm>>) target(%arg11 : memref<128x128xf32, #tpu.memory_space<vmem>>) offsets(%dma_start3A_57 : memref<128xi32, #tpu.memory_space<vmem>>) semaphore(%arg14 : memref<!tpu.dma_semaphore, #tpu.memory_space<semaphore_mem>>)
      %scan3A_61 = arith.constant 0 : i32
      %scan3A_62 = arith.constant 20 : i32
      %scan3A_63 = arith.addi %scan3A_61, %scan3A_62 : i32
      %scan3A_64 = arith.constant 1 : i32
      scf.for %scan3A_89 = %scan3A_61 to %scan3A_63 step %scan3A_64  : i32 {
        %mul3A_90 = arith.constant 2 : i32
        %mul3A_91 = arith.muli %scan3A_89, %mul3A_90 : i32
        %add3A_92 = arith.constant 0 : i32
        %add3A_93 = arith.addi %add3A_92, %mul3A_91 : i32
        %add3A_94 = arith.constant 0 : i32
        %add3A_95 = arith.addi %add3A_93, %add3A_94 : i32
        %add3A_96 = arith.constant 40 : i32
        %add3A_97 = arith.addi %add3A_96, %add3A_95 : i32
        %dma_wait3A = arith.constant 0 : i32
        %dma_wait3A_98 = tpu.memref_slice %arg8[%add3A_97, %dma_wait3A] : memref<80x128xi32, #tpu.memory_space<vmem>> -> memref<1x128xi32, #tpu.memory_space<vmem>>
        %dma_wait3A_99 = tpu.memref_squeeze %dma_wait3A_98 : memref<1x128xi32, #tpu.memory_space<vmem>> -> memref<128xi32, #tpu.memory_space<vmem>>
        %dma_wait3A_100 = arith.constant 0 : i32
        %dma_wait3A_101 = arith.constant 0 : i32
        %dma_wait3A_102 = tpu.memref_slice %arg2[%dma_wait3A_100, %dma_wait3A_101] : memref<30000x128xf32, #tpu.memory_space<hbm>> -> memref<30000x128xf32, #tpu.memory_space<hbm>>
        tpu.wait_indirect_dma semaphore(%arg13 : memref<!tpu.dma_semaphore, #tpu.memory_space<semaphore_mem>>) src(%dma_wait3A_102 : memref<30000x128xf32, #tpu.memory_space<hbm>>) dst(%arg10 : memref<128x128xf32, #tpu.memory_space<vmem>>)
        "tpu.region"() ({
          %run_scoped3A = tpu.sem_alloc : memref<!tpu.dma_semaphore, #tpu.memory_space<semaphore_mem>>
          %dma_start3A_127 = arith.constant 0 : i32
          %dma_start3A_128 = tpu.memref_slice %arg9[%add3A_95, %dma_start3A_127] : memref<40x128xi32, #tpu.memory_space<vmem>> -> memref<1x128xi32, #tpu.memory_space<vmem>>
          %dma_start3A_129 = tpu.memref_squeeze %dma_start3A_128 : memref<1x128xi32, #tpu.memory_space<vmem>> -> memref<128xi32, #tpu.memory_space<vmem>>
          %dma_start3A_130 = arith.constant 0 : i32
          %dma_start3A_131 = arith.constant 0 : i32
          %dma_start3A_132 = tpu.memref_slice %arg12[%dma_start3A_130, %dma_start3A_131] : memref<10240x128xf32, #tpu.memory_space<vmem_shared>> -> memref<10240x128xf32, #tpu.memory_space<vmem_shared>>
          tpu.enqueue_indirect_dma source(%arg10 : memref<128x128xf32, #tpu.memory_space<vmem>>) target(%dma_start3A_132 : memref<10240x128xf32, #tpu.memory_space<vmem_shared>>) offsets(%dma_start3A_129 : memref<128xi32, #tpu.memory_space<vmem>>) semaphore(%run_scoped3A : memref<!tpu.dma_semaphore, #tpu.memory_space<semaphore_mem>>) {add = true}
          %dma_wait3A_133 = arith.constant 0 : i32
          %dma_wait3A_134 = tpu.memref_slice %arg9[%add3A_95, %dma_wait3A_133] : memref<40x128xi32, #tpu.memory_space<vmem>> -> memref<1x128xi32, #tpu.memory_space<vmem>>
          %dma_wait3A_135 = tpu.memref_squeeze %dma_wait3A_134 : memref<1x128xi32, #tpu.memory_space<vmem>> -> memref<128xi32, #tpu.memory_space<vmem>>
          %dma_wait3A_136 = arith.constant 0 : i32
          %dma_wait3A_137 = arith.constant 0 : i32
          %dma_wait3A_138 = tpu.memref_slice %arg12[%dma_wait3A_136, %dma_wait3A_137] : memref<10240x128xf32, #tpu.memory_space<vmem_shared>> -> memref<10240x128xf32, #tpu.memory_space<vmem_shared>>
          tpu.wait_indirect_dma semaphore(%run_scoped3A : memref<!tpu.dma_semaphore, #tpu.memory_space<semaphore_mem>>) src(%arg10 : memref<128x128xf32, #tpu.memory_space<vmem>>) dst(%dma_wait3A_138 : memref<10240x128xf32, #tpu.memory_space<vmem_shared>>)
          tpu.yield
        }) : () -> ()
        %add3A_103 = arith.constant 2 : i32
        %add3A_104 = arith.addi %add3A_95, %add3A_103 : i32
        %lt3A_105 = arith.constant 40 : i32
        %lt3A_106 = arith.cmpi slt, %add3A_104, %lt3A_105 : i32
        %convert_element_type3A_107 = arith.extui %lt3A_106 : i1 to i32
        %cond3A_108 = arith.constant 0 : i32
        %cond3A_109 = arith.cmpi ne, %convert_element_type3A_107, %cond3A_108 : i32
        scf.if %cond3A_109 {
          %add3A_127 = arith.constant 40 : i32
          %add3A_128 = arith.addi %add3A_127, %add3A_95 : i32
          %add3A_129 = arith.constant 2 : i32
          %add3A_130 = arith.addi %add3A_128, %add3A_129 : i32
          %dma_start3A_131 = arith.constant 0 : i32
          %dma_start3A_132 = tpu.memref_slice %arg8[%add3A_130, %dma_start3A_131] : memref<80x128xi32, #tpu.memory_space<vmem>> -> memref<1x128xi32, #tpu.memory_space<vmem>>
          %dma_start3A_133 = tpu.memref_squeeze %dma_start3A_132 : memref<1x128xi32, #tpu.memory_space<vmem>> -> memref<128xi32, #tpu.memory_space<vmem>>
          %dma_start3A_134 = arith.constant 0 : i32
          %dma_start3A_135 = arith.constant 0 : i32
          %dma_start3A_136 = tpu.memref_slice %arg2[%dma_start3A_134, %dma_start3A_135] : memref<30000x128xf32, #tpu.memory_space<hbm>> -> memref<30000x128xf32, #tpu.memory_space<hbm>>
          tpu.enqueue_indirect_dma source(%dma_start3A_136 : memref<30000x128xf32, #tpu.memory_space<hbm>>) target(%arg10 : memref<128x128xf32, #tpu.memory_space<vmem>>) offsets(%dma_start3A_133 : memref<128xi32, #tpu.memory_space<vmem>>) semaphore(%arg13 : memref<!tpu.dma_semaphore, #tpu.memory_space<semaphore_mem>>)
        } else {
        }
        %add3A_110 = arith.constant 1 : i32
        %add3A_111 = arith.addi %add3A_93, %add3A_110 : i32
        %add3A_112 = arith.constant 40 : i32
        %add3A_113 = arith.addi %add3A_112, %add3A_111 : i32
        %dma_wait3A_114 = arith.constant 0 : i32
        %dma_wait3A_115 = tpu.memref_slice %arg8[%add3A_113, %dma_wait3A_114] : memref<80x128xi32, #tpu.memory_space<vmem>> -> memref<1x128xi32, #tpu.memory_space<vmem>>
        %dma_wait3A_116 = tpu.memref_squeeze %dma_wait3A_115 : memref<1x128xi32, #tpu.memory_space<vmem>> -> memref<128xi32, #tpu.memory_space<vmem>>
        %dma_wait3A_117 = arith.constant 0 : i32
        %dma_wait3A_118 = arith.constant 0 : i32
        %dma_wait3A_119 = tpu.memref_slice %arg2[%dma_wait3A_117, %dma_wait3A_118] : memref<30000x128xf32, #tpu.memory_space<hbm>> -> memref<30000x128xf32, #tpu.memory_space<hbm>>
        tpu.wait_indirect_dma semaphore(%arg14 : memref<!tpu.dma_semaphore, #tpu.memory_space<semaphore_mem>>) src(%dma_wait3A_119 : memref<30000x128xf32, #tpu.memory_space<hbm>>) dst(%arg11 : memref<128x128xf32, #tpu.memory_space<vmem>>)
        "tpu.region"() ({
          %run_scoped3A = tpu.sem_alloc : memref<!tpu.dma_semaphore, #tpu.memory_space<semaphore_mem>>
          %dma_start3A_127 = arith.constant 0 : i32
          %dma_start3A_128 = tpu.memref_slice %arg9[%add3A_111, %dma_start3A_127] : memref<40x128xi32, #tpu.memory_space<vmem>> -> memref<1x128xi32, #tpu.memory_space<vmem>>
          %dma_start3A_129 = tpu.memref_squeeze %dma_start3A_128 : memref<1x128xi32, #tpu.memory_space<vmem>> -> memref<128xi32, #tpu.memory_space<vmem>>
          %dma_start3A_130 = arith.constant 0 : i32
          %dma_start3A_131 = arith.constant 0 : i32
          %dma_start3A_132 = tpu.memref_slice %arg12[%dma_start3A_130, %dma_start3A_131] : memref<10240x128xf32, #tpu.memory_space<vmem_shared>> -> memref<10240x128xf32, #tpu.memory_space<vmem_shared>>
          tpu.enqueue_indirect_dma source(%arg11 : memref<128x128xf32, #tpu.memory_space<vmem>>) target(%dma_start3A_132 : memref<10240x128xf32, #tpu.memory_space<vmem_shared>>) offsets(%dma_start3A_129 : memref<128xi32, #tpu.memory_space<vmem>>) semaphore(%run_scoped3A : memref<!tpu.dma_semaphore, #tpu.memory_space<semaphore_mem>>) {add = true}
          %dma_wait3A_133 = arith.constant 0 : i32
          %dma_wait3A_134 = tpu.memref_slice %arg9[%add3A_111, %dma_wait3A_133] : memref<40x128xi32, #tpu.memory_space<vmem>> -> memref<1x128xi32, #tpu.memory_space<vmem>>
          %dma_wait3A_135 = tpu.memref_squeeze %dma_wait3A_134 : memref<1x128xi32, #tpu.memory_space<vmem>> -> memref<128xi32, #tpu.memory_space<vmem>>
          %dma_wait3A_136 = arith.constant 0 : i32
          %dma_wait3A_137 = arith.constant 0 : i32
          %dma_wait3A_138 = tpu.memref_slice %arg12[%dma_wait3A_136, %dma_wait3A_137] : memref<10240x128xf32, #tpu.memory_space<vmem_shared>> -> memref<10240x128xf32, #tpu.memory_space<vmem_shared>>
          tpu.wait_indirect_dma semaphore(%run_scoped3A : memref<!tpu.dma_semaphore, #tpu.memory_space<semaphore_mem>>) src(%arg11 : memref<128x128xf32, #tpu.memory_space<vmem>>) dst(%dma_wait3A_138 : memref<10240x128xf32, #tpu.memory_space<vmem_shared>>)
          tpu.yield
        }) : () -> ()
        %add3A_120 = arith.constant 2 : i32
        %add3A_121 = arith.addi %add3A_111, %add3A_120 : i32
        %lt3A_122 = arith.constant 40 : i32
        %lt3A_123 = arith.cmpi slt, %add3A_121, %lt3A_122 : i32
        %convert_element_type3A_124 = arith.extui %lt3A_123 : i1 to i32
        %cond3A_125 = arith.constant 0 : i32
        %cond3A_126 = arith.cmpi ne, %convert_element_type3A_124, %cond3A_125 : i32
        scf.if %cond3A_126 {
          %add3A_127 = arith.constant 40 : i32
          %add3A_128 = arith.addi %add3A_127, %add3A_111 : i32
          %add3A_129 = arith.constant 2 : i32
          %add3A_130 = arith.addi %add3A_128, %add3A_129 : i32
          %dma_start3A_131 = arith.constant 0 : i32
          %dma_start3A_132 = tpu.memref_slice %arg8[%add3A_130, %dma_start3A_131] : memref<80x128xi32, #tpu.memory_space<vmem>> -> memref<1x128xi32, #tpu.memory_space<vmem>>
          %dma_start3A_133 = tpu.memref_squeeze %dma_start3A_132 : memref<1x128xi32, #tpu.memory_space<vmem>> -> memref<128xi32, #tpu.memory_space<vmem>>
          %dma_start3A_134 = arith.constant 0 : i32
          %dma_start3A_135 = arith.constant 0 : i32
          %dma_start3A_136 = tpu.memref_slice %arg2[%dma_start3A_134, %dma_start3A_135] : memref<30000x128xf32, #tpu.memory_space<hbm>> -> memref<30000x128xf32, #tpu.memory_space<hbm>>
          tpu.enqueue_indirect_dma source(%dma_start3A_136 : memref<30000x128xf32, #tpu.memory_space<hbm>>) target(%arg11 : memref<128x128xf32, #tpu.memory_space<vmem>>) offsets(%dma_start3A_133 : memref<128xi32, #tpu.memory_space<vmem>>) semaphore(%arg14 : memref<!tpu.dma_semaphore, #tpu.memory_space<semaphore_mem>>)
        } else {
        }
      }
      %scan3A_65 = arith.constant 20 : i32
      %barrier3A_66 = arith.constant 0 : index
      tpu.barrier barrier_id(%barrier3A_66)
      %add3A_67 = arith.constant 0 : i32
      %add3A_68 = arith.addi %arg1, %add3A_67 : i32
      %mul3A_69 = arith.constant 200 : i32
      %mul3A_70 = arith.muli %add3A_68, %mul3A_69 : i32
      %mul3A_71 = arith.constant 200 : i32
      %mul3A_72 = arith.muli %add3A_68, %mul3A_71 : i32
      "tpu.region"() ({
        %run_scoped3A = tpu.sem_alloc : memref<!tpu.dma_semaphore, #tpu.memory_space<semaphore_mem>>
        %dma_start3A_89 = arith.constant 0 : i32
        %dma_start3A_90 = tpu.memref_slice %arg6[%mul3A_72, %dma_start3A_89] : memref<10000x128xf32, #tpu.memory_space<hbm>> -> memref<200x128xf32, #tpu.memory_space<hbm>>
        %dma_start3A_91 = arith.constant 0 : i32
        %dma_start3A_92 = tpu.memref_slice %arg12[%mul3A_70, %dma_start3A_91] : memref<10240x128xf32, #tpu.memory_space<vmem_shared>> -> memref<200x128xf32, #tpu.memory_space<vmem_shared>>
        tpu.enqueue_dma source(%dma_start3A_92 : memref<200x128xf32, #tpu.memory_space<vmem_shared>>) target(%dma_start3A_90 : memref<200x128xf32, #tpu.memory_space<hbm>>) target_semaphore(%run_scoped3A : memref<!tpu.dma_semaphore, #tpu.memory_space<semaphore_mem>>)
        %dma_wait3A = arith.constant 0 : i32
        %dma_wait3A_93 = tpu.memref_slice %arg6[%mul3A_72, %dma_wait3A] : memref<10000x128xf32, #tpu.memory_space<hbm>> -> memref<200x128xf32, #tpu.memory_space<hbm>>
        %dma_wait3A_94 = arith.constant 0 : i32
        %dma_wait3A_95 = tpu.memref_slice %arg12[%mul3A_70, %dma_wait3A_94] : memref<10240x128xf32, #tpu.memory_space<vmem_shared>> -> memref<200x128xf32, #tpu.memory_space<vmem_shared>>
        tpu.wait_dma2 semaphore(%run_scoped3A : memref<!tpu.dma_semaphore, #tpu.memory_space<semaphore_mem>>) src(%dma_wait3A_95 : memref<200x128xf32, #tpu.memory_space<vmem_shared>>) dst(%dma_wait3A_93 : memref<200x128xf32, #tpu.memory_space<hbm>>)
        tpu.yield
      }) : () -> ()
      %add3A_73 = arith.constant 16 : i32
      %add3A_74 = arith.addi %arg1, %add3A_73 : i32
      %mul3A_75 = arith.constant 200 : i32
      %mul3A_76 = arith.muli %add3A_74, %mul3A_75 : i32
      %mul3A_77 = arith.constant 200 : i32
      %mul3A_78 = arith.muli %add3A_74, %mul3A_77 : i32
      "tpu.region"() ({
        %run_scoped3A = tpu.sem_alloc : memref<!tpu.dma_semaphore, #tpu.memory_space<semaphore_mem>>
        %dma_start3A_89 = arith.constant 0 : i32
        %dma_start3A_90 = tpu.memref_slice %arg6[%mul3A_78, %dma_start3A_89] : memref<10000x128xf32, #tpu.memory_space<hbm>> -> memref<200x128xf32, #tpu.memory_space<hbm>>
        %dma_start3A_91 = arith.constant 0 : i32
        %dma_start3A_92 = tpu.memref_slice %arg12[%mul3A_76, %dma_start3A_91] : memref<10240x128xf32, #tpu.memory_space<vmem_shared>> -> memref<200x128xf32, #tpu.memory_space<vmem_shared>>
        tpu.enqueue_dma source(%dma_start3A_92 : memref<200x128xf32, #tpu.memory_space<vmem_shared>>) target(%dma_start3A_90 : memref<200x128xf32, #tpu.memory_space<hbm>>) target_semaphore(%run_scoped3A : memref<!tpu.dma_semaphore, #tpu.memory_space<semaphore_mem>>)
        %dma_wait3A = arith.constant 0 : i32
        %dma_wait3A_93 = tpu.memref_slice %arg6[%mul3A_78, %dma_wait3A] : memref<10000x128xf32, #tpu.memory_space<hbm>> -> memref<200x128xf32, #tpu.memory_space<hbm>>
        %dma_wait3A_94 = arith.constant 0 : i32
        %dma_wait3A_95 = tpu.memref_slice %arg12[%mul3A_76, %dma_wait3A_94] : memref<10240x128xf32, #tpu.memory_space<vmem_shared>> -> memref<200x128xf32, #tpu.memory_space<vmem_shared>>
        tpu.wait_dma2 semaphore(%run_scoped3A : memref<!tpu.dma_semaphore, #tpu.memory_space<semaphore_mem>>) src(%dma_wait3A_95 : memref<200x128xf32, #tpu.memory_space<vmem_shared>>) dst(%dma_wait3A_93 : memref<200x128xf32, #tpu.memory_space<hbm>>)
        tpu.yield
      }) : () -> ()
      %add3A_79 = arith.constant 32 : i32
      %add3A_80 = arith.addi %arg1, %add3A_79 : i32
      %mul3A_81 = arith.constant 200 : i32
      %mul3A_82 = arith.muli %add3A_80, %mul3A_81 : i32
      %mul3A_83 = arith.constant 200 : i32
      %mul3A_84 = arith.muli %add3A_80, %mul3A_83 : i32
      "tpu.region"() ({
        %run_scoped3A = tpu.sem_alloc : memref<!tpu.dma_semaphore, #tpu.memory_space<semaphore_mem>>
        %dma_start3A_89 = arith.constant 0 : i32
        %dma_start3A_90 = tpu.memref_slice %arg6[%mul3A_84, %dma_start3A_89] : memref<10000x128xf32, #tpu.memory_space<hbm>> -> memref<200x128xf32, #tpu.memory_space<hbm>>
        %dma_start3A_91 = arith.constant 0 : i32
        %dma_start3A_92 = tpu.memref_slice %arg12[%mul3A_82, %dma_start3A_91] : memref<10240x128xf32, #tpu.memory_space<vmem_shared>> -> memref<200x128xf32, #tpu.memory_space<vmem_shared>>
        tpu.enqueue_dma source(%dma_start3A_92 : memref<200x128xf32, #tpu.memory_space<vmem_shared>>) target(%dma_start3A_90 : memref<200x128xf32, #tpu.memory_space<hbm>>) target_semaphore(%run_scoped3A : memref<!tpu.dma_semaphore, #tpu.memory_space<semaphore_mem>>)
        %dma_wait3A = arith.constant 0 : i32
        %dma_wait3A_93 = tpu.memref_slice %arg6[%mul3A_84, %dma_wait3A] : memref<10000x128xf32, #tpu.memory_space<hbm>> -> memref<200x128xf32, #tpu.memory_space<hbm>>
        %dma_wait3A_94 = arith.constant 0 : i32
        %dma_wait3A_95 = tpu.memref_slice %arg12[%mul3A_82, %dma_wait3A_94] : memref<10240x128xf32, #tpu.memory_space<vmem_shared>> -> memref<200x128xf32, #tpu.memory_space<vmem_shared>>
        tpu.wait_dma2 semaphore(%run_scoped3A : memref<!tpu.dma_semaphore, #tpu.memory_space<semaphore_mem>>) src(%dma_wait3A_95 : memref<200x128xf32, #tpu.memory_space<vmem_shared>>) dst(%dma_wait3A_93 : memref<200x128xf32, #tpu.memory_space<hbm>>)
        tpu.yield
      }) : () -> ()
      %lt3A = arith.constant 2 : i32
      %lt3A_85 = arith.cmpi slt, %arg1, %lt3A : i32
      %convert_element_type3A_86 = arith.extui %lt3A_85 : i1 to i32
      %cond3A_87 = arith.constant 0 : i32
      %cond3A_88 = arith.cmpi ne, %convert_element_type3A_86, %cond3A_87 : i32
      scf.if %cond3A_88 {
        %add3A_89 = arith.constant 48 : i32
        %add3A_90 = arith.addi %arg1, %add3A_89 : i32
        %mul3A_91 = arith.constant 200 : i32
        %mul3A_92 = arith.muli %add3A_90, %mul3A_91 : i32
        %mul3A_93 = arith.constant 200 : i32
        %mul3A_94 = arith.muli %add3A_90, %mul3A_93 : i32
        "tpu.region"() ({
          %run_scoped3A = tpu.sem_alloc : memref<!tpu.dma_semaphore, #tpu.memory_space<semaphore_mem>>
          %dma_start3A_95 = arith.constant 0 : i32
          %dma_start3A_96 = tpu.memref_slice %arg6[%mul3A_94, %dma_start3A_95] : memref<10000x128xf32, #tpu.memory_space<hbm>> -> memref<200x128xf32, #tpu.memory_space<hbm>>
          %dma_start3A_97 = arith.constant 0 : i32
          %dma_start3A_98 = tpu.memref_slice %arg12[%mul3A_92, %dma_start3A_97] : memref<10240x128xf32, #tpu.memory_space<vmem_shared>> -> memref<200x128xf32, #tpu.memory_space<vmem_shared>>
          tpu.enqueue_dma source(%dma_start3A_98 : memref<200x128xf32, #tpu.memory_space<vmem_shared>>) target(%dma_start3A_96 : memref<200x128xf32, #tpu.memory_space<hbm>>) target_semaphore(%run_scoped3A : memref<!tpu.dma_semaphore, #tpu.memory_space<semaphore_mem>>)
          %dma_wait3A = arith.constant 0 : i32
          %dma_wait3A_99 = tpu.memref_slice %arg6[%mul3A_94, %dma_wait3A] : memref<10000x128xf32, #tpu.memory_space<hbm>> -> memref<200x128xf32, #tpu.memory_space<hbm>>
          %dma_wait3A_100 = arith.constant 0 : i32
          %dma_wait3A_101 = tpu.memref_slice %arg12[%mul3A_92, %dma_wait3A_100] : memref<10240x128xf32, #tpu.memory_space<vmem_shared>> -> memref<200x128xf32, #tpu.memory_space<vmem_shared>>
          tpu.wait_dma2 semaphore(%run_scoped3A : memref<!tpu.dma_semaphore, #tpu.memory_space<semaphore_mem>>) src(%dma_wait3A_101 : memref<200x128xf32, #tpu.memory_space<vmem_shared>>) dst(%dma_wait3A_99 : memref<200x128xf32, #tpu.memory_space<hbm>>)
          tpu.yield
        }) : () -> ()
      } else {
      }
    } else {
    }
    %eq3A_16 = arith.constant 1 : i32
    %eq3A_17 = arith.cmpi eq, %arg0, %eq3A_16 : i32
    %convert_element_type3A_18 = arith.extui %eq3A_17 : i1 to i32
    %cond3A_19 = arith.constant 0 : i32
    %cond3A_20 = arith.cmpi ne, %convert_element_type3A_18, %cond3A_19 : i32
    scf.if %cond3A_20 {
      %mul3A_21 = arith.constant 2 : i32
      %mul3A_22 = arith.muli %mul3A_21, %arg1 : i32
      %add3A_23 = arith.constant 0 : i32
      %add3A_24 = arith.addi %mul3A_22, %add3A_23 : i32
      "tpu.region"() ({
        %run_scoped3A = tpu.sem_alloc : memref<!tpu.dma_semaphore, #tpu.memory_space<semaphore_mem>>
        %dma_start3A_89 = arith.constant 0 : i32
        %dma_start3A_90 = arith.constant 0 : i32
        %dma_start3A_91 = tpu.memref_slice %arg5[%add3A_24, %dma_start3A_89, %dma_start3A_90] : memref<32x40x128xi32, #tpu.memory_space<hbm>> -> memref<1x40x128xi32, #tpu.memory_space<hbm>>
        %dma_start3A_92 = tpu.memref_squeeze %dma_start3A_91 : memref<1x40x128xi32, #tpu.memory_space<hbm>> -> memref<40x128xi32, #tpu.memory_space<hbm>>
        %dma_start3A_93 = arith.constant 0 : i32
        %dma_start3A_94 = arith.constant 0 : i32
        %dma_start3A_95 = tpu.memref_slice %arg5[%add3A_24, %dma_start3A_93, %dma_start3A_94] : memref<32x40x128xi32, #tpu.memory_space<hbm>> -> memref<1x40x128xi32, #tpu.memory_space<hbm>>
        %dma_start3A_96 = tpu.memref_squeeze %dma_start3A_95 : memref<1x40x128xi32, #tpu.memory_space<hbm>> -> memref<40x128xi32, #tpu.memory_space<hbm>>
        tpu.enqueue_dma source(%dma_start3A_96 : memref<40x128xi32, #tpu.memory_space<hbm>>) target(%arg9 : memref<40x128xi32, #tpu.memory_space<vmem>>) target_semaphore(%run_scoped3A : memref<!tpu.dma_semaphore, #tpu.memory_space<semaphore_mem>>)
        %dma_wait3A = arith.constant 0 : i32
        %dma_wait3A_97 = arith.constant 0 : i32
        %dma_wait3A_98 = tpu.memref_slice %arg5[%add3A_24, %dma_wait3A, %dma_wait3A_97] : memref<32x40x128xi32, #tpu.memory_space<hbm>> -> memref<1x40x128xi32, #tpu.memory_space<hbm>>
        %dma_wait3A_99 = tpu.memref_squeeze %dma_wait3A_98 : memref<1x40x128xi32, #tpu.memory_space<hbm>> -> memref<40x128xi32, #tpu.memory_space<hbm>>
        %dma_wait3A_100 = arith.constant 0 : i32
        %dma_wait3A_101 = arith.constant 0 : i32
        %dma_wait3A_102 = tpu.memref_slice %arg5[%add3A_24, %dma_wait3A_100, %dma_wait3A_101] : memref<32x40x128xi32, #tpu.memory_space<hbm>> -> memref<1x40x128xi32, #tpu.memory_space<hbm>>
        %dma_wait3A_103 = tpu.memref_squeeze %dma_wait3A_102 : memref<1x40x128xi32, #tpu.memory_space<hbm>> -> memref<40x128xi32, #tpu.memory_space<hbm>>
        tpu.wait_dma2 semaphore(%run_scoped3A : memref<!tpu.dma_semaphore, #tpu.memory_space<semaphore_mem>>) src(%dma_wait3A_103 : memref<40x128xi32, #tpu.memory_space<hbm>>) dst(%arg9 : memref<40x128xi32, #tpu.memory_space<vmem>>)
        tpu.yield
      }) : () -> ()
      %dma_start3A = arith.constant 0 : i32
      %dma_start3A_25 = arith.constant 0 : i32
      %dma_start3A_26 = tpu.memref_slice %arg8[%dma_start3A, %dma_start3A_25] : memref<80x128xi32, #tpu.memory_space<vmem>> -> memref<1x128xi32, #tpu.memory_space<vmem>>
      %dma_start3A_27 = tpu.memref_squeeze %dma_start3A_26 : memref<1x128xi32, #tpu.memory_space<vmem>> -> memref<128xi32, #tpu.memory_space<vmem>>
      %dma_start3A_28 = arith.constant 0 : i32
      %dma_start3A_29 = arith.constant 0 : i32
      %dma_start3A_30 = tpu.memref_slice %arg3[%dma_start3A_28, %dma_start3A_29] : memref<30000x128xf32, #tpu.memory_space<hbm>> -> memref<30000x128xf32, #tpu.memory_space<hbm>>
      tpu.enqueue_indirect_dma source(%dma_start3A_30 : memref<30000x128xf32, #tpu.memory_space<hbm>>) target(%arg10 : memref<128x128xf32, #tpu.memory_space<vmem>>) offsets(%dma_start3A_27 : memref<128xi32, #tpu.memory_space<vmem>>) semaphore(%arg13 : memref<!tpu.dma_semaphore, #tpu.memory_space<semaphore_mem>>)
      %dma_start3A_31 = arith.constant 1 : i32
      %dma_start3A_32 = arith.constant 0 : i32
      %dma_start3A_33 = tpu.memref_slice %arg8[%dma_start3A_31, %dma_start3A_32] : memref<80x128xi32, #tpu.memory_space<vmem>> -> memref<1x128xi32, #tpu.memory_space<vmem>>
      %dma_start3A_34 = tpu.memref_squeeze %dma_start3A_33 : memref<1x128xi32, #tpu.memory_space<vmem>> -> memref<128xi32, #tpu.memory_space<vmem>>
      %dma_start3A_35 = arith.constant 0 : i32
      %dma_start3A_36 = arith.constant 0 : i32
      %dma_start3A_37 = tpu.memref_slice %arg3[%dma_start3A_35, %dma_start3A_36] : memref<30000x128xf32, #tpu.memory_space<hbm>> -> memref<30000x128xf32, #tpu.memory_space<hbm>>
      tpu.enqueue_indirect_dma source(%dma_start3A_37 : memref<30000x128xf32, #tpu.memory_space<hbm>>) target(%arg11 : memref<128x128xf32, #tpu.memory_space<vmem>>) offsets(%dma_start3A_34 : memref<128xi32, #tpu.memory_space<vmem>>) semaphore(%arg14 : memref<!tpu.dma_semaphore, #tpu.memory_space<semaphore_mem>>)
      %scan3A_38 = arith.constant 0 : i32
      %scan3A_39 = arith.constant 20 : i32
      %scan3A_40 = arith.addi %scan3A_38, %scan3A_39 : i32
      %scan3A_41 = arith.constant 1 : i32
      scf.for %scan3A_89 = %scan3A_38 to %scan3A_40 step %scan3A_41  : i32 {
        %mul3A_90 = arith.constant 2 : i32
        %mul3A_91 = arith.muli %scan3A_89, %mul3A_90 : i32
        %add3A_92 = arith.constant 0 : i32
        %add3A_93 = arith.addi %add3A_92, %mul3A_91 : i32
        %add3A_94 = arith.constant 0 : i32
        %add3A_95 = arith.addi %add3A_93, %add3A_94 : i32
        %add3A_96 = arith.constant 0 : i32
        %add3A_97 = arith.addi %add3A_96, %add3A_95 : i32
        %dma_wait3A = arith.constant 0 : i32
        %dma_wait3A_98 = tpu.memref_slice %arg8[%add3A_97, %dma_wait3A] : memref<80x128xi32, #tpu.memory_space<vmem>> -> memref<1x128xi32, #tpu.memory_space<vmem>>
        %dma_wait3A_99 = tpu.memref_squeeze %dma_wait3A_98 : memref<1x128xi32, #tpu.memory_space<vmem>> -> memref<128xi32, #tpu.memory_space<vmem>>
        %dma_wait3A_100 = arith.constant 0 : i32
        %dma_wait3A_101 = arith.constant 0 : i32
        %dma_wait3A_102 = tpu.memref_slice %arg3[%dma_wait3A_100, %dma_wait3A_101] : memref<30000x128xf32, #tpu.memory_space<hbm>> -> memref<30000x128xf32, #tpu.memory_space<hbm>>
        tpu.wait_indirect_dma semaphore(%arg13 : memref<!tpu.dma_semaphore, #tpu.memory_space<semaphore_mem>>) src(%dma_wait3A_102 : memref<30000x128xf32, #tpu.memory_space<hbm>>) dst(%arg10 : memref<128x128xf32, #tpu.memory_space<vmem>>)
        "tpu.region"() ({
          %run_scoped3A = tpu.sem_alloc : memref<!tpu.dma_semaphore, #tpu.memory_space<semaphore_mem>>
          %dma_start3A_127 = arith.constant 0 : i32
          %dma_start3A_128 = tpu.memref_slice %arg9[%add3A_95, %dma_start3A_127] : memref<40x128xi32, #tpu.memory_space<vmem>> -> memref<1x128xi32, #tpu.memory_space<vmem>>
          %dma_start3A_129 = tpu.memref_squeeze %dma_start3A_128 : memref<1x128xi32, #tpu.memory_space<vmem>> -> memref<128xi32, #tpu.memory_space<vmem>>
          %dma_start3A_130 = arith.constant 0 : i32
          %dma_start3A_131 = arith.constant 0 : i32
          %dma_start3A_132 = tpu.memref_slice %arg12[%dma_start3A_130, %dma_start3A_131] : memref<10240x128xf32, #tpu.memory_space<vmem_shared>> -> memref<10240x128xf32, #tpu.memory_space<vmem_shared>>
          tpu.enqueue_indirect_dma source(%arg10 : memref<128x128xf32, #tpu.memory_space<vmem>>) target(%dma_start3A_132 : memref<10240x128xf32, #tpu.memory_space<vmem_shared>>) offsets(%dma_start3A_129 : memref<128xi32, #tpu.memory_space<vmem>>) semaphore(%run_scoped3A : memref<!tpu.dma_semaphore, #tpu.memory_space<semaphore_mem>>) {add = true}
          %dma_wait3A_133 = arith.constant 0 : i32
          %dma_wait3A_134 = tpu.memref_slice %arg9[%add3A_95, %dma_wait3A_133] : memref<40x128xi32, #tpu.memory_space<vmem>> -> memref<1x128xi32, #tpu.memory_space<vmem>>
          %dma_wait3A_135 = tpu.memref_squeeze %dma_wait3A_134 : memref<1x128xi32, #tpu.memory_space<vmem>> -> memref<128xi32, #tpu.memory_space<vmem>>
          %dma_wait3A_136 = arith.constant 0 : i32
          %dma_wait3A_137 = arith.constant 0 : i32
          %dma_wait3A_138 = tpu.memref_slice %arg12[%dma_wait3A_136, %dma_wait3A_137] : memref<10240x128xf32, #tpu.memory_space<vmem_shared>> -> memref<10240x128xf32, #tpu.memory_space<vmem_shared>>
          tpu.wait_indirect_dma semaphore(%run_scoped3A : memref<!tpu.dma_semaphore, #tpu.memory_space<semaphore_mem>>) src(%arg10 : memref<128x128xf32, #tpu.memory_space<vmem>>) dst(%dma_wait3A_138 : memref<10240x128xf32, #tpu.memory_space<vmem_shared>>)
          tpu.yield
        }) : () -> ()
        %add3A_103 = arith.constant 2 : i32
        %add3A_104 = arith.addi %add3A_95, %add3A_103 : i32
        %lt3A_105 = arith.constant 40 : i32
        %lt3A_106 = arith.cmpi slt, %add3A_104, %lt3A_105 : i32
        %convert_element_type3A_107 = arith.extui %lt3A_106 : i1 to i32
        %cond3A_108 = arith.constant 0 : i32
        %cond3A_109 = arith.cmpi ne, %convert_element_type3A_107, %cond3A_108 : i32
        scf.if %cond3A_109 {
          %add3A_127 = arith.constant 0 : i32
          %add3A_128 = arith.addi %add3A_127, %add3A_95 : i32
          %add3A_129 = arith.constant 2 : i32
          %add3A_130 = arith.addi %add3A_128, %add3A_129 : i32
          %dma_start3A_131 = arith.constant 0 : i32
          %dma_start3A_132 = tpu.memref_slice %arg8[%add3A_130, %dma_start3A_131] : memref<80x128xi32, #tpu.memory_space<vmem>> -> memref<1x128xi32, #tpu.memory_space<vmem>>
          %dma_start3A_133 = tpu.memref_squeeze %dma_start3A_132 : memref<1x128xi32, #tpu.memory_space<vmem>> -> memref<128xi32, #tpu.memory_space<vmem>>
          %dma_start3A_134 = arith.constant 0 : i32
          %dma_start3A_135 = arith.constant 0 : i32
          %dma_start3A_136 = tpu.memref_slice %arg3[%dma_start3A_134, %dma_start3A_135] : memref<30000x128xf32, #tpu.memory_space<hbm>> -> memref<30000x128xf32, #tpu.memory_space<hbm>>
          tpu.enqueue_indirect_dma source(%dma_start3A_136 : memref<30000x128xf32, #tpu.memory_space<hbm>>) target(%arg10 : memref<128x128xf32, #tpu.memory_space<vmem>>) offsets(%dma_start3A_133 : memref<128xi32, #tpu.memory_space<vmem>>) semaphore(%arg13 : memref<!tpu.dma_semaphore, #tpu.memory_space<semaphore_mem>>)
        } else {
        }
        %add3A_110 = arith.constant 1 : i32
        %add3A_111 = arith.addi %add3A_93, %add3A_110 : i32
        %add3A_112 = arith.constant 0 : i32
        %add3A_113 = arith.addi %add3A_112, %add3A_111 : i32
        %dma_wait3A_114 = arith.constant 0 : i32
        %dma_wait3A_115 = tpu.memref_slice %arg8[%add3A_113, %dma_wait3A_114] : memref<80x128xi32, #tpu.memory_space<vmem>> -> memref<1x128xi32, #tpu.memory_space<vmem>>
        %dma_wait3A_116 = tpu.memref_squeeze %dma_wait3A_115 : memref<1x128xi32, #tpu.memory_space<vmem>> -> memref<128xi32, #tpu.memory_space<vmem>>
        %dma_wait3A_117 = arith.constant 0 : i32
        %dma_wait3A_118 = arith.constant 0 : i32
        %dma_wait3A_119 = tpu.memref_slice %arg3[%dma_wait3A_117, %dma_wait3A_118] : memref<30000x128xf32, #tpu.memory_space<hbm>> -> memref<30000x128xf32, #tpu.memory_space<hbm>>
        tpu.wait_indirect_dma semaphore(%arg14 : memref<!tpu.dma_semaphore, #tpu.memory_space<semaphore_mem>>) src(%dma_wait3A_119 : memref<30000x128xf32, #tpu.memory_space<hbm>>) dst(%arg11 : memref<128x128xf32, #tpu.memory_space<vmem>>)
        "tpu.region"() ({
          %run_scoped3A = tpu.sem_alloc : memref<!tpu.dma_semaphore, #tpu.memory_space<semaphore_mem>>
          %dma_start3A_127 = arith.constant 0 : i32
          %dma_start3A_128 = tpu.memref_slice %arg9[%add3A_111, %dma_start3A_127] : memref<40x128xi32, #tpu.memory_space<vmem>> -> memref<1x128xi32, #tpu.memory_space<vmem>>
          %dma_start3A_129 = tpu.memref_squeeze %dma_start3A_128 : memref<1x128xi32, #tpu.memory_space<vmem>> -> memref<128xi32, #tpu.memory_space<vmem>>
          %dma_start3A_130 = arith.constant 0 : i32
          %dma_start3A_131 = arith.constant 0 : i32
          %dma_start3A_132 = tpu.memref_slice %arg12[%dma_start3A_130, %dma_start3A_131] : memref<10240x128xf32, #tpu.memory_space<vmem_shared>> -> memref<10240x128xf32, #tpu.memory_space<vmem_shared>>
          tpu.enqueue_indirect_dma source(%arg11 : memref<128x128xf32, #tpu.memory_space<vmem>>) target(%dma_start3A_132 : memref<10240x128xf32, #tpu.memory_space<vmem_shared>>) offsets(%dma_start3A_129 : memref<128xi32, #tpu.memory_space<vmem>>) semaphore(%run_scoped3A : memref<!tpu.dma_semaphore, #tpu.memory_space<semaphore_mem>>) {add = true}
          %dma_wait3A_133 = arith.constant 0 : i32
          %dma_wait3A_134 = tpu.memref_slice %arg9[%add3A_111, %dma_wait3A_133] : memref<40x128xi32, #tpu.memory_space<vmem>> -> memref<1x128xi32, #tpu.memory_space<vmem>>
          %dma_wait3A_135 = tpu.memref_squeeze %dma_wait3A_134 : memref<1x128xi32, #tpu.memory_space<vmem>> -> memref<128xi32, #tpu.memory_space<vmem>>
          %dma_wait3A_136 = arith.constant 0 : i32
          %dma_wait3A_137 = arith.constant 0 : i32
          %dma_wait3A_138 = tpu.memref_slice %arg12[%dma_wait3A_136, %dma_wait3A_137] : memref<10240x128xf32, #tpu.memory_space<vmem_shared>> -> memref<10240x128xf32, #tpu.memory_space<vmem_shared>>
          tpu.wait_indirect_dma semaphore(%run_scoped3A : memref<!tpu.dma_semaphore, #tpu.memory_space<semaphore_mem>>) src(%arg11 : memref<128x128xf32, #tpu.memory_space<vmem>>) dst(%dma_wait3A_138 : memref<10240x128xf32, #tpu.memory_space<vmem_shared>>)
          tpu.yield
        }) : () -> ()
        %add3A_120 = arith.constant 2 : i32
        %add3A_121 = arith.addi %add3A_111, %add3A_120 : i32
        %lt3A_122 = arith.constant 40 : i32
        %lt3A_123 = arith.cmpi slt, %add3A_121, %lt3A_122 : i32
        %convert_element_type3A_124 = arith.extui %lt3A_123 : i1 to i32
        %cond3A_125 = arith.constant 0 : i32
        %cond3A_126 = arith.cmpi ne, %convert_element_type3A_124, %cond3A_125 : i32
        scf.if %cond3A_126 {
          %add3A_127 = arith.constant 0 : i32
          %add3A_128 = arith.addi %add3A_127, %add3A_111 : i32
          %add3A_129 = arith.constant 2 : i32
          %add3A_130 = arith.addi %add3A_128, %add3A_129 : i32
          %dma_start3A_131 = arith.constant 0 : i32
          %dma_start3A_132 = tpu.memref_slice %arg8[%add3A_130, %dma_start3A_131] : memref<80x128xi32, #tpu.memory_space<vmem>> -> memref<1x128xi32, #tpu.memory_space<vmem>>
          %dma_start3A_133 = tpu.memref_squeeze %dma_start3A_132 : memref<1x128xi32, #tpu.memory_space<vmem>> -> memref<128xi32, #tpu.memory_space<vmem>>
          %dma_start3A_134 = arith.constant 0 : i32
          %dma_start3A_135 = arith.constant 0 : i32
          %dma_start3A_136 = tpu.memref_slice %arg3[%dma_start3A_134, %dma_start3A_135] : memref<30000x128xf32, #tpu.memory_space<hbm>> -> memref<30000x128xf32, #tpu.memory_space<hbm>>
          tpu.enqueue_indirect_dma source(%dma_start3A_136 : memref<30000x128xf32, #tpu.memory_space<hbm>>) target(%arg11 : memref<128x128xf32, #tpu.memory_space<vmem>>) offsets(%dma_start3A_133 : memref<128xi32, #tpu.memory_space<vmem>>) semaphore(%arg14 : memref<!tpu.dma_semaphore, #tpu.memory_space<semaphore_mem>>)
        } else {
        }
      }
      %scan3A_42 = arith.constant 20 : i32
      %mul3A_43 = arith.constant 2 : i32
      %mul3A_44 = arith.muli %mul3A_43, %arg1 : i32
      %add3A_45 = arith.constant 1 : i32
      %add3A_46 = arith.addi %mul3A_44, %add3A_45 : i32
      "tpu.region"() ({
        %run_scoped3A = tpu.sem_alloc : memref<!tpu.dma_semaphore, #tpu.memory_space<semaphore_mem>>
        %dma_start3A_89 = arith.constant 0 : i32
        %dma_start3A_90 = arith.constant 0 : i32
        %dma_start3A_91 = tpu.memref_slice %arg5[%add3A_46, %dma_start3A_89, %dma_start3A_90] : memref<32x40x128xi32, #tpu.memory_space<hbm>> -> memref<1x40x128xi32, #tpu.memory_space<hbm>>
        %dma_start3A_92 = tpu.memref_squeeze %dma_start3A_91 : memref<1x40x128xi32, #tpu.memory_space<hbm>> -> memref<40x128xi32, #tpu.memory_space<hbm>>
        %dma_start3A_93 = arith.constant 0 : i32
        %dma_start3A_94 = arith.constant 0 : i32
        %dma_start3A_95 = tpu.memref_slice %arg5[%add3A_46, %dma_start3A_93, %dma_start3A_94] : memref<32x40x128xi32, #tpu.memory_space<hbm>> -> memref<1x40x128xi32, #tpu.memory_space<hbm>>
        %dma_start3A_96 = tpu.memref_squeeze %dma_start3A_95 : memref<1x40x128xi32, #tpu.memory_space<hbm>> -> memref<40x128xi32, #tpu.memory_space<hbm>>
        tpu.enqueue_dma source(%dma_start3A_96 : memref<40x128xi32, #tpu.memory_space<hbm>>) target(%arg9 : memref<40x128xi32, #tpu.memory_space<vmem>>) target_semaphore(%run_scoped3A : memref<!tpu.dma_semaphore, #tpu.memory_space<semaphore_mem>>)
        %dma_wait3A = arith.constant 0 : i32
        %dma_wait3A_97 = arith.constant 0 : i32
        %dma_wait3A_98 = tpu.memref_slice %arg5[%add3A_46, %dma_wait3A, %dma_wait3A_97] : memref<32x40x128xi32, #tpu.memory_space<hbm>> -> memref<1x40x128xi32, #tpu.memory_space<hbm>>
        %dma_wait3A_99 = tpu.memref_squeeze %dma_wait3A_98 : memref<1x40x128xi32, #tpu.memory_space<hbm>> -> memref<40x128xi32, #tpu.memory_space<hbm>>
        %dma_wait3A_100 = arith.constant 0 : i32
        %dma_wait3A_101 = arith.constant 0 : i32
        %dma_wait3A_102 = tpu.memref_slice %arg5[%add3A_46, %dma_wait3A_100, %dma_wait3A_101] : memref<32x40x128xi32, #tpu.memory_space<hbm>> -> memref<1x40x128xi32, #tpu.memory_space<hbm>>
        %dma_wait3A_103 = tpu.memref_squeeze %dma_wait3A_102 : memref<1x40x128xi32, #tpu.memory_space<hbm>> -> memref<40x128xi32, #tpu.memory_space<hbm>>
        tpu.wait_dma2 semaphore(%run_scoped3A : memref<!tpu.dma_semaphore, #tpu.memory_space<semaphore_mem>>) src(%dma_wait3A_103 : memref<40x128xi32, #tpu.memory_space<hbm>>) dst(%arg9 : memref<40x128xi32, #tpu.memory_space<vmem>>)
        tpu.yield
      }) : () -> ()
      %dma_start3A_47 = arith.constant 40 : i32
      %dma_start3A_48 = arith.constant 0 : i32
      %dma_start3A_49 = tpu.memref_slice %arg8[%dma_start3A_47, %dma_start3A_48] : memref<80x128xi32, #tpu.memory_space<vmem>> -> memref<1x128xi32, #tpu.memory_space<vmem>>
      %dma_start3A_50 = tpu.memref_squeeze %dma_start3A_49 : memref<1x128xi32, #tpu.memory_space<vmem>> -> memref<128xi32, #tpu.memory_space<vmem>>
      %dma_start3A_51 = arith.constant 0 : i32
      %dma_start3A_52 = arith.constant 0 : i32
      %dma_start3A_53 = tpu.memref_slice %arg3[%dma_start3A_51, %dma_start3A_52] : memref<30000x128xf32, #tpu.memory_space<hbm>> -> memref<30000x128xf32, #tpu.memory_space<hbm>>
      tpu.enqueue_indirect_dma source(%dma_start3A_53 : memref<30000x128xf32, #tpu.memory_space<hbm>>) target(%arg10 : memref<128x128xf32, #tpu.memory_space<vmem>>) offsets(%dma_start3A_50 : memref<128xi32, #tpu.memory_space<vmem>>) semaphore(%arg13 : memref<!tpu.dma_semaphore, #tpu.memory_space<semaphore_mem>>)
      %dma_start3A_54 = arith.constant 41 : i32
      %dma_start3A_55 = arith.constant 0 : i32
      %dma_start3A_56 = tpu.memref_slice %arg8[%dma_start3A_54, %dma_start3A_55] : memref<80x128xi32, #tpu.memory_space<vmem>> -> memref<1x128xi32, #tpu.memory_space<vmem>>
      %dma_start3A_57 = tpu.memref_squeeze %dma_start3A_56 : memref<1x128xi32, #tpu.memory_space<vmem>> -> memref<128xi32, #tpu.memory_space<vmem>>
      %dma_start3A_58 = arith.constant 0 : i32
      %dma_start3A_59 = arith.constant 0 : i32
      %dma_start3A_60 = tpu.memref_slice %arg3[%dma_start3A_58, %dma_start3A_59] : memref<30000x128xf32, #tpu.memory_space<hbm>> -> memref<30000x128xf32, #tpu.memory_space<hbm>>
      tpu.enqueue_indirect_dma source(%dma_start3A_60 : memref<30000x128xf32, #tpu.memory_space<hbm>>) target(%arg11 : memref<128x128xf32, #tpu.memory_space<vmem>>) offsets(%dma_start3A_57 : memref<128xi32, #tpu.memory_space<vmem>>) semaphore(%arg14 : memref<!tpu.dma_semaphore, #tpu.memory_space<semaphore_mem>>)
      %scan3A_61 = arith.constant 0 : i32
      %scan3A_62 = arith.constant 20 : i32
      %scan3A_63 = arith.addi %scan3A_61, %scan3A_62 : i32
      %scan3A_64 = arith.constant 1 : i32
      scf.for %scan3A_89 = %scan3A_61 to %scan3A_63 step %scan3A_64  : i32 {
        %mul3A_90 = arith.constant 2 : i32
        %mul3A_91 = arith.muli %scan3A_89, %mul3A_90 : i32
        %add3A_92 = arith.constant 0 : i32
        %add3A_93 = arith.addi %add3A_92, %mul3A_91 : i32
        %add3A_94 = arith.constant 0 : i32
        %add3A_95 = arith.addi %add3A_93, %add3A_94 : i32
        %add3A_96 = arith.constant 40 : i32
        %add3A_97 = arith.addi %add3A_96, %add3A_95 : i32
        %dma_wait3A = arith.constant 0 : i32
        %dma_wait3A_98 = tpu.memref_slice %arg8[%add3A_97, %dma_wait3A] : memref<80x128xi32, #tpu.memory_space<vmem>> -> memref<1x128xi32, #tpu.memory_space<vmem>>
        %dma_wait3A_99 = tpu.memref_squeeze %dma_wait3A_98 : memref<1x128xi32, #tpu.memory_space<vmem>> -> memref<128xi32, #tpu.memory_space<vmem>>
        %dma_wait3A_100 = arith.constant 0 : i32
        %dma_wait3A_101 = arith.constant 0 : i32
        %dma_wait3A_102 = tpu.memref_slice %arg3[%dma_wait3A_100, %dma_wait3A_101] : memref<30000x128xf32, #tpu.memory_space<hbm>> -> memref<30000x128xf32, #tpu.memory_space<hbm>>
        tpu.wait_indirect_dma semaphore(%arg13 : memref<!tpu.dma_semaphore, #tpu.memory_space<semaphore_mem>>) src(%dma_wait3A_102 : memref<30000x128xf32, #tpu.memory_space<hbm>>) dst(%arg10 : memref<128x128xf32, #tpu.memory_space<vmem>>)
        "tpu.region"() ({
          %run_scoped3A = tpu.sem_alloc : memref<!tpu.dma_semaphore, #tpu.memory_space<semaphore_mem>>
          %dma_start3A_127 = arith.constant 0 : i32
          %dma_start3A_128 = tpu.memref_slice %arg9[%add3A_95, %dma_start3A_127] : memref<40x128xi32, #tpu.memory_space<vmem>> -> memref<1x128xi32, #tpu.memory_space<vmem>>
          %dma_start3A_129 = tpu.memref_squeeze %dma_start3A_128 : memref<1x128xi32, #tpu.memory_space<vmem>> -> memref<128xi32, #tpu.memory_space<vmem>>
          %dma_start3A_130 = arith.constant 0 : i32
          %dma_start3A_131 = arith.constant 0 : i32
          %dma_start3A_132 = tpu.memref_slice %arg12[%dma_start3A_130, %dma_start3A_131] : memref<10240x128xf32, #tpu.memory_space<vmem_shared>> -> memref<10240x128xf32, #tpu.memory_space<vmem_shared>>
          tpu.enqueue_indirect_dma source(%arg10 : memref<128x128xf32, #tpu.memory_space<vmem>>) target(%dma_start3A_132 : memref<10240x128xf32, #tpu.memory_space<vmem_shared>>) offsets(%dma_start3A_129 : memref<128xi32, #tpu.memory_space<vmem>>) semaphore(%run_scoped3A : memref<!tpu.dma_semaphore, #tpu.memory_space<semaphore_mem>>) {add = true}
          %dma_wait3A_133 = arith.constant 0 : i32
          %dma_wait3A_134 = tpu.memref_slice %arg9[%add3A_95, %dma_wait3A_133] : memref<40x128xi32, #tpu.memory_space<vmem>> -> memref<1x128xi32, #tpu.memory_space<vmem>>
          %dma_wait3A_135 = tpu.memref_squeeze %dma_wait3A_134 : memref<1x128xi32, #tpu.memory_space<vmem>> -> memref<128xi32, #tpu.memory_space<vmem>>
          %dma_wait3A_136 = arith.constant 0 : i32
          %dma_wait3A_137 = arith.constant 0 : i32
          %dma_wait3A_138 = tpu.memref_slice %arg12[%dma_wait3A_136, %dma_wait3A_137] : memref<10240x128xf32, #tpu.memory_space<vmem_shared>> -> memref<10240x128xf32, #tpu.memory_space<vmem_shared>>
          tpu.wait_indirect_dma semaphore(%run_scoped3A : memref<!tpu.dma_semaphore, #tpu.memory_space<semaphore_mem>>) src(%arg10 : memref<128x128xf32, #tpu.memory_space<vmem>>) dst(%dma_wait3A_138 : memref<10240x128xf32, #tpu.memory_space<vmem_shared>>)
          tpu.yield
        }) : () -> ()
        %add3A_103 = arith.constant 2 : i32
        %add3A_104 = arith.addi %add3A_95, %add3A_103 : i32
        %lt3A_105 = arith.constant 40 : i32
        %lt3A_106 = arith.cmpi slt, %add3A_104, %lt3A_105 : i32
        %convert_element_type3A_107 = arith.extui %lt3A_106 : i1 to i32
        %cond3A_108 = arith.constant 0 : i32
        %cond3A_109 = arith.cmpi ne, %convert_element_type3A_107, %cond3A_108 : i32
        scf.if %cond3A_109 {
          %add3A_127 = arith.constant 40 : i32
          %add3A_128 = arith.addi %add3A_127, %add3A_95 : i32
          %add3A_129 = arith.constant 2 : i32
          %add3A_130 = arith.addi %add3A_128, %add3A_129 : i32
          %dma_start3A_131 = arith.constant 0 : i32
          %dma_start3A_132 = tpu.memref_slice %arg8[%add3A_130, %dma_start3A_131] : memref<80x128xi32, #tpu.memory_space<vmem>> -> memref<1x128xi32, #tpu.memory_space<vmem>>
          %dma_start3A_133 = tpu.memref_squeeze %dma_start3A_132 : memref<1x128xi32, #tpu.memory_space<vmem>> -> memref<128xi32, #tpu.memory_space<vmem>>
          %dma_start3A_134 = arith.constant 0 : i32
          %dma_start3A_135 = arith.constant 0 : i32
          %dma_start3A_136 = tpu.memref_slice %arg3[%dma_start3A_134, %dma_start3A_135] : memref<30000x128xf32, #tpu.memory_space<hbm>> -> memref<30000x128xf32, #tpu.memory_space<hbm>>
          tpu.enqueue_indirect_dma source(%dma_start3A_136 : memref<30000x128xf32, #tpu.memory_space<hbm>>) target(%arg10 : memref<128x128xf32, #tpu.memory_space<vmem>>) offsets(%dma_start3A_133 : memref<128xi32, #tpu.memory_space<vmem>>) semaphore(%arg13 : memref<!tpu.dma_semaphore, #tpu.memory_space<semaphore_mem>>)
        } else {
        }
        %add3A_110 = arith.constant 1 : i32
        %add3A_111 = arith.addi %add3A_93, %add3A_110 : i32
        %add3A_112 = arith.constant 40 : i32
        %add3A_113 = arith.addi %add3A_112, %add3A_111 : i32
        %dma_wait3A_114 = arith.constant 0 : i32
        %dma_wait3A_115 = tpu.memref_slice %arg8[%add3A_113, %dma_wait3A_114] : memref<80x128xi32, #tpu.memory_space<vmem>> -> memref<1x128xi32, #tpu.memory_space<vmem>>
        %dma_wait3A_116 = tpu.memref_squeeze %dma_wait3A_115 : memref<1x128xi32, #tpu.memory_space<vmem>> -> memref<128xi32, #tpu.memory_space<vmem>>
        %dma_wait3A_117 = arith.constant 0 : i32
        %dma_wait3A_118 = arith.constant 0 : i32
        %dma_wait3A_119 = tpu.memref_slice %arg3[%dma_wait3A_117, %dma_wait3A_118] : memref<30000x128xf32, #tpu.memory_space<hbm>> -> memref<30000x128xf32, #tpu.memory_space<hbm>>
        tpu.wait_indirect_dma semaphore(%arg14 : memref<!tpu.dma_semaphore, #tpu.memory_space<semaphore_mem>>) src(%dma_wait3A_119 : memref<30000x128xf32, #tpu.memory_space<hbm>>) dst(%arg11 : memref<128x128xf32, #tpu.memory_space<vmem>>)
        "tpu.region"() ({
          %run_scoped3A = tpu.sem_alloc : memref<!tpu.dma_semaphore, #tpu.memory_space<semaphore_mem>>
          %dma_start3A_127 = arith.constant 0 : i32
          %dma_start3A_128 = tpu.memref_slice %arg9[%add3A_111, %dma_start3A_127] : memref<40x128xi32, #tpu.memory_space<vmem>> -> memref<1x128xi32, #tpu.memory_space<vmem>>
          %dma_start3A_129 = tpu.memref_squeeze %dma_start3A_128 : memref<1x128xi32, #tpu.memory_space<vmem>> -> memref<128xi32, #tpu.memory_space<vmem>>
          %dma_start3A_130 = arith.constant 0 : i32
          %dma_start3A_131 = arith.constant 0 : i32
          %dma_start3A_132 = tpu.memref_slice %arg12[%dma_start3A_130, %dma_start3A_131] : memref<10240x128xf32, #tpu.memory_space<vmem_shared>> -> memref<10240x128xf32, #tpu.memory_space<vmem_shared>>
          tpu.enqueue_indirect_dma source(%arg11 : memref<128x128xf32, #tpu.memory_space<vmem>>) target(%dma_start3A_132 : memref<10240x128xf32, #tpu.memory_space<vmem_shared>>) offsets(%dma_start3A_129 : memref<128xi32, #tpu.memory_space<vmem>>) semaphore(%run_scoped3A : memref<!tpu.dma_semaphore, #tpu.memory_space<semaphore_mem>>) {add = true}
          %dma_wait3A_133 = arith.constant 0 : i32
          %dma_wait3A_134 = tpu.memref_slice %arg9[%add3A_111, %dma_wait3A_133] : memref<40x128xi32, #tpu.memory_space<vmem>> -> memref<1x128xi32, #tpu.memory_space<vmem>>
          %dma_wait3A_135 = tpu.memref_squeeze %dma_wait3A_134 : memref<1x128xi32, #tpu.memory_space<vmem>> -> memref<128xi32, #tpu.memory_space<vmem>>
          %dma_wait3A_136 = arith.constant 0 : i32
          %dma_wait3A_137 = arith.constant 0 : i32
          %dma_wait3A_138 = tpu.memref_slice %arg12[%dma_wait3A_136, %dma_wait3A_137] : memref<10240x128xf32, #tpu.memory_space<vmem_shared>> -> memref<10240x128xf32, #tpu.memory_space<vmem_shared>>
          tpu.wait_indirect_dma semaphore(%run_scoped3A : memref<!tpu.dma_semaphore, #tpu.memory_space<semaphore_mem>>) src(%arg11 : memref<128x128xf32, #tpu.memory_space<vmem>>) dst(%dma_wait3A_138 : memref<10240x128xf32, #tpu.memory_space<vmem_shared>>)
          tpu.yield
        }) : () -> ()
        %add3A_120 = arith.constant 2 : i32
        %add3A_121 = arith.addi %add3A_111, %add3A_120 : i32
        %lt3A_122 = arith.constant 40 : i32
        %lt3A_123 = arith.cmpi slt, %add3A_121, %lt3A_122 : i32
        %convert_element_type3A_124 = arith.extui %lt3A_123 : i1 to i32
        %cond3A_125 = arith.constant 0 : i32
        %cond3A_126 = arith.cmpi ne, %convert_element_type3A_124, %cond3A_125 : i32
        scf.if %cond3A_126 {
          %add3A_127 = arith.constant 40 : i32
          %add3A_128 = arith.addi %add3A_127, %add3A_111 : i32
          %add3A_129 = arith.constant 2 : i32
          %add3A_130 = arith.addi %add3A_128, %add3A_129 : i32
          %dma_start3A_131 = arith.constant 0 : i32
          %dma_start3A_132 = tpu.memref_slice %arg8[%add3A_130, %dma_start3A_131] : memref<80x128xi32, #tpu.memory_space<vmem>> -> memref<1x128xi32, #tpu.memory_space<vmem>>
          %dma_start3A_133 = tpu.memref_squeeze %dma_start3A_132 : memref<1x128xi32, #tpu.memory_space<vmem>> -> memref<128xi32, #tpu.memory_space<vmem>>
          %dma_start3A_134 = arith.constant 0 : i32
          %dma_start3A_135 = arith.constant 0 : i32
          %dma_start3A_136 = tpu.memref_slice %arg3[%dma_start3A_134, %dma_start3A_135] : memref<30000x128xf32, #tpu.memory_space<hbm>> -> memref<30000x128xf32, #tpu.memory_space<hbm>>
          tpu.enqueue_indirect_dma source(%dma_start3A_136 : memref<30000x128xf32, #tpu.memory_space<hbm>>) target(%arg11 : memref<128x128xf32, #tpu.memory_space<vmem>>) offsets(%dma_start3A_133 : memref<128xi32, #tpu.memory_space<vmem>>) semaphore(%arg14 : memref<!tpu.dma_semaphore, #tpu.memory_space<semaphore_mem>>)
        } else {
        }
      }
      %scan3A_65 = arith.constant 20 : i32
      %barrier3A_66 = arith.constant 0 : index
      tpu.barrier barrier_id(%barrier3A_66)
      %add3A_67 = arith.constant 0 : i32
      %add3A_68 = arith.addi %arg1, %add3A_67 : i32
      %mul3A_69 = arith.constant 200 : i32
      %mul3A_70 = arith.muli %add3A_68, %mul3A_69 : i32
      %mul3A_71 = arith.constant 200 : i32
      %mul3A_72 = arith.muli %add3A_68, %mul3A_71 : i32
      "tpu.region"() ({
        %run_scoped3A = tpu.sem_alloc : memref<!tpu.dma_semaphore, #tpu.memory_space<semaphore_mem>>
        %dma_start3A_89 = arith.constant 0 : i32
        %dma_start3A_90 = tpu.memref_slice %arg7[%mul3A_72, %dma_start3A_89] : memref<10000x128xf32, #tpu.memory_space<hbm>> -> memref<200x128xf32, #tpu.memory_space<hbm>>
        %dma_start3A_91 = arith.constant 0 : i32
        %dma_start3A_92 = tpu.memref_slice %arg12[%mul3A_70, %dma_start3A_91] : memref<10240x128xf32, #tpu.memory_space<vmem_shared>> -> memref<200x128xf32, #tpu.memory_space<vmem_shared>>
        tpu.enqueue_dma source(%dma_start3A_92 : memref<200x128xf32, #tpu.memory_space<vmem_shared>>) target(%dma_start3A_90 : memref<200x128xf32, #tpu.memory_space<hbm>>) target_semaphore(%run_scoped3A : memref<!tpu.dma_semaphore, #tpu.memory_space<semaphore_mem>>)
        %dma_wait3A = arith.constant 0 : i32
        %dma_wait3A_93 = tpu.memref_slice %arg7[%mul3A_72, %dma_wait3A] : memref<10000x128xf32, #tpu.memory_space<hbm>> -> memref<200x128xf32, #tpu.memory_space<hbm>>
        %dma_wait3A_94 = arith.constant 0 : i32
        %dma_wait3A_95 = tpu.memref_slice %arg12[%mul3A_70, %dma_wait3A_94] : memref<10240x128xf32, #tpu.memory_space<vmem_shared>> -> memref<200x128xf32, #tpu.memory_space<vmem_shared>>
        tpu.wait_dma2 semaphore(%run_scoped3A : memref<!tpu.dma_semaphore, #tpu.memory_space<semaphore_mem>>) src(%dma_wait3A_95 : memref<200x128xf32, #tpu.memory_space<vmem_shared>>) dst(%dma_wait3A_93 : memref<200x128xf32, #tpu.memory_space<hbm>>)
        tpu.yield
      }) : () -> ()
      %add3A_73 = arith.constant 16 : i32
      %add3A_74 = arith.addi %arg1, %add3A_73 : i32
      %mul3A_75 = arith.constant 200 : i32
      %mul3A_76 = arith.muli %add3A_74, %mul3A_75 : i32
      %mul3A_77 = arith.constant 200 : i32
      %mul3A_78 = arith.muli %add3A_74, %mul3A_77 : i32
      "tpu.region"() ({
        %run_scoped3A = tpu.sem_alloc : memref<!tpu.dma_semaphore, #tpu.memory_space<semaphore_mem>>
        %dma_start3A_89 = arith.constant 0 : i32
        %dma_start3A_90 = tpu.memref_slice %arg7[%mul3A_78, %dma_start3A_89] : memref<10000x128xf32, #tpu.memory_space<hbm>> -> memref<200x128xf32, #tpu.memory_space<hbm>>
        %dma_start3A_91 = arith.constant 0 : i32
        %dma_start3A_92 = tpu.memref_slice %arg12[%mul3A_76, %dma_start3A_91] : memref<10240x128xf32, #tpu.memory_space<vmem_shared>> -> memref<200x128xf32, #tpu.memory_space<vmem_shared>>
        tpu.enqueue_dma source(%dma_start3A_92 : memref<200x128xf32, #tpu.memory_space<vmem_shared>>) target(%dma_start3A_90 : memref<200x128xf32, #tpu.memory_space<hbm>>) target_semaphore(%run_scoped3A : memref<!tpu.dma_semaphore, #tpu.memory_space<semaphore_mem>>)
        %dma_wait3A = arith.constant 0 : i32
        %dma_wait3A_93 = tpu.memref_slice %arg7[%mul3A_78, %dma_wait3A] : memref<10000x128xf32, #tpu.memory_space<hbm>> -> memref<200x128xf32, #tpu.memory_space<hbm>>
        %dma_wait3A_94 = arith.constant 0 : i32
        %dma_wait3A_95 = tpu.memref_slice %arg12[%mul3A_76, %dma_wait3A_94] : memref<10240x128xf32, #tpu.memory_space<vmem_shared>> -> memref<200x128xf32, #tpu.memory_space<vmem_shared>>
        tpu.wait_dma2 semaphore(%run_scoped3A : memref<!tpu.dma_semaphore, #tpu.memory_space<semaphore_mem>>) src(%dma_wait3A_95 : memref<200x128xf32, #tpu.memory_space<vmem_shared>>) dst(%dma_wait3A_93 : memref<200x128xf32, #tpu.memory_space<hbm>>)
        tpu.yield
      }) : () -> ()
      %add3A_79 = arith.constant 32 : i32
      %add3A_80 = arith.addi %arg1, %add3A_79 : i32
      %mul3A_81 = arith.constant 200 : i32
      %mul3A_82 = arith.muli %add3A_80, %mul3A_81 : i32
      %mul3A_83 = arith.constant 200 : i32
      %mul3A_84 = arith.muli %add3A_80, %mul3A_83 : i32
      "tpu.region"() ({
        %run_scoped3A = tpu.sem_alloc : memref<!tpu.dma_semaphore, #tpu.memory_space<semaphore_mem>>
        %dma_start3A_89 = arith.constant 0 : i32
        %dma_start3A_90 = tpu.memref_slice %arg7[%mul3A_84, %dma_start3A_89] : memref<10000x128xf32, #tpu.memory_space<hbm>> -> memref<200x128xf32, #tpu.memory_space<hbm>>
        %dma_start3A_91 = arith.constant 0 : i32
        %dma_start3A_92 = tpu.memref_slice %arg12[%mul3A_82, %dma_start3A_91] : memref<10240x128xf32, #tpu.memory_space<vmem_shared>> -> memref<200x128xf32, #tpu.memory_space<vmem_shared>>
        tpu.enqueue_dma source(%dma_start3A_92 : memref<200x128xf32, #tpu.memory_space<vmem_shared>>) target(%dma_start3A_90 : memref<200x128xf32, #tpu.memory_space<hbm>>) target_semaphore(%run_scoped3A : memref<!tpu.dma_semaphore, #tpu.memory_space<semaphore_mem>>)
        %dma_wait3A = arith.constant 0 : i32
        %dma_wait3A_93 = tpu.memref_slice %arg7[%mul3A_84, %dma_wait3A] : memref<10000x128xf32, #tpu.memory_space<hbm>> -> memref<200x128xf32, #tpu.memory_space<hbm>>
        %dma_wait3A_94 = arith.constant 0 : i32
        %dma_wait3A_95 = tpu.memref_slice %arg12[%mul3A_82, %dma_wait3A_94] : memref<10240x128xf32, #tpu.memory_space<vmem_shared>> -> memref<200x128xf32, #tpu.memory_space<vmem_shared>>
        tpu.wait_dma2 semaphore(%run_scoped3A : memref<!tpu.dma_semaphore, #tpu.memory_space<semaphore_mem>>) src(%dma_wait3A_95 : memref<200x128xf32, #tpu.memory_space<vmem_shared>>) dst(%dma_wait3A_93 : memref<200x128xf32, #tpu.memory_space<hbm>>)
        tpu.yield
      }) : () -> ()
      %lt3A = arith.constant 2 : i32
      %lt3A_85 = arith.cmpi slt, %arg1, %lt3A : i32
      %convert_element_type3A_86 = arith.extui %lt3A_85 : i1 to i32
      %cond3A_87 = arith.constant 0 : i32
      %cond3A_88 = arith.cmpi ne, %convert_element_type3A_86, %cond3A_87 : i32
      scf.if %cond3A_88 {
        %add3A_89 = arith.constant 48 : i32
        %add3A_90 = arith.addi %arg1, %add3A_89 : i32
        %mul3A_91 = arith.constant 200 : i32
        %mul3A_92 = arith.muli %add3A_90, %mul3A_91 : i32
        %mul3A_93 = arith.constant 200 : i32
        %mul3A_94 = arith.muli %add3A_90, %mul3A_93 : i32
        "tpu.region"() ({
          %run_scoped3A = tpu.sem_alloc : memref<!tpu.dma_semaphore, #tpu.memory_space<semaphore_mem>>
          %dma_start3A_95 = arith.constant 0 : i32
          %dma_start3A_96 = tpu.memref_slice %arg7[%mul3A_94, %dma_start3A_95] : memref<10000x128xf32, #tpu.memory_space<hbm>> -> memref<200x128xf32, #tpu.memory_space<hbm>>
          %dma_start3A_97 = arith.constant 0 : i32
          %dma_start3A_98 = tpu.memref_slice %arg12[%mul3A_92, %dma_start3A_97] : memref<10240x128xf32, #tpu.memory_space<vmem_shared>> -> memref<200x128xf32, #tpu.memory_space<vmem_shared>>
          tpu.enqueue_dma source(%dma_start3A_98 : memref<200x128xf32, #tpu.memory_space<vmem_shared>>) target(%dma_start3A_96 : memref<200x128xf32, #tpu.memory_space<hbm>>) target_semaphore(%run_scoped3A : memref<!tpu.dma_semaphore, #tpu.memory_space<semaphore_mem>>)
          %dma_wait3A = arith.constant 0 : i32
          %dma_wait3A_99 = tpu.memref_slice %arg7[%mul3A_94, %dma_wait3A] : memref<10000x128xf32, #tpu.memory_space<hbm>> -> memref<200x128xf32, #tpu.memory_space<hbm>>
          %dma_wait3A_100 = arith.constant 0 : i32
          %dma_wait3A_101 = tpu.memref_slice %arg12[%mul3A_92, %dma_wait3A_100] : memref<10240x128xf32, #tpu.memory_space<vmem_shared>> -> memref<200x128xf32, #tpu.memory_space<vmem_shared>>
          tpu.wait_dma2 semaphore(%run_scoped3A : memref<!tpu.dma_semaphore, #tpu.memory_space<semaphore_mem>>) src(%dma_wait3A_101 : memref<200x128xf32, #tpu.memory_space<vmem_shared>>) dst(%dma_wait3A_99 : memref<200x128xf32, #tpu.memory_space<hbm>>)
          tpu.yield
        }) : () -> ()
      } else {
      }
    } else {
    }
    return
  }
}

#map = affine_map<(d0, d1) -> (0, 0)>
#map1 = affine_map<(d0, d1) -> (0, 0, 0)>
module attributes {stable_mosaic.version = 14 : i64} {
  func.func @_sc_scatter(%arg0: i32, %arg1: i32, %arg2: memref<30000x128xf32, #tpu.memory_space<hbm>>, %arg3: memref<30000x128xf32, #tpu.memory_space<hbm>>, %arg4: memref<16x80x128xi32, #tpu.memory_space<hbm>>, %arg5: memref<32x40x128xi32, #tpu.memory_space<hbm>>, %arg6: memref<10000x128xf32, #tpu.memory_space<hbm>>, %arg7: memref<10000x128xf32, #tpu.memory_space<hbm>>, %arg8: memref<80x128xi32, #tpu.memory_space<vmem>>, %arg9: memref<40x128xi32, #tpu.memory_space<vmem>>, %arg10: memref<128x128xf32, #tpu.memory_space<vmem>>, %arg11: memref<128x128xf32, #tpu.memory_space<vmem>>, %arg12: memref<10240x128xf32, #tpu.memory_space<vmem_shared>>, %arg13: memref<!tpu.dma_semaphore, #tpu.memory_space<semaphore_mem>>, %arg14: memref<!tpu.dma_semaphore, #tpu.memory_space<semaphore_mem>>) attributes {dimension_semantics = [#tpu.dimension_semantics<core_parallel>, #tpu.dimension_semantics<subcore_parallel>], iteration_bounds = array<i64: 2, 16>, scalar_prefetch = 0 : i64, scratch_operands = 7 : i64, tpu.core_type = #tpu.core_type<sc_vector_subcore>, window_params = [{transform_indices = #map}, {transform_indices = #map}, {transform_indices = #map1}, {transform_indices = #map1}, {transform_indices = #map}, {transform_indices = #map}]} {
    "tpu.region"() ({
      %run_scoped3A = tpu.sem_alloc : memref<!tpu.dma_semaphore, #tpu.memory_space<semaphore_mem>>
      %dma_start3A = arith.constant 0 : i32
      %dma_start3A_21 = arith.constant 0 : i32
      %dma_start3A_22 = tpu.memref_slice %arg4[%arg1, %dma_start3A, %dma_start3A_21] : memref<16x80x128xi32, #tpu.memory_space<hbm>> -> memref<1x80x128xi32, #tpu.memory_space<hbm>>
      %dma_start3A_23 = tpu.memref_squeeze %dma_start3A_22 : memref<1x80x128xi32, #tpu.memory_space<hbm>> -> memref<80x128xi32, #tpu.memory_space<hbm>>
      %dma_start3A_24 = arith.constant 0 : i32
      %dma_start3A_25 = arith.constant 0 : i32
      %dma_start3A_26 = tpu.memref_slice %arg4[%arg1, %dma_start3A_24, %dma_start3A_25] : memref<16x80x128xi32, #tpu.memory_space<hbm>> -> memref<1x80x128xi32, #tpu.memory_space<hbm>>
      %dma_start3A_27 = tpu.memref_squeeze %dma_start3A_26 : memref<1x80x128xi32, #tpu.memory_space<hbm>> -> memref<80x128xi32, #tpu.memory_space<hbm>>
      tpu.enqueue_dma source(%dma_start3A_27 : memref<80x128xi32, #tpu.memory_space<hbm>>) target(%arg8 : memref<80x128xi32, #tpu.memory_space<vmem>>) target_semaphore(%run_scoped3A : memref<!tpu.dma_semaphore, #tpu.memory_space<semaphore_mem>>)
      %dma_wait3A = arith.constant 0 : i32
      %dma_wait3A_28 = arith.constant 0 : i32
      %dma_wait3A_29 = tpu.memref_slice %arg4[%arg1, %dma_wait3A, %dma_wait3A_28] : memref<16x80x128xi32, #tpu.memory_space<hbm>> -> memref<1x80x128xi32, #tpu.memory_space<hbm>>
      %dma_wait3A_30 = tpu.memref_squeeze %dma_wait3A_29 : memref<1x80x128xi32, #tpu.memory_space<hbm>> -> memref<80x128xi32, #tpu.memory_space<hbm>>
      %dma_wait3A_31 = arith.constant 0 : i32
      %dma_wait3A_32 = arith.constant 0 : i32
      %dma_wait3A_33 = tpu.memref_slice %arg4[%arg1, %dma_wait3A_31, %dma_wait3A_32] : memref<16x80x128xi32, #tpu.memory_space<hbm>> -> memref<1x80x128xi32, #tpu.memory_space<hbm>>
      %dma_wait3A_34 = tpu.memref_squeeze %dma_wait3A_33 : memref<1x80x128xi32, #tpu.memory_space<hbm>> -> memref<80x128xi32, #tpu.memory_space<hbm>>
      tpu.wait_dma2 semaphore(%run_scoped3A : memref<!tpu.dma_semaphore, #tpu.memory_space<semaphore_mem>>) src(%dma_wait3A_34 : memref<80x128xi32, #tpu.memory_space<hbm>>) dst(%arg8 : memref<80x128xi32, #tpu.memory_space<vmem>>)
      tpu.yield
    }) : () -> ()
    %scan3A = arith.constant 0 : i32
    %scan3A_0 = arith.constant 128 : i32
    %scan3A_1 = arith.addi %scan3A, %scan3A_0 : i32
    %scan3A_2 = arith.constant 1 : i32
    scf.for %scan3A_21 = %scan3A to %scan3A_1 step %scan3A_2  : i32 {
      %mul3A_22 = arith.constant 1 : i32
      %mul3A_23 = arith.muli %scan3A_21, %mul3A_22 : i32
      %add3A_24 = arith.constant 0 : i32
      %add3A_25 = arith.addi %add3A_24, %mul3A_23 : i32
      %scan3A_26 = arith.constant 0 : i32
      %scan3A_27 = arith.constant 8 : i32
      %scan3A_28 = arith.addi %scan3A_26, %scan3A_27 : i32
      %scan3A_29 = arith.constant 1 : i32
      scf.for %scan3A_31 = %scan3A_26 to %scan3A_28 step %scan3A_29  : i32 {
        %mul3A_32 = arith.constant 16 : i32
        %mul3A_33 = arith.muli %scan3A_31, %mul3A_32 : i32
        %add3A_34 = arith.constant 0 : i32
        %add3A_35 = arith.addi %add3A_34, %mul3A_33 : i32
        %broadcast_in_dim3A = arith.constant 0.000000e+00 : f32
        %broadcast_in_dim3A_36 = vector.broadcast %broadcast_in_dim3A : f32 to vector<16xf32>
        %swap3A = arith.index_cast %add3A_25 : i32 to index
        %swap3A_37 = arith.index_cast %add3A_35 : i32 to index
        %swap3A_38 = tpu.vector_load %arg10[%swap3A, %swap3A_37] {strides = array<i32>} : memref<128x128xf32, #tpu.memory_space<vmem>>, vector<1x16xf32>,
        %swap3A_39 = vector.shape_cast %swap3A_38 : vector<1x16xf32> to vector<16xf32>
        %swap3A_40 = vector.shape_cast %broadcast_in_dim3A_36 : vector<16xf32> to vector<1x16xf32>
        tpu.vector_store %arg10[%swap3A, %swap3A_37], %swap3A_40 {strides = array<i32>} : memref<128x128xf32, #tpu.memory_space<vmem>>, vector<1x16xf32>,
      }
      %scan3A_30 = arith.constant 8 : i32
    }
    %scan3A_3 = arith.constant 128 : i32
    %mul3A = arith.constant 640 : i32
    %mul3A_4 = arith.muli %arg1, %mul3A : i32
    %add3A = arith.constant 0 : i32
    %add3A_5 = arith.addi %mul3A_4, %add3A : i32
    "tpu.region"() ({
      %run_scoped3A = tpu.sem_alloc : memref<!tpu.dma_semaphore, #tpu.memory_space<semaphore_mem>>
      %dma_start3A = arith.constant 0 : i32
      %dma_start3A_21 = tpu.memref_slice %arg12[%add3A_5, %dma_start3A] : memref<10240x128xf32, #tpu.memory_space<vmem_shared>> -> memref<128x128xf32, #tpu.memory_space<vmem_shared>>
      %dma_start3A_22 = arith.constant 0 : i32
      %dma_start3A_23 = tpu.memref_slice %arg12[%add3A_5, %dma_start3A_22] : memref<10240x128xf32, #tpu.memory_space<vmem_shared>> -> memref<128x128xf32, #tpu.memory_space<vmem_shared>>
      tpu.enqueue_dma source(%arg10 : memref<128x128xf32, #tpu.memory_space<vmem>>) target(%dma_start3A_23 : memref<128x128xf32, #tpu.memory_space<vmem_shared>>) target_semaphore(%run_scoped3A : memref<!tpu.dma_semaphore, #tpu.memory_space<semaphore_mem>>)
      %dma_wait3A = arith.constant 0 : i32
      %dma_wait3A_24 = tpu.memref_slice %arg12[%add3A_5, %dma_wait3A] : memref<10240x128xf32, #tpu.memory_space<vmem_shared>> -> memref<128x128xf32, #tpu.memory_space<vmem_shared>>
      %dma_wait3A_25 = arith.constant 0 : i32
      %dma_wait3A_26 = tpu.memref_slice %arg12[%add3A_5, %dma_wait3A_25] : memref<10240x128xf32, #tpu.memory_space<vmem_shared>> -> memref<128x128xf32, #tpu.memory_space<vmem_shared>>
      tpu.wait_dma2 semaphore(%run_scoped3A : memref<!tpu.dma_semaphore, #tpu.memory_space<semaphore_mem>>) src(%arg10 : memref<128x128xf32, #tpu.memory_space<vmem>>) dst(%dma_wait3A_26 : memref<128x128xf32, #tpu.memory_space<vmem_shared>>)
      tpu.yield
    }) : () -> ()
    %add3A_6 = arith.constant 128 : i32
    %add3A_7 = arith.addi %mul3A_4, %add3A_6 : i32
    "tpu.region"() ({
      %run_scoped3A = tpu.sem_alloc : memref<!tpu.dma_semaphore, #tpu.memory_space<semaphore_mem>>
      %dma_start3A = arith.constant 0 : i32
      %dma_start3A_21 = tpu.memref_slice %arg12[%add3A_7, %dma_start3A] : memref<10240x128xf32, #tpu.memory_space<vmem_shared>> -> memref<128x128xf32, #tpu.memory_space<vmem_shared>>
      %dma_start3A_22 = arith.constant 0 : i32
      %dma_start3A_23 = tpu.memref_slice %arg12[%add3A_7, %dma_start3A_22] : memref<10240x128xf32, #tpu.memory_space<vmem_shared>> -> memref<128x128xf32, #tpu.memory_space<vmem_shared>>
      tpu.enqueue_dma source(%arg10 : memref<128x128xf32, #tpu.memory_space<vmem>>) target(%dma_start3A_23 : memref<128x128xf32, #tpu.memory_space<vmem_shared>>) target_semaphore(%run_scoped3A : memref<!tpu.dma_semaphore, #tpu.memory_space<semaphore_mem>>)
      %dma_wait3A = arith.constant 0 : i32
      %dma_wait3A_24 = tpu.memref_slice %arg12[%add3A_7, %dma_wait3A] : memref<10240x128xf32, #tpu.memory_space<vmem_shared>> -> memref<128x128xf32, #tpu.memory_space<vmem_shared>>
      %dma_wait3A_25 = arith.constant 0 : i32
      %dma_wait3A_26 = tpu.memref_slice %arg12[%add3A_7, %dma_wait3A_25] : memref<10240x128xf32, #tpu.memory_space<vmem_shared>> -> memref<128x128xf32, #tpu.memory_space<vmem_shared>>
      tpu.wait_dma2 semaphore(%run_scoped3A : memref<!tpu.dma_semaphore, #tpu.memory_space<semaphore_mem>>) src(%arg10 : memref<128x128xf32, #tpu.memory_space<vmem>>) dst(%dma_wait3A_26 : memref<128x128xf32, #tpu.memory_space<vmem_shared>>)
      tpu.yield
    }) : () -> ()
    %add3A_8 = arith.constant 256 : i32
    %add3A_9 = arith.addi %mul3A_4, %add3A_8 : i32
    "tpu.region"() ({
      %run_scoped3A = tpu.sem_alloc : memref<!tpu.dma_semaphore, #tpu.memory_space<semaphore_mem>>
      %dma_start3A = arith.constant 0 : i32
      %dma_start3A_21 = tpu.memref_slice %arg12[%add3A_9, %dma_start3A] : memref<10240x128xf32, #tpu.memory_space<vmem_shared>> -> memref<128x128xf32, #tpu.memory_space<vmem_shared>>
      %dma_start3A_22 = arith.constant 0 : i32
      %dma_start3A_23 = tpu.memref_slice %arg12[%add3A_9, %dma_start3A_22] : memref<10240x128xf32, #tpu.memory_space<vmem_shared>> -> memref<128x128xf32, #tpu.memory_space<vmem_shared>>
      tpu.enqueue_dma source(%arg10 : memref<128x128xf32, #tpu.memory_space<vmem>>) target(%dma_start3A_23 : memref<128x128xf32, #tpu.memory_space<vmem_shared>>) target_semaphore(%run_scoped3A : memref<!tpu.dma_semaphore, #tpu.memory_space<semaphore_mem>>)
      %dma_wait3A = arith.constant 0 : i32
      %dma_wait3A_24 = tpu.memref_slice %arg12[%add3A_9, %dma_wait3A] : memref<10240x128xf32, #tpu.memory_space<vmem_shared>> -> memref<128x128xf32, #tpu.memory_space<vmem_shared>>
      %dma_wait3A_25 = arith.constant 0 : i32
      %dma_wait3A_26 = tpu.memref_slice %arg12[%add3A_9, %dma_wait3A_25] : memref<10240x128xf32, #tpu.memory_space<vmem_shared>> -> memref<128x128xf32, #tpu.memory_space<vmem_shared>>
      tpu.wait_dma2 semaphore(%run_scoped3A : memref<!tpu.dma_semaphore, #tpu.memory_space<semaphore_mem>>) src(%arg10 : memref<128x128xf32, #tpu.memory_space<vmem>>) dst(%dma_wait3A_26 : memref<128x128xf32, #tpu.memory_space<vmem_shared>>)
      tpu.yield
    }) : () -> ()
    %add3A_10 = arith.constant 384 : i32
    %add3A_11 = arith.addi %mul3A_4, %add3A_10 : i32
    "tpu.region"() ({
      %run_scoped3A = tpu.sem_alloc : memref<!tpu.dma_semaphore, #tpu.memory_space<semaphore_mem>>
      %dma_start3A = arith.constant 0 : i32
      %dma_start3A_21 = tpu.memref_slice %arg12[%add3A_11, %dma_start3A] : memref<10240x128xf32, #tpu.memory_space<vmem_shared>> -> memref<128x128xf32, #tpu.memory_space<vmem_shared>>
      %dma_start3A_22 = arith.constant 0 : i32
      %dma_start3A_23 = tpu.memref_slice %arg12[%add3A_11, %dma_start3A_22] : memref<10240x128xf32, #tpu.memory_space<vmem_shared>> -> memref<128x128xf32, #tpu.memory_space<vmem_shared>>
      tpu.enqueue_dma source(%arg10 : memref<128x128xf32, #tpu.memory_space<vmem>>) target(%dma_start3A_23 : memref<128x128xf32, #tpu.memory_space<vmem_shared>>) target_semaphore(%run_scoped3A : memref<!tpu.dma_semaphore, #tpu.memory_space<semaphore_mem>>)
      %dma_wait3A = arith.constant 0 : i32
      %dma_wait3A_24 = tpu.memref_slice %arg12[%add3A_11, %dma_wait3A] : memref<10240x128xf32, #tpu.memory_space<vmem_shared>> -> memref<128x128xf32, #tpu.memory_space<vmem_shared>>
      %dma_wait3A_25 = arith.constant 0 : i32
      %dma_wait3A_26 = tpu.memref_slice %arg12[%add3A_11, %dma_wait3A_25] : memref<10240x128xf32, #tpu.memory_space<vmem_shared>> -> memref<128x128xf32, #tpu.memory_space<vmem_shared>>
      tpu.wait_dma2 semaphore(%run_scoped3A : memref<!tpu.dma_semaphore, #tpu.memory_space<semaphore_mem>>) src(%arg10 : memref<128x128xf32, #tpu.memory_space<vmem>>) dst(%dma_wait3A_26 : memref<128x128xf32, #tpu.memory_space<vmem_shared>>)
      tpu.yield
    }) : () -> ()
    %add3A_12 = arith.constant 512 : i32
    %add3A_13 = arith.addi %mul3A_4, %add3A_12 : i32
    "tpu.region"() ({
      %run_scoped3A = tpu.sem_alloc : memref<!tpu.dma_semaphore, #tpu.memory_space<semaphore_mem>>
      %dma_start3A = arith.constant 0 : i32
      %dma_start3A_21 = tpu.memref_slice %arg12[%add3A_13, %dma_start3A] : memref<10240x128xf32, #tpu.memory_space<vmem_shared>> -> memref<128x128xf32, #tpu.memory_space<vmem_shared>>
      %dma_start3A_22 = arith.constant 0 : i32
      %dma_start3A_23 = tpu.memref_slice %arg12[%add3A_13, %dma_start3A_22] : memref<10240x128xf32, #tpu.memory_space<vmem_shared>> -> memref<128x128xf32, #tpu.memory_space<vmem_shared>>
      tpu.enqueue_dma source(%arg10 : memref<128x128xf32, #tpu.memory_space<vmem>>) target(%dma_start3A_23 : memref<128x128xf32, #tpu.memory_space<vmem_shared>>) target_semaphore(%run_scoped3A : memref<!tpu.dma_semaphore, #tpu.memory_space<semaphore_mem>>)
      %dma_wait3A = arith.constant 0 : i32
      %dma_wait3A_24 = tpu.memref_slice %arg12[%add3A_13, %dma_wait3A] : memref<10240x128xf32, #tpu.memory_space<vmem_shared>> -> memref<128x128xf32, #tpu.memory_space<vmem_shared>>
      %dma_wait3A_25 = arith.constant 0 : i32
      %dma_wait3A_26 = tpu.memref_slice %arg12[%add3A_13, %dma_wait3A_25] : memref<10240x128xf32, #tpu.memory_space<vmem_shared>> -> memref<128x128xf32, #tpu.memory_space<vmem_shared>>
      tpu.wait_dma2 semaphore(%run_scoped3A : memref<!tpu.dma_semaphore, #tpu.memory_space<semaphore_mem>>) src(%arg10 : memref<128x128xf32, #tpu.memory_space<vmem>>) dst(%dma_wait3A_26 : memref<128x128xf32, #tpu.memory_space<vmem_shared>>)
      tpu.yield
    }) : () -> ()
    %barrier3A = arith.constant 0 : index
    tpu.barrier barrier_id(%barrier3A)
    %eq3A = arith.constant 0 : i32
    %eq3A_14 = arith.cmpi eq, %arg0, %eq3A : i32
    %convert_element_type3A = arith.extui %eq3A_14 : i1 to i32
    %cond3A = arith.constant 0 : i32
    %cond3A_15 = arith.cmpi ne, %convert_element_type3A, %cond3A : i32
    scf.if %cond3A_15 {
      %mul3A_21 = arith.constant 2 : i32
      %mul3A_22 = arith.muli %mul3A_21, %arg1 : i32
      %add3A_23 = arith.constant 0 : i32
      %add3A_24 = arith.addi %mul3A_22, %add3A_23 : i32
      "tpu.region"() ({
        %run_scoped3A = tpu.sem_alloc : memref<!tpu.dma_semaphore, #tpu.memory_space<semaphore_mem>>
        %dma_start3A_89 = arith.constant 0 : i32
        %dma_start3A_90 = arith.constant 0 : i32
        %dma_start3A_91 = tpu.memref_slice %arg5[%add3A_24, %dma_start3A_89, %dma_start3A_90] : memref<32x40x128xi32, #tpu.memory_space<hbm>> -> memref<1x40x128xi32, #tpu.memory_space<hbm>>
        %dma_start3A_92 = tpu.memref_squeeze %dma_start3A_91 : memref<1x40x128xi32, #tpu.memory_space<hbm>> -> memref<40x128xi32, #tpu.memory_space<hbm>>
        %dma_start3A_93 = arith.constant 0 : i32
        %dma_start3A_94 = arith.constant 0 : i32
        %dma_start3A_95 = tpu.memref_slice %arg5[%add3A_24, %dma_start3A_93, %dma_start3A_94] : memref<32x40x128xi32, #tpu.memory_space<hbm>> -> memref<1x40x128xi32, #tpu.memory_space<hbm>>
        %dma_start3A_96 = tpu.memref_squeeze %dma_start3A_95 : memref<1x40x128xi32, #tpu.memory_space<hbm>> -> memref<40x128xi32, #tpu.memory_space<hbm>>
        tpu.enqueue_dma source(%dma_start3A_96 : memref<40x128xi32, #tpu.memory_space<hbm>>) target(%arg9 : memref<40x128xi32, #tpu.memory_space<vmem>>) target_semaphore(%run_scoped3A : memref<!tpu.dma_semaphore, #tpu.memory_space<semaphore_mem>>)
        %dma_wait3A = arith.constant 0 : i32
        %dma_wait3A_97 = arith.constant 0 : i32
        %dma_wait3A_98 = tpu.memref_slice %arg5[%add3A_24, %dma_wait3A, %dma_wait3A_97] : memref<32x40x128xi32, #tpu.memory_space<hbm>> -> memref<1x40x128xi32, #tpu.memory_space<hbm>>
        %dma_wait3A_99 = tpu.memref_squeeze %dma_wait3A_98 : memref<1x40x128xi32, #tpu.memory_space<hbm>> -> memref<40x128xi32, #tpu.memory_space<hbm>>
        %dma_wait3A_100 = arith.constant 0 : i32
        %dma_wait3A_101 = arith.constant 0 : i32
        %dma_wait3A_102 = tpu.memref_slice %arg5[%add3A_24, %dma_wait3A_100, %dma_wait3A_101] : memref<32x40x128xi32, #tpu.memory_space<hbm>> -> memref<1x40x128xi32, #tpu.memory_space<hbm>>
        %dma_wait3A_103 = tpu.memref_squeeze %dma_wait3A_102 : memref<1x40x128xi32, #tpu.memory_space<hbm>> -> memref<40x128xi32, #tpu.memory_space<hbm>>
        tpu.wait_dma2 semaphore(%run_scoped3A : memref<!tpu.dma_semaphore, #tpu.memory_space<semaphore_mem>>) src(%dma_wait3A_103 : memref<40x128xi32, #tpu.memory_space<hbm>>) dst(%arg9 : memref<40x128xi32, #tpu.memory_space<vmem>>)
        tpu.yield
      }) : () -> ()
      %dma_start3A = arith.constant 0 : i32
      %dma_start3A_25 = arith.constant 0 : i32
      %dma_start3A_26 = tpu.memref_slice %arg8[%dma_start3A, %dma_start3A_25] : memref<80x128xi32, #tpu.memory_space<vmem>> -> memref<1x128xi32, #tpu.memory_space<vmem>>
      %dma_start3A_27 = tpu.memref_squeeze %dma_start3A_26 : memref<1x128xi32, #tpu.memory_space<vmem>> -> memref<128xi32, #tpu.memory_space<vmem>>
      %dma_start3A_28 = arith.constant 0 : i32
      %dma_start3A_29 = arith.constant 0 : i32
      %dma_start3A_30 = tpu.memref_slice %arg2[%dma_start3A_28, %dma_start3A_29] : memref<30000x128xf32, #tpu.memory_space<hbm>> -> memref<30000x128xf32, #tpu.memory_space<hbm>>
      tpu.enqueue_indirect_dma source(%dma_start3A_30 : memref<30000x128xf32, #tpu.memory_space<hbm>>) target(%arg10 : memref<128x128xf32, #tpu.memory_space<vmem>>) offsets(%dma_start3A_27 : memref<128xi32, #tpu.memory_space<vmem>>) semaphore(%arg13 : memref<!tpu.dma_semaphore, #tpu.memory_space<semaphore_mem>>)
      %dma_start3A_31 = arith.constant 1 : i32
      %dma_start3A_32 = arith.constant 0 : i32
      %dma_start3A_33 = tpu.memref_slice %arg8[%dma_start3A_31, %dma_start3A_32] : memref<80x128xi32, #tpu.memory_space<vmem>> -> memref<1x128xi32, #tpu.memory_space<vmem>>
      %dma_start3A_34 = tpu.memref_squeeze %dma_start3A_33 : memref<1x128xi32, #tpu.memory_space<vmem>> -> memref<128xi32, #tpu.memory_space<vmem>>
      %dma_start3A_35 = arith.constant 0 : i32
      %dma_start3A_36 = arith.constant 0 : i32
      %dma_start3A_37 = tpu.memref_slice %arg2[%dma_start3A_35, %dma_start3A_36] : memref<30000x128xf32, #tpu.memory_space<hbm>> -> memref<30000x128xf32, #tpu.memory_space<hbm>>
      tpu.enqueue_indirect_dma source(%dma_start3A_37 : memref<30000x128xf32, #tpu.memory_space<hbm>>) target(%arg11 : memref<128x128xf32, #tpu.memory_space<vmem>>) offsets(%dma_start3A_34 : memref<128xi32, #tpu.memory_space<vmem>>) semaphore(%arg14 : memref<!tpu.dma_semaphore, #tpu.memory_space<semaphore_mem>>)
      %scan3A_38 = arith.constant 0 : i32
      %scan3A_39 = arith.constant 20 : i32
      %scan3A_40 = arith.addi %scan3A_38, %scan3A_39 : i32
      %scan3A_41 = arith.constant 1 : i32
      scf.for %scan3A_89 = %scan3A_38 to %scan3A_40 step %scan3A_41  : i32 {
        %mul3A_90 = arith.constant 2 : i32
        %mul3A_91 = arith.muli %scan3A_89, %mul3A_90 : i32
        %add3A_92 = arith.constant 0 : i32
        %add3A_93 = arith.addi %add3A_92, %mul3A_91 : i32
        %add3A_94 = arith.constant 0 : i32
        %add3A_95 = arith.addi %add3A_93, %add3A_94 : i32
        %add3A_96 = arith.constant 0 : i32
        %add3A_97 = arith.addi %add3A_96, %add3A_95 : i32
        %dma_wait3A = arith.constant 0 : i32
        %dma_wait3A_98 = tpu.memref_slice %arg8[%add3A_97, %dma_wait3A] : memref<80x128xi32, #tpu.memory_space<vmem>> -> memref<1x128xi32, #tpu.memory_space<vmem>>
        %dma_wait3A_99 = tpu.memref_squeeze %dma_wait3A_98 : memref<1x128xi32, #tpu.memory_space<vmem>> -> memref<128xi32, #tpu.memory_space<vmem>>
        %dma_wait3A_100 = arith.constant 0 : i32
        %dma_wait3A_101 = arith.constant 0 : i32
        %dma_wait3A_102 = tpu.memref_slice %arg2[%dma_wait3A_100, %dma_wait3A_101] : memref<30000x128xf32, #tpu.memory_space<hbm>> -> memref<30000x128xf32, #tpu.memory_space<hbm>>
        tpu.wait_indirect_dma semaphore(%arg13 : memref<!tpu.dma_semaphore, #tpu.memory_space<semaphore_mem>>) src(%dma_wait3A_102 : memref<30000x128xf32, #tpu.memory_space<hbm>>) dst(%arg10 : memref<128x128xf32, #tpu.memory_space<vmem>>)
        "tpu.region"() ({
          %run_scoped3A = tpu.sem_alloc : memref<!tpu.dma_semaphore, #tpu.memory_space<semaphore_mem>>
          %dma_start3A_127 = arith.constant 0 : i32
          %dma_start3A_128 = tpu.memref_slice %arg9[%add3A_95, %dma_start3A_127] : memref<40x128xi32, #tpu.memory_space<vmem>> -> memref<1x128xi32, #tpu.memory_space<vmem>>
          %dma_start3A_129 = tpu.memref_squeeze %dma_start3A_128 : memref<1x128xi32, #tpu.memory_space<vmem>> -> memref<128xi32, #tpu.memory_space<vmem>>
          %dma_start3A_130 = arith.constant 0 : i32
          %dma_start3A_131 = arith.constant 0 : i32
          %dma_start3A_132 = tpu.memref_slice %arg12[%dma_start3A_130, %dma_start3A_131] : memref<10240x128xf32, #tpu.memory_space<vmem_shared>> -> memref<10240x128xf32, #tpu.memory_space<vmem_shared>>
          tpu.enqueue_indirect_dma source(%arg10 : memref<128x128xf32, #tpu.memory_space<vmem>>) target(%dma_start3A_132 : memref<10240x128xf32, #tpu.memory_space<vmem_shared>>) offsets(%dma_start3A_129 : memref<128xi32, #tpu.memory_space<vmem>>) semaphore(%run_scoped3A : memref<!tpu.dma_semaphore, #tpu.memory_space<semaphore_mem>>) {add = true}
          %dma_wait3A_133 = arith.constant 0 : i32
          %dma_wait3A_134 = tpu.memref_slice %arg9[%add3A_95, %dma_wait3A_133] : memref<40x128xi32, #tpu.memory_space<vmem>> -> memref<1x128xi32, #tpu.memory_space<vmem>>
          %dma_wait3A_135 = tpu.memref_squeeze %dma_wait3A_134 : memref<1x128xi32, #tpu.memory_space<vmem>> -> memref<128xi32, #tpu.memory_space<vmem>>
          %dma_wait3A_136 = arith.constant 0 : i32
          %dma_wait3A_137 = arith.constant 0 : i32
          %dma_wait3A_138 = tpu.memref_slice %arg12[%dma_wait3A_136, %dma_wait3A_137] : memref<10240x128xf32, #tpu.memory_space<vmem_shared>> -> memref<10240x128xf32, #tpu.memory_space<vmem_shared>>
          tpu.wait_indirect_dma semaphore(%run_scoped3A : memref<!tpu.dma_semaphore, #tpu.memory_space<semaphore_mem>>) src(%arg10 : memref<128x128xf32, #tpu.memory_space<vmem>>) dst(%dma_wait3A_138 : memref<10240x128xf32, #tpu.memory_space<vmem_shared>>)
          tpu.yield
        }) : () -> ()
        %add3A_103 = arith.constant 2 : i32
        %add3A_104 = arith.addi %add3A_95, %add3A_103 : i32
        %lt3A_105 = arith.constant 40 : i32
        %lt3A_106 = arith.cmpi slt, %add3A_104, %lt3A_105 : i32
        %convert_element_type3A_107 = arith.extui %lt3A_106 : i1 to i32
        %cond3A_108 = arith.constant 0 : i32
        %cond3A_109 = arith.cmpi ne, %convert_element_type3A_107, %cond3A_108 : i32
        scf.if %cond3A_109 {
          %add3A_127 = arith.constant 0 : i32
          %add3A_128 = arith.addi %add3A_127, %add3A_95 : i32
          %add3A_129 = arith.constant 2 : i32
          %add3A_130 = arith.addi %add3A_128, %add3A_129 : i32
          %dma_start3A_131 = arith.constant 0 : i32
          %dma_start3A_132 = tpu.memref_slice %arg8[%add3A_130, %dma_start3A_131] : memref<80x128xi32, #tpu.memory_space<vmem>> -> memref<1x128xi32, #tpu.memory_space<vmem>>
          %dma_start3A_133 = tpu.memref_squeeze %dma_start3A_132 : memref<1x128xi32, #tpu.memory_space<vmem>> -> memref<128xi32, #tpu.memory_space<vmem>>
          %dma_start3A_134 = arith.constant 0 : i32
          %dma_start3A_135 = arith.constant 0 : i32
          %dma_start3A_136 = tpu.memref_slice %arg2[%dma_start3A_134, %dma_start3A_135] : memref<30000x128xf32, #tpu.memory_space<hbm>> -> memref<30000x128xf32, #tpu.memory_space<hbm>>
          tpu.enqueue_indirect_dma source(%dma_start3A_136 : memref<30000x128xf32, #tpu.memory_space<hbm>>) target(%arg10 : memref<128x128xf32, #tpu.memory_space<vmem>>) offsets(%dma_start3A_133 : memref<128xi32, #tpu.memory_space<vmem>>) semaphore(%arg13 : memref<!tpu.dma_semaphore, #tpu.memory_space<semaphore_mem>>)
        } else {
        }
        %add3A_110 = arith.constant 1 : i32
        %add3A_111 = arith.addi %add3A_93, %add3A_110 : i32
        %add3A_112 = arith.constant 0 : i32
        %add3A_113 = arith.addi %add3A_112, %add3A_111 : i32
        %dma_wait3A_114 = arith.constant 0 : i32
        %dma_wait3A_115 = tpu.memref_slice %arg8[%add3A_113, %dma_wait3A_114] : memref<80x128xi32, #tpu.memory_space<vmem>> -> memref<1x128xi32, #tpu.memory_space<vmem>>
        %dma_wait3A_116 = tpu.memref_squeeze %dma_wait3A_115 : memref<1x128xi32, #tpu.memory_space<vmem>> -> memref<128xi32, #tpu.memory_space<vmem>>
        %dma_wait3A_117 = arith.constant 0 : i32
        %dma_wait3A_118 = arith.constant 0 : i32
        %dma_wait3A_119 = tpu.memref_slice %arg2[%dma_wait3A_117, %dma_wait3A_118] : memref<30000x128xf32, #tpu.memory_space<hbm>> -> memref<30000x128xf32, #tpu.memory_space<hbm>>
        tpu.wait_indirect_dma semaphore(%arg14 : memref<!tpu.dma_semaphore, #tpu.memory_space<semaphore_mem>>) src(%dma_wait3A_119 : memref<30000x128xf32, #tpu.memory_space<hbm>>) dst(%arg11 : memref<128x128xf32, #tpu.memory_space<vmem>>)
        "tpu.region"() ({
          %run_scoped3A = tpu.sem_alloc : memref<!tpu.dma_semaphore, #tpu.memory_space<semaphore_mem>>
          %dma_start3A_127 = arith.constant 0 : i32
          %dma_start3A_128 = tpu.memref_slice %arg9[%add3A_111, %dma_start3A_127] : memref<40x128xi32, #tpu.memory_space<vmem>> -> memref<1x128xi32, #tpu.memory_space<vmem>>
          %dma_start3A_129 = tpu.memref_squeeze %dma_start3A_128 : memref<1x128xi32, #tpu.memory_space<vmem>> -> memref<128xi32, #tpu.memory_space<vmem>>
          %dma_start3A_130 = arith.constant 0 : i32
          %dma_start3A_131 = arith.constant 0 : i32
          %dma_start3A_132 = tpu.memref_slice %arg12[%dma_start3A_130, %dma_start3A_131] : memref<10240x128xf32, #tpu.memory_space<vmem_shared>> -> memref<10240x128xf32, #tpu.memory_space<vmem_shared>>
          tpu.enqueue_indirect_dma source(%arg11 : memref<128x128xf32, #tpu.memory_space<vmem>>) target(%dma_start3A_132 : memref<10240x128xf32, #tpu.memory_space<vmem_shared>>) offsets(%dma_start3A_129 : memref<128xi32, #tpu.memory_space<vmem>>) semaphore(%run_scoped3A : memref<!tpu.dma_semaphore, #tpu.memory_space<semaphore_mem>>) {add = true}
          %dma_wait3A_133 = arith.constant 0 : i32
          %dma_wait3A_134 = tpu.memref_slice %arg9[%add3A_111, %dma_wait3A_133] : memref<40x128xi32, #tpu.memory_space<vmem>> -> memref<1x128xi32, #tpu.memory_space<vmem>>
          %dma_wait3A_135 = tpu.memref_squeeze %dma_wait3A_134 : memref<1x128xi32, #tpu.memory_space<vmem>> -> memref<128xi32, #tpu.memory_space<vmem>>
          %dma_wait3A_136 = arith.constant 0 : i32
          %dma_wait3A_137 = arith.constant 0 : i32
          %dma_wait3A_138 = tpu.memref_slice %arg12[%dma_wait3A_136, %dma_wait3A_137] : memref<10240x128xf32, #tpu.memory_space<vmem_shared>> -> memref<10240x128xf32, #tpu.memory_space<vmem_shared>>
          tpu.wait_indirect_dma semaphore(%run_scoped3A : memref<!tpu.dma_semaphore, #tpu.memory_space<semaphore_mem>>) src(%arg11 : memref<128x128xf32, #tpu.memory_space<vmem>>) dst(%dma_wait3A_138 : memref<10240x128xf32, #tpu.memory_space<vmem_shared>>)
          tpu.yield
        }) : () -> ()
        %add3A_120 = arith.constant 2 : i32
        %add3A_121 = arith.addi %add3A_111, %add3A_120 : i32
        %lt3A_122 = arith.constant 40 : i32
        %lt3A_123 = arith.cmpi slt, %add3A_121, %lt3A_122 : i32
        %convert_element_type3A_124 = arith.extui %lt3A_123 : i1 to i32
        %cond3A_125 = arith.constant 0 : i32
        %cond3A_126 = arith.cmpi ne, %convert_element_type3A_124, %cond3A_125 : i32
        scf.if %cond3A_126 {
          %add3A_127 = arith.constant 0 : i32
          %add3A_128 = arith.addi %add3A_127, %add3A_111 : i32
          %add3A_129 = arith.constant 2 : i32
          %add3A_130 = arith.addi %add3A_128, %add3A_129 : i32
          %dma_start3A_131 = arith.constant 0 : i32
          %dma_start3A_132 = tpu.memref_slice %arg8[%add3A_130, %dma_start3A_131] : memref<80x128xi32, #tpu.memory_space<vmem>> -> memref<1x128xi32, #tpu.memory_space<vmem>>
          %dma_start3A_133 = tpu.memref_squeeze %dma_start3A_132 : memref<1x128xi32, #tpu.memory_space<vmem>> -> memref<128xi32, #tpu.memory_space<vmem>>
          %dma_start3A_134 = arith.constant 0 : i32
          %dma_start3A_135 = arith.constant 0 : i32
          %dma_start3A_136 = tpu.memref_slice %arg2[%dma_start3A_134, %dma_start3A_135] : memref<30000x128xf32, #tpu.memory_space<hbm>> -> memref<30000x128xf32, #tpu.memory_space<hbm>>
          tpu.enqueue_indirect_dma source(%dma_start3A_136 : memref<30000x128xf32, #tpu.memory_space<hbm>>) target(%arg11 : memref<128x128xf32, #tpu.memory_space<vmem>>) offsets(%dma_start3A_133 : memref<128xi32, #tpu.memory_space<vmem>>) semaphore(%arg14 : memref<!tpu.dma_semaphore, #tpu.memory_space<semaphore_mem>>)
        } else {
        }
      }
      %scan3A_42 = arith.constant 20 : i32
      %mul3A_43 = arith.constant 2 : i32
      %mul3A_44 = arith.muli %mul3A_43, %arg1 : i32
      %add3A_45 = arith.constant 1 : i32
      %add3A_46 = arith.addi %mul3A_44, %add3A_45 : i32
      "tpu.region"() ({
        %run_scoped3A = tpu.sem_alloc : memref<!tpu.dma_semaphore, #tpu.memory_space<semaphore_mem>>
        %dma_start3A_89 = arith.constant 0 : i32
        %dma_start3A_90 = arith.constant 0 : i32
        %dma_start3A_91 = tpu.memref_slice %arg5[%add3A_46, %dma_start3A_89, %dma_start3A_90] : memref<32x40x128xi32, #tpu.memory_space<hbm>> -> memref<1x40x128xi32, #tpu.memory_space<hbm>>
        %dma_start3A_92 = tpu.memref_squeeze %dma_start3A_91 : memref<1x40x128xi32, #tpu.memory_space<hbm>> -> memref<40x128xi32, #tpu.memory_space<hbm>>
        %dma_start3A_93 = arith.constant 0 : i32
        %dma_start3A_94 = arith.constant 0 : i32
        %dma_start3A_95 = tpu.memref_slice %arg5[%add3A_46, %dma_start3A_93, %dma_start3A_94] : memref<32x40x128xi32, #tpu.memory_space<hbm>> -> memref<1x40x128xi32, #tpu.memory_space<hbm>>
        %dma_start3A_96 = tpu.memref_squeeze %dma_start3A_95 : memref<1x40x128xi32, #tpu.memory_space<hbm>> -> memref<40x128xi32, #tpu.memory_space<hbm>>
        tpu.enqueue_dma source(%dma_start3A_96 : memref<40x128xi32, #tpu.memory_space<hbm>>) target(%arg9 : memref<40x128xi32, #tpu.memory_space<vmem>>) target_semaphore(%run_scoped3A : memref<!tpu.dma_semaphore, #tpu.memory_space<semaphore_mem>>)
        %dma_wait3A = arith.constant 0 : i32
        %dma_wait3A_97 = arith.constant 0 : i32
        %dma_wait3A_98 = tpu.memref_slice %arg5[%add3A_46, %dma_wait3A, %dma_wait3A_97] : memref<32x40x128xi32, #tpu.memory_space<hbm>> -> memref<1x40x128xi32, #tpu.memory_space<hbm>>
        %dma_wait3A_99 = tpu.memref_squeeze %dma_wait3A_98 : memref<1x40x128xi32, #tpu.memory_space<hbm>> -> memref<40x128xi32, #tpu.memory_space<hbm>>
        %dma_wait3A_100 = arith.constant 0 : i32
        %dma_wait3A_101 = arith.constant 0 : i32
        %dma_wait3A_102 = tpu.memref_slice %arg5[%add3A_46, %dma_wait3A_100, %dma_wait3A_101] : memref<32x40x128xi32, #tpu.memory_space<hbm>> -> memref<1x40x128xi32, #tpu.memory_space<hbm>>
        %dma_wait3A_103 = tpu.memref_squeeze %dma_wait3A_102 : memref<1x40x128xi32, #tpu.memory_space<hbm>> -> memref<40x128xi32, #tpu.memory_space<hbm>>
        tpu.wait_dma2 semaphore(%run_scoped3A : memref<!tpu.dma_semaphore, #tpu.memory_space<semaphore_mem>>) src(%dma_wait3A_103 : memref<40x128xi32, #tpu.memory_space<hbm>>) dst(%arg9 : memref<40x128xi32, #tpu.memory_space<vmem>>)
        tpu.yield
      }) : () -> ()
      %dma_start3A_47 = arith.constant 40 : i32
      %dma_start3A_48 = arith.constant 0 : i32
      %dma_start3A_49 = tpu.memref_slice %arg8[%dma_start3A_47, %dma_start3A_48] : memref<80x128xi32, #tpu.memory_space<vmem>> -> memref<1x128xi32, #tpu.memory_space<vmem>>
      %dma_start3A_50 = tpu.memref_squeeze %dma_start3A_49 : memref<1x128xi32, #tpu.memory_space<vmem>> -> memref<128xi32, #tpu.memory_space<vmem>>
      %dma_start3A_51 = arith.constant 0 : i32
      %dma_start3A_52 = arith.constant 0 : i32
      %dma_start3A_53 = tpu.memref_slice %arg2[%dma_start3A_51, %dma_start3A_52] : memref<30000x128xf32, #tpu.memory_space<hbm>> -> memref<30000x128xf32, #tpu.memory_space<hbm>>
      tpu.enqueue_indirect_dma source(%dma_start3A_53 : memref<30000x128xf32, #tpu.memory_space<hbm>>) target(%arg10 : memref<128x128xf32, #tpu.memory_space<vmem>>) offsets(%dma_start3A_50 : memref<128xi32, #tpu.memory_space<vmem>>) semaphore(%arg13 : memref<!tpu.dma_semaphore, #tpu.memory_space<semaphore_mem>>)
      %dma_start3A_54 = arith.constant 41 : i32
      %dma_start3A_55 = arith.constant 0 : i32
      %dma_start3A_56 = tpu.memref_slice %arg8[%dma_start3A_54, %dma_start3A_55] : memref<80x128xi32, #tpu.memory_space<vmem>> -> memref<1x128xi32, #tpu.memory_space<vmem>>
      %dma_start3A_57 = tpu.memref_squeeze %dma_start3A_56 : memref<1x128xi32, #tpu.memory_space<vmem>> -> memref<128xi32, #tpu.memory_space<vmem>>
      %dma_start3A_58 = arith.constant 0 : i32
      %dma_start3A_59 = arith.constant 0 : i32
      %dma_start3A_60 = tpu.memref_slice %arg2[%dma_start3A_58, %dma_start3A_59] : memref<30000x128xf32, #tpu.memory_space<hbm>> -> memref<30000x128xf32, #tpu.memory_space<hbm>>
      tpu.enqueue_indirect_dma source(%dma_start3A_60 : memref<30000x128xf32, #tpu.memory_space<hbm>>) target(%arg11 : memref<128x128xf32, #tpu.memory_space<vmem>>) offsets(%dma_start3A_57 : memref<128xi32, #tpu.memory_space<vmem>>) semaphore(%arg14 : memref<!tpu.dma_semaphore, #tpu.memory_space<semaphore_mem>>)
      %scan3A_61 = arith.constant 0 : i32
      %scan3A_62 = arith.constant 20 : i32
      %scan3A_63 = arith.addi %scan3A_61, %scan3A_62 : i32
      %scan3A_64 = arith.constant 1 : i32
      scf.for %scan3A_89 = %scan3A_61 to %scan3A_63 step %scan3A_64  : i32 {
        %mul3A_90 = arith.constant 2 : i32
        %mul3A_91 = arith.muli %scan3A_89, %mul3A_90 : i32
        %add3A_92 = arith.constant 0 : i32
        %add3A_93 = arith.addi %add3A_92, %mul3A_91 : i32
        %add3A_94 = arith.constant 0 : i32
        %add3A_95 = arith.addi %add3A_93, %add3A_94 : i32
        %add3A_96 = arith.constant 40 : i32
        %add3A_97 = arith.addi %add3A_96, %add3A_95 : i32
        %dma_wait3A = arith.constant 0 : i32
        %dma_wait3A_98 = tpu.memref_slice %arg8[%add3A_97, %dma_wait3A] : memref<80x128xi32, #tpu.memory_space<vmem>> -> memref<1x128xi32, #tpu.memory_space<vmem>>
        %dma_wait3A_99 = tpu.memref_squeeze %dma_wait3A_98 : memref<1x128xi32, #tpu.memory_space<vmem>> -> memref<128xi32, #tpu.memory_space<vmem>>
        %dma_wait3A_100 = arith.constant 0 : i32
        %dma_wait3A_101 = arith.constant 0 : i32
        %dma_wait3A_102 = tpu.memref_slice %arg2[%dma_wait3A_100, %dma_wait3A_101] : memref<30000x128xf32, #tpu.memory_space<hbm>> -> memref<30000x128xf32, #tpu.memory_space<hbm>>
        tpu.wait_indirect_dma semaphore(%arg13 : memref<!tpu.dma_semaphore, #tpu.memory_space<semaphore_mem>>) src(%dma_wait3A_102 : memref<30000x128xf32, #tpu.memory_space<hbm>>) dst(%arg10 : memref<128x128xf32, #tpu.memory_space<vmem>>)
        "tpu.region"() ({
          %run_scoped3A = tpu.sem_alloc : memref<!tpu.dma_semaphore, #tpu.memory_space<semaphore_mem>>
          %dma_start3A_127 = arith.constant 0 : i32
          %dma_start3A_128 = tpu.memref_slice %arg9[%add3A_95, %dma_start3A_127] : memref<40x128xi32, #tpu.memory_space<vmem>> -> memref<1x128xi32, #tpu.memory_space<vmem>>
          %dma_start3A_129 = tpu.memref_squeeze %dma_start3A_128 : memref<1x128xi32, #tpu.memory_space<vmem>> -> memref<128xi32, #tpu.memory_space<vmem>>
          %dma_start3A_130 = arith.constant 0 : i32
          %dma_start3A_131 = arith.constant 0 : i32
          %dma_start3A_132 = tpu.memref_slice %arg12[%dma_start3A_130, %dma_start3A_131] : memref<10240x128xf32, #tpu.memory_space<vmem_shared>> -> memref<10240x128xf32, #tpu.memory_space<vmem_shared>>
          tpu.enqueue_indirect_dma source(%arg10 : memref<128x128xf32, #tpu.memory_space<vmem>>) target(%dma_start3A_132 : memref<10240x128xf32, #tpu.memory_space<vmem_shared>>) offsets(%dma_start3A_129 : memref<128xi32, #tpu.memory_space<vmem>>) semaphore(%run_scoped3A : memref<!tpu.dma_semaphore, #tpu.memory_space<semaphore_mem>>) {add = true}
          %dma_wait3A_133 = arith.constant 0 : i32
          %dma_wait3A_134 = tpu.memref_slice %arg9[%add3A_95, %dma_wait3A_133] : memref<40x128xi32, #tpu.memory_space<vmem>> -> memref<1x128xi32, #tpu.memory_space<vmem>>
          %dma_wait3A_135 = tpu.memref_squeeze %dma_wait3A_134 : memref<1x128xi32, #tpu.memory_space<vmem>> -> memref<128xi32, #tpu.memory_space<vmem>>
          %dma_wait3A_136 = arith.constant 0 : i32
          %dma_wait3A_137 = arith.constant 0 : i32
          %dma_wait3A_138 = tpu.memref_slice %arg12[%dma_wait3A_136, %dma_wait3A_137] : memref<10240x128xf32, #tpu.memory_space<vmem_shared>> -> memref<10240x128xf32, #tpu.memory_space<vmem_shared>>
          tpu.wait_indirect_dma semaphore(%run_scoped3A : memref<!tpu.dma_semaphore, #tpu.memory_space<semaphore_mem>>) src(%arg10 : memref<128x128xf32, #tpu.memory_space<vmem>>) dst(%dma_wait3A_138 : memref<10240x128xf32, #tpu.memory_space<vmem_shared>>)
          tpu.yield
        }) : () -> ()
        %add3A_103 = arith.constant 2 : i32
        %add3A_104 = arith.addi %add3A_95, %add3A_103 : i32
        %lt3A_105 = arith.constant 40 : i32
        %lt3A_106 = arith.cmpi slt, %add3A_104, %lt3A_105 : i32
        %convert_element_type3A_107 = arith.extui %lt3A_106 : i1 to i32
        %cond3A_108 = arith.constant 0 : i32
        %cond3A_109 = arith.cmpi ne, %convert_element_type3A_107, %cond3A_108 : i32
        scf.if %cond3A_109 {
          %add3A_127 = arith.constant 40 : i32
          %add3A_128 = arith.addi %add3A_127, %add3A_95 : i32
          %add3A_129 = arith.constant 2 : i32
          %add3A_130 = arith.addi %add3A_128, %add3A_129 : i32
          %dma_start3A_131 = arith.constant 0 : i32
          %dma_start3A_132 = tpu.memref_slice %arg8[%add3A_130, %dma_start3A_131] : memref<80x128xi32, #tpu.memory_space<vmem>> -> memref<1x128xi32, #tpu.memory_space<vmem>>
          %dma_start3A_133 = tpu.memref_squeeze %dma_start3A_132 : memref<1x128xi32, #tpu.memory_space<vmem>> -> memref<128xi32, #tpu.memory_space<vmem>>
          %dma_start3A_134 = arith.constant 0 : i32
          %dma_start3A_135 = arith.constant 0 : i32
          %dma_start3A_136 = tpu.memref_slice %arg2[%dma_start3A_134, %dma_start3A_135] : memref<30000x128xf32, #tpu.memory_space<hbm>> -> memref<30000x128xf32, #tpu.memory_space<hbm>>
          tpu.enqueue_indirect_dma source(%dma_start3A_136 : memref<30000x128xf32, #tpu.memory_space<hbm>>) target(%arg10 : memref<128x128xf32, #tpu.memory_space<vmem>>) offsets(%dma_start3A_133 : memref<128xi32, #tpu.memory_space<vmem>>) semaphore(%arg13 : memref<!tpu.dma_semaphore, #tpu.memory_space<semaphore_mem>>)
        } else {
        }
        %add3A_110 = arith.constant 1 : i32
        %add3A_111 = arith.addi %add3A_93, %add3A_110 : i32
        %add3A_112 = arith.constant 40 : i32
        %add3A_113 = arith.addi %add3A_112, %add3A_111 : i32
        %dma_wait3A_114 = arith.constant 0 : i32
        %dma_wait3A_115 = tpu.memref_slice %arg8[%add3A_113, %dma_wait3A_114] : memref<80x128xi32, #tpu.memory_space<vmem>> -> memref<1x128xi32, #tpu.memory_space<vmem>>
        %dma_wait3A_116 = tpu.memref_squeeze %dma_wait3A_115 : memref<1x128xi32, #tpu.memory_space<vmem>> -> memref<128xi32, #tpu.memory_space<vmem>>
        %dma_wait3A_117 = arith.constant 0 : i32
        %dma_wait3A_118 = arith.constant 0 : i32
        %dma_wait3A_119 = tpu.memref_slice %arg2[%dma_wait3A_117, %dma_wait3A_118] : memref<30000x128xf32, #tpu.memory_space<hbm>> -> memref<30000x128xf32, #tpu.memory_space<hbm>>
        tpu.wait_indirect_dma semaphore(%arg14 : memref<!tpu.dma_semaphore, #tpu.memory_space<semaphore_mem>>) src(%dma_wait3A_119 : memref<30000x128xf32, #tpu.memory_space<hbm>>) dst(%arg11 : memref<128x128xf32, #tpu.memory_space<vmem>>)
        "tpu.region"() ({
          %run_scoped3A = tpu.sem_alloc : memref<!tpu.dma_semaphore, #tpu.memory_space<semaphore_mem>>
          %dma_start3A_127 = arith.constant 0 : i32
          %dma_start3A_128 = tpu.memref_slice %arg9[%add3A_111, %dma_start3A_127] : memref<40x128xi32, #tpu.memory_space<vmem>> -> memref<1x128xi32, #tpu.memory_space<vmem>>
          %dma_start3A_129 = tpu.memref_squeeze %dma_start3A_128 : memref<1x128xi32, #tpu.memory_space<vmem>> -> memref<128xi32, #tpu.memory_space<vmem>>
          %dma_start3A_130 = arith.constant 0 : i32
          %dma_start3A_131 = arith.constant 0 : i32
          %dma_start3A_132 = tpu.memref_slice %arg12[%dma_start3A_130, %dma_start3A_131] : memref<10240x128xf32, #tpu.memory_space<vmem_shared>> -> memref<10240x128xf32, #tpu.memory_space<vmem_shared>>
          tpu.enqueue_indirect_dma source(%arg11 : memref<128x128xf32, #tpu.memory_space<vmem>>) target(%dma_start3A_132 : memref<10240x128xf32, #tpu.memory_space<vmem_shared>>) offsets(%dma_start3A_129 : memref<128xi32, #tpu.memory_space<vmem>>) semaphore(%run_scoped3A : memref<!tpu.dma_semaphore, #tpu.memory_space<semaphore_mem>>) {add = true}
          %dma_wait3A_133 = arith.constant 0 : i32
          %dma_wait3A_134 = tpu.memref_slice %arg9[%add3A_111, %dma_wait3A_133] : memref<40x128xi32, #tpu.memory_space<vmem>> -> memref<1x128xi32, #tpu.memory_space<vmem>>
          %dma_wait3A_135 = tpu.memref_squeeze %dma_wait3A_134 : memref<1x128xi32, #tpu.memory_space<vmem>> -> memref<128xi32, #tpu.memory_space<vmem>>
          %dma_wait3A_136 = arith.constant 0 : i32
          %dma_wait3A_137 = arith.constant 0 : i32
          %dma_wait3A_138 = tpu.memref_slice %arg12[%dma_wait3A_136, %dma_wait3A_137] : memref<10240x128xf32, #tpu.memory_space<vmem_shared>> -> memref<10240x128xf32, #tpu.memory_space<vmem_shared>>
          tpu.wait_indirect_dma semaphore(%run_scoped3A : memref<!tpu.dma_semaphore, #tpu.memory_space<semaphore_mem>>) src(%arg11 : memref<128x128xf32, #tpu.memory_space<vmem>>) dst(%dma_wait3A_138 : memref<10240x128xf32, #tpu.memory_space<vmem_shared>>)
          tpu.yield
        }) : () -> ()
        %add3A_120 = arith.constant 2 : i32
        %add3A_121 = arith.addi %add3A_111, %add3A_120 : i32
        %lt3A_122 = arith.constant 40 : i32
        %lt3A_123 = arith.cmpi slt, %add3A_121, %lt3A_122 : i32
        %convert_element_type3A_124 = arith.extui %lt3A_123 : i1 to i32
        %cond3A_125 = arith.constant 0 : i32
        %cond3A_126 = arith.cmpi ne, %convert_element_type3A_124, %cond3A_125 : i32
        scf.if %cond3A_126 {
          %add3A_127 = arith.constant 40 : i32
          %add3A_128 = arith.addi %add3A_127, %add3A_111 : i32
          %add3A_129 = arith.constant 2 : i32
          %add3A_130 = arith.addi %add3A_128, %add3A_129 : i32
          %dma_start3A_131 = arith.constant 0 : i32
          %dma_start3A_132 = tpu.memref_slice %arg8[%add3A_130, %dma_start3A_131] : memref<80x128xi32, #tpu.memory_space<vmem>> -> memref<1x128xi32, #tpu.memory_space<vmem>>
          %dma_start3A_133 = tpu.memref_squeeze %dma_start3A_132 : memref<1x128xi32, #tpu.memory_space<vmem>> -> memref<128xi32, #tpu.memory_space<vmem>>
          %dma_start3A_134 = arith.constant 0 : i32
          %dma_start3A_135 = arith.constant 0 : i32
          %dma_start3A_136 = tpu.memref_slice %arg2[%dma_start3A_134, %dma_start3A_135] : memref<30000x128xf32, #tpu.memory_space<hbm>> -> memref<30000x128xf32, #tpu.memory_space<hbm>>
          tpu.enqueue_indirect_dma source(%dma_start3A_136 : memref<30000x128xf32, #tpu.memory_space<hbm>>) target(%arg11 : memref<128x128xf32, #tpu.memory_space<vmem>>) offsets(%dma_start3A_133 : memref<128xi32, #tpu.memory_space<vmem>>) semaphore(%arg14 : memref<!tpu.dma_semaphore, #tpu.memory_space<semaphore_mem>>)
        } else {
        }
      }
      %scan3A_65 = arith.constant 20 : i32
      %barrier3A_66 = arith.constant 0 : index
      tpu.barrier barrier_id(%barrier3A_66)
      %add3A_67 = arith.constant 0 : i32
      %add3A_68 = arith.addi %arg1, %add3A_67 : i32
      %mul3A_69 = arith.constant 200 : i32
      %mul3A_70 = arith.muli %add3A_68, %mul3A_69 : i32
      %mul3A_71 = arith.constant 200 : i32
      %mul3A_72 = arith.muli %add3A_68, %mul3A_71 : i32
      "tpu.region"() ({
        %run_scoped3A = tpu.sem_alloc : memref<!tpu.dma_semaphore, #tpu.memory_space<semaphore_mem>>
        %dma_start3A_89 = arith.constant 0 : i32
        %dma_start3A_90 = tpu.memref_slice %arg6[%mul3A_72, %dma_start3A_89] : memref<10000x128xf32, #tpu.memory_space<hbm>> -> memref<200x128xf32, #tpu.memory_space<hbm>>
        %dma_start3A_91 = arith.constant 0 : i32
        %dma_start3A_92 = tpu.memref_slice %arg12[%mul3A_70, %dma_start3A_91] : memref<10240x128xf32, #tpu.memory_space<vmem_shared>> -> memref<200x128xf32, #tpu.memory_space<vmem_shared>>
        tpu.enqueue_dma source(%dma_start3A_92 : memref<200x128xf32, #tpu.memory_space<vmem_shared>>) target(%dma_start3A_90 : memref<200x128xf32, #tpu.memory_space<hbm>>) target_semaphore(%run_scoped3A : memref<!tpu.dma_semaphore, #tpu.memory_space<semaphore_mem>>)
        %dma_wait3A = arith.constant 0 : i32
        %dma_wait3A_93 = tpu.memref_slice %arg6[%mul3A_72, %dma_wait3A] : memref<10000x128xf32, #tpu.memory_space<hbm>> -> memref<200x128xf32, #tpu.memory_space<hbm>>
        %dma_wait3A_94 = arith.constant 0 : i32
        %dma_wait3A_95 = tpu.memref_slice %arg12[%mul3A_70, %dma_wait3A_94] : memref<10240x128xf32, #tpu.memory_space<vmem_shared>> -> memref<200x128xf32, #tpu.memory_space<vmem_shared>>
        tpu.wait_dma2 semaphore(%run_scoped3A : memref<!tpu.dma_semaphore, #tpu.memory_space<semaphore_mem>>) src(%dma_wait3A_95 : memref<200x128xf32, #tpu.memory_space<vmem_shared>>) dst(%dma_wait3A_93 : memref<200x128xf32, #tpu.memory_space<hbm>>)
        tpu.yield
      }) : () -> ()
      %add3A_73 = arith.constant 16 : i32
      %add3A_74 = arith.addi %arg1, %add3A_73 : i32
      %mul3A_75 = arith.constant 200 : i32
      %mul3A_76 = arith.muli %add3A_74, %mul3A_75 : i32
      %mul3A_77 = arith.constant 200 : i32
      %mul3A_78 = arith.muli %add3A_74, %mul3A_77 : i32
      "tpu.region"() ({
        %run_scoped3A = tpu.sem_alloc : memref<!tpu.dma_semaphore, #tpu.memory_space<semaphore_mem>>
        %dma_start3A_89 = arith.constant 0 : i32
        %dma_start3A_90 = tpu.memref_slice %arg6[%mul3A_78, %dma_start3A_89] : memref<10000x128xf32, #tpu.memory_space<hbm>> -> memref<200x128xf32, #tpu.memory_space<hbm>>
        %dma_start3A_91 = arith.constant 0 : i32
        %dma_start3A_92 = tpu.memref_slice %arg12[%mul3A_76, %dma_start3A_91] : memref<10240x128xf32, #tpu.memory_space<vmem_shared>> -> memref<200x128xf32, #tpu.memory_space<vmem_shared>>
        tpu.enqueue_dma source(%dma_start3A_92 : memref<200x128xf32, #tpu.memory_space<vmem_shared>>) target(%dma_start3A_90 : memref<200x128xf32, #tpu.memory_space<hbm>>) target_semaphore(%run_scoped3A : memref<!tpu.dma_semaphore, #tpu.memory_space<semaphore_mem>>)
        %dma_wait3A = arith.constant 0 : i32
        %dma_wait3A_93 = tpu.memref_slice %arg6[%mul3A_78, %dma_wait3A] : memref<10000x128xf32, #tpu.memory_space<hbm>> -> memref<200x128xf32, #tpu.memory_space<hbm>>
        %dma_wait3A_94 = arith.constant 0 : i32
        %dma_wait3A_95 = tpu.memref_slice %arg12[%mul3A_76, %dma_wait3A_94] : memref<10240x128xf32, #tpu.memory_space<vmem_shared>> -> memref<200x128xf32, #tpu.memory_space<vmem_shared>>
        tpu.wait_dma2 semaphore(%run_scoped3A : memref<!tpu.dma_semaphore, #tpu.memory_space<semaphore_mem>>) src(%dma_wait3A_95 : memref<200x128xf32, #tpu.memory_space<vmem_shared>>) dst(%dma_wait3A_93 : memref<200x128xf32, #tpu.memory_space<hbm>>)
        tpu.yield
      }) : () -> ()
      %add3A_79 = arith.constant 32 : i32
      %add3A_80 = arith.addi %arg1, %add3A_79 : i32
      %mul3A_81 = arith.constant 200 : i32
      %mul3A_82 = arith.muli %add3A_80, %mul3A_81 : i32
      %mul3A_83 = arith.constant 200 : i32
      %mul3A_84 = arith.muli %add3A_80, %mul3A_83 : i32
      "tpu.region"() ({
        %run_scoped3A = tpu.sem_alloc : memref<!tpu.dma_semaphore, #tpu.memory_space<semaphore_mem>>
        %dma_start3A_89 = arith.constant 0 : i32
        %dma_start3A_90 = tpu.memref_slice %arg6[%mul3A_84, %dma_start3A_89] : memref<10000x128xf32, #tpu.memory_space<hbm>> -> memref<200x128xf32, #tpu.memory_space<hbm>>
        %dma_start3A_91 = arith.constant 0 : i32
        %dma_start3A_92 = tpu.memref_slice %arg12[%mul3A_82, %dma_start3A_91] : memref<10240x128xf32, #tpu.memory_space<vmem_shared>> -> memref<200x128xf32, #tpu.memory_space<vmem_shared>>
        tpu.enqueue_dma source(%dma_start3A_92 : memref<200x128xf32, #tpu.memory_space<vmem_shared>>) target(%dma_start3A_90 : memref<200x128xf32, #tpu.memory_space<hbm>>) target_semaphore(%run_scoped3A : memref<!tpu.dma_semaphore, #tpu.memory_space<semaphore_mem>>)
        %dma_wait3A = arith.constant 0 : i32
        %dma_wait3A_93 = tpu.memref_slice %arg6[%mul3A_84, %dma_wait3A] : memref<10000x128xf32, #tpu.memory_space<hbm>> -> memref<200x128xf32, #tpu.memory_space<hbm>>
        %dma_wait3A_94 = arith.constant 0 : i32
        %dma_wait3A_95 = tpu.memref_slice %arg12[%mul3A_82, %dma_wait3A_94] : memref<10240x128xf32, #tpu.memory_space<vmem_shared>> -> memref<200x128xf32, #tpu.memory_space<vmem_shared>>
        tpu.wait_dma2 semaphore(%run_scoped3A : memref<!tpu.dma_semaphore, #tpu.memory_space<semaphore_mem>>) src(%dma_wait3A_95 : memref<200x128xf32, #tpu.memory_space<vmem_shared>>) dst(%dma_wait3A_93 : memref<200x128xf32, #tpu.memory_space<hbm>>)
        tpu.yield
      }) : () -> ()
      %lt3A = arith.constant 2 : i32
      %lt3A_85 = arith.cmpi slt, %arg1, %lt3A : i32
      %convert_element_type3A_86 = arith.extui %lt3A_85 : i1 to i32
      %cond3A_87 = arith.constant 0 : i32
      %cond3A_88 = arith.cmpi ne, %convert_element_type3A_86, %cond3A_87 : i32
      scf.if %cond3A_88 {
        %add3A_89 = arith.constant 48 : i32
        %add3A_90 = arith.addi %arg1, %add3A_89 : i32
        %mul3A_91 = arith.constant 200 : i32
        %mul3A_92 = arith.muli %add3A_90, %mul3A_91 : i32
        %mul3A_93 = arith.constant 200 : i32
        %mul3A_94 = arith.muli %add3A_90, %mul3A_93 : i32
        "tpu.region"() ({
          %run_scoped3A = tpu.sem_alloc : memref<!tpu.dma_semaphore, #tpu.memory_space<semaphore_mem>>
          %dma_start3A_95 = arith.constant 0 : i32
          %dma_start3A_96 = tpu.memref_slice %arg6[%mul3A_94, %dma_start3A_95] : memref<10000x128xf32, #tpu.memory_space<hbm>> -> memref<200x128xf32, #tpu.memory_space<hbm>>
          %dma_start3A_97 = arith.constant 0 : i32
          %dma_start3A_98 = tpu.memref_slice %arg12[%mul3A_92, %dma_start3A_97] : memref<10240x128xf32, #tpu.memory_space<vmem_shared>> -> memref<200x128xf32, #tpu.memory_space<vmem_shared>>
          tpu.enqueue_dma source(%dma_start3A_98 : memref<200x128xf32, #tpu.memory_space<vmem_shared>>) target(%dma_start3A_96 : memref<200x128xf32, #tpu.memory_space<hbm>>) target_semaphore(%run_scoped3A : memref<!tpu.dma_semaphore, #tpu.memory_space<semaphore_mem>>)
          %dma_wait3A = arith.constant 0 : i32
          %dma_wait3A_99 = tpu.memref_slice %arg6[%mul3A_94, %dma_wait3A] : memref<10000x128xf32, #tpu.memory_space<hbm>> -> memref<200x128xf32, #tpu.memory_space<hbm>>
          %dma_wait3A_100 = arith.constant 0 : i32
          %dma_wait3A_101 = tpu.memref_slice %arg12[%mul3A_92, %dma_wait3A_100] : memref<10240x128xf32, #tpu.memory_space<vmem_shared>> -> memref<200x128xf32, #tpu.memory_space<vmem_shared>>
          tpu.wait_dma2 semaphore(%run_scoped3A : memref<!tpu.dma_semaphore, #tpu.memory_space<semaphore_mem>>) src(%dma_wait3A_101 : memref<200x128xf32, #tpu.memory_space<vmem_shared>>) dst(%dma_wait3A_99 : memref<200x128xf32, #tpu.memory_space<hbm>>)
          tpu.yield
        }) : () -> ()
      } else {
      }
    } else {
    }
    %eq3A_16 = arith.constant 1 : i32
    %eq3A_17 = arith.cmpi eq, %arg0, %eq3A_16 : i32
    %convert_element_type3A_18 = arith.extui %eq3A_17 : i1 to i32
    %cond3A_19 = arith.constant 0 : i32
    %cond3A_20 = arith.cmpi ne, %convert_element_type3A_18, %cond3A_19 : i32
    scf.if %cond3A_20 {
      %mul3A_21 = arith.constant 2 : i32
      %mul3A_22 = arith.muli %mul3A_21, %arg1 : i32
      %add3A_23 = arith.constant 0 : i32
      %add3A_24 = arith.addi %mul3A_22, %add3A_23 : i32
      "tpu.region"() ({
        %run_scoped3A = tpu.sem_alloc : memref<!tpu.dma_semaphore, #tpu.memory_space<semaphore_mem>>
        %dma_start3A_89 = arith.constant 0 : i32
        %dma_start3A_90 = arith.constant 0 : i32
        %dma_start3A_91 = tpu.memref_slice %arg5[%add3A_24, %dma_start3A_89, %dma_start3A_90] : memref<32x40x128xi32, #tpu.memory_space<hbm>> -> memref<1x40x128xi32, #tpu.memory_space<hbm>>
        %dma_start3A_92 = tpu.memref_squeeze %dma_start3A_91 : memref<1x40x128xi32, #tpu.memory_space<hbm>> -> memref<40x128xi32, #tpu.memory_space<hbm>>
        %dma_start3A_93 = arith.constant 0 : i32
        %dma_start3A_94 = arith.constant 0 : i32
        %dma_start3A_95 = tpu.memref_slice %arg5[%add3A_24, %dma_start3A_93, %dma_start3A_94] : memref<32x40x128xi32, #tpu.memory_space<hbm>> -> memref<1x40x128xi32, #tpu.memory_space<hbm>>
        %dma_start3A_96 = tpu.memref_squeeze %dma_start3A_95 : memref<1x40x128xi32, #tpu.memory_space<hbm>> -> memref<40x128xi32, #tpu.memory_space<hbm>>
        tpu.enqueue_dma source(%dma_start3A_96 : memref<40x128xi32, #tpu.memory_space<hbm>>) target(%arg9 : memref<40x128xi32, #tpu.memory_space<vmem>>) target_semaphore(%run_scoped3A : memref<!tpu.dma_semaphore, #tpu.memory_space<semaphore_mem>>)
        %dma_wait3A = arith.constant 0 : i32
        %dma_wait3A_97 = arith.constant 0 : i32
        %dma_wait3A_98 = tpu.memref_slice %arg5[%add3A_24, %dma_wait3A, %dma_wait3A_97] : memref<32x40x128xi32, #tpu.memory_space<hbm>> -> memref<1x40x128xi32, #tpu.memory_space<hbm>>
        %dma_wait3A_99 = tpu.memref_squeeze %dma_wait3A_98 : memref<1x40x128xi32, #tpu.memory_space<hbm>> -> memref<40x128xi32, #tpu.memory_space<hbm>>
        %dma_wait3A_100 = arith.constant 0 : i32
        %dma_wait3A_101 = arith.constant 0 : i32
        %dma_wait3A_102 = tpu.memref_slice %arg5[%add3A_24, %dma_wait3A_100, %dma_wait3A_101] : memref<32x40x128xi32, #tpu.memory_space<hbm>> -> memref<1x40x128xi32, #tpu.memory_space<hbm>>
        %dma_wait3A_103 = tpu.memref_squeeze %dma_wait3A_102 : memref<1x40x128xi32, #tpu.memory_space<hbm>> -> memref<40x128xi32, #tpu.memory_space<hbm>>
        tpu.wait_dma2 semaphore(%run_scoped3A : memref<!tpu.dma_semaphore, #tpu.memory_space<semaphore_mem>>) src(%dma_wait3A_103 : memref<40x128xi32, #tpu.memory_space<hbm>>) dst(%arg9 : memref<40x128xi32, #tpu.memory_space<vmem>>)
        tpu.yield
      }) : () -> ()
      %dma_start3A = arith.constant 0 : i32
      %dma_start3A_25 = arith.constant 0 : i32
      %dma_start3A_26 = tpu.memref_slice %arg8[%dma_start3A, %dma_start3A_25] : memref<80x128xi32, #tpu.memory_space<vmem>> -> memref<1x128xi32, #tpu.memory_space<vmem>>
      %dma_start3A_27 = tpu.memref_squeeze %dma_start3A_26 : memref<1x128xi32, #tpu.memory_space<vmem>> -> memref<128xi32, #tpu.memory_space<vmem>>
      %dma_start3A_28 = arith.constant 0 : i32
      %dma_start3A_29 = arith.constant 0 : i32
      %dma_start3A_30 = tpu.memref_slice %arg3[%dma_start3A_28, %dma_start3A_29] : memref<30000x128xf32, #tpu.memory_space<hbm>> -> memref<30000x128xf32, #tpu.memory_space<hbm>>
      tpu.enqueue_indirect_dma source(%dma_start3A_30 : memref<30000x128xf32, #tpu.memory_space<hbm>>) target(%arg10 : memref<128x128xf32, #tpu.memory_space<vmem>>) offsets(%dma_start3A_27 : memref<128xi32, #tpu.memory_space<vmem>>) semaphore(%arg13 : memref<!tpu.dma_semaphore, #tpu.memory_space<semaphore_mem>>)
      %dma_start3A_31 = arith.constant 1 : i32
      %dma_start3A_32 = arith.constant 0 : i32
      %dma_start3A_33 = tpu.memref_slice %arg8[%dma_start3A_31, %dma_start3A_32] : memref<80x128xi32, #tpu.memory_space<vmem>> -> memref<1x128xi32, #tpu.memory_space<vmem>>
      %dma_start3A_34 = tpu.memref_squeeze %dma_start3A_33 : memref<1x128xi32, #tpu.memory_space<vmem>> -> memref<128xi32, #tpu.memory_space<vmem>>
      %dma_start3A_35 = arith.constant 0 : i32
      %dma_start3A_36 = arith.constant 0 : i32
      %dma_start3A_37 = tpu.memref_slice %arg3[%dma_start3A_35, %dma_start3A_36] : memref<30000x128xf32, #tpu.memory_space<hbm>> -> memref<30000x128xf32, #tpu.memory_space<hbm>>
      tpu.enqueue_indirect_dma source(%dma_start3A_37 : memref<30000x128xf32, #tpu.memory_space<hbm>>) target(%arg11 : memref<128x128xf32, #tpu.memory_space<vmem>>) offsets(%dma_start3A_34 : memref<128xi32, #tpu.memory_space<vmem>>) semaphore(%arg14 : memref<!tpu.dma_semaphore, #tpu.memory_space<semaphore_mem>>)
      %scan3A_38 = arith.constant 0 : i32
      %scan3A_39 = arith.constant 20 : i32
      %scan3A_40 = arith.addi %scan3A_38, %scan3A_39 : i32
      %scan3A_41 = arith.constant 1 : i32
      scf.for %scan3A_89 = %scan3A_38 to %scan3A_40 step %scan3A_41  : i32 {
        %mul3A_90 = arith.constant 2 : i32
        %mul3A_91 = arith.muli %scan3A_89, %mul3A_90 : i32
        %add3A_92 = arith.constant 0 : i32
        %add3A_93 = arith.addi %add3A_92, %mul3A_91 : i32
        %add3A_94 = arith.constant 0 : i32
        %add3A_95 = arith.addi %add3A_93, %add3A_94 : i32
        %add3A_96 = arith.constant 0 : i32
        %add3A_97 = arith.addi %add3A_96, %add3A_95 : i32
        %dma_wait3A = arith.constant 0 : i32
        %dma_wait3A_98 = tpu.memref_slice %arg8[%add3A_97, %dma_wait3A] : memref<80x128xi32, #tpu.memory_space<vmem>> -> memref<1x128xi32, #tpu.memory_space<vmem>>
        %dma_wait3A_99 = tpu.memref_squeeze %dma_wait3A_98 : memref<1x128xi32, #tpu.memory_space<vmem>> -> memref<128xi32, #tpu.memory_space<vmem>>
        %dma_wait3A_100 = arith.constant 0 : i32
        %dma_wait3A_101 = arith.constant 0 : i32
        %dma_wait3A_102 = tpu.memref_slice %arg3[%dma_wait3A_100, %dma_wait3A_101] : memref<30000x128xf32, #tpu.memory_space<hbm>> -> memref<30000x128xf32, #tpu.memory_space<hbm>>
        tpu.wait_indirect_dma semaphore(%arg13 : memref<!tpu.dma_semaphore, #tpu.memory_space<semaphore_mem>>) src(%dma_wait3A_102 : memref<30000x128xf32, #tpu.memory_space<hbm>>) dst(%arg10 : memref<128x128xf32, #tpu.memory_space<vmem>>)
        "tpu.region"() ({
          %run_scoped3A = tpu.sem_alloc : memref<!tpu.dma_semaphore, #tpu.memory_space<semaphore_mem>>
          %dma_start3A_127 = arith.constant 0 : i32
          %dma_start3A_128 = tpu.memref_slice %arg9[%add3A_95, %dma_start3A_127] : memref<40x128xi32, #tpu.memory_space<vmem>> -> memref<1x128xi32, #tpu.memory_space<vmem>>
          %dma_start3A_129 = tpu.memref_squeeze %dma_start3A_128 : memref<1x128xi32, #tpu.memory_space<vmem>> -> memref<128xi32, #tpu.memory_space<vmem>>
          %dma_start3A_130 = arith.constant 0 : i32
          %dma_start3A_131 = arith.constant 0 : i32
          %dma_start3A_132 = tpu.memref_slice %arg12[%dma_start3A_130, %dma_start3A_131] : memref<10240x128xf32, #tpu.memory_space<vmem_shared>> -> memref<10240x128xf32, #tpu.memory_space<vmem_shared>>
          tpu.enqueue_indirect_dma source(%arg10 : memref<128x128xf32, #tpu.memory_space<vmem>>) target(%dma_start3A_132 : memref<10240x128xf32, #tpu.memory_space<vmem_shared>>) offsets(%dma_start3A_129 : memref<128xi32, #tpu.memory_space<vmem>>) semaphore(%run_scoped3A : memref<!tpu.dma_semaphore, #tpu.memory_space<semaphore_mem>>) {add = true}
          %dma_wait3A_133 = arith.constant 0 : i32
          %dma_wait3A_134 = tpu.memref_slice %arg9[%add3A_95, %dma_wait3A_133] : memref<40x128xi32, #tpu.memory_space<vmem>> -> memref<1x128xi32, #tpu.memory_space<vmem>>
          %dma_wait3A_135 = tpu.memref_squeeze %dma_wait3A_134 : memref<1x128xi32, #tpu.memory_space<vmem>> -> memref<128xi32, #tpu.memory_space<vmem>>
          %dma_wait3A_136 = arith.constant 0 : i32
          %dma_wait3A_137 = arith.constant 0 : i32
          %dma_wait3A_138 = tpu.memref_slice %arg12[%dma_wait3A_136, %dma_wait3A_137] : memref<10240x128xf32, #tpu.memory_space<vmem_shared>> -> memref<10240x128xf32, #tpu.memory_space<vmem_shared>>
          tpu.wait_indirect_dma semaphore(%run_scoped3A : memref<!tpu.dma_semaphore, #tpu.memory_space<semaphore_mem>>) src(%arg10 : memref<128x128xf32, #tpu.memory_space<vmem>>) dst(%dma_wait3A_138 : memref<10240x128xf32, #tpu.memory_space<vmem_shared>>)
          tpu.yield
        }) : () -> ()
        %add3A_103 = arith.constant 2 : i32
        %add3A_104 = arith.addi %add3A_95, %add3A_103 : i32
        %lt3A_105 = arith.constant 40 : i32
        %lt3A_106 = arith.cmpi slt, %add3A_104, %lt3A_105 : i32
        %convert_element_type3A_107 = arith.extui %lt3A_106 : i1 to i32
        %cond3A_108 = arith.constant 0 : i32
        %cond3A_109 = arith.cmpi ne, %convert_element_type3A_107, %cond3A_108 : i32
        scf.if %cond3A_109 {
          %add3A_127 = arith.constant 0 : i32
          %add3A_128 = arith.addi %add3A_127, %add3A_95 : i32
          %add3A_129 = arith.constant 2 : i32
          %add3A_130 = arith.addi %add3A_128, %add3A_129 : i32
          %dma_start3A_131 = arith.constant 0 : i32
          %dma_start3A_132 = tpu.memref_slice %arg8[%add3A_130, %dma_start3A_131] : memref<80x128xi32, #tpu.memory_space<vmem>> -> memref<1x128xi32, #tpu.memory_space<vmem>>
          %dma_start3A_133 = tpu.memref_squeeze %dma_start3A_132 : memref<1x128xi32, #tpu.memory_space<vmem>> -> memref<128xi32, #tpu.memory_space<vmem>>
          %dma_start3A_134 = arith.constant 0 : i32
          %dma_start3A_135 = arith.constant 0 : i32
          %dma_start3A_136 = tpu.memref_slice %arg3[%dma_start3A_134, %dma_start3A_135] : memref<30000x128xf32, #tpu.memory_space<hbm>> -> memref<30000x128xf32, #tpu.memory_space<hbm>>
          tpu.enqueue_indirect_dma source(%dma_start3A_136 : memref<30000x128xf32, #tpu.memory_space<hbm>>) target(%arg10 : memref<128x128xf32, #tpu.memory_space<vmem>>) offsets(%dma_start3A_133 : memref<128xi32, #tpu.memory_space<vmem>>) semaphore(%arg13 : memref<!tpu.dma_semaphore, #tpu.memory_space<semaphore_mem>>)
        } else {
        }
        %add3A_110 = arith.constant 1 : i32
        %add3A_111 = arith.addi %add3A_93, %add3A_110 : i32
        %add3A_112 = arith.constant 0 : i32
        %add3A_113 = arith.addi %add3A_112, %add3A_111 : i32
        %dma_wait3A_114 = arith.constant 0 : i32
        %dma_wait3A_115 = tpu.memref_slice %arg8[%add3A_113, %dma_wait3A_114] : memref<80x128xi32, #tpu.memory_space<vmem>> -> memref<1x128xi32, #tpu.memory_space<vmem>>
        %dma_wait3A_116 = tpu.memref_squeeze %dma_wait3A_115 : memref<1x128xi32, #tpu.memory_space<vmem>> -> memref<128xi32, #tpu.memory_space<vmem>>
        %dma_wait3A_117 = arith.constant 0 : i32
        %dma_wait3A_118 = arith.constant 0 : i32
        %dma_wait3A_119 = tpu.memref_slice %arg3[%dma_wait3A_117, %dma_wait3A_118] : memref<30000x128xf32, #tpu.memory_space<hbm>> -> memref<30000x128xf32, #tpu.memory_space<hbm>>
        tpu.wait_indirect_dma semaphore(%arg14 : memref<!tpu.dma_semaphore, #tpu.memory_space<semaphore_mem>>) src(%dma_wait3A_119 : memref<30000x128xf32, #tpu.memory_space<hbm>>) dst(%arg11 : memref<128x128xf32, #tpu.memory_space<vmem>>)
        "tpu.region"() ({
          %run_scoped3A = tpu.sem_alloc : memref<!tpu.dma_semaphore, #tpu.memory_space<semaphore_mem>>
          %dma_start3A_127 = arith.constant 0 : i32
          %dma_start3A_128 = tpu.memref_slice %arg9[%add3A_111, %dma_start3A_127] : memref<40x128xi32, #tpu.memory_space<vmem>> -> memref<1x128xi32, #tpu.memory_space<vmem>>
          %dma_start3A_129 = tpu.memref_squeeze %dma_start3A_128 : memref<1x128xi32, #tpu.memory_space<vmem>> -> memref<128xi32, #tpu.memory_space<vmem>>
          %dma_start3A_130 = arith.constant 0 : i32
          %dma_start3A_131 = arith.constant 0 : i32
          %dma_start3A_132 = tpu.memref_slice %arg12[%dma_start3A_130, %dma_start3A_131] : memref<10240x128xf32, #tpu.memory_space<vmem_shared>> -> memref<10240x128xf32, #tpu.memory_space<vmem_shared>>
          tpu.enqueue_indirect_dma source(%arg11 : memref<128x128xf32, #tpu.memory_space<vmem>>) target(%dma_start3A_132 : memref<10240x128xf32, #tpu.memory_space<vmem_shared>>) offsets(%dma_start3A_129 : memref<128xi32, #tpu.memory_space<vmem>>) semaphore(%run_scoped3A : memref<!tpu.dma_semaphore, #tpu.memory_space<semaphore_mem>>) {add = true}
          %dma_wait3A_133 = arith.constant 0 : i32
          %dma_wait3A_134 = tpu.memref_slice %arg9[%add3A_111, %dma_wait3A_133] : memref<40x128xi32, #tpu.memory_space<vmem>> -> memref<1x128xi32, #tpu.memory_space<vmem>>
          %dma_wait3A_135 = tpu.memref_squeeze %dma_wait3A_134 : memref<1x128xi32, #tpu.memory_space<vmem>> -> memref<128xi32, #tpu.memory_space<vmem>>
          %dma_wait3A_136 = arith.constant 0 : i32
          %dma_wait3A_137 = arith.constant 0 : i32
          %dma_wait3A_138 = tpu.memref_slice %arg12[%dma_wait3A_136, %dma_wait3A_137] : memref<10240x128xf32, #tpu.memory_space<vmem_shared>> -> memref<10240x128xf32, #tpu.memory_space<vmem_shared>>
          tpu.wait_indirect_dma semaphore(%run_scoped3A : memref<!tpu.dma_semaphore, #tpu.memory_space<semaphore_mem>>) src(%arg11 : memref<128x128xf32, #tpu.memory_space<vmem>>) dst(%dma_wait3A_138 : memref<10240x128xf32, #tpu.memory_space<vmem_shared>>)
          tpu.yield
        }) : () -> ()
        %add3A_120 = arith.constant 2 : i32
        %add3A_121 = arith.addi %add3A_111, %add3A_120 : i32
        %lt3A_122 = arith.constant 40 : i32
        %lt3A_123 = arith.cmpi slt, %add3A_121, %lt3A_122 : i32
        %convert_element_type3A_124 = arith.extui %lt3A_123 : i1 to i32
        %cond3A_125 = arith.constant 0 : i32
        %cond3A_126 = arith.cmpi ne, %convert_element_type3A_124, %cond3A_125 : i32
        scf.if %cond3A_126 {
          %add3A_127 = arith.constant 0 : i32
          %add3A_128 = arith.addi %add3A_127, %add3A_111 : i32
          %add3A_129 = arith.constant 2 : i32
          %add3A_130 = arith.addi %add3A_128, %add3A_129 : i32
          %dma_start3A_131 = arith.constant 0 : i32
          %dma_start3A_132 = tpu.memref_slice %arg8[%add3A_130, %dma_start3A_131] : memref<80x128xi32, #tpu.memory_space<vmem>> -> memref<1x128xi32, #tpu.memory_space<vmem>>
          %dma_start3A_133 = tpu.memref_squeeze %dma_start3A_132 : memref<1x128xi32, #tpu.memory_space<vmem>> -> memref<128xi32, #tpu.memory_space<vmem>>
          %dma_start3A_134 = arith.constant 0 : i32
          %dma_start3A_135 = arith.constant 0 : i32
          %dma_start3A_136 = tpu.memref_slice %arg3[%dma_start3A_134, %dma_start3A_135] : memref<30000x128xf32, #tpu.memory_space<hbm>> -> memref<30000x128xf32, #tpu.memory_space<hbm>>
          tpu.enqueue_indirect_dma source(%dma_start3A_136 : memref<30000x128xf32, #tpu.memory_space<hbm>>) target(%arg11 : memref<128x128xf32, #tpu.memory_space<vmem>>) offsets(%dma_start3A_133 : memref<128xi32, #tpu.memory_space<vmem>>) semaphore(%arg14 : memref<!tpu.dma_semaphore, #tpu.memory_space<semaphore_mem>>)
        } else {
        }
      }
      %scan3A_42 = arith.constant 20 : i32
      %mul3A_43 = arith.constant 2 : i32
      %mul3A_44 = arith.muli %mul3A_43, %arg1 : i32
      %add3A_45 = arith.constant 1 : i32
      %add3A_46 = arith.addi %mul3A_44, %add3A_45 : i32
      "tpu.region"() ({
        %run_scoped3A = tpu.sem_alloc : memref<!tpu.dma_semaphore, #tpu.memory_space<semaphore_mem>>
        %dma_start3A_89 = arith.constant 0 : i32
        %dma_start3A_90 = arith.constant 0 : i32
        %dma_start3A_91 = tpu.memref_slice %arg5[%add3A_46, %dma_start3A_89, %dma_start3A_90] : memref<32x40x128xi32, #tpu.memory_space<hbm>> -> memref<1x40x128xi32, #tpu.memory_space<hbm>>
        %dma_start3A_92 = tpu.memref_squeeze %dma_start3A_91 : memref<1x40x128xi32, #tpu.memory_space<hbm>> -> memref<40x128xi32, #tpu.memory_space<hbm>>
        %dma_start3A_93 = arith.constant 0 : i32
        %dma_start3A_94 = arith.constant 0 : i32
        %dma_start3A_95 = tpu.memref_slice %arg5[%add3A_46, %dma_start3A_93, %dma_start3A_94] : memref<32x40x128xi32, #tpu.memory_space<hbm>> -> memref<1x40x128xi32, #tpu.memory_space<hbm>>
        %dma_start3A_96 = tpu.memref_squeeze %dma_start3A_95 : memref<1x40x128xi32, #tpu.memory_space<hbm>> -> memref<40x128xi32, #tpu.memory_space<hbm>>
        tpu.enqueue_dma source(%dma_start3A_96 : memref<40x128xi32, #tpu.memory_space<hbm>>) target(%arg9 : memref<40x128xi32, #tpu.memory_space<vmem>>) target_semaphore(%run_scoped3A : memref<!tpu.dma_semaphore, #tpu.memory_space<semaphore_mem>>)
        %dma_wait3A = arith.constant 0 : i32
        %dma_wait3A_97 = arith.constant 0 : i32
        %dma_wait3A_98 = tpu.memref_slice %arg5[%add3A_46, %dma_wait3A, %dma_wait3A_97] : memref<32x40x128xi32, #tpu.memory_space<hbm>> -> memref<1x40x128xi32, #tpu.memory_space<hbm>>
        %dma_wait3A_99 = tpu.memref_squeeze %dma_wait3A_98 : memref<1x40x128xi32, #tpu.memory_space<hbm>> -> memref<40x128xi32, #tpu.memory_space<hbm>>
        %dma_wait3A_100 = arith.constant 0 : i32
        %dma_wait3A_101 = arith.constant 0 : i32
        %dma_wait3A_102 = tpu.memref_slice %arg5[%add3A_46, %dma_wait3A_100, %dma_wait3A_101] : memref<32x40x128xi32, #tpu.memory_space<hbm>> -> memref<1x40x128xi32, #tpu.memory_space<hbm>>
        %dma_wait3A_103 = tpu.memref_squeeze %dma_wait3A_102 : memref<1x40x128xi32, #tpu.memory_space<hbm>> -> memref<40x128xi32, #tpu.memory_space<hbm>>
        tpu.wait_dma2 semaphore(%run_scoped3A : memref<!tpu.dma_semaphore, #tpu.memory_space<semaphore_mem>>) src(%dma_wait3A_103 : memref<40x128xi32, #tpu.memory_space<hbm>>) dst(%arg9 : memref<40x128xi32, #tpu.memory_space<vmem>>)
        tpu.yield
      }) : () -> ()
      %dma_start3A_47 = arith.constant 40 : i32
      %dma_start3A_48 = arith.constant 0 : i32
      %dma_start3A_49 = tpu.memref_slice %arg8[%dma_start3A_47, %dma_start3A_48] : memref<80x128xi32, #tpu.memory_space<vmem>> -> memref<1x128xi32, #tpu.memory_space<vmem>>
      %dma_start3A_50 = tpu.memref_squeeze %dma_start3A_49 : memref<1x128xi32, #tpu.memory_space<vmem>> -> memref<128xi32, #tpu.memory_space<vmem>>
      %dma_start3A_51 = arith.constant 0 : i32
      %dma_start3A_52 = arith.constant 0 : i32
      %dma_start3A_53 = tpu.memref_slice %arg3[%dma_start3A_51, %dma_start3A_52] : memref<30000x128xf32, #tpu.memory_space<hbm>> -> memref<30000x128xf32, #tpu.memory_space<hbm>>
      tpu.enqueue_indirect_dma source(%dma_start3A_53 : memref<30000x128xf32, #tpu.memory_space<hbm>>) target(%arg10 : memref<128x128xf32, #tpu.memory_space<vmem>>) offsets(%dma_start3A_50 : memref<128xi32, #tpu.memory_space<vmem>>) semaphore(%arg13 : memref<!tpu.dma_semaphore, #tpu.memory_space<semaphore_mem>>)
      %dma_start3A_54 = arith.constant 41 : i32
      %dma_start3A_55 = arith.constant 0 : i32
      %dma_start3A_56 = tpu.memref_slice %arg8[%dma_start3A_54, %dma_start3A_55] : memref<80x128xi32, #tpu.memory_space<vmem>> -> memref<1x128xi32, #tpu.memory_space<vmem>>
      %dma_start3A_57 = tpu.memref_squeeze %dma_start3A_56 : memref<1x128xi32, #tpu.memory_space<vmem>> -> memref<128xi32, #tpu.memory_space<vmem>>
      %dma_start3A_58 = arith.constant 0 : i32
      %dma_start3A_59 = arith.constant 0 : i32
      %dma_start3A_60 = tpu.memref_slice %arg3[%dma_start3A_58, %dma_start3A_59] : memref<30000x128xf32, #tpu.memory_space<hbm>> -> memref<30000x128xf32, #tpu.memory_space<hbm>>
      tpu.enqueue_indirect_dma source(%dma_start3A_60 : memref<30000x128xf32, #tpu.memory_space<hbm>>) target(%arg11 : memref<128x128xf32, #tpu.memory_space<vmem>>) offsets(%dma_start3A_57 : memref<128xi32, #tpu.memory_space<vmem>>) semaphore(%arg14 : memref<!tpu.dma_semaphore, #tpu.memory_space<semaphore_mem>>)
      %scan3A_61 = arith.constant 0 : i32
      %scan3A_62 = arith.constant 20 : i32
      %scan3A_63 = arith.addi %scan3A_61, %scan3A_62 : i32
      %scan3A_64 = arith.constant 1 : i32
      scf.for %scan3A_89 = %scan3A_61 to %scan3A_63 step %scan3A_64  : i32 {
        %mul3A_90 = arith.constant 2 : i32
        %mul3A_91 = arith.muli %scan3A_89, %mul3A_90 : i32
        %add3A_92 = arith.constant 0 : i32
        %add3A_93 = arith.addi %add3A_92, %mul3A_91 : i32
        %add3A_94 = arith.constant 0 : i32
        %add3A_95 = arith.addi %add3A_93, %add3A_94 : i32
        %add3A_96 = arith.constant 40 : i32
        %add3A_97 = arith.addi %add3A_96, %add3A_95 : i32
        %dma_wait3A = arith.constant 0 : i32
        %dma_wait3A_98 = tpu.memref_slice %arg8[%add3A_97, %dma_wait3A] : memref<80x128xi32, #tpu.memory_space<vmem>> -> memref<1x128xi32, #tpu.memory_space<vmem>>
        %dma_wait3A_99 = tpu.memref_squeeze %dma_wait3A_98 : memref<1x128xi32, #tpu.memory_space<vmem>> -> memref<128xi32, #tpu.memory_space<vmem>>
        %dma_wait3A_100 = arith.constant 0 : i32
        %dma_wait3A_101 = arith.constant 0 : i32
        %dma_wait3A_102 = tpu.memref_slice %arg3[%dma_wait3A_100, %dma_wait3A_101] : memref<30000x128xf32, #tpu.memory_space<hbm>> -> memref<30000x128xf32, #tpu.memory_space<hbm>>
        tpu.wait_indirect_dma semaphore(%arg13 : memref<!tpu.dma_semaphore, #tpu.memory_space<semaphore_mem>>) src(%dma_wait3A_102 : memref<30000x128xf32, #tpu.memory_space<hbm>>) dst(%arg10 : memref<128x128xf32, #tpu.memory_space<vmem>>)
        "tpu.region"() ({
          %run_scoped3A = tpu.sem_alloc : memref<!tpu.dma_semaphore, #tpu.memory_space<semaphore_mem>>
          %dma_start3A_127 = arith.constant 0 : i32
          %dma_start3A_128 = tpu.memref_slice %arg9[%add3A_95, %dma_start3A_127] : memref<40x128xi32, #tpu.memory_space<vmem>> -> memref<1x128xi32, #tpu.memory_space<vmem>>
          %dma_start3A_129 = tpu.memref_squeeze %dma_start3A_128 : memref<1x128xi32, #tpu.memory_space<vmem>> -> memref<128xi32, #tpu.memory_space<vmem>>
          %dma_start3A_130 = arith.constant 0 : i32
          %dma_start3A_131 = arith.constant 0 : i32
          %dma_start3A_132 = tpu.memref_slice %arg12[%dma_start3A_130, %dma_start3A_131] : memref<10240x128xf32, #tpu.memory_space<vmem_shared>> -> memref<10240x128xf32, #tpu.memory_space<vmem_shared>>
          tpu.enqueue_indirect_dma source(%arg10 : memref<128x128xf32, #tpu.memory_space<vmem>>) target(%dma_start3A_132 : memref<10240x128xf32, #tpu.memory_space<vmem_shared>>) offsets(%dma_start3A_129 : memref<128xi32, #tpu.memory_space<vmem>>) semaphore(%run_scoped3A : memref<!tpu.dma_semaphore, #tpu.memory_space<semaphore_mem>>) {add = true}
          %dma_wait3A_133 = arith.constant 0 : i32
          %dma_wait3A_134 = tpu.memref_slice %arg9[%add3A_95, %dma_wait3A_133] : memref<40x128xi32, #tpu.memory_space<vmem>> -> memref<1x128xi32, #tpu.memory_space<vmem>>
          %dma_wait3A_135 = tpu.memref_squeeze %dma_wait3A_134 : memref<1x128xi32, #tpu.memory_space<vmem>> -> memref<128xi32, #tpu.memory_space<vmem>>
          %dma_wait3A_136 = arith.constant 0 : i32
          %dma_wait3A_137 = arith.constant 0 : i32
          %dma_wait3A_138 = tpu.memref_slice %arg12[%dma_wait3A_136, %dma_wait3A_137] : memref<10240x128xf32, #tpu.memory_space<vmem_shared>> -> memref<10240x128xf32, #tpu.memory_space<vmem_shared>>
          tpu.wait_indirect_dma semaphore(%run_scoped3A : memref<!tpu.dma_semaphore, #tpu.memory_space<semaphore_mem>>) src(%arg10 : memref<128x128xf32, #tpu.memory_space<vmem>>) dst(%dma_wait3A_138 : memref<10240x128xf32, #tpu.memory_space<vmem_shared>>)
          tpu.yield
        }) : () -> ()
        %add3A_103 = arith.constant 2 : i32
        %add3A_104 = arith.addi %add3A_95, %add3A_103 : i32
        %lt3A_105 = arith.constant 40 : i32
        %lt3A_106 = arith.cmpi slt, %add3A_104, %lt3A_105 : i32
        %convert_element_type3A_107 = arith.extui %lt3A_106 : i1 to i32
        %cond3A_108 = arith.constant 0 : i32
        %cond3A_109 = arith.cmpi ne, %convert_element_type3A_107, %cond3A_108 : i32
        scf.if %cond3A_109 {
          %add3A_127 = arith.constant 40 : i32
          %add3A_128 = arith.addi %add3A_127, %add3A_95 : i32
          %add3A_129 = arith.constant 2 : i32
          %add3A_130 = arith.addi %add3A_128, %add3A_129 : i32
          %dma_start3A_131 = arith.constant 0 : i32
          %dma_start3A_132 = tpu.memref_slice %arg8[%add3A_130, %dma_start3A_131] : memref<80x128xi32, #tpu.memory_space<vmem>> -> memref<1x128xi32, #tpu.memory_space<vmem>>
          %dma_start3A_133 = tpu.memref_squeeze %dma_start3A_132 : memref<1x128xi32, #tpu.memory_space<vmem>> -> memref<128xi32, #tpu.memory_space<vmem>>
          %dma_start3A_134 = arith.constant 0 : i32
          %dma_start3A_135 = arith.constant 0 : i32
          %dma_start3A_136 = tpu.memref_slice %arg3[%dma_start3A_134, %dma_start3A_135] : memref<30000x128xf32, #tpu.memory_space<hbm>> -> memref<30000x128xf32, #tpu.memory_space<hbm>>
          tpu.enqueue_indirect_dma source(%dma_start3A_136 : memref<30000x128xf32, #tpu.memory_space<hbm>>) target(%arg10 : memref<128x128xf32, #tpu.memory_space<vmem>>) offsets(%dma_start3A_133 : memref<128xi32, #tpu.memory_space<vmem>>) semaphore(%arg13 : memref<!tpu.dma_semaphore, #tpu.memory_space<semaphore_mem>>)
        } else {
        }
        %add3A_110 = arith.constant 1 : i32
        %add3A_111 = arith.addi %add3A_93, %add3A_110 : i32
        %add3A_112 = arith.constant 40 : i32
        %add3A_113 = arith.addi %add3A_112, %add3A_111 : i32
        %dma_wait3A_114 = arith.constant 0 : i32
        %dma_wait3A_115 = tpu.memref_slice %arg8[%add3A_113, %dma_wait3A_114] : memref<80x128xi32, #tpu.memory_space<vmem>> -> memref<1x128xi32, #tpu.memory_space<vmem>>
        %dma_wait3A_116 = tpu.memref_squeeze %dma_wait3A_115 : memref<1x128xi32, #tpu.memory_space<vmem>> -> memref<128xi32, #tpu.memory_space<vmem>>
        %dma_wait3A_117 = arith.constant 0 : i32
        %dma_wait3A_118 = arith.constant 0 : i32
        %dma_wait3A_119 = tpu.memref_slice %arg3[%dma_wait3A_117, %dma_wait3A_118] : memref<30000x128xf32, #tpu.memory_space<hbm>> -> memref<30000x128xf32, #tpu.memory_space<hbm>>
        tpu.wait_indirect_dma semaphore(%arg14 : memref<!tpu.dma_semaphore, #tpu.memory_space<semaphore_mem>>) src(%dma_wait3A_119 : memref<30000x128xf32, #tpu.memory_space<hbm>>) dst(%arg11 : memref<128x128xf32, #tpu.memory_space<vmem>>)
        "tpu.region"() ({
          %run_scoped3A = tpu.sem_alloc : memref<!tpu.dma_semaphore, #tpu.memory_space<semaphore_mem>>
          %dma_start3A_127 = arith.constant 0 : i32
          %dma_start3A_128 = tpu.memref_slice %arg9[%add3A_111, %dma_start3A_127] : memref<40x128xi32, #tpu.memory_space<vmem>> -> memref<1x128xi32, #tpu.memory_space<vmem>>
          %dma_start3A_129 = tpu.memref_squeeze %dma_start3A_128 : memref<1x128xi32, #tpu.memory_space<vmem>> -> memref<128xi32, #tpu.memory_space<vmem>>
          %dma_start3A_130 = arith.constant 0 : i32
          %dma_start3A_131 = arith.constant 0 : i32
          %dma_start3A_132 = tpu.memref_slice %arg12[%dma_start3A_130, %dma_start3A_131] : memref<10240x128xf32, #tpu.memory_space<vmem_shared>> -> memref<10240x128xf32, #tpu.memory_space<vmem_shared>>
          tpu.enqueue_indirect_dma source(%arg11 : memref<128x128xf32, #tpu.memory_space<vmem>>) target(%dma_start3A_132 : memref<10240x128xf32, #tpu.memory_space<vmem_shared>>) offsets(%dma_start3A_129 : memref<128xi32, #tpu.memory_space<vmem>>) semaphore(%run_scoped3A : memref<!tpu.dma_semaphore, #tpu.memory_space<semaphore_mem>>) {add = true}
          %dma_wait3A_133 = arith.constant 0 : i32
          %dma_wait3A_134 = tpu.memref_slice %arg9[%add3A_111, %dma_wait3A_133] : memref<40x128xi32, #tpu.memory_space<vmem>> -> memref<1x128xi32, #tpu.memory_space<vmem>>
          %dma_wait3A_135 = tpu.memref_squeeze %dma_wait3A_134 : memref<1x128xi32, #tpu.memory_space<vmem>> -> memref<128xi32, #tpu.memory_space<vmem>>
          %dma_wait3A_136 = arith.constant 0 : i32
          %dma_wait3A_137 = arith.constant 0 : i32
          %dma_wait3A_138 = tpu.memref_slice %arg12[%dma_wait3A_136, %dma_wait3A_137] : memref<10240x128xf32, #tpu.memory_space<vmem_shared>> -> memref<10240x128xf32, #tpu.memory_space<vmem_shared>>
          tpu.wait_indirect_dma semaphore(%run_scoped3A : memref<!tpu.dma_semaphore, #tpu.memory_space<semaphore_mem>>) src(%arg11 : memref<128x128xf32, #tpu.memory_space<vmem>>) dst(%dma_wait3A_138 : memref<10240x128xf32, #tpu.memory_space<vmem_shared>>)
          tpu.yield
        }) : () -> ()
        %add3A_120 = arith.constant 2 : i32
        %add3A_121 = arith.addi %add3A_111, %add3A_120 : i32
        %lt3A_122 = arith.constant 40 : i32
        %lt3A_123 = arith.cmpi slt, %add3A_121, %lt3A_122 : i32
        %convert_element_type3A_124 = arith.extui %lt3A_123 : i1 to i32
        %cond3A_125 = arith.constant 0 : i32
        %cond3A_126 = arith.cmpi ne, %convert_element_type3A_124, %cond3A_125 : i32
        scf.if %cond3A_126 {
          %add3A_127 = arith.constant 40 : i32
          %add3A_128 = arith.addi %add3A_127, %add3A_111 : i32
          %add3A_129 = arith.constant 2 : i32
          %add3A_130 = arith.addi %add3A_128, %add3A_129 : i32
          %dma_start3A_131 = arith.constant 0 : i32
          %dma_start3A_132 = tpu.memref_slice %arg8[%add3A_130, %dma_start3A_131] : memref<80x128xi32, #tpu.memory_space<vmem>> -> memref<1x128xi32, #tpu.memory_space<vmem>>
          %dma_start3A_133 = tpu.memref_squeeze %dma_start3A_132 : memref<1x128xi32, #tpu.memory_space<vmem>> -> memref<128xi32, #tpu.memory_space<vmem>>
          %dma_start3A_134 = arith.constant 0 : i32
          %dma_start3A_135 = arith.constant 0 : i32
          %dma_start3A_136 = tpu.memref_slice %arg3[%dma_start3A_134, %dma_start3A_135] : memref<30000x128xf32, #tpu.memory_space<hbm>> -> memref<30000x128xf32, #tpu.memory_space<hbm>>
          tpu.enqueue_indirect_dma source(%dma_start3A_136 : memref<30000x128xf32, #tpu.memory_space<hbm>>) target(%arg11 : memref<128x128xf32, #tpu.memory_space<vmem>>) offsets(%dma_start3A_133 : memref<128xi32, #tpu.memory_space<vmem>>) semaphore(%arg14 : memref<!tpu.dma_semaphore, #tpu.memory_space<semaphore_mem>>)
        } else {
        }
      }
      %scan3A_65 = arith.constant 20 : i32
      %barrier3A_66 = arith.constant 0 : index
      tpu.barrier barrier_id(%barrier3A_66)
      %add3A_67 = arith.constant 0 : i32
      %add3A_68 = arith.addi %arg1, %add3A_67 : i32
      %mul3A_69 = arith.constant 200 : i32
      %mul3A_70 = arith.muli %add3A_68, %mul3A_69 : i32
      %mul3A_71 = arith.constant 200 : i32
      %mul3A_72 = arith.muli %add3A_68, %mul3A_71 : i32
      "tpu.region"() ({
        %run_scoped3A = tpu.sem_alloc : memref<!tpu.dma_semaphore, #tpu.memory_space<semaphore_mem>>
        %dma_start3A_89 = arith.constant 0 : i32
        %dma_start3A_90 = tpu.memref_slice %arg7[%mul3A_72, %dma_start3A_89] : memref<10000x128xf32, #tpu.memory_space<hbm>> -> memref<200x128xf32, #tpu.memory_space<hbm>>
        %dma_start3A_91 = arith.constant 0 : i32
        %dma_start3A_92 = tpu.memref_slice %arg12[%mul3A_70, %dma_start3A_91] : memref<10240x128xf32, #tpu.memory_space<vmem_shared>> -> memref<200x128xf32, #tpu.memory_space<vmem_shared>>
        tpu.enqueue_dma source(%dma_start3A_92 : memref<200x128xf32, #tpu.memory_space<vmem_shared>>) target(%dma_start3A_90 : memref<200x128xf32, #tpu.memory_space<hbm>>) target_semaphore(%run_scoped3A : memref<!tpu.dma_semaphore, #tpu.memory_space<semaphore_mem>>)
        %dma_wait3A = arith.constant 0 : i32
        %dma_wait3A_93 = tpu.memref_slice %arg7[%mul3A_72, %dma_wait3A] : memref<10000x128xf32, #tpu.memory_space<hbm>> -> memref<200x128xf32, #tpu.memory_space<hbm>>
        %dma_wait3A_94 = arith.constant 0 : i32
        %dma_wait3A_95 = tpu.memref_slice %arg12[%mul3A_70, %dma_wait3A_94] : memref<10240x128xf32, #tpu.memory_space<vmem_shared>> -> memref<200x128xf32, #tpu.memory_space<vmem_shared>>
        tpu.wait_dma2 semaphore(%run_scoped3A : memref<!tpu.dma_semaphore, #tpu.memory_space<semaphore_mem>>) src(%dma_wait3A_95 : memref<200x128xf32, #tpu.memory_space<vmem_shared>>) dst(%dma_wait3A_93 : memref<200x128xf32, #tpu.memory_space<hbm>>)
        tpu.yield
      }) : () -> ()
      %add3A_73 = arith.constant 16 : i32
      %add3A_74 = arith.addi %arg1, %add3A_73 : i32
      %mul3A_75 = arith.constant 200 : i32
      %mul3A_76 = arith.muli %add3A_74, %mul3A_75 : i32
      %mul3A_77 = arith.constant 200 : i32
      %mul3A_78 = arith.muli %add3A_74, %mul3A_77 : i32
      "tpu.region"() ({
        %run_scoped3A = tpu.sem_alloc : memref<!tpu.dma_semaphore, #tpu.memory_space<semaphore_mem>>
        %dma_start3A_89 = arith.constant 0 : i32
        %dma_start3A_90 = tpu.memref_slice %arg7[%mul3A_78, %dma_start3A_89] : memref<10000x128xf32, #tpu.memory_space<hbm>> -> memref<200x128xf32, #tpu.memory_space<hbm>>
        %dma_start3A_91 = arith.constant 0 : i32
        %dma_start3A_92 = tpu.memref_slice %arg12[%mul3A_76, %dma_start3A_91] : memref<10240x128xf32, #tpu.memory_space<vmem_shared>> -> memref<200x128xf32, #tpu.memory_space<vmem_shared>>
        tpu.enqueue_dma source(%dma_start3A_92 : memref<200x128xf32, #tpu.memory_space<vmem_shared>>) target(%dma_start3A_90 : memref<200x128xf32, #tpu.memory_space<hbm>>) target_semaphore(%run_scoped3A : memref<!tpu.dma_semaphore, #tpu.memory_space<semaphore_mem>>)
        %dma_wait3A = arith.constant 0 : i32
        %dma_wait3A_93 = tpu.memref_slice %arg7[%mul3A_78, %dma_wait3A] : memref<10000x128xf32, #tpu.memory_space<hbm>> -> memref<200x128xf32, #tpu.memory_space<hbm>>
        %dma_wait3A_94 = arith.constant 0 : i32
        %dma_wait3A_95 = tpu.memref_slice %arg12[%mul3A_76, %dma_wait3A_94] : memref<10240x128xf32, #tpu.memory_space<vmem_shared>> -> memref<200x128xf32, #tpu.memory_space<vmem_shared>>
        tpu.wait_dma2 semaphore(%run_scoped3A : memref<!tpu.dma_semaphore, #tpu.memory_space<semaphore_mem>>) src(%dma_wait3A_95 : memref<200x128xf32, #tpu.memory_space<vmem_shared>>) dst(%dma_wait3A_93 : memref<200x128xf32, #tpu.memory_space<hbm>>)
        tpu.yield
      }) : () -> ()
      %add3A_79 = arith.constant 32 : i32
      %add3A_80 = arith.addi %arg1, %add3A_79 : i32
      %mul3A_81 = arith.constant 200 : i32
      %mul3A_82 = arith.muli %add3A_80, %mul3A_81 : i32
      %mul3A_83 = arith.constant 200 : i32
      %mul3A_84 = arith.muli %add3A_80, %mul3A_83 : i32
      "tpu.region"() ({
        %run_scoped3A = tpu.sem_alloc : memref<!tpu.dma_semaphore, #tpu.memory_space<semaphore_mem>>
        %dma_start3A_89 = arith.constant 0 : i32
        %dma_start3A_90 = tpu.memref_slice %arg7[%mul3A_84, %dma_start3A_89] : memref<10000x128xf32, #tpu.memory_space<hbm>> -> memref<200x128xf32, #tpu.memory_space<hbm>>
        %dma_start3A_91 = arith.constant 0 : i32
        %dma_start3A_92 = tpu.memref_slice %arg12[%mul3A_82, %dma_start3A_91] : memref<10240x128xf32, #tpu.memory_space<vmem_shared>> -> memref<200x128xf32, #tpu.memory_space<vmem_shared>>
        tpu.enqueue_dma source(%dma_start3A_92 : memref<200x128xf32, #tpu.memory_space<vmem_shared>>) target(%dma_start3A_90 : memref<200x128xf32, #tpu.memory_space<hbm>>) target_semaphore(%run_scoped3A : memref<!tpu.dma_semaphore, #tpu.memory_space<semaphore_mem>>)
        %dma_wait3A = arith.constant 0 : i32
        %dma_wait3A_93 = tpu.memref_slice %arg7[%mul3A_84, %dma_wait3A] : memref<10000x128xf32, #tpu.memory_space<hbm>> -> memref<200x128xf32, #tpu.memory_space<hbm>>
        %dma_wait3A_94 = arith.constant 0 : i32
        %dma_wait3A_95 = tpu.memref_slice %arg12[%mul3A_82, %dma_wait3A_94] : memref<10240x128xf32, #tpu.memory_space<vmem_shared>> -> memref<200x128xf32, #tpu.memory_space<vmem_shared>>
        tpu.wait_dma2 semaphore(%run_scoped3A : memref<!tpu.dma_semaphore, #tpu.memory_space<semaphore_mem>>) src(%dma_wait3A_95 : memref<200x128xf32, #tpu.memory_space<vmem_shared>>) dst(%dma_wait3A_93 : memref<200x128xf32, #tpu.memory_space<hbm>>)
        tpu.yield
      }) : () -> ()
      %lt3A = arith.constant 2 : i32
      %lt3A_85 = arith.cmpi slt, %arg1, %lt3A : i32
      %convert_element_type3A_86 = arith.extui %lt3A_85 : i1 to i32
      %cond3A_87 = arith.constant 0 : i32
      %cond3A_88 = arith.cmpi ne, %convert_element_type3A_86, %cond3A_87 : i32
      scf.if %cond3A_88 {
        %add3A_89 = arith.constant 48 : i32
        %add3A_90 = arith.addi %arg1, %add3A_89 : i32
        %mul3A_91 = arith.constant 200 : i32
        %mul3A_92 = arith.muli %add3A_90, %mul3A_91 : i32
        %mul3A_93 = arith.constant 200 : i32
        %mul3A_94 = arith.muli %add3A_90, %mul3A_93 : i32
        "tpu.region"() ({
          %run_scoped3A = tpu.sem_alloc : memref<!tpu.dma_semaphore, #tpu.memory_space<semaphore_mem>>
          %dma_start3A_95 = arith.constant 0 : i32
          %dma_start3A_96 = tpu.memref_slice %arg7[%mul3A_94, %dma_start3A_95] : memref<10000x128xf32, #tpu.memory_space<hbm>> -> memref<200x128xf32, #tpu.memory_space<hbm>>
          %dma_start3A_97 = arith.constant 0 : i32
          %dma_start3A_98 = tpu.memref_slice %arg12[%mul3A_92, %dma_start3A_97] : memref<10240x128xf32, #tpu.memory_space<vmem_shared>> -> memref<200x128xf32, #tpu.memory_space<vmem_shared>>
          tpu.enqueue_dma source(%dma_start3A_98 : memref<200x128xf32, #tpu.memory_space<vmem_shared>>) target(%dma_start3A_96 : memref<200x128xf32, #tpu.memory_space<hbm>>) target_semaphore(%run_scoped3A : memref<!tpu.dma_semaphore, #tpu.memory_space<semaphore_mem>>)
          %dma_wait3A = arith.constant 0 : i32
          %dma_wait3A_99 = tpu.memref_slice %arg7[%mul3A_94, %dma_wait3A] : memref<10000x128xf32, #tpu.memory_space<hbm>> -> memref<200x128xf32, #tpu.memory_space<hbm>>
          %dma_wait3A_100 = arith.constant 0 : i32
          %dma_wait3A_101 = tpu.memref_slice %arg12[%mul3A_92, %dma_wait3A_100] : memref<10240x128xf32, #tpu.memory_space<vmem_shared>> -> memref<200x128xf32, #tpu.memory_space<vmem_shared>>
          tpu.wait_dma2 semaphore(%run_scoped3A : memref<!tpu.dma_semaphore, #tpu.memory_space<semaphore_mem>>) src(%dma_wait3A_101 : memref<200x128xf32, #tpu.memory_space<vmem_shared>>) dst(%dma_wait3A_99 : memref<200x128xf32, #tpu.memory_space<hbm>>)
          tpu.yield
        }) : () -> ()
      } else {
      }
    } else {
    }
    return
  }
}

module attributes {stable_mosaic.version = 14 : i64} {
  func.func @_prep_body(%arg0: memref<16x10240xi32, #tpu.memory_space<vmem>>, %arg1: memref<16x10240xi32, #tpu.memory_space<vmem>>, %arg2: memref<16x10240xi32, #tpu.memory_space<vmem>>, %arg3: memref<16x10240xi32, #tpu.memory_space<vmem>>, %arg4: memref<16x10240xi32, #tpu.memory_space<vmem>>) attributes {dimension_semantics = [], scalar_prefetch = 0 : i64, scratch_operands = 0 : i64, tpu.core_type = #tpu.core_type<tc>} {
    %get3A = arith.constant 0 : index
    %get3A_0 = arith.constant 0 : index
    %get3A_1 = vector.load %arg1[%get3A, %get3A_0] : memref<16x10240xi32, #tpu.memory_space<vmem>>, vector<16x10240xi32>
    %mul3A = arith.constant 10000 : i32
    %mul3A_2 = vector.broadcast %mul3A : i32 to vector<16x10240xi32>
    %mul3A_3 = arith.muli %get3A_1, %mul3A_2 : vector<16x10240xi32>
    %get3A_4 = arith.constant 0 : index
    %get3A_5 = arith.constant 0 : index
    %get3A_6 = vector.load %arg0[%get3A_4, %get3A_5] : memref<16x10240xi32, #tpu.memory_space<vmem>>, vector<16x10240xi32>
    %add3A = arith.addi %mul3A_3, %get3A_6 : vector<16x10240xi32>
    %swap3A = arith.constant 0 : index
    %swap3A_7 = arith.constant 0 : index
    %swap3A_8 = vector.load %arg3[%swap3A, %swap3A_7] : memref<16x10240xi32, #tpu.memory_space<vmem>>, vector<16x10240xi32>
    tpu.vector_store %arg3[%swap3A, %swap3A_7], %add3A {strides = array<i32>} : memref<16x10240xi32, #tpu.memory_space<vmem>>, vector<16x10240xi32>,
    %get3A_9 = arith.constant 0 : index
    %get3A_10 = arith.constant 0 : index
    %get3A_11 = vector.load %arg2[%get3A_9, %get3A_10] : memref<16x10240xi32, #tpu.memory_space<vmem>>, vector<16x10240xi32>
    %iota3A = tpu.iota {dimensions = array<i32: 0>} : vector<16x10240xi32>
    %lt3A = arith.constant 10000 : i32
    %lt3A_12 = vector.broadcast %lt3A : i32 to vector<16x10240xi32>
    %lt3A_13 = arith.cmpi slt, %get3A_11, %lt3A_12 : vector<16x10240xi32>
    %add3A_14 = arith.constant 10000 : i32
    %add3A_15 = vector.broadcast %add3A_14 : i32 to vector<16x10240xi32>
    %add3A_16 = arith.addi %add3A_15, %iota3A : vector<16x10240xi32>
    %select_n3A = arith.select %lt3A_13, %get3A_11, %add3A_16 : vector<16x10240xi1>, vector<16x10240xi32>
    %swap3A_17 = arith.constant 0 : index
    %swap3A_18 = arith.constant 0 : index
    %swap3A_19 = vector.load %arg4[%swap3A_17, %swap3A_18] : memref<16x10240xi32, #tpu.memory_space<vmem>>, vector<16x10240xi32>
    tpu.vector_store %arg4[%swap3A_17, %swap3A_18], %select_n3A {strides = array<i32>} : memref<16x10240xi32, #tpu.memory_space<vmem>>, vector<16x10240xi32>,
    return
  }
}

module attributes {stable_mosaic.version = 14 : i64} {
  func.func @_ymat_body(%arg0: i32, %arg1: i32, %arg2: memref<2000x128xf32, #tpu.memory_space<vmem>>, %arg3: memref<1x256x128xf32, #tpu.memory_space<vmem>>, %arg4: memref<2000x128xf32, #tpu.memory_space<vmem>>, %arg5: memref<2000x128xf32, #tpu.memory_space<vmem>>) attributes {dimension_semantics = [#tpu.dimension_semantics<arbitrary>, #tpu.dimension_semantics<arbitrary>], iteration_bounds = array<i64: 5, 3>, scalar_prefetch = 0 : i64, scratch_operands = 0 : i64, tpu.core_type = #tpu.core_type<tc>, window_params = [{transform_indices = @transform_0, window_bounds = array<i64: 2000, 128>}, {transform_indices = @transform_1, window_bounds = array<i64: 1, 256, 128>}, {transform_indices = @transform_2, window_bounds = array<i64: 2000, 128>}, {transform_indices = @transform_3, window_bounds = array<i64: 2000, 128>}]} {
    %get3A = arith.constant 0 : index
    %get3A_0 = arith.constant 0 : index
    %get3A_1 = arith.constant 0 : index
    %get3A_2 = vector.load %arg3[%get3A, %get3A_0, %get3A_1] : memref<1x256x128xf32, #tpu.memory_space<vmem>>, vector<1x256x128xf32>
    %get3A_3 = vector.shape_cast %get3A_2 : vector<1x256x128xf32> to vector<256x128xf32>
    %get3A_4 = arith.constant 0 : index
    %get3A_5 = arith.constant 0 : index
    %get3A_6 = vector.load %arg2[%get3A_4, %get3A_5] : memref<2000x128xf32, #tpu.memory_space<vmem>>, vector<2000x128xf32>
    %dot_general3A = arith.constant dense<0.000000e+00> : vector<2000x256xf32>
    %dot_general3A_7 = tpu.matmul %get3A_6, %get3A_3, %dot_general3A {dimension_numbers = #tpu.dot_dimension_numbers<[1], [1], [0], [0], [0, 0, 1, 0], [], []>, precision = #tpu.contract_precision<fp32>, transpose_lhs_hint = false} : vector<2000x128xf32>, vector<256x128xf32>, vector<2000x256xf32> -> vector<2000x256xf32>
    %slice3A = vector.extract_strided_slice %dot_general3A_7 {offsets = [0, 0], sizes = [2000, 128], strides = [1, 1]} : vector<2000x256xf32> to vector<2000x128xf32>
    %swap3A = arith.constant 0 : index
    %swap3A_8 = arith.constant 0 : index
    %swap3A_9 = vector.load %arg4[%swap3A, %swap3A_8] : memref<2000x128xf32, #tpu.memory_space<vmem>>, vector<2000x128xf32>
    tpu.vector_store %arg4[%swap3A, %swap3A_8], %slice3A {strides = array<i32>} : memref<2000x128xf32, #tpu.memory_space<vmem>>, vector<2000x128xf32>,
    %slice3A_10 = vector.extract_strided_slice %dot_general3A_7 {offsets = [0, 128], sizes = [2000, 128], strides = [1, 1]} : vector<2000x256xf32> to vector<2000x128xf32>
    %swap3A_11 = arith.constant 0 : index
    %swap3A_12 = arith.constant 0 : index
    %swap3A_13 = vector.load %arg5[%swap3A_11, %swap3A_12] : memref<2000x128xf32, #tpu.memory_space<vmem>>, vector<2000x128xf32>
    tpu.vector_store %arg5[%swap3A_11, %swap3A_12], %slice3A_10 {strides = array<i32>} : memref<2000x128xf32, #tpu.memory_space<vmem>>, vector<2000x128xf32>,
    return
  }
  func.func @transform_0(%arg0: i32, %arg1: i32) -> (i32, i32) {
    %c0_i32 = arith.constant 0 : i32
    %c0_i32_0 = arith.constant 0 : i32
    return %arg0, %c0_i32 : i32, i32
  }
  func.func @transform_1(%arg0: i32, %arg1: i32) -> (i32, i32, i32) {
    %c0_i32 = arith.constant 0 : i32
    %c0_i32_0 = arith.constant 0 : i32
    %c0_i32_1 = arith.constant 0 : i32
    return %arg1, %c0_i32, %c0_i32_0 : i32, i32, i32
  }
  func.func @transform_2(%arg0: i32, %arg1: i32) -> (i32, i32) {
    %mul3A = arith.constant 5 : i32
    %mul3A_0 = arith.muli %arg1, %mul3A : i32
    %add3A = arith.addi %mul3A_0, %arg0 : i32
    %c0_i32 = arith.constant 0 : i32
    %c0_i32_1 = arith.constant 0 : i32
    return %add3A, %c0_i32 : i32, i32
  }
  func.func @transform_3(%arg0: i32, %arg1: i32) -> (i32, i32) {
    %mul3A = arith.constant 5 : i32
    %mul3A_0 = arith.muli %arg1, %mul3A : i32
    %add3A = arith.addi %mul3A_0, %arg0 : i32
    %c0_i32 = arith.constant 0 : i32
    %c0_i32_1 = arith.constant 0 : i32
    return %add3A, %c0_i32 : i32, i32
  }
}

module attributes {stable_mosaic.version = 14 : i64} {
  func.func @_layer_body(%arg0: i32, %arg1: memref<2000x128xf32, #tpu.memory_space<vmem>>, %arg2: memref<2000x128xf32, #tpu.memory_space<vmem>>, %arg3: memref<2000x128xf32, #tpu.memory_space<vmem>>, %arg4: memref<256x128xf32, #tpu.memory_space<vmem>>, %arg5: memref<1x256xf32, #tpu.memory_space<vmem>>, %arg6: memref<3x256xf32, #tpu.memory_space<vmem>>, %arg7: memref<1x1x2000xi32, #tpu.memory_space<vmem>>, %arg8: memref<1x256xf32, #tpu.memory_space<vmem>>, %arg9: memref<1x256xf32, #tpu.memory_space<vmem>>, %arg10: memref<2000x256xf32, #tpu.memory_space<vmem>>, %arg11: memref<8x256xf32, #tpu.memory_space<vmem>>, %arg12: memref<64x256xf32, #tpu.memory_space<vmem>>, %arg13: memref<64x128xf32, #tpu.memory_space<vmem>>, %arg14: memref<64x256xf32, #tpu.memory_space<vmem>>) attributes {dimension_semantics = [#tpu.dimension_semantics<arbitrary>], iteration_bounds = array<i64: 5>, scalar_prefetch = 0 : i64, scratch_operands = 0 : i64, tpu.core_type = #tpu.core_type<tc>, window_params = [{transform_indices = @transform_0, window_bounds = array<i64: 2000, 128>}, {transform_indices = @transform_1, window_bounds = array<i64: 2000, 128>}, {transform_indices = @transform_2, window_bounds = array<i64: 2000, 128>}, {pipeline_mode = #tpu.pipeline_mode<synchronous>, transform_indices = @transform_3, window_bounds = array<i64: 256, 128>}, {pipeline_mode = #tpu.pipeline_mode<synchronous>, transform_indices = @transform_4, window_bounds = array<i64: 1, 256>}, {pipeline_mode = #tpu.pipeline_mode<synchronous>, transform_indices = @transform_5, window_bounds = array<i64: 3, 256>}, {transform_indices = @transform_6, window_bounds = array<i64: 1, 1, 2000>}, {pipeline_mode = #tpu.pipeline_mode<synchronous>, transform_indices = @transform_7, window_bounds = array<i64: 1, 256>}, {pipeline_mode = #tpu.pipeline_mode<synchronous>, transform_indices = @transform_8, window_bounds = array<i64: 1, 256>}, {transform_indices = @transform_9, window_bounds = array<i64: 2000, 256>}, {pipeline_mode = #tpu.pipeline_mode<synchronous>, transform_indices = @transform_10, window_bounds = array<i64: 8, 256>}, {pipeline_mode = #tpu.pipeline_mode<synchronous>, transform_indices = @transform_11, window_bounds = array<i64: 64, 256>}, {pipeline_mode = #tpu.pipeline_mode<synchronous>, transform_indices = @transform_12, window_bounds = array<i64: 64, 128>}, {pipeline_mode = #tpu.pipeline_mode<synchronous>, transform_indices = @transform_13, window_bounds = array<i64: 64, 256>}]} {
    %get3A = arith.constant 0 : index
    %get3A_0 = arith.constant 0 : index
    %get3A_1 = vector.load %arg5[%get3A, %get3A_0] : memref<1x256xf32, #tpu.memory_space<vmem>>, vector<1x256xf32>
    %get3A_2 = vector.shape_cast %get3A_1 : vector<1x256xf32> to vector<256xf32>
    %get3A_3 = arith.constant 0 : index
    %get3A_4 = arith.constant 0 : index
    %get3A_5 = vector.load %arg6[%get3A_3, %get3A_4] : memref<3x256xf32, #tpu.memory_space<vmem>>, vector<1x256xf32>
    %get3A_6 = vector.shape_cast %get3A_5 : vector<1x256xf32> to vector<256xf32>
    %add3A = arith.addf %get3A_2, %get3A_6 : vector<256xf32>
    %get3A_7 = arith.constant 1 : index
    %get3A_8 = arith.constant 0 : index
    %get3A_9 = vector.load %arg6[%get3A_7, %get3A_8] : memref<3x256xf32, #tpu.memory_space<vmem>>, vector<1x256xf32>
    %get3A_10 = vector.shape_cast %get3A_9 : vector<1x256xf32> to vector<256xf32>
    %add3A_11 = arith.addf %add3A, %get3A_10 : vector<256xf32>
    %get3A_12 = arith.constant 2 : index
    %get3A_13 = arith.constant 0 : index
    %get3A_14 = vector.load %arg6[%get3A_12, %get3A_13] : memref<3x256xf32, #tpu.memory_space<vmem>>, vector<1x256xf32>
    %get3A_15 = vector.shape_cast %get3A_14 : vector<1x256xf32> to vector<256xf32>
    %add3A_16 = arith.addf %add3A_11, %get3A_15 : vector<256xf32>
    %broadcast_in_dim3A = vector.shape_cast %add3A_16 : vector<256xf32> to vector<1x256xf32>
    %get3A_17 = arith.constant 0 : index
    %get3A_18 = arith.constant 0 : index
    %get3A_19 = vector.load %arg1[%get3A_17, %get3A_18] : memref<2000x128xf32, #tpu.memory_space<vmem>>, vector<2000x128xf32>
    %get3A_20 = arith.constant 0 : index
    %get3A_21 = arith.constant 0 : index
    %get3A_22 = vector.load %arg4[%get3A_20, %get3A_21] : memref<256x128xf32, #tpu.memory_space<vmem>>, vector<256x128xf32>
    %dot_general3A = arith.constant dense<0.000000e+00> : vector<2000x256xf32>
    %dot_general3A_23 = tpu.matmul %get3A_19, %get3A_22, %dot_general3A {dimension_numbers = #tpu.dot_dimension_numbers<[1], [1], [0], [0], [0, 0, 1, 0], [], []>, transpose_lhs_hint = false} : vector<2000x128xf32>, vector<256x128xf32>, vector<2000x256xf32> -> vector<2000x256xf32>
    %add3A_24 = vector.broadcast %broadcast_in_dim3A : vector<1x256xf32> to vector<2000x256xf32>
    %add3A_25 = arith.addf %dot_general3A_23, %add3A_24 : vector<2000x256xf32>
    %get3A_26 = arith.constant 0 : index
    %get3A_27 = arith.constant 0 : index
    %get3A_28 = vector.load %arg2[%get3A_26, %get3A_27] : memref<2000x128xf32, #tpu.memory_space<vmem>>, vector<2000x128xf32>
    %get3A_29 = arith.constant 0 : index
    %get3A_30 = arith.constant 0 : index
    %get3A_31 = vector.load %arg3[%get3A_29, %get3A_30] : memref<2000x128xf32, #tpu.memory_space<vmem>>, vector<2000x128xf32>
    %concatenate3A = tpu.concatenate %get3A_28, %get3A_31 in 1 : vector<2000x128xf32>, vector<2000x128xf32> -> vector<2000x256xf32>
    %add3A_32 = arith.addf %add3A_25, %concatenate3A : vector<2000x256xf32>
    %max3A = arith.constant 0.000000e+00 : f32
    %max3A_33 = vector.broadcast %max3A : f32 to vector<2000x256xf32>
    %max3A_34 = arith.maximumf %add3A_32, %max3A_33 : vector<2000x256xf32>
    %swap3A = arith.constant 0 : index
    %swap3A_35 = arith.constant 0 : index
    %swap3A_36 = vector.load %arg10[%swap3A, %swap3A_35] : memref<2000x256xf32, #tpu.memory_space<vmem>>, vector<2000x256xf32>
    tpu.vector_store %arg10[%swap3A, %swap3A_35], %max3A_34 {strides = array<i32>} : memref<2000x256xf32, #tpu.memory_space<vmem>>, vector<2000x256xf32>,
    %eq3A = arith.constant 0 : i32
    %eq3A_37 = arith.cmpi eq, %arg0, %eq3A : i32
    %convert_element_type3A = arith.extui %eq3A_37 : i1 to i32
    %cond3A = arith.constant 0 : i32
    %cond3A_38 = arith.cmpi ne, %convert_element_type3A, %cond3A : i32
    scf.if %cond3A_38 {
      %broadcast_in_dim3A_93 = arith.constant 0.000000e+00 : f32
      %broadcast_in_dim3A_94 = vector.broadcast %broadcast_in_dim3A_93 : f32 to vector<8x256xf32>
      %swap3A_95 = arith.constant 0 : index
      %swap3A_96 = arith.constant 0 : index
      %swap3A_97 = vector.load %arg11[%swap3A_95, %swap3A_96] : memref<8x256xf32, #tpu.memory_space<vmem>>, vector<8x256xf32>
      tpu.vector_store %arg11[%swap3A_95, %swap3A_96], %broadcast_in_dim3A_94 {strides = array<i32>} : memref<8x256xf32, #tpu.memory_space<vmem>>, vector<8x256xf32>,
      %broadcast_in_dim3A_98 = arith.constant 0.000000e+00 : f32
      %broadcast_in_dim3A_99 = vector.broadcast %broadcast_in_dim3A_98 : f32 to vector<64x256xf32>
      %swap3A_100 = arith.constant 0 : index
      %swap3A_101 = arith.constant 0 : index
      %swap3A_102 = vector.load %arg12[%swap3A_100, %swap3A_101] : memref<64x256xf32, #tpu.memory_space<vmem>>, vector<64x256xf32>
      tpu.vector_store %arg12[%swap3A_100, %swap3A_101], %broadcast_in_dim3A_99 {strides = array<i32>} : memref<64x256xf32, #tpu.memory_space<vmem>>, vector<64x256xf32>,
      %broadcast_in_dim3A_103 = arith.constant 0.000000e+00 : f32
      %broadcast_in_dim3A_104 = vector.broadcast %broadcast_in_dim3A_103 : f32 to vector<64x128xf32>
      %swap3A_105 = arith.constant 0 : index
      %swap3A_106 = arith.constant 0 : index
      %swap3A_107 = vector.load %arg13[%swap3A_105, %swap3A_106] : memref<64x128xf32, #tpu.memory_space<vmem>>, vector<64x128xf32>
      tpu.vector_store %arg13[%swap3A_105, %swap3A_106], %broadcast_in_dim3A_104 {strides = array<i32>} : memref<64x128xf32, #tpu.memory_space<vmem>>, vector<64x128xf32>,
    } else {
    }
    %get3A_39 = arith.constant 0 : index
    %get3A_40 = arith.constant 0 : index
    %get3A_41 = vector.load %arg11[%get3A_39, %get3A_40] : memref<8x256xf32, #tpu.memory_space<vmem>>, vector<1x256xf32>
    %reduce_sum3A = arith.constant dense<0.000000e+00> : vector<256xf32>
    %reduce_sum3A_42 = vector.multi_reduction <add>, %max3A_34, %reduce_sum3A [0] : vector<2000x256xf32> to vector<256xf32>
    %broadcast_in_dim3A_43 = vector.shape_cast %reduce_sum3A_42 : vector<256xf32> to vector<1x256xf32>
    %add3A_44 = arith.addf %get3A_41, %broadcast_in_dim3A_43 : vector<1x256xf32>
    %swap3A_45 = arith.constant 0 : index
    %swap3A_46 = arith.constant 0 : index
    %swap3A_47 = vector.load %arg11[%swap3A_45, %swap3A_46] : memref<8x256xf32, #tpu.memory_space<vmem>>, vector<1x256xf32>
    tpu.vector_store %arg11[%swap3A_45, %swap3A_46], %add3A_44 {strides = array<i32>} : memref<8x256xf32, #tpu.memory_space<vmem>>, vector<1x256xf32>,
    %get3A_48 = arith.constant 1 : index
    %get3A_49 = arith.constant 0 : index
    %get3A_50 = vector.load %arg11[%get3A_48, %get3A_49] : memref<8x256xf32, #tpu.memory_space<vmem>>, vector<1x256xf32>
    %mul3A = arith.mulf %max3A_34, %max3A_34 : vector<2000x256xf32>
    %reduce_sum3A_51 = arith.constant dense<0.000000e+00> : vector<256xf32>
    %reduce_sum3A_52 = vector.multi_reduction <add>, %mul3A, %reduce_sum3A_51 [0] : vector<2000x256xf32> to vector<256xf32>
    %broadcast_in_dim3A_53 = vector.shape_cast %reduce_sum3A_52 : vector<256xf32> to vector<1x256xf32>
    %add3A_54 = arith.addf %get3A_50, %broadcast_in_dim3A_53 : vector<1x256xf32>
    %swap3A_55 = arith.constant 1 : index
    %swap3A_56 = arith.constant 0 : index
    %swap3A_57 = vector.load %arg11[%swap3A_55, %swap3A_56] : memref<8x256xf32, #tpu.memory_space<vmem>>, vector<1x256xf32>
    tpu.vector_store %arg11[%swap3A_55, %swap3A_56], %add3A_54 {strides = array<i32>} : memref<8x256xf32, #tpu.memory_space<vmem>>, vector<1x256xf32>,
    %get3A_58 = arith.constant 0 : index
    %get3A_59 = arith.constant 0 : index
    %get3A_60 = arith.constant 0 : index
    %get3A_61 = vector.load %arg7[%get3A_58, %get3A_59, %get3A_60] : memref<1x1x2000xi32, #tpu.memory_space<vmem>>, vector<1x1x2000xi32>
    %get3A_62 = vector.shape_cast %get3A_61 : vector<1x1x2000xi32> to vector<1x2000xi32>
    %iota3A = tpu.iota {dimensions = array<i32: 0>} : vector<64x2000xi32>
    %eq3A_63 = vector.broadcast %get3A_62 : vector<1x2000xi32> to vector<64x2000xi32>
    %eq3A_64 = arith.cmpi eq, %iota3A, %eq3A_63 : vector<64x2000xi32>
    %convert_element_type3A_65 = arith.extui %eq3A_64 : vector<64x2000xi1> to vector<64x2000xi32>
    %convert_element_type3A_66 = arith.sitofp %convert_element_type3A_65 : vector<64x2000xi32> to vector<64x2000xf32>
    %get3A_67 = arith.constant 0 : index
    %get3A_68 = arith.constant 0 : index
    %get3A_69 = vector.load %arg12[%get3A_67, %get3A_68] : memref<64x256xf32, #tpu.memory_space<vmem>>, vector<64x256xf32>
    %dot_general3A_70 = arith.constant dense<0.000000e+00> : vector<64x256xf32>
    %dot_general3A_71 = tpu.matmul %convert_element_type3A_66, %max3A_34, %dot_general3A_70 {dimension_numbers = #tpu.dot_dimension_numbers<[1], [0], [0], [1], [0, 0, 1, 1], [], []>, precision = #tpu.contract_precision<fp32>, transpose_lhs_hint = false} : vector<64x2000xf32>, vector<2000x256xf32>, vector<64x256xf32> -> vector<64x256xf32>
    %add3A_72 = arith.addf %get3A_69, %dot_general3A_71 : vector<64x256xf32>
    %swap3A_73 = arith.constant 0 : index
    %swap3A_74 = arith.constant 0 : index
    %swap3A_75 = vector.load %arg12[%swap3A_73, %swap3A_74] : memref<64x256xf32, #tpu.memory_space<vmem>>, vector<64x256xf32>
    tpu.vector_store %arg12[%swap3A_73, %swap3A_74], %add3A_72 {strides = array<i32>} : memref<64x256xf32, #tpu.memory_space<vmem>>, vector<64x256xf32>,
    %get3A_76 = arith.constant 0 : index
    %get3A_77 = arith.constant 0 : index
    %get3A_78 = vector.load %arg13[%get3A_76, %get3A_77] : memref<64x128xf32, #tpu.memory_space<vmem>>, vector<64x128xf32>
    %reduce_sum3A_79 = arith.constant dense<0.000000e+00> : vector<64xf32>
    %reduce_sum3A_80 = vector.multi_reduction <add>, %convert_element_type3A_66, %reduce_sum3A_79 [1] : vector<64x2000xf32> to vector<64xf32>
    %broadcast_in_dim3A_81 = vector.shape_cast %reduce_sum3A_80 : vector<64xf32> to vector<64x1xf32>
    %broadcast_in_dim3A_82 = vector.shape_cast %broadcast_in_dim3A_81 : vector<64x1xf32> to vector<64x1xf32>
    %broadcast_in_dim3A_83 = vector.broadcast %broadcast_in_dim3A_82 : vector<64x1xf32> to vector<64x128xf32>
    %add3A_84 = arith.addf %get3A_78, %broadcast_in_dim3A_83 : vector<64x128xf32>
    %swap3A_85 = arith.constant 0 : index
    %swap3A_86 = arith.constant 0 : index
    %swap3A_87 = vector.load %arg13[%swap3A_85, %swap3A_86] : memref<64x128xf32, #tpu.memory_space<vmem>>, vector<64x128xf32>
    tpu.vector_store %arg13[%swap3A_85, %swap3A_86], %add3A_84 {strides = array<i32>} : memref<64x128xf32, #tpu.memory_space<vmem>>, vector<64x128xf32>,
    %eq3A_88 = arith.constant 4 : i32
    %eq3A_89 = arith.cmpi eq, %arg0, %eq3A_88 : i32
    %convert_element_type3A_90 = arith.extui %eq3A_89 : i1 to i32
    %cond3A_91 = arith.constant 0 : i32
    %cond3A_92 = arith.cmpi ne, %convert_element_type3A_90, %cond3A_91 : i32
    scf.if %cond3A_92 {
      %get3A_93 = arith.constant 0 : index
      %get3A_94 = arith.constant 0 : index
      %get3A_95 = vector.load %arg11[%get3A_93, %get3A_94] : memref<8x256xf32, #tpu.memory_space<vmem>>, vector<1x256xf32>
      %mul3A_96 = arith.constant 9.99999974E-5 : f32
      %mul3A_97 = vector.broadcast %mul3A_96 : f32 to vector<1x256xf32>
      %mul3A_98 = arith.mulf %get3A_95, %mul3A_97 : vector<1x256xf32>
      %get3A_99 = arith.constant 1 : index
      %get3A_100 = arith.constant 0 : index
      %get3A_101 = vector.load %arg11[%get3A_99, %get3A_100] : memref<8x256xf32, #tpu.memory_space<vmem>>, vector<1x256xf32>
      %mul3A_102 = arith.constant 9.99999974E-5 : f32
      %mul3A_103 = vector.broadcast %mul3A_102 : f32 to vector<1x256xf32>
      %mul3A_104 = arith.mulf %get3A_101, %mul3A_103 : vector<1x256xf32>
      %mul3A_105 = arith.mulf %mul3A_98, %mul3A_98 : vector<1x256xf32>
      %sub3A = arith.subf %mul3A_104, %mul3A_105 : vector<1x256xf32>
      %add3A_106 = arith.constant 9.99999974E-6 : f32
      %add3A_107 = vector.broadcast %add3A_106 : f32 to vector<1x256xf32>
      %add3A_108 = arith.addf %sub3A, %add3A_107 : vector<1x256xf32>
      %rsqrt3A = math.rsqrt %add3A_108 : vector<1x256xf32>
      %get3A_109 = arith.constant 0 : index
      %get3A_110 = arith.constant 0 : index
      %get3A_111 = vector.load %arg8[%get3A_109, %get3A_110] : memref<1x256xf32, #tpu.memory_space<vmem>>, vector<1x256xf32>
      %mul3A_112 = arith.mulf %rsqrt3A, %get3A_111 : vector<1x256xf32>
      %get3A_113 = arith.constant 0 : index
      %get3A_114 = arith.constant 0 : index
      %get3A_115 = vector.load %arg9[%get3A_113, %get3A_114] : memref<1x256xf32, #tpu.memory_space<vmem>>, vector<1x256xf32>
      %mul3A_116 = arith.mulf %mul3A_98, %mul3A_112 : vector<1x256xf32>
      %sub3A_117 = arith.subf %get3A_115, %mul3A_116 : vector<1x256xf32>
      %get3A_118 = arith.constant 0 : index
      %get3A_119 = arith.constant 0 : index
      %get3A_120 = vector.load %arg13[%get3A_118, %get3A_119] : memref<64x128xf32, #tpu.memory_space<vmem>>, vector<64x1xf32>
      %get3A_121 = arith.constant 0 : index
      %get3A_122 = arith.constant 0 : index
      %get3A_123 = vector.load %arg12[%get3A_121, %get3A_122] : memref<64x256xf32, #tpu.memory_space<vmem>>, vector<64x256xf32>
      %mul3A_124 = vector.broadcast %mul3A_112 : vector<1x256xf32> to vector<64x256xf32>
      %mul3A_125 = arith.mulf %get3A_123, %mul3A_124 : vector<64x256xf32>
      %mul3A_126 = vector.broadcast %get3A_120 : vector<64x1xf32> to vector<64x256xf32>
      %mul3A_127 = vector.broadcast %sub3A_117 : vector<1x256xf32> to vector<64x256xf32>
      %mul3A_128 = arith.mulf %mul3A_126, %mul3A_127 : vector<64x256xf32>
      %add3A_129 = arith.addf %mul3A_125, %mul3A_128 : vector<64x256xf32>
      %rsqrt3A_130 = math.rsqrt %get3A_120 : vector<64x1xf32>
      %mul3A_131 = vector.broadcast %rsqrt3A_130 : vector<64x1xf32> to vector<64x256xf32>
      %mul3A_132 = arith.mulf %add3A_129, %mul3A_131 : vector<64x256xf32>
      %swap3A_133 = arith.constant 0 : index
      %swap3A_134 = arith.constant 0 : index
      %swap3A_135 = vector.load %arg14[%swap3A_133, %swap3A_134] : memref<64x256xf32, #tpu.memory_space<vmem>>, vector<64x256xf32>
      tpu.vector_store %arg14[%swap3A_133, %swap3A_134], %mul3A_132 {strides = array<i32>} : memref<64x256xf32, #tpu.memory_space<vmem>>, vector<64x256xf32>,
    } else {
    }
    return
  }
  func.func @transform_0(%arg0: i32) -> (i32, i32) {
    %c0_i32 = arith.constant 0 : i32
    %c0_i32_0 = arith.constant 0 : i32
    return %arg0, %c0_i32 : i32, i32
  }
  func.func @transform_1(%arg0: i32) -> (i32, i32) {
    %c0_i32 = arith.constant 0 : i32
    %c0_i32_0 = arith.constant 0 : i32
    return %arg0, %c0_i32 : i32, i32
  }
  func.func @transform_2(%arg0: i32) -> (i32, i32) {
    %c0_i32 = arith.constant 0 : i32
    %c0_i32_0 = arith.constant 0 : i32
    return %arg0, %c0_i32 : i32, i32
  }
  func.func @transform_3(%arg0: i32) -> (i32, i32) {
    %c0_i32 = arith.constant 0 : i32
    %c0_i32_0 = arith.constant 0 : i32
    %c0_i32_1 = arith.constant 0 : i32
    return %c0_i32, %c0_i32_0 : i32, i32
  }
  func.func @transform_4(%arg0: i32) -> (i32, i32) {
    %c0_i32 = arith.constant 0 : i32
    %c0_i32_0 = arith.constant 0 : i32
    %c0_i32_1 = arith.constant 0 : i32
    return %c0_i32, %c0_i32_0 : i32, i32
  }
  func.func @transform_5(%arg0: i32) -> (i32, i32) {
    %c0_i32 = arith.constant 0 : i32
    %c0_i32_0 = arith.constant 0 : i32
    %c0_i32_1 = arith.constant 0 : i32
    return %c0_i32, %c0_i32_0 : i32, i32
  }
  func.func @transform_6(%arg0: i32) -> (i32, i32, i32) {
    %c0_i32 = arith.constant 0 : i32
    %c0_i32_0 = arith.constant 0 : i32
    %c0_i32_1 = arith.constant 0 : i32
    return %arg0, %c0_i32, %c0_i32_0 : i32, i32, i32
  }
  func.func @transform_7(%arg0: i32) -> (i32, i32) {
    %c0_i32 = arith.constant 0 : i32
    %c0_i32_0 = arith.constant 0 : i32
    %c0_i32_1 = arith.constant 0 : i32
    return %c0_i32, %c0_i32_0 : i32, i32
  }
  func.func @transform_8(%arg0: i32) -> (i32, i32) {
    %c0_i32 = arith.constant 0 : i32
    %c0_i32_0 = arith.constant 0 : i32
    %c0_i32_1 = arith.constant 0 : i32
    return %c0_i32, %c0_i32_0 : i32, i32
  }
  func.func @transform_9(%arg0: i32) -> (i32, i32) {
    %c0_i32 = arith.constant 0 : i32
    %c0_i32_0 = arith.constant 0 : i32
    return %arg0, %c0_i32 : i32, i32
  }
  func.func @transform_10(%arg0: i32) -> (i32, i32) {
    %c0_i32 = arith.constant 0 : i32
    %c0_i32_0 = arith.constant 0 : i32
    %c0_i32_1 = arith.constant 0 : i32
    return %c0_i32, %c0_i32_0 : i32, i32
  }
  func.func @transform_11(%arg0: i32) -> (i32, i32) {
    %c0_i32 = arith.constant 0 : i32
    %c0_i32_0 = arith.constant 0 : i32
    %c0_i32_1 = arith.constant 0 : i32
    return %c0_i32, %c0_i32_0 : i32, i32
  }
  func.func @transform_12(%arg0: i32) -> (i32, i32) {
    %c0_i32 = arith.constant 0 : i32
    %c0_i32_0 = arith.constant 0 : i32
    %c0_i32_1 = arith.constant 0 : i32
    return %c0_i32, %c0_i32_0 : i32, i32
  }
  func.func @transform_13(%arg0: i32) -> (i32, i32) {
    %c0_i32 = arith.constant 0 : i32
    %c0_i32_0 = arith.constant 0 : i32
    %c0_i32_1 = arith.constant 0 : i32
    return %c0_i32, %c0_i32_0 : i32, i32
  }
}

module attributes {stable_mosaic.version = 14 : i64} {
  func.func @_ymat_bn_body(%arg0: i32, %arg1: i32, %arg2: memref<2000x256xf32, #tpu.memory_space<vmem>>, %arg3: memref<1x256x256xf32, #tpu.memory_space<vmem>>, %arg4: memref<8x256xf32, #tpu.memory_space<vmem>>, %arg5: memref<1x256xf32, #tpu.memory_space<vmem>>, %arg6: memref<1x256xf32, #tpu.memory_space<vmem>>, %arg7: memref<2000x128xf32, #tpu.memory_space<vmem>>, %arg8: memref<2000x128xf32, #tpu.memory_space<vmem>>) attributes {dimension_semantics = [#tpu.dimension_semantics<arbitrary>, #tpu.dimension_semantics<arbitrary>], iteration_bounds = array<i64: 5, 3>, scalar_prefetch = 0 : i64, scratch_operands = 0 : i64, tpu.core_type = #tpu.core_type<tc>, window_params = [{transform_indices = @transform_0, window_bounds = array<i64: 2000, 256>}, {transform_indices = @transform_1, window_bounds = array<i64: 1, 256, 256>}, {pipeline_mode = #tpu.pipeline_mode<synchronous>, transform_indices = @transform_2, window_bounds = array<i64: 8, 256>}, {pipeline_mode = #tpu.pipeline_mode<synchronous>, transform_indices = @transform_3, window_bounds = array<i64: 1, 256>}, {pipeline_mode = #tpu.pipeline_mode<synchronous>, transform_indices = @transform_4, window_bounds = array<i64: 1, 256>}, {transform_indices = @transform_5, window_bounds = array<i64: 2000, 128>}, {transform_indices = @transform_6, window_bounds = array<i64: 2000, 128>}]} {
    %get3A = arith.constant 0 : index
    %get3A_0 = arith.constant 0 : index
    %get3A_1 = arith.constant 0 : index
    %get3A_2 = vector.load %arg3[%get3A, %get3A_0, %get3A_1] : memref<1x256x256xf32, #tpu.memory_space<vmem>>, vector<1x256x256xf32>
    %get3A_3 = vector.shape_cast %get3A_2 : vector<1x256x256xf32> to vector<256x256xf32>
    %get3A_4 = arith.constant 0 : index
    %get3A_5 = arith.constant 0 : index
    %get3A_6 = vector.load %arg4[%get3A_4, %get3A_5] : memref<8x256xf32, #tpu.memory_space<vmem>>, vector<1x256xf32>
    %mul3A = arith.constant 9.99999974E-5 : f32
    %mul3A_7 = vector.broadcast %mul3A : f32 to vector<1x256xf32>
    %mul3A_8 = arith.mulf %get3A_6, %mul3A_7 : vector<1x256xf32>
    %get3A_9 = arith.constant 1 : index
    %get3A_10 = arith.constant 0 : index
    %get3A_11 = vector.load %arg4[%get3A_9, %get3A_10] : memref<8x256xf32, #tpu.memory_space<vmem>>, vector<1x256xf32>
    %mul3A_12 = arith.constant 9.99999974E-5 : f32
    %mul3A_13 = vector.broadcast %mul3A_12 : f32 to vector<1x256xf32>
    %mul3A_14 = arith.mulf %get3A_11, %mul3A_13 : vector<1x256xf32>
    %mul3A_15 = arith.mulf %mul3A_8, %mul3A_8 : vector<1x256xf32>
    %sub3A = arith.subf %mul3A_14, %mul3A_15 : vector<1x256xf32>
    %add3A = arith.constant 9.99999974E-6 : f32
    %add3A_16 = vector.broadcast %add3A : f32 to vector<1x256xf32>
    %add3A_17 = arith.addf %sub3A, %add3A_16 : vector<1x256xf32>
    %rsqrt3A = math.rsqrt %add3A_17 : vector<1x256xf32>
    %get3A_18 = arith.constant 0 : index
    %get3A_19 = arith.constant 0 : index
    %get3A_20 = vector.load %arg5[%get3A_18, %get3A_19] : memref<1x256xf32, #tpu.memory_space<vmem>>, vector<1x256xf32>
    %mul3A_21 = arith.mulf %rsqrt3A, %get3A_20 : vector<1x256xf32>
    %get3A_22 = arith.constant 0 : index
    %get3A_23 = arith.constant 0 : index
    %get3A_24 = vector.load %arg6[%get3A_22, %get3A_23] : memref<1x256xf32, #tpu.memory_space<vmem>>, vector<1x256xf32>
    %mul3A_25 = arith.mulf %mul3A_8, %mul3A_21 : vector<1x256xf32>
    %sub3A_26 = arith.subf %get3A_24, %mul3A_25 : vector<1x256xf32>
    %get3A_27 = arith.constant 0 : index
    %get3A_28 = arith.constant 0 : index
    %get3A_29 = vector.load %arg2[%get3A_27, %get3A_28] : memref<2000x256xf32, #tpu.memory_space<vmem>>, vector<2000x256xf32>
    %mul3A_30 = vector.broadcast %mul3A_21 : vector<1x256xf32> to vector<256x256xf32>
    %mul3A_31 = arith.mulf %get3A_3, %mul3A_30 : vector<256x256xf32>
    %dot_general3A = arith.constant dense<0.000000e+00> : vector<2000x256xf32>
    %dot_general3A_32 = tpu.matmul %get3A_29, %mul3A_31, %dot_general3A {dimension_numbers = #tpu.dot_dimension_numbers<[1], [1], [0], [0], [0, 0, 1, 0], [], []>, precision = #tpu.contract_precision<fp32>, transpose_lhs_hint = false} : vector<2000x256xf32>, vector<256x256xf32>, vector<2000x256xf32> -> vector<2000x256xf32>
    %dot_general3A_33 = arith.constant dense<0.000000e+00> : vector<1x256xf32>
    %dot_general3A_34 = tpu.matmul %sub3A_26, %get3A_3, %dot_general3A_33 {dimension_numbers = #tpu.dot_dimension_numbers<[1], [1], [0], [0], [0, 0, 1, 0], [], []>, transpose_lhs_hint = false} : vector<1x256xf32>, vector<256x256xf32>, vector<1x256xf32> -> vector<1x256xf32>
    %add3A_35 = vector.broadcast %dot_general3A_34 : vector<1x256xf32> to vector<2000x256xf32>
    %add3A_36 = arith.addf %dot_general3A_32, %add3A_35 : vector<2000x256xf32>
    %slice3A = vector.extract_strided_slice %add3A_36 {offsets = [0, 0], sizes = [2000, 128], strides = [1, 1]} : vector<2000x256xf32> to vector<2000x128xf32>
    %swap3A = arith.constant 0 : index
    %swap3A_37 = arith.constant 0 : index
    %swap3A_38 = vector.load %arg7[%swap3A, %swap3A_37] : memref<2000x128xf32, #tpu.memory_space<vmem>>, vector<2000x128xf32>
    tpu.vector_store %arg7[%swap3A, %swap3A_37], %slice3A {strides = array<i32>} : memref<2000x128xf32, #tpu.memory_space<vmem>>, vector<2000x128xf32>,
    %slice3A_39 = vector.extract_strided_slice %add3A_36 {offsets = [0, 128], sizes = [2000, 128], strides = [1, 1]} : vector<2000x256xf32> to vector<2000x128xf32>
    %swap3A_40 = arith.constant 0 : index
    %swap3A_41 = arith.constant 0 : index
    %swap3A_42 = vector.load %arg8[%swap3A_40, %swap3A_41] : memref<2000x128xf32, #tpu.memory_space<vmem>>, vector<2000x128xf32>
    tpu.vector_store %arg8[%swap3A_40, %swap3A_41], %slice3A_39 {strides = array<i32>} : memref<2000x128xf32, #tpu.memory_space<vmem>>, vector<2000x128xf32>,
    return
  }
  func.func @transform_0(%arg0: i32, %arg1: i32) -> (i32, i32) {
    %c0_i32 = arith.constant 0 : i32
    %c0_i32_0 = arith.constant 0 : i32
    return %arg0, %c0_i32 : i32, i32
  }
  func.func @transform_1(%arg0: i32, %arg1: i32) -> (i32, i32, i32) {
    %c0_i32 = arith.constant 0 : i32
    %c0_i32_0 = arith.constant 0 : i32
    %c0_i32_1 = arith.constant 0 : i32
    return %arg1, %c0_i32, %c0_i32_0 : i32, i32, i32
  }
  func.func @transform_2(%arg0: i32, %arg1: i32) -> (i32, i32) {
    %c0_i32 = arith.constant 0 : i32
    %c0_i32_0 = arith.constant 0 : i32
    %c0_i32_1 = arith.constant 0 : i32
    return %c0_i32, %c0_i32_0 : i32, i32
  }
  func.func @transform_3(%arg0: i32, %arg1: i32) -> (i32, i32) {
    %c0_i32 = arith.constant 0 : i32
    %c0_i32_0 = arith.constant 0 : i32
    %c0_i32_1 = arith.constant 0 : i32
    return %c0_i32, %c0_i32_0 : i32, i32
  }
  func.func @transform_4(%arg0: i32, %arg1: i32) -> (i32, i32) {
    %c0_i32 = arith.constant 0 : i32
    %c0_i32_0 = arith.constant 0 : i32
    %c0_i32_1 = arith.constant 0 : i32
    return %c0_i32, %c0_i32_0 : i32, i32
  }
  func.func @transform_5(%arg0: i32, %arg1: i32) -> (i32, i32) {
    %mul3A = arith.constant 5 : i32
    %mul3A_0 = arith.muli %arg1, %mul3A : i32
    %add3A = arith.addi %mul3A_0, %arg0 : i32
    %c0_i32 = arith.constant 0 : i32
    %c0_i32_1 = arith.constant 0 : i32
    return %add3A, %c0_i32 : i32, i32
  }
  func.func @transform_6(%arg0: i32, %arg1: i32) -> (i32, i32) {
    %mul3A = arith.constant 5 : i32
    %mul3A_0 = arith.muli %arg1, %mul3A : i32
    %add3A = arith.addi %mul3A_0, %arg0 : i32
    %c0_i32 = arith.constant 0 : i32
    %c0_i32_1 = arith.constant 0 : i32
    return %add3A, %c0_i32 : i32, i32
  }
}

module attributes {stable_mosaic.version = 14 : i64} {
  func.func @_layer_bn_body(%arg0: i32, %arg1: memref<2000x256xf32, #tpu.memory_space<vmem>>, %arg2: memref<2000x128xf32, #tpu.memory_space<vmem>>, %arg3: memref<2000x128xf32, #tpu.memory_space<vmem>>, %arg4: memref<256x256xf32, #tpu.memory_space<vmem>>, %arg5: memref<1x256xf32, #tpu.memory_space<vmem>>, %arg6: memref<3x256xf32, #tpu.memory_space<vmem>>, %arg7: memref<1x1x2000xi32, #tpu.memory_space<vmem>>, %arg8: memref<1x256xf32, #tpu.memory_space<vmem>>, %arg9: memref<1x256xf32, #tpu.memory_space<vmem>>, %arg10: memref<8x256xf32, #tpu.memory_space<vmem>>, %arg11: memref<1x256xf32, #tpu.memory_space<vmem>>, %arg12: memref<1x256xf32, #tpu.memory_space<vmem>>, %arg13: memref<2000x256xf32, #tpu.memory_space<vmem>>, %arg14: memref<8x256xf32, #tpu.memory_space<vmem>>, %arg15: memref<64x256xf32, #tpu.memory_space<vmem>>, %arg16: memref<64x128xf32, #tpu.memory_space<vmem>>, %arg17: memref<64x256xf32, #tpu.memory_space<vmem>>) attributes {dimension_semantics = [#tpu.dimension_semantics<arbitrary>], iteration_bounds = array<i64: 5>, scalar_prefetch = 0 : i64, scratch_operands = 0 : i64, tpu.core_type = #tpu.core_type<tc>, window_params = [{transform_indices = @transform_0, window_bounds = array<i64: 2000, 256>}, {transform_indices = @transform_1, window_bounds = array<i64: 2000, 128>}, {transform_indices = @transform_2, window_bounds = array<i64: 2000, 128>}, {pipeline_mode = #tpu.pipeline_mode<synchronous>, transform_indices = @transform_3, window_bounds = array<i64: 256, 256>}, {pipeline_mode = #tpu.pipeline_mode<synchronous>, transform_indices = @transform_4, window_bounds = array<i64: 1, 256>}, {pipeline_mode = #tpu.pipeline_mode<synchronous>, transform_indices = @transform_5, window_bounds = array<i64: 3, 256>}, {transform_indices = @transform_6, window_bounds = array<i64: 1, 1, 2000>}, {pipeline_mode = #tpu.pipeline_mode<synchronous>, transform_indices = @transform_7, window_bounds = array<i64: 1, 256>}, {pipeline_mode = #tpu.pipeline_mode<synchronous>, transform_indices = @transform_8, window_bounds = array<i64: 1, 256>}, {pipeline_mode = #tpu.pipeline_mode<synchronous>, transform_indices = @transform_9, window_bounds = array<i64: 8, 256>}, {pipeline_mode = #tpu.pipeline_mode<synchronous>, transform_indices = @transform_10, window_bounds = array<i64: 1, 256>}, {pipeline_mode = #tpu.pipeline_mode<synchronous>, transform_indices = @transform_11, window_bounds = array<i64: 1, 256>}, {transform_indices = @transform_12, window_bounds = array<i64: 2000, 256>}, {pipeline_mode = #tpu.pipeline_mode<synchronous>, transform_indices = @transform_13, window_bounds = array<i64: 8, 256>}, {pipeline_mode = #tpu.pipeline_mode<synchronous>, transform_indices = @transform_14, window_bounds = array<i64: 64, 256>}, {pipeline_mode = #tpu.pipeline_mode<synchronous>, transform_indices = @transform_15, window_bounds = array<i64: 64, 128>}, {pipeline_mode = #tpu.pipeline_mode<synchronous>, transform_indices = @transform_16, window_bounds = array<i64: 64, 256>}]} {
    %get3A = arith.constant 0 : index
    %get3A_0 = arith.constant 0 : index
    %get3A_1 = vector.load %arg4[%get3A, %get3A_0] : memref<256x256xf32, #tpu.memory_space<vmem>>, vector<256x256xf32>
    %get3A_2 = arith.constant 0 : index
    %get3A_3 = arith.constant 0 : index
    %get3A_4 = vector.load %arg10[%get3A_2, %get3A_3] : memref<8x256xf32, #tpu.memory_space<vmem>>, vector<1x256xf32>
    %mul3A = arith.constant 9.99999974E-5 : f32
    %mul3A_5 = vector.broadcast %mul3A : f32 to vector<1x256xf32>
    %mul3A_6 = arith.mulf %get3A_4, %mul3A_5 : vector<1x256xf32>
    %get3A_7 = arith.constant 1 : index
    %get3A_8 = arith.constant 0 : index
    %get3A_9 = vector.load %arg10[%get3A_7, %get3A_8] : memref<8x256xf32, #tpu.memory_space<vmem>>, vector<1x256xf32>
    %mul3A_10 = arith.constant 9.99999974E-5 : f32
    %mul3A_11 = vector.broadcast %mul3A_10 : f32 to vector<1x256xf32>
    %mul3A_12 = arith.mulf %get3A_9, %mul3A_11 : vector<1x256xf32>
    %mul3A_13 = arith.mulf %mul3A_6, %mul3A_6 : vector<1x256xf32>
    %sub3A = arith.subf %mul3A_12, %mul3A_13 : vector<1x256xf32>
    %add3A = arith.constant 9.99999974E-6 : f32
    %add3A_14 = vector.broadcast %add3A : f32 to vector<1x256xf32>
    %add3A_15 = arith.addf %sub3A, %add3A_14 : vector<1x256xf32>
    %rsqrt3A = math.rsqrt %add3A_15 : vector<1x256xf32>
    %get3A_16 = arith.constant 0 : index
    %get3A_17 = arith.constant 0 : index
    %get3A_18 = vector.load %arg11[%get3A_16, %get3A_17] : memref<1x256xf32, #tpu.memory_space<vmem>>, vector<1x256xf32>
    %mul3A_19 = arith.mulf %rsqrt3A, %get3A_18 : vector<1x256xf32>
    %get3A_20 = arith.constant 0 : index
    %get3A_21 = arith.constant 0 : index
    %get3A_22 = vector.load %arg12[%get3A_20, %get3A_21] : memref<1x256xf32, #tpu.memory_space<vmem>>, vector<1x256xf32>
    %mul3A_23 = arith.mulf %mul3A_6, %mul3A_19 : vector<1x256xf32>
    %sub3A_24 = arith.subf %get3A_22, %mul3A_23 : vector<1x256xf32>
    %get3A_25 = arith.constant 0 : index
    %get3A_26 = arith.constant 0 : index
    %get3A_27 = vector.load %arg5[%get3A_25, %get3A_26] : memref<1x256xf32, #tpu.memory_space<vmem>>, vector<1x256xf32>
    %get3A_28 = vector.shape_cast %get3A_27 : vector<1x256xf32> to vector<256xf32>
    %get3A_29 = arith.constant 0 : index
    %get3A_30 = arith.constant 0 : index
    %get3A_31 = vector.load %arg6[%get3A_29, %get3A_30] : memref<3x256xf32, #tpu.memory_space<vmem>>, vector<1x256xf32>
    %get3A_32 = vector.shape_cast %get3A_31 : vector<1x256xf32> to vector<256xf32>
    %add3A_33 = arith.addf %get3A_28, %get3A_32 : vector<256xf32>
    %get3A_34 = arith.constant 1 : index
    %get3A_35 = arith.constant 0 : index
    %get3A_36 = vector.load %arg6[%get3A_34, %get3A_35] : memref<3x256xf32, #tpu.memory_space<vmem>>, vector<1x256xf32>
    %get3A_37 = vector.shape_cast %get3A_36 : vector<1x256xf32> to vector<256xf32>
    %add3A_38 = arith.addf %add3A_33, %get3A_37 : vector<256xf32>
    %get3A_39 = arith.constant 2 : index
    %get3A_40 = arith.constant 0 : index
    %get3A_41 = vector.load %arg6[%get3A_39, %get3A_40] : memref<3x256xf32, #tpu.memory_space<vmem>>, vector<1x256xf32>
    %get3A_42 = vector.shape_cast %get3A_41 : vector<1x256xf32> to vector<256xf32>
    %add3A_43 = arith.addf %add3A_38, %get3A_42 : vector<256xf32>
    %broadcast_in_dim3A = vector.shape_cast %add3A_43 : vector<256xf32> to vector<1x256xf32>
    %dot_general3A = arith.constant dense<0.000000e+00> : vector<1x256xf32>
    %dot_general3A_44 = tpu.matmul %sub3A_24, %get3A_1, %dot_general3A {dimension_numbers = #tpu.dot_dimension_numbers<[1], [1], [0], [0], [0, 0, 1, 0], [], []>, transpose_lhs_hint = false} : vector<1x256xf32>, vector<256x256xf32>, vector<1x256xf32> -> vector<1x256xf32>
    %add3A_45 = arith.addf %broadcast_in_dim3A, %dot_general3A_44 : vector<1x256xf32>
    %get3A_46 = arith.constant 0 : index
    %get3A_47 = arith.constant 0 : index
    %get3A_48 = vector.load %arg1[%get3A_46, %get3A_47] : memref<2000x256xf32, #tpu.memory_space<vmem>>, vector<2000x256xf32>
    %mul3A_49 = vector.broadcast %mul3A_19 : vector<1x256xf32> to vector<256x256xf32>
    %mul3A_50 = arith.mulf %get3A_1, %mul3A_49 : vector<256x256xf32>
    %dot_general3A_51 = arith.constant dense<0.000000e+00> : vector<2000x256xf32>
    %dot_general3A_52 = tpu.matmul %get3A_48, %mul3A_50, %dot_general3A_51 {dimension_numbers = #tpu.dot_dimension_numbers<[1], [1], [0], [0], [0, 0, 1, 0], [], []>, transpose_lhs_hint = false} : vector<2000x256xf32>, vector<256x256xf32>, vector<2000x256xf32> -> vector<2000x256xf32>
    %add3A_53 = vector.broadcast %add3A_45 : vector<1x256xf32> to vector<2000x256xf32>
    %add3A_54 = arith.addf %dot_general3A_52, %add3A_53 : vector<2000x256xf32>
    %get3A_55 = arith.constant 0 : index
    %get3A_56 = arith.constant 0 : index
    %get3A_57 = vector.load %arg2[%get3A_55, %get3A_56] : memref<2000x128xf32, #tpu.memory_space<vmem>>, vector<2000x128xf32>
    %get3A_58 = arith.constant 0 : index
    %get3A_59 = arith.constant 0 : index
    %get3A_60 = vector.load %arg3[%get3A_58, %get3A_59] : memref<2000x128xf32, #tpu.memory_space<vmem>>, vector<2000x128xf32>
    %concatenate3A = tpu.concatenate %get3A_57, %get3A_60 in 1 : vector<2000x128xf32>, vector<2000x128xf32> -> vector<2000x256xf32>
    %add3A_61 = arith.addf %add3A_54, %concatenate3A : vector<2000x256xf32>
    %max3A = arith.constant 0.000000e+00 : f32
    %max3A_62 = vector.broadcast %max3A : f32 to vector<2000x256xf32>
    %max3A_63 = arith.maximumf %add3A_61, %max3A_62 : vector<2000x256xf32>
    %swap3A = arith.constant 0 : index
    %swap3A_64 = arith.constant 0 : index
    %swap3A_65 = vector.load %arg13[%swap3A, %swap3A_64] : memref<2000x256xf32, #tpu.memory_space<vmem>>, vector<2000x256xf32>
    tpu.vector_store %arg13[%swap3A, %swap3A_64], %max3A_63 {strides = array<i32>} : memref<2000x256xf32, #tpu.memory_space<vmem>>, vector<2000x256xf32>,
    %eq3A = arith.constant 0 : i32
    %eq3A_66 = arith.cmpi eq, %arg0, %eq3A : i32
    %convert_element_type3A = arith.extui %eq3A_66 : i1 to i32
    %cond3A = arith.constant 0 : i32
    %cond3A_67 = arith.cmpi ne, %convert_element_type3A, %cond3A : i32
    scf.if %cond3A_67 {
      %broadcast_in_dim3A_123 = arith.constant 0.000000e+00 : f32
      %broadcast_in_dim3A_124 = vector.broadcast %broadcast_in_dim3A_123 : f32 to vector<8x256xf32>
      %swap3A_125 = arith.constant 0 : index
      %swap3A_126 = arith.constant 0 : index
      %swap3A_127 = vector.load %arg14[%swap3A_125, %swap3A_126] : memref<8x256xf32, #tpu.memory_space<vmem>>, vector<8x256xf32>
      tpu.vector_store %arg14[%swap3A_125, %swap3A_126], %broadcast_in_dim3A_124 {strides = array<i32>} : memref<8x256xf32, #tpu.memory_space<vmem>>, vector<8x256xf32>,
      %broadcast_in_dim3A_128 = arith.constant 0.000000e+00 : f32
      %broadcast_in_dim3A_129 = vector.broadcast %broadcast_in_dim3A_128 : f32 to vector<64x256xf32>
      %swap3A_130 = arith.constant 0 : index
      %swap3A_131 = arith.constant 0 : index
      %swap3A_132 = vector.load %arg15[%swap3A_130, %swap3A_131] : memref<64x256xf32, #tpu.memory_space<vmem>>, vector<64x256xf32>
      tpu.vector_store %arg15[%swap3A_130, %swap3A_131], %broadcast_in_dim3A_129 {strides = array<i32>} : memref<64x256xf32, #tpu.memory_space<vmem>>, vector<64x256xf32>,
      %broadcast_in_dim3A_133 = arith.constant 0.000000e+00 : f32
      %broadcast_in_dim3A_134 = vector.broadcast %broadcast_in_dim3A_133 : f32 to vector<64x128xf32>
      %swap3A_135 = arith.constant 0 : index
      %swap3A_136 = arith.constant 0 : index
      %swap3A_137 = vector.load %arg16[%swap3A_135, %swap3A_136] : memref<64x128xf32, #tpu.memory_space<vmem>>, vector<64x128xf32>
      tpu.vector_store %arg16[%swap3A_135, %swap3A_136], %broadcast_in_dim3A_134 {strides = array<i32>} : memref<64x128xf32, #tpu.memory_space<vmem>>, vector<64x128xf32>,
    } else {
    }
    %get3A_68 = arith.constant 0 : index
    %get3A_69 = arith.constant 0 : index
    %get3A_70 = vector.load %arg14[%get3A_68, %get3A_69] : memref<8x256xf32, #tpu.memory_space<vmem>>, vector<1x256xf32>
    %reduce_sum3A = arith.constant dense<0.000000e+00> : vector<256xf32>
    %reduce_sum3A_71 = vector.multi_reduction <add>, %max3A_63, %reduce_sum3A [0] : vector<2000x256xf32> to vector<256xf32>
    %broadcast_in_dim3A_72 = vector.shape_cast %reduce_sum3A_71 : vector<256xf32> to vector<1x256xf32>
    %add3A_73 = arith.addf %get3A_70, %broadcast_in_dim3A_72 : vector<1x256xf32>
    %swap3A_74 = arith.constant 0 : index
    %swap3A_75 = arith.constant 0 : index
    %swap3A_76 = vector.load %arg14[%swap3A_74, %swap3A_75] : memref<8x256xf32, #tpu.memory_space<vmem>>, vector<1x256xf32>
    tpu.vector_store %arg14[%swap3A_74, %swap3A_75], %add3A_73 {strides = array<i32>} : memref<8x256xf32, #tpu.memory_space<vmem>>, vector<1x256xf32>,
    %get3A_77 = arith.constant 1 : index
    %get3A_78 = arith.constant 0 : index
    %get3A_79 = vector.load %arg14[%get3A_77, %get3A_78] : memref<8x256xf32, #tpu.memory_space<vmem>>, vector<1x256xf32>
    %mul3A_80 = arith.mulf %max3A_63, %max3A_63 : vector<2000x256xf32>
    %reduce_sum3A_81 = arith.constant dense<0.000000e+00> : vector<256xf32>
    %reduce_sum3A_82 = vector.multi_reduction <add>, %mul3A_80, %reduce_sum3A_81 [0] : vector<2000x256xf32> to vector<256xf32>
    %broadcast_in_dim3A_83 = vector.shape_cast %reduce_sum3A_82 : vector<256xf32> to vector<1x256xf32>
    %add3A_84 = arith.addf %get3A_79, %broadcast_in_dim3A_83 : vector<1x256xf32>
    %swap3A_85 = arith.constant 1 : index
    %swap3A_86 = arith.constant 0 : index
    %swap3A_87 = vector.load %arg14[%swap3A_85, %swap3A_86] : memref<8x256xf32, #tpu.memory_space<vmem>>, vector<1x256xf32>
    tpu.vector_store %arg14[%swap3A_85, %swap3A_86], %add3A_84 {strides = array<i32>} : memref<8x256xf32, #tpu.memory_space<vmem>>, vector<1x256xf32>,
    %get3A_88 = arith.constant 0 : index
    %get3A_89 = arith.constant 0 : index
    %get3A_90 = arith.constant 0 : index
    %get3A_91 = vector.load %arg7[%get3A_88, %get3A_89, %get3A_90] : memref<1x1x2000xi32, #tpu.memory_space<vmem>>, vector<1x1x2000xi32>
    %get3A_92 = vector.shape_cast %get3A_91 : vector<1x1x2000xi32> to vector<1x2000xi32>
    %iota3A = tpu.iota {dimensions = array<i32: 0>} : vector<64x2000xi32>
    %eq3A_93 = vector.broadcast %get3A_92 : vector<1x2000xi32> to vector<64x2000xi32>
    %eq3A_94 = arith.cmpi eq, %iota3A, %eq3A_93 : vector<64x2000xi32>
    %convert_element_type3A_95 = arith.extui %eq3A_94 : vector<64x2000xi1> to vector<64x2000xi32>
    %convert_element_type3A_96 = arith.sitofp %convert_element_type3A_95 : vector<64x2000xi32> to vector<64x2000xf32>
    %get3A_97 = arith.constant 0 : index
    %get3A_98 = arith.constant 0 : index
    %get3A_99 = vector.load %arg15[%get3A_97, %get3A_98] : memref<64x256xf32, #tpu.memory_space<vmem>>, vector<64x256xf32>
    %dot_general3A_100 = arith.constant dense<0.000000e+00> : vector<64x256xf32>
    %dot_general3A_101 = tpu.matmul %convert_element_type3A_96, %max3A_63, %dot_general3A_100 {dimension_numbers = #tpu.dot_dimension_numbers<[1], [0], [0], [1], [0, 0, 1, 1], [], []>, precision = #tpu.contract_precision<fp32>, transpose_lhs_hint = false} : vector<64x2000xf32>, vector<2000x256xf32>, vector<64x256xf32> -> vector<64x256xf32>
    %add3A_102 = arith.addf %get3A_99, %dot_general3A_101 : vector<64x256xf32>
    %swap3A_103 = arith.constant 0 : index
    %swap3A_104 = arith.constant 0 : index
    %swap3A_105 = vector.load %arg15[%swap3A_103, %swap3A_104] : memref<64x256xf32, #tpu.memory_space<vmem>>, vector<64x256xf32>
    tpu.vector_store %arg15[%swap3A_103, %swap3A_104], %add3A_102 {strides = array<i32>} : memref<64x256xf32, #tpu.memory_space<vmem>>, vector<64x256xf32>,
    %get3A_106 = arith.constant 0 : index
    %get3A_107 = arith.constant 0 : index
    %get3A_108 = vector.load %arg16[%get3A_106, %get3A_107] : memref<64x128xf32, #tpu.memory_space<vmem>>, vector<64x128xf32>
    %reduce_sum3A_109 = arith.constant dense<0.000000e+00> : vector<64xf32>
    %reduce_sum3A_110 = vector.multi_reduction <add>, %convert_element_type3A_96, %reduce_sum3A_109 [1] : vector<64x2000xf32> to vector<64xf32>
    %broadcast_in_dim3A_111 = vector.shape_cast %reduce_sum3A_110 : vector<64xf32> to vector<64x1xf32>
    %broadcast_in_dim3A_112 = vector.shape_cast %broadcast_in_dim3A_111 : vector<64x1xf32> to vector<64x1xf32>
    %broadcast_in_dim3A_113 = vector.broadcast %broadcast_in_dim3A_112 : vector<64x1xf32> to vector<64x128xf32>
    %add3A_114 = arith.addf %get3A_108, %broadcast_in_dim3A_113 : vector<64x128xf32>
    %swap3A_115 = arith.constant 0 : index
    %swap3A_116 = arith.constant 0 : index
    %swap3A_117 = vector.load %arg16[%swap3A_115, %swap3A_116] : memref<64x128xf32, #tpu.memory_space<vmem>>, vector<64x128xf32>
    tpu.vector_store %arg16[%swap3A_115, %swap3A_116], %add3A_114 {strides = array<i32>} : memref<64x128xf32, #tpu.memory_space<vmem>>, vector<64x128xf32>,
    %eq3A_118 = arith.constant 4 : i32
    %eq3A_119 = arith.cmpi eq, %arg0, %eq3A_118 : i32
    %convert_element_type3A_120 = arith.extui %eq3A_119 : i1 to i32
    %cond3A_121 = arith.constant 0 : i32
    %cond3A_122 = arith.cmpi ne, %convert_element_type3A_120, %cond3A_121 : i32
    scf.if %cond3A_122 {
      %get3A_123 = arith.constant 0 : index
      %get3A_124 = arith.constant 0 : index
      %get3A_125 = vector.load %arg14[%get3A_123, %get3A_124] : memref<8x256xf32, #tpu.memory_space<vmem>>, vector<1x256xf32>
      %mul3A_126 = arith.constant 9.99999974E-5 : f32
      %mul3A_127 = vector.broadcast %mul3A_126 : f32 to vector<1x256xf32>
      %mul3A_128 = arith.mulf %get3A_125, %mul3A_127 : vector<1x256xf32>
      %get3A_129 = arith.constant 1 : index
      %get3A_130 = arith.constant 0 : index
      %get3A_131 = vector.load %arg14[%get3A_129, %get3A_130] : memref<8x256xf32, #tpu.memory_space<vmem>>, vector<1x256xf32>
      %mul3A_132 = arith.constant 9.99999974E-5 : f32
      %mul3A_133 = vector.broadcast %mul3A_132 : f32 to vector<1x256xf32>
      %mul3A_134 = arith.mulf %get3A_131, %mul3A_133 : vector<1x256xf32>
      %mul3A_135 = arith.mulf %mul3A_128, %mul3A_128 : vector<1x256xf32>
      %sub3A_136 = arith.subf %mul3A_134, %mul3A_135 : vector<1x256xf32>
      %add3A_137 = arith.constant 9.99999974E-6 : f32
      %add3A_138 = vector.broadcast %add3A_137 : f32 to vector<1x256xf32>
      %add3A_139 = arith.addf %sub3A_136, %add3A_138 : vector<1x256xf32>
      %rsqrt3A_140 = math.rsqrt %add3A_139 : vector<1x256xf32>
      %get3A_141 = arith.constant 0 : index
      %get3A_142 = arith.constant 0 : index
      %get3A_143 = vector.load %arg8[%get3A_141, %get3A_142] : memref<1x256xf32, #tpu.memory_space<vmem>>, vector<1x256xf32>
      %mul3A_144 = arith.mulf %rsqrt3A_140, %get3A_143 : vector<1x256xf32>
      %get3A_145 = arith.constant 0 : index
      %get3A_146 = arith.constant 0 : index
      %get3A_147 = vector.load %arg9[%get3A_145, %get3A_146] : memref<1x256xf32, #tpu.memory_space<vmem>>, vector<1x256xf32>
      %mul3A_148 = arith.mulf %mul3A_128, %mul3A_144 : vector<1x256xf32>
      %sub3A_149 = arith.subf %get3A_147, %mul3A_148 : vector<1x256xf32>
      %get3A_150 = arith.constant 0 : index
      %get3A_151 = arith.constant 0 : index
      %get3A_152 = vector.load %arg16[%get3A_150, %get3A_151] : memref<64x128xf32, #tpu.memory_space<vmem>>, vector<64x1xf32>
      %get3A_153 = arith.constant 0 : index
      %get3A_154 = arith.constant 0 : index
      %get3A_155 = vector.load %arg15[%get3A_153, %get3A_154] : memref<64x256xf32, #tpu.memory_space<vmem>>, vector<64x256xf32>
      %mul3A_156 = vector.broadcast %mul3A_144 : vector<1x256xf32> to vector<64x256xf32>
      %mul3A_157 = arith.mulf %get3A_155, %mul3A_156 : vector<64x256xf32>
      %mul3A_158 = vector.broadcast %get3A_152 : vector<64x1xf32> to vector<64x256xf32>
      %mul3A_159 = vector.broadcast %sub3A_149 : vector<1x256xf32> to vector<64x256xf32>
      %mul3A_160 = arith.mulf %mul3A_158, %mul3A_159 : vector<64x256xf32>
      %add3A_161 = arith.addf %mul3A_157, %mul3A_160 : vector<64x256xf32>
      %rsqrt3A_162 = math.rsqrt %get3A_152 : vector<64x1xf32>
      %mul3A_163 = vector.broadcast %rsqrt3A_162 : vector<64x1xf32> to vector<64x256xf32>
      %mul3A_164 = arith.mulf %add3A_161, %mul3A_163 : vector<64x256xf32>
      %swap3A_165 = arith.constant 0 : index
      %swap3A_166 = arith.constant 0 : index
      %swap3A_167 = vector.load %arg17[%swap3A_165, %swap3A_166] : memref<64x256xf32, #tpu.memory_space<vmem>>, vector<64x256xf32>
      tpu.vector_store %arg17[%swap3A_165, %swap3A_166], %mul3A_164 {strides = array<i32>} : memref<64x256xf32, #tpu.memory_space<vmem>>, vector<64x256xf32>,
    } else {
    }
    return
  }
  func.func @transform_0(%arg0: i32) -> (i32, i32) {
    %c0_i32 = arith.constant 0 : i32
    %c0_i32_0 = arith.constant 0 : i32
    return %arg0, %c0_i32 : i32, i32
  }
  func.func @transform_1(%arg0: i32) -> (i32, i32) {
    %c0_i32 = arith.constant 0 : i32
    %c0_i32_0 = arith.constant 0 : i32
    return %arg0, %c0_i32 : i32, i32
  }
  func.func @transform_2(%arg0: i32) -> (i32, i32) {
    %c0_i32 = arith.constant 0 : i32
    %c0_i32_0 = arith.constant 0 : i32
    return %arg0, %c0_i32 : i32, i32
  }
  func.func @transform_3(%arg0: i32) -> (i32, i32) {
    %c0_i32 = arith.constant 0 : i32
    %c0_i32_0 = arith.constant 0 : i32
    %c0_i32_1 = arith.constant 0 : i32
    return %c0_i32, %c0_i32_0 : i32, i32
  }
  func.func @transform_4(%arg0: i32) -> (i32, i32) {
    %c0_i32 = arith.constant 0 : i32
    %c0_i32_0 = arith.constant 0 : i32
    %c0_i32_1 = arith.constant 0 : i32
    return %c0_i32, %c0_i32_0 : i32, i32
  }
  func.func @transform_5(%arg0: i32) -> (i32, i32) {
    %c0_i32 = arith.constant 0 : i32
    %c0_i32_0 = arith.constant 0 : i32
    %c0_i32_1 = arith.constant 0 : i32
    return %c0_i32, %c0_i32_0 : i32, i32
  }
  func.func @transform_6(%arg0: i32) -> (i32, i32, i32) {
    %c0_i32 = arith.constant 0 : i32
    %c0_i32_0 = arith.constant 0 : i32
    %c0_i32_1 = arith.constant 0 : i32
    return %arg0, %c0_i32, %c0_i32_0 : i32, i32, i32
  }
  func.func @transform_7(%arg0: i32) -> (i32, i32) {
    %c0_i32 = arith.constant 0 : i32
    %c0_i32_0 = arith.constant 0 : i32
    %c0_i32_1 = arith.constant 0 : i32
    return %c0_i32, %c0_i32_0 : i32, i32
  }
  func.func @transform_8(%arg0: i32) -> (i32, i32) {
    %c0_i32 = arith.constant 0 : i32
    %c0_i32_0 = arith.constant 0 : i32
    %c0_i32_1 = arith.constant 0 : i32
    return %c0_i32, %c0_i32_0 : i32, i32
  }
  func.func @transform_9(%arg0: i32) -> (i32, i32) {
    %c0_i32 = arith.constant 0 : i32
    %c0_i32_0 = arith.constant 0 : i32
    %c0_i32_1 = arith.constant 0 : i32
    return %c0_i32, %c0_i32_0 : i32, i32
  }
  func.func @transform_10(%arg0: i32) -> (i32, i32) {
    %c0_i32 = arith.constant 0 : i32
    %c0_i32_0 = arith.constant 0 : i32
    %c0_i32_1 = arith.constant 0 : i32
    return %c0_i32, %c0_i32_0 : i32, i32
  }
  func.func @transform_11(%arg0: i32) -> (i32, i32) {
    %c0_i32 = arith.constant 0 : i32
    %c0_i32_0 = arith.constant 0 : i32
    %c0_i32_1 = arith.constant 0 : i32
    return %c0_i32, %c0_i32_0 : i32, i32
  }
  func.func @transform_12(%arg0: i32) -> (i32, i32) {
    %c0_i32 = arith.constant 0 : i32
    %c0_i32_0 = arith.constant 0 : i32
    return %arg0, %c0_i32 : i32, i32
  }
  func.func @transform_13(%arg0: i32) -> (i32, i32) {
    %c0_i32 = arith.constant 0 : i32
    %c0_i32_0 = arith.constant 0 : i32
    %c0_i32_1 = arith.constant 0 : i32
    return %c0_i32, %c0_i32_0 : i32, i32
  }
  func.func @transform_14(%arg0: i32) -> (i32, i32) {
    %c0_i32 = arith.constant 0 : i32
    %c0_i32_0 = arith.constant 0 : i32
    %c0_i32_1 = arith.constant 0 : i32
    return %c0_i32, %c0_i32_0 : i32, i32
  }
  func.func @transform_15(%arg0: i32) -> (i32, i32) {
    %c0_i32 = arith.constant 0 : i32
    %c0_i32_0 = arith.constant 0 : i32
    %c0_i32_1 = arith.constant 0 : i32
    return %c0_i32, %c0_i32_0 : i32, i32
  }
  func.func @transform_16(%arg0: i32) -> (i32, i32) {
    %c0_i32 = arith.constant 0 : i32
    %c0_i32_0 = arith.constant 0 : i32
    %c0_i32_1 = arith.constant 0 : i32
    return %c0_i32, %c0_i32_0 : i32, i32
  }
}

module attributes {stable_mosaic.version = 14 : i64} {
  func.func @_layer_bn_body(%arg0: i32, %arg1: memref<2000x256xf32, #tpu.memory_space<vmem>>, %arg2: memref<2000x128xf32, #tpu.memory_space<vmem>>, %arg3: memref<2000x128xf32, #tpu.memory_space<vmem>>, %arg4: memref<256x256xf32, #tpu.memory_space<vmem>>, %arg5: memref<1x256xf32, #tpu.memory_space<vmem>>, %arg6: memref<3x256xf32, #tpu.memory_space<vmem>>, %arg7: memref<1x1x2000xi32, #tpu.memory_space<vmem>>, %arg8: memref<1x256xf32, #tpu.memory_space<vmem>>, %arg9: memref<1x256xf32, #tpu.memory_space<vmem>>, %arg10: memref<8x256xf32, #tpu.memory_space<vmem>>, %arg11: memref<1x256xf32, #tpu.memory_space<vmem>>, %arg12: memref<1x256xf32, #tpu.memory_space<vmem>>, %arg13: memref<2000x256xf32, #tpu.memory_space<vmem>>, %arg14: memref<8x256xf32, #tpu.memory_space<vmem>>, %arg15: memref<64x256xf32, #tpu.memory_space<vmem>>, %arg16: memref<64x128xf32, #tpu.memory_space<vmem>>, %arg17: memref<64x256xf32, #tpu.memory_space<vmem>>) attributes {dimension_semantics = [#tpu.dimension_semantics<arbitrary>], iteration_bounds = array<i64: 5>, scalar_prefetch = 0 : i64, scratch_operands = 0 : i64, tpu.core_type = #tpu.core_type<tc>, window_params = [{transform_indices = @transform_0, window_bounds = array<i64: 2000, 256>}, {transform_indices = @transform_1, window_bounds = array<i64: 2000, 128>}, {transform_indices = @transform_2, window_bounds = array<i64: 2000, 128>}, {pipeline_mode = #tpu.pipeline_mode<synchronous>, transform_indices = @transform_3, window_bounds = array<i64: 256, 256>}, {pipeline_mode = #tpu.pipeline_mode<synchronous>, transform_indices = @transform_4, window_bounds = array<i64: 1, 256>}, {pipeline_mode = #tpu.pipeline_mode<synchronous>, transform_indices = @transform_5, window_bounds = array<i64: 3, 256>}, {transform_indices = @transform_6, window_bounds = array<i64: 1, 1, 2000>}, {pipeline_mode = #tpu.pipeline_mode<synchronous>, transform_indices = @transform_7, window_bounds = array<i64: 1, 256>}, {pipeline_mode = #tpu.pipeline_mode<synchronous>, transform_indices = @transform_8, window_bounds = array<i64: 1, 256>}, {pipeline_mode = #tpu.pipeline_mode<synchronous>, transform_indices = @transform_9, window_bounds = array<i64: 8, 256>}, {pipeline_mode = #tpu.pipeline_mode<synchronous>, transform_indices = @transform_10, window_bounds = array<i64: 1, 256>}, {pipeline_mode = #tpu.pipeline_mode<synchronous>, transform_indices = @transform_11, window_bounds = array<i64: 1, 256>}, {transform_indices = @transform_12, window_bounds = array<i64: 2000, 256>}, {pipeline_mode = #tpu.pipeline_mode<synchronous>, transform_indices = @transform_13, window_bounds = array<i64: 8, 256>}, {pipeline_mode = #tpu.pipeline_mode<synchronous>, transform_indices = @transform_14, window_bounds = array<i64: 64, 256>}, {pipeline_mode = #tpu.pipeline_mode<synchronous>, transform_indices = @transform_15, window_bounds = array<i64: 64, 128>}, {pipeline_mode = #tpu.pipeline_mode<synchronous>, transform_indices = @transform_16, window_bounds = array<i64: 64, 256>}]} {
    %get3A = arith.constant 0 : index
    %get3A_0 = arith.constant 0 : index
    %get3A_1 = vector.load %arg4[%get3A, %get3A_0] : memref<256x256xf32, #tpu.memory_space<vmem>>, vector<256x256xf32>
    %get3A_2 = arith.constant 0 : index
    %get3A_3 = arith.constant 0 : index
    %get3A_4 = vector.load %arg10[%get3A_2, %get3A_3] : memref<8x256xf32, #tpu.memory_space<vmem>>, vector<1x256xf32>
    %mul3A = arith.constant 9.99999974E-5 : f32
    %mul3A_5 = vector.broadcast %mul3A : f32 to vector<1x256xf32>
    %mul3A_6 = arith.mulf %get3A_4, %mul3A_5 : vector<1x256xf32>
    %get3A_7 = arith.constant 1 : index
    %get3A_8 = arith.constant 0 : index
    %get3A_9 = vector.load %arg10[%get3A_7, %get3A_8] : memref<8x256xf32, #tpu.memory_space<vmem>>, vector<1x256xf32>
    %mul3A_10 = arith.constant 9.99999974E-5 : f32
    %mul3A_11 = vector.broadcast %mul3A_10 : f32 to vector<1x256xf32>
    %mul3A_12 = arith.mulf %get3A_9, %mul3A_11 : vector<1x256xf32>
    %mul3A_13 = arith.mulf %mul3A_6, %mul3A_6 : vector<1x256xf32>
    %sub3A = arith.subf %mul3A_12, %mul3A_13 : vector<1x256xf32>
    %add3A = arith.constant 9.99999974E-6 : f32
    %add3A_14 = vector.broadcast %add3A : f32 to vector<1x256xf32>
    %add3A_15 = arith.addf %sub3A, %add3A_14 : vector<1x256xf32>
    %rsqrt3A = math.rsqrt %add3A_15 : vector<1x256xf32>
    %get3A_16 = arith.constant 0 : index
    %get3A_17 = arith.constant 0 : index
    %get3A_18 = vector.load %arg11[%get3A_16, %get3A_17] : memref<1x256xf32, #tpu.memory_space<vmem>>, vector<1x256xf32>
    %mul3A_19 = arith.mulf %rsqrt3A, %get3A_18 : vector<1x256xf32>
    %get3A_20 = arith.constant 0 : index
    %get3A_21 = arith.constant 0 : index
    %get3A_22 = vector.load %arg12[%get3A_20, %get3A_21] : memref<1x256xf32, #tpu.memory_space<vmem>>, vector<1x256xf32>
    %mul3A_23 = arith.mulf %mul3A_6, %mul3A_19 : vector<1x256xf32>
    %sub3A_24 = arith.subf %get3A_22, %mul3A_23 : vector<1x256xf32>
    %get3A_25 = arith.constant 0 : index
    %get3A_26 = arith.constant 0 : index
    %get3A_27 = vector.load %arg5[%get3A_25, %get3A_26] : memref<1x256xf32, #tpu.memory_space<vmem>>, vector<1x256xf32>
    %get3A_28 = vector.shape_cast %get3A_27 : vector<1x256xf32> to vector<256xf32>
    %get3A_29 = arith.constant 0 : index
    %get3A_30 = arith.constant 0 : index
    %get3A_31 = vector.load %arg6[%get3A_29, %get3A_30] : memref<3x256xf32, #tpu.memory_space<vmem>>, vector<1x256xf32>
    %get3A_32 = vector.shape_cast %get3A_31 : vector<1x256xf32> to vector<256xf32>
    %add3A_33 = arith.addf %get3A_28, %get3A_32 : vector<256xf32>
    %get3A_34 = arith.constant 1 : index
    %get3A_35 = arith.constant 0 : index
    %get3A_36 = vector.load %arg6[%get3A_34, %get3A_35] : memref<3x256xf32, #tpu.memory_space<vmem>>, vector<1x256xf32>
    %get3A_37 = vector.shape_cast %get3A_36 : vector<1x256xf32> to vector<256xf32>
    %add3A_38 = arith.addf %add3A_33, %get3A_37 : vector<256xf32>
    %get3A_39 = arith.constant 2 : index
    %get3A_40 = arith.constant 0 : index
    %get3A_41 = vector.load %arg6[%get3A_39, %get3A_40] : memref<3x256xf32, #tpu.memory_space<vmem>>, vector<1x256xf32>
    %get3A_42 = vector.shape_cast %get3A_41 : vector<1x256xf32> to vector<256xf32>
    %add3A_43 = arith.addf %add3A_38, %get3A_42 : vector<256xf32>
    %broadcast_in_dim3A = vector.shape_cast %add3A_43 : vector<256xf32> to vector<1x256xf32>
    %dot_general3A = arith.constant dense<0.000000e+00> : vector<1x256xf32>
    %dot_general3A_44 = tpu.matmul %sub3A_24, %get3A_1, %dot_general3A {dimension_numbers = #tpu.dot_dimension_numbers<[1], [1], [0], [0], [0, 0, 1, 0], [], []>, transpose_lhs_hint = false} : vector<1x256xf32>, vector<256x256xf32>, vector<1x256xf32> -> vector<1x256xf32>
    %add3A_45 = arith.addf %broadcast_in_dim3A, %dot_general3A_44 : vector<1x256xf32>
    %get3A_46 = arith.constant 0 : index
    %get3A_47 = arith.constant 0 : index
    %get3A_48 = vector.load %arg1[%get3A_46, %get3A_47] : memref<2000x256xf32, #tpu.memory_space<vmem>>, vector<2000x256xf32>
    %mul3A_49 = vector.broadcast %mul3A_19 : vector<1x256xf32> to vector<256x256xf32>
    %mul3A_50 = arith.mulf %get3A_1, %mul3A_49 : vector<256x256xf32>
    %dot_general3A_51 = arith.constant dense<0.000000e+00> : vector<2000x256xf32>
    %dot_general3A_52 = tpu.matmul %get3A_48, %mul3A_50, %dot_general3A_51 {dimension_numbers = #tpu.dot_dimension_numbers<[1], [1], [0], [0], [0, 0, 1, 0], [], []>, transpose_lhs_hint = false} : vector<2000x256xf32>, vector<256x256xf32>, vector<2000x256xf32> -> vector<2000x256xf32>
    %add3A_53 = vector.broadcast %add3A_45 : vector<1x256xf32> to vector<2000x256xf32>
    %add3A_54 = arith.addf %dot_general3A_52, %add3A_53 : vector<2000x256xf32>
    %get3A_55 = arith.constant 0 : index
    %get3A_56 = arith.constant 0 : index
    %get3A_57 = vector.load %arg2[%get3A_55, %get3A_56] : memref<2000x128xf32, #tpu.memory_space<vmem>>, vector<2000x128xf32>
    %get3A_58 = arith.constant 0 : index
    %get3A_59 = arith.constant 0 : index
    %get3A_60 = vector.load %arg3[%get3A_58, %get3A_59] : memref<2000x128xf32, #tpu.memory_space<vmem>>, vector<2000x128xf32>
    %concatenate3A = tpu.concatenate %get3A_57, %get3A_60 in 1 : vector<2000x128xf32>, vector<2000x128xf32> -> vector<2000x256xf32>
    %add3A_61 = arith.addf %add3A_54, %concatenate3A : vector<2000x256xf32>
    %max3A = arith.constant 0.000000e+00 : f32
    %max3A_62 = vector.broadcast %max3A : f32 to vector<2000x256xf32>
    %max3A_63 = arith.maximumf %add3A_61, %max3A_62 : vector<2000x256xf32>
    %swap3A = arith.constant 0 : index
    %swap3A_64 = arith.constant 0 : index
    %swap3A_65 = vector.load %arg13[%swap3A, %swap3A_64] : memref<2000x256xf32, #tpu.memory_space<vmem>>, vector<2000x256xf32>
    tpu.vector_store %arg13[%swap3A, %swap3A_64], %max3A_63 {strides = array<i32>} : memref<2000x256xf32, #tpu.memory_space<vmem>>, vector<2000x256xf32>,
    %eq3A = arith.constant 0 : i32
    %eq3A_66 = arith.cmpi eq, %arg0, %eq3A : i32
    %convert_element_type3A = arith.extui %eq3A_66 : i1 to i32
    %cond3A = arith.constant 0 : i32
    %cond3A_67 = arith.cmpi ne, %convert_element_type3A, %cond3A : i32
    scf.if %cond3A_67 {
      %broadcast_in_dim3A_123 = arith.constant 0.000000e+00 : f32
      %broadcast_in_dim3A_124 = vector.broadcast %broadcast_in_dim3A_123 : f32 to vector<8x256xf32>
      %swap3A_125 = arith.constant 0 : index
      %swap3A_126 = arith.constant 0 : index
      %swap3A_127 = vector.load %arg14[%swap3A_125, %swap3A_126] : memref<8x256xf32, #tpu.memory_space<vmem>>, vector<8x256xf32>
      tpu.vector_store %arg14[%swap3A_125, %swap3A_126], %broadcast_in_dim3A_124 {strides = array<i32>} : memref<8x256xf32, #tpu.memory_space<vmem>>, vector<8x256xf32>,
      %broadcast_in_dim3A_128 = arith.constant 0.000000e+00 : f32
      %broadcast_in_dim3A_129 = vector.broadcast %broadcast_in_dim3A_128 : f32 to vector<64x256xf32>
      %swap3A_130 = arith.constant 0 : index
      %swap3A_131 = arith.constant 0 : index
      %swap3A_132 = vector.load %arg15[%swap3A_130, %swap3A_131] : memref<64x256xf32, #tpu.memory_space<vmem>>, vector<64x256xf32>
      tpu.vector_store %arg15[%swap3A_130, %swap3A_131], %broadcast_in_dim3A_129 {strides = array<i32>} : memref<64x256xf32, #tpu.memory_space<vmem>>, vector<64x256xf32>,
      %broadcast_in_dim3A_133 = arith.constant 0.000000e+00 : f32
      %broadcast_in_dim3A_134 = vector.broadcast %broadcast_in_dim3A_133 : f32 to vector<64x128xf32>
      %swap3A_135 = arith.constant 0 : index
      %swap3A_136 = arith.constant 0 : index
      %swap3A_137 = vector.load %arg16[%swap3A_135, %swap3A_136] : memref<64x128xf32, #tpu.memory_space<vmem>>, vector<64x128xf32>
      tpu.vector_store %arg16[%swap3A_135, %swap3A_136], %broadcast_in_dim3A_134 {strides = array<i32>} : memref<64x128xf32, #tpu.memory_space<vmem>>, vector<64x128xf32>,
    } else {
    }
    %get3A_68 = arith.constant 0 : index
    %get3A_69 = arith.constant 0 : index
    %get3A_70 = vector.load %arg14[%get3A_68, %get3A_69] : memref<8x256xf32, #tpu.memory_space<vmem>>, vector<1x256xf32>
    %reduce_sum3A = arith.constant dense<0.000000e+00> : vector<256xf32>
    %reduce_sum3A_71 = vector.multi_reduction <add>, %max3A_63, %reduce_sum3A [0] : vector<2000x256xf32> to vector<256xf32>
    %broadcast_in_dim3A_72 = vector.shape_cast %reduce_sum3A_71 : vector<256xf32> to vector<1x256xf32>
    %add3A_73 = arith.addf %get3A_70, %broadcast_in_dim3A_72 : vector<1x256xf32>
    %swap3A_74 = arith.constant 0 : index
    %swap3A_75 = arith.constant 0 : index
    %swap3A_76 = vector.load %arg14[%swap3A_74, %swap3A_75] : memref<8x256xf32, #tpu.memory_space<vmem>>, vector<1x256xf32>
    tpu.vector_store %arg14[%swap3A_74, %swap3A_75], %add3A_73 {strides = array<i32>} : memref<8x256xf32, #tpu.memory_space<vmem>>, vector<1x256xf32>,
    %get3A_77 = arith.constant 1 : index
    %get3A_78 = arith.constant 0 : index
    %get3A_79 = vector.load %arg14[%get3A_77, %get3A_78] : memref<8x256xf32, #tpu.memory_space<vmem>>, vector<1x256xf32>
    %mul3A_80 = arith.mulf %max3A_63, %max3A_63 : vector<2000x256xf32>
    %reduce_sum3A_81 = arith.constant dense<0.000000e+00> : vector<256xf32>
    %reduce_sum3A_82 = vector.multi_reduction <add>, %mul3A_80, %reduce_sum3A_81 [0] : vector<2000x256xf32> to vector<256xf32>
    %broadcast_in_dim3A_83 = vector.shape_cast %reduce_sum3A_82 : vector<256xf32> to vector<1x256xf32>
    %add3A_84 = arith.addf %get3A_79, %broadcast_in_dim3A_83 : vector<1x256xf32>
    %swap3A_85 = arith.constant 1 : index
    %swap3A_86 = arith.constant 0 : index
    %swap3A_87 = vector.load %arg14[%swap3A_85, %swap3A_86] : memref<8x256xf32, #tpu.memory_space<vmem>>, vector<1x256xf32>
    tpu.vector_store %arg14[%swap3A_85, %swap3A_86], %add3A_84 {strides = array<i32>} : memref<8x256xf32, #tpu.memory_space<vmem>>, vector<1x256xf32>,
    %get3A_88 = arith.constant 0 : index
    %get3A_89 = arith.constant 0 : index
    %get3A_90 = arith.constant 0 : index
    %get3A_91 = vector.load %arg7[%get3A_88, %get3A_89, %get3A_90] : memref<1x1x2000xi32, #tpu.memory_space<vmem>>, vector<1x1x2000xi32>
    %get3A_92 = vector.shape_cast %get3A_91 : vector<1x1x2000xi32> to vector<1x2000xi32>
    %iota3A = tpu.iota {dimensions = array<i32: 0>} : vector<64x2000xi32>
    %eq3A_93 = vector.broadcast %get3A_92 : vector<1x2000xi32> to vector<64x2000xi32>
    %eq3A_94 = arith.cmpi eq, %iota3A, %eq3A_93 : vector<64x2000xi32>
    %convert_element_type3A_95 = arith.extui %eq3A_94 : vector<64x2000xi1> to vector<64x2000xi32>
    %convert_element_type3A_96 = arith.sitofp %convert_element_type3A_95 : vector<64x2000xi32> to vector<64x2000xf32>
    %get3A_97 = arith.constant 0 : index
    %get3A_98 = arith.constant 0 : index
    %get3A_99 = vector.load %arg15[%get3A_97, %get3A_98] : memref<64x256xf32, #tpu.memory_space<vmem>>, vector<64x256xf32>
    %dot_general3A_100 = arith.constant dense<0.000000e+00> : vector<64x256xf32>
    %dot_general3A_101 = tpu.matmul %convert_element_type3A_96, %max3A_63, %dot_general3A_100 {dimension_numbers = #tpu.dot_dimension_numbers<[1], [0], [0], [1], [0, 0, 1, 1], [], []>, precision = #tpu.contract_precision<fp32>, transpose_lhs_hint = false} : vector<64x2000xf32>, vector<2000x256xf32>, vector<64x256xf32> -> vector<64x256xf32>
    %add3A_102 = arith.addf %get3A_99, %dot_general3A_101 : vector<64x256xf32>
    %swap3A_103 = arith.constant 0 : index
    %swap3A_104 = arith.constant 0 : index
    %swap3A_105 = vector.load %arg15[%swap3A_103, %swap3A_104] : memref<64x256xf32, #tpu.memory_space<vmem>>, vector<64x256xf32>
    tpu.vector_store %arg15[%swap3A_103, %swap3A_104], %add3A_102 {strides = array<i32>} : memref<64x256xf32, #tpu.memory_space<vmem>>, vector<64x256xf32>,
    %get3A_106 = arith.constant 0 : index
    %get3A_107 = arith.constant 0 : index
    %get3A_108 = vector.load %arg16[%get3A_106, %get3A_107] : memref<64x128xf32, #tpu.memory_space<vmem>>, vector<64x128xf32>
    %reduce_sum3A_109 = arith.constant dense<0.000000e+00> : vector<64xf32>
    %reduce_sum3A_110 = vector.multi_reduction <add>, %convert_element_type3A_96, %reduce_sum3A_109 [1] : vector<64x2000xf32> to vector<64xf32>
    %broadcast_in_dim3A_111 = vector.shape_cast %reduce_sum3A_110 : vector<64xf32> to vector<64x1xf32>
    %broadcast_in_dim3A_112 = vector.shape_cast %broadcast_in_dim3A_111 : vector<64x1xf32> to vector<64x1xf32>
    %broadcast_in_dim3A_113 = vector.broadcast %broadcast_in_dim3A_112 : vector<64x1xf32> to vector<64x128xf32>
    %add3A_114 = arith.addf %get3A_108, %broadcast_in_dim3A_113 : vector<64x128xf32>
    %swap3A_115 = arith.constant 0 : index
    %swap3A_116 = arith.constant 0 : index
    %swap3A_117 = vector.load %arg16[%swap3A_115, %swap3A_116] : memref<64x128xf32, #tpu.memory_space<vmem>>, vector<64x128xf32>
    tpu.vector_store %arg16[%swap3A_115, %swap3A_116], %add3A_114 {strides = array<i32>} : memref<64x128xf32, #tpu.memory_space<vmem>>, vector<64x128xf32>,
    %eq3A_118 = arith.constant 4 : i32
    %eq3A_119 = arith.cmpi eq, %arg0, %eq3A_118 : i32
    %convert_element_type3A_120 = arith.extui %eq3A_119 : i1 to i32
    %cond3A_121 = arith.constant 0 : i32
    %cond3A_122 = arith.cmpi ne, %convert_element_type3A_120, %cond3A_121 : i32
    scf.if %cond3A_122 {
      %get3A_123 = arith.constant 0 : index
      %get3A_124 = arith.constant 0 : index
      %get3A_125 = vector.load %arg14[%get3A_123, %get3A_124] : memref<8x256xf32, #tpu.memory_space<vmem>>, vector<1x256xf32>
      %mul3A_126 = arith.constant 9.99999974E-5 : f32
      %mul3A_127 = vector.broadcast %mul3A_126 : f32 to vector<1x256xf32>
      %mul3A_128 = arith.mulf %get3A_125, %mul3A_127 : vector<1x256xf32>
      %get3A_129 = arith.constant 1 : index
      %get3A_130 = arith.constant 0 : index
      %get3A_131 = vector.load %arg14[%get3A_129, %get3A_130] : memref<8x256xf32, #tpu.memory_space<vmem>>, vector<1x256xf32>
      %mul3A_132 = arith.constant 9.99999974E-5 : f32
      %mul3A_133 = vector.broadcast %mul3A_132 : f32 to vector<1x256xf32>
      %mul3A_134 = arith.mulf %get3A_131, %mul3A_133 : vector<1x256xf32>
      %mul3A_135 = arith.mulf %mul3A_128, %mul3A_128 : vector<1x256xf32>
      %sub3A_136 = arith.subf %mul3A_134, %mul3A_135 : vector<1x256xf32>
      %add3A_137 = arith.constant 9.99999974E-6 : f32
      %add3A_138 = vector.broadcast %add3A_137 : f32 to vector<1x256xf32>
      %add3A_139 = arith.addf %sub3A_136, %add3A_138 : vector<1x256xf32>
      %rsqrt3A_140 = math.rsqrt %add3A_139 : vector<1x256xf32>
      %get3A_141 = arith.constant 0 : index
      %get3A_142 = arith.constant 0 : index
      %get3A_143 = vector.load %arg8[%get3A_141, %get3A_142] : memref<1x256xf32, #tpu.memory_space<vmem>>, vector<1x256xf32>
      %mul3A_144 = arith.mulf %rsqrt3A_140, %get3A_143 : vector<1x256xf32>
      %get3A_145 = arith.constant 0 : index
      %get3A_146 = arith.constant 0 : index
      %get3A_147 = vector.load %arg9[%get3A_145, %get3A_146] : memref<1x256xf32, #tpu.memory_space<vmem>>, vector<1x256xf32>
      %mul3A_148 = arith.mulf %mul3A_128, %mul3A_144 : vector<1x256xf32>
      %sub3A_149 = arith.subf %get3A_147, %mul3A_148 : vector<1x256xf32>
      %get3A_150 = arith.constant 0 : index
      %get3A_151 = arith.constant 0 : index
      %get3A_152 = vector.load %arg16[%get3A_150, %get3A_151] : memref<64x128xf32, #tpu.memory_space<vmem>>, vector<64x1xf32>
      %get3A_153 = arith.constant 0 : index
      %get3A_154 = arith.constant 0 : index
      %get3A_155 = vector.load %arg15[%get3A_153, %get3A_154] : memref<64x256xf32, #tpu.memory_space<vmem>>, vector<64x256xf32>
      %mul3A_156 = vector.broadcast %mul3A_144 : vector<1x256xf32> to vector<64x256xf32>
      %mul3A_157 = arith.mulf %get3A_155, %mul3A_156 : vector<64x256xf32>
      %mul3A_158 = vector.broadcast %get3A_152 : vector<64x1xf32> to vector<64x256xf32>
      %mul3A_159 = vector.broadcast %sub3A_149 : vector<1x256xf32> to vector<64x256xf32>
      %mul3A_160 = arith.mulf %mul3A_158, %mul3A_159 : vector<64x256xf32>
      %add3A_161 = arith.addf %mul3A_157, %mul3A_160 : vector<64x256xf32>
      %rsqrt3A_162 = math.rsqrt %get3A_152 : vector<64x1xf32>
      %mul3A_163 = vector.broadcast %rsqrt3A_162 : vector<64x1xf32> to vector<64x256xf32>
      %mul3A_164 = arith.mulf %add3A_161, %mul3A_163 : vector<64x256xf32>
      %swap3A_165 = arith.constant 0 : index
      %swap3A_166 = arith.constant 0 : index
      %swap3A_167 = vector.load %arg17[%swap3A_165, %swap3A_166] : memref<64x256xf32, #tpu.memory_space<vmem>>, vector<64x256xf32>
      tpu.vector_store %arg17[%swap3A_165, %swap3A_166], %mul3A_164 {strides = array<i32>} : memref<64x256xf32, #tpu.memory_space<vmem>>, vector<64x256xf32>,
    } else {
    }
    return
  }
  func.func @transform_0(%arg0: i32) -> (i32, i32) {
    %c0_i32 = arith.constant 0 : i32
    %c0_i32_0 = arith.constant 0 : i32
    return %arg0, %c0_i32 : i32, i32
  }
  func.func @transform_1(%arg0: i32) -> (i32, i32) {
    %c0_i32 = arith.constant 0 : i32
    %c0_i32_0 = arith.constant 0 : i32
    return %arg0, %c0_i32 : i32, i32
  }
  func.func @transform_2(%arg0: i32) -> (i32, i32) {
    %c0_i32 = arith.constant 0 : i32
    %c0_i32_0 = arith.constant 0 : i32
    return %arg0, %c0_i32 : i32, i32
  }
  func.func @transform_3(%arg0: i32) -> (i32, i32) {
    %c0_i32 = arith.constant 0 : i32
    %c0_i32_0 = arith.constant 0 : i32
    %c0_i32_1 = arith.constant 0 : i32
    return %c0_i32, %c0_i32_0 : i32, i32
  }
  func.func @transform_4(%arg0: i32) -> (i32, i32) {
    %c0_i32 = arith.constant 0 : i32
    %c0_i32_0 = arith.constant 0 : i32
    %c0_i32_1 = arith.constant 0 : i32
    return %c0_i32, %c0_i32_0 : i32, i32
  }
  func.func @transform_5(%arg0: i32) -> (i32, i32) {
    %c0_i32 = arith.constant 0 : i32
    %c0_i32_0 = arith.constant 0 : i32
    %c0_i32_1 = arith.constant 0 : i32
    return %c0_i32, %c0_i32_0 : i32, i32
  }
  func.func @transform_6(%arg0: i32) -> (i32, i32, i32) {
    %c0_i32 = arith.constant 0 : i32
    %c0_i32_0 = arith.constant 0 : i32
    %c0_i32_1 = arith.constant 0 : i32
    return %arg0, %c0_i32, %c0_i32_0 : i32, i32, i32
  }
  func.func @transform_7(%arg0: i32) -> (i32, i32) {
    %c0_i32 = arith.constant 0 : i32
    %c0_i32_0 = arith.constant 0 : i32
    %c0_i32_1 = arith.constant 0 : i32
    return %c0_i32, %c0_i32_0 : i32, i32
  }
  func.func @transform_8(%arg0: i32) -> (i32, i32) {
    %c0_i32 = arith.constant 0 : i32
    %c0_i32_0 = arith.constant 0 : i32
    %c0_i32_1 = arith.constant 0 : i32
    return %c0_i32, %c0_i32_0 : i32, i32
  }
  func.func @transform_9(%arg0: i32) -> (i32, i32) {
    %c0_i32 = arith.constant 0 : i32
    %c0_i32_0 = arith.constant 0 : i32
    %c0_i32_1 = arith.constant 0 : i32
    return %c0_i32, %c0_i32_0 : i32, i32
  }
  func.func @transform_10(%arg0: i32) -> (i32, i32) {
    %c0_i32 = arith.constant 0 : i32
    %c0_i32_0 = arith.constant 0 : i32
    %c0_i32_1 = arith.constant 0 : i32
    return %c0_i32, %c0_i32_0 : i32, i32
  }
  func.func @transform_11(%arg0: i32) -> (i32, i32) {
    %c0_i32 = arith.constant 0 : i32
    %c0_i32_0 = arith.constant 0 : i32
    %c0_i32_1 = arith.constant 0 : i32
    return %c0_i32, %c0_i32_0 : i32, i32
  }
  func.func @transform_12(%arg0: i32) -> (i32, i32) {
    %c0_i32 = arith.constant 0 : i32
    %c0_i32_0 = arith.constant 0 : i32
    return %arg0, %c0_i32 : i32, i32
  }
  func.func @transform_13(%arg0: i32) -> (i32, i32) {
    %c0_i32 = arith.constant 0 : i32
    %c0_i32_0 = arith.constant 0 : i32
    %c0_i32_1 = arith.constant 0 : i32
    return %c0_i32, %c0_i32_0 : i32, i32
  }
  func.func @transform_14(%arg0: i32) -> (i32, i32) {
    %c0_i32 = arith.constant 0 : i32
    %c0_i32_0 = arith.constant 0 : i32
    %c0_i32_1 = arith.constant 0 : i32
    return %c0_i32, %c0_i32_0 : i32, i32
  }
  func.func @transform_15(%arg0: i32) -> (i32, i32) {
    %c0_i32 = arith.constant 0 : i32
    %c0_i32_0 = arith.constant 0 : i32
    %c0_i32_1 = arith.constant 0 : i32
    return %c0_i32, %c0_i32_0 : i32, i32
  }
  func.func @transform_16(%arg0: i32) -> (i32, i32) {
    %c0_i32 = arith.constant 0 : i32
    %c0_i32_0 = arith.constant 0 : i32
    %c0_i32_1 = arith.constant 0 : i32
    return %c0_i32, %c0_i32_0 : i32, i32
  }
}

</mosaic_0001>

<sc_bundles>
// kernel: kernel.12.cloned.1.call-start
scs
__scs_entry_jumppad:
0x0: {  	(pc) =	sbr.rel $0x88, $3  }
0x1: {  	(tag) =	ssettag $0x0;
	lr =	simm.s32 $0x1  }
0x2: {  	[smem:$0x3F8B] =	sst lr;
	_ =	strace $0xD0000000  }
0x3: {  	_ = 	snop  }
0x4: {  	_ = 	snop  }
0x5: {  	_ = 	snop  }
0x6: {  	_ = 	snop  }
0x7: {  	_ = 	snop  }
__scs_overlays_trampoline_lowered:
0x8: {  	[smem:$0x3F9A] =	sst s0  }
0x9: {  	[smem:$0x3F9B] =	sst s1  }
0xa: {  	[smem:$0x3F9C] =	sst s2  }
0xb: {  	[smem:$0x3F9D] =	sst s3  }
0xc: {  	[smem:$0x3F9E] =	sst s4  }
0xd: {  	[smem:$0x3F9F] =	sst s5  }
0xe: {  	[smem:$0x3FA0] =	sst s6  }
0xf: {  	[smem:$0x3FA1] =	sst s7  }
0x10: {  	[smem:$0x3FA2] =	sst s8  }
0x11: {  	[smem:$0x3FA3] =	sst s9;
	s0 =	simm.s32 @!p0 $0x0  }
0x12: {  	s1 =	sld [smem:$0x3F89];
	s0 =	simm.s32 @p0 $0x1  }
0x13: {  	[smem:$0x3FA4] =	sst s0;
	s0 =	simm.s32 @!p1 $0x0  }
0x14: {  	s2 =	sld [smem:$0x3F88];
	s0 =	simm.s32 @p1 $0x1  }
0x15: {  	[smem:$0x3FA5] =	sst s0;
	s0 =	simm.s32 @!p2 $0x0  }
0x16: {  	s3 =	sld [smem:$0x3FDB];
	s0 =	simm.s32 @p2 $0x1  }
0x17: {  	s4 =	simm.s32 $0x1BF5;
	[smem:$0x3FA7] =	sst s0  }
0x18: {  	s0 =	sld [smem:$0x3F8A];
	_ =	swait.ge [sflag:s4], $0x0  }
0x19: {  	s7 =	sld [smem:$0x3F8B]  }
0x1a: {  	s8 =	sadd.s32 $0xFFFFE003, lr  }
0x1b: {  	s9 =	sadd.s32 $0xFFFFFEF7, lr;
	s5 =	simm.s32 $0xFFFFFFFF;
	p2 =	slt.u32 s8, $0xFFFFF086  }
0x1c: {  	p1 =	slt.u32 s9, $0xF7A;
	s5 =	simm.s32 @!p2 $0x0  }
0x1d: {  	s5 =	simm.s32 @p1 $0x1;
	p0 =	seq.s32 s7, s2  }
0x1e: {  	s7 =	smul.u32 @!p0 $0xF7A, s2;
	p2 =	seq.s32 @!p0 s5, $0x0  }
0x1f: {  	s9 =	smul.u32 $0xF7A, s1;
	s8 =	simm.s32 @!p0 $0x1BF5;
	p2 =	por !p2, p0  }
0x20: {  	[sflag:s8] =	ssyncset.s32 @!p0 $0xFFFFF086;
	s6 =	sadd.s32 @!p0 s3, s7;
	s7 =	simm.s32 @!p0 $0x108  }
0x21: {  	s3 =	sadd.s32 s3, s9;
	s6 =	sadd.s32 @!p0 $0x88, s6;
	s7 =	simm.s32 @p2 $0x1082  }
0x22: {  	[simem:s7], [sflag:s8] =	dma.local @!p0 [hbm:s6], $0xF7A  }
0x23: {  	s9 =	sor.u32 $0xD0000000, s2;
	s6 =	simm.s32 $0x108;
	_ =	swait.ge @!p0 [sflag:s8], $0x0  }
0x24: {  	s3 =	sadd.s32 $0x88, s3;
	s6 =	simm.s32 @!p1 $0x1082;
	[sflag:s4] =	ssyncset.s32 $0xFFFFF086  }
0x25: {  	[simem:s6], [sflag:s4] =	dma.local [hbm:s3], $0xF7A  }
0x26: {  	[smem:$0x3F8B] =	sst s1;
	(tag) =	ssettag s2;
	_ =	strace s9  }
0x27: {  	s1 =	sld [smem:$0x3F9B]  }
0x28: {  	s2 =	sld [smem:$0x3F9C]  }
0x29: {  	s4 =	sld [smem:$0x3F9E]  }
0x2a: {  	p0 =	seq.s32 s5, $0x0;
	s5 =	sld [smem:$0x3F9F]  }
0x2b: {  	s6 =	sld [smem:$0x3FA0]  }
0x2c: {  	s7 =	sld [smem:$0x3FA1]  }
0x2d: {  	s3 =	simm.s32 $0x108;
	s8 =	sld [smem:$0x3FA2]  }
0x2e: {  	s3 =	simm.s32 @!p0 $0x1082;
	s9 =	sld [smem:$0x3FA3]  }
0x2f: {  	lr =	sadd.s32 s0, s3;
	s0 =	sld [smem:$0x3F9A]  }
0x30: {  	s3 =	sld [smem:$0x3F9D]  }
0x31: {  	[smem:$0x3FA6] =	sst s10  }
0x32: {  	s10 =	sld [smem:$0x3FA4];
	_ =	sdelay $0x3  }
0x33: {  	p0 =	seq.s32 s10, $0x1;
	s10 =	sld [smem:$0x3FA6];
	_ =	sdelay $0x3  }
0x34: {  	[smem:$0x3FA6] =	sst s10  }
0x35: {  	s10 =	sld [smem:$0x3FA5];
	_ =	sdelay $0x3  }
0x36: {  	p1 =	seq.s32 s10, $0x1;
	s10 =	sld [smem:$0x3FA6];
	_ =	sdelay $0x3  }
0x37: {  	[smem:$0x3FA6] =	sst s10  }
0x38: {  	s10 =	sld [smem:$0x3FA7]  }
0x39: {  	_ = 	snop;
	(pc) =	sbr.ind lr, $3  }
0x3a: {  	_ = 	snop  }
0x3b: {  	_ = 	snop  }
0x3c: {  	p2 =	seq.s32 s10, $0x1;
	s10 =	sld [smem:$0x3FA6]  }
0x3d: {  	_ =	shalt  }
0x3e: {  	_ =	shalt  }
0x3f: {  	_ =	shalt  }
0x40: {  	_ =	shalt  }
0x41: {  	_ =	shalt  }
0x42: {  	_ =	shalt  }
0x43: {  	_ =	shalt  }
0x44: {  	_ =	shalt  }
0x45: {  	_ =	shalt  }
0x46: {  	_ =	shalt  }
0x47: {  	_ =	shalt  }
0x48: {  	_ =	shalt  }
0x49: {  	_ =	shalt  }
0x4a: {  	_ =	shalt  }
0x4b: {  	_ =	shalt  }
0x4c: {  	_ =	shalt  }
0x4d: {  	_ =	shalt  }
0x4e: {  	_ =	shalt  }
0x4f: {  	_ =	shalt  }
0x50: {  	_ =	shalt  }
0x51: {  	_ =	shalt  }
0x52: {  	_ =	shalt  }
0x53: {  	_ =	shalt  }
0x54: {  	_ =	shalt  }
0x55: {  	_ =	shalt  }
0x56: {  	_ =	shalt  }
0x57: {  	_ =	shalt  }
0x58: {  	_ =	shalt  }
0x59: {  	_ =	shalt  }
0x5a: {  	_ =	shalt  }
0x5b: {  	_ =	shalt  }
0x5c: {  	_ =	shalt  }
0x5d: {  	_ =	shalt  }
0x5e: {  	_ =	shalt  }
0x5f: {  	_ =	shalt  }
0x60: {  	_ =	shalt  }
0x61: {  	_ =	shalt  }
0x62: {  	_ =	shalt  }
0x63: {  	_ =	shalt  }
0x64: {  	_ =	shalt  }
0x65: {  	_ =	shalt  }
0x66: {  	_ =	shalt  }
0x67: {  	_ =	shalt  }
0x68: {  	_ =	shalt  }
0x69: {  	_ =	shalt  }
0x6a: {  	_ =	shalt  }
0x6b: {  	_ =	shalt  }
0x6c: {  	_ =	shalt  }
0x6d: {  	_ =	shalt  }
0x6e: {  	_ =	shalt  }
0x6f: {  	_ =	shalt  }
0x70: {  	_ =	shalt  }
0x71: {  	_ =	shalt  }
0x72: {  	_ =	shalt  }
0x73: {  	_ =	shalt  }
0x74: {  	_ =	shalt  }
0x75: {  	_ =	shalt  }
0x76: {  	_ =	shalt  }
0x77: {  	_ =	shalt  }
0x78: {  	_ =	shalt  }
0x79: {  	_ =	shalt  }
0x7a: {  	_ =	shalt  }
0x7b: {  	_ =	shalt  }
0x7c: {  	_ =	shalt  }
0x7d: {  	_ =	shalt  }
0x7e: {  	_ =	shalt  }
0x7f: {  	_ =	shalt  }
0x80: {  	_ =	shalt  }
0x81: {  	_ =	shalt  }
0x82: {  	_ =	shalt  }
0x83: {  	_ =	shalt  }
0x84: {  	_ =	shalt  }
0x85: {  	_ =	shalt  }
0x86: {  	_ =	shalt  }
0x87: {  	_ =	shalt  }
.Lfunc_end0:
.L_simem_size_0:
called_computation_lowered:
.L_overlay_start_0:
0x88: {  	s2 =	sld [smem:$0x3FD9]  }
0x89: {  	s3 =	sld [smem:$0x3FFE];
	_ =	sdelay $0x1  }
0x8a: {  	s1 =	srdreg.scid  }
0x8b: {  	s0 =	sand.u32 $0x1, s1  }
0x8c: {  	s16 =	sshll.u32 s0, $0xA;
	s2 =	sadd.s32 s3, s2  }
0x8d: {  	s2 =	sadd.s32 s2, s16  }
0x8e: {  	[smem:$0x3FB2] =	sst s2  }
0x8f: {  	_ = 	snop  }
0x90: {  	(tm) =	ssettm $0x1  }
0x91: {  	s17 =	sld [smem:$0x3FFB];
	_ =	sdelay $0x3  }
0x92: {  	_ =	strace s17  }
0x93: {  	s2 =	sld [smem:$0x3FFC];
	_ =	sdelay $0x3  }
0x94: {  	_ =	strace s2  }
0x95: {  	s2 =	sld [smem:$0x3FFD];
	_ =	sdelay $0x3  }
0x96: {  	_ =	strace s2  }
0x97: {  	_ =	strace $0x8FFFFFFF  }
0x98: {  	s18 =	sld [smem:$0x3FDB];
	_ =	sdelay $0x1  }
0x99: {  	s19 =	simm.s32 $_scs_section_size  }
0x9a: {  	s4 =	simm.s32 $_size__tile_overlayer_lowered;
	s5 =	simm.s32 $_tile_overlayer_lowered  }
0x9b: {  	s22 =	simm.s32 $0x1BFF;
	s21 =	sshll.u32 s5, $0x1;
	s2 =	sadd.s32 s19, s18  }
0x9c: {  	s6 =	simm.s32 $0x0;
	s20 =	sshll.u32 s4, $0x1;
	s4 =	sadd.s32 s21, s2  }
0x9d: {  	[timem:s6], [sflag:s22] =	dma.local [hbm:s4], s20  }
0x9e: {  	_ =	swait.ge [sflag:s22], s20  }
0x9f: {  	s3 =	ssub.s32 $0x0, s20;
	[sflag:s22] =	ssyncset.done $0x0  }
0xa0: {  	[sflag:s22] =	ssyncadd.s32 s3;
	_ =	sdelay $0x1  }
0xa1: {  	s23 =	simm.s32 $0x1B8B  }
0xa2: {  	_ =	swait.ge [sflag:s23], $0x1  }
0xa3: {  	[sflag:s23] =	ssyncset.done $0x0  }
0xa4: {  	s25 =	simm.s32 $0x1B8E;
	s24 =	sld [smem:$0x3FFE];
	[sflag:s23] =	ssyncadd.s32 $0xFFFFFFFF  }
0xa5: {  	s26 =	simm.s32 $execute0_lowered;
	[smem:$0x3FD2] =	sst s25  }
0xa6: {  	s4 =	sshll.u32 s26, $0x1;
	_ =	strace $0x80000046;
	[dreg:$0x1] =	wrdreg $0xFFFFFFFF  }
0xa7: {  	s28 =	simm.s32 $_size_execute0_lowered;
	s2 =	sadd.s32 s2, s4;
	[dreg:$0x0] =	wrdreg $0x0  }
0xa8: {  	s4 =	sshll.u32 s28, $0x1;
	[dreg:$0x2] =	wrdreg s2  }
0xa9: {  	[dreg:$0x3] =	wrdreg s4  }
0xaa: {  	[dreg:$0x4] =	wrdreg $0xC0  }
0xab: {  	_ =	task [dreg:s6], $0x5FFFF  }
0xac: {  	[dreg:$0x1] =	wrdreg $0xFFFFFFFF  }
0xad: {  	[dreg:$0x0] =	wrdreg $0x60  }
0xae: {  	[dreg:$0x2] =	wrdreg s24  }
0xaf: {  	[dreg:$0x3] =	wrdreg $0xBC000  }
0xb0: {  	[dreg:$0x4] =	wrdreg $0x9  }
0xb1: {  	_ =	task.clear_ibuf [dreg:s6], $0x5FFFF;
	_ =	strace $0x90000046  }
0xb2: {  	s29 =	simm.s32 $0x9;
	_ =	strace $0x80000048  }
0xb3: {  	_ =	swait.ge [sflag:s29], $0x1  }
0xb4: {  	[sflag:s29] =	ssyncadd.s32 $0xFFFFFFFF  }
0xb5: {  	_ =	strace $0x90000048  }
0xb6: {  	_ =	sfence  }
0xb7: {  	s30 =	sld [smem:$0x0];
	_ =	sdelay $0x2  }
0xb8: {  	s31 =	sshll.u32 s1, $0xD;
	s1 =	sshrl.u32 s1, $0x2  }
0xb9: {  	s3 =	sand.u32 $0x4000, s31;
	s1 =	sadd.s32 s1, s30  }
0xba: {  	s0 =	sor.u32 s3, s0;
	s1 =	sshll.u32 s1, $0x11  }
0xbb: {  	s0 =	sor.u32 s1, s0  }
0xbc: {  	s0 =	sadd.s32 $0x8F2B, s0  }
0xbd: {  	[sflag:s0] =	ssyncadd.remote.s32 $0x1  }
0xbe: {  	_ =	sfence.sel $0xFFFF  }
0xbf: {  	[dreg:$0x0] =	wrdreg $0xFFFFFFFF;
	(pc) =	sbr.abs _section_cstart, $3  }
0xc0: {  	[dreg:$0x1] =	wrdreg $0xFFFFFFFF  }
0xc1: {  	_ =	task.clear_ibuf [dreg:s6], $0x2FFFF;
	_ =	strace $0x9FFFFFFF  }
0xc2: {  	(tm) =	ssettm $0x7FFFFFFF  }
0xc3: {  	_ =	shalt  }
tec
execute0_lowered:
.L_overlay_start_1:
0x0: {  	(tag) =	ssettag $0x1  }
0x1: {  	s0 =	rddreg [dreg:$0x0]  }
0x2: {  	s2 =	rddreg [dreg:$0x1];
	s3 =	simm.s32 $0x0;
	s1 =	stileid.u32  }
0x3: {  	s6 =	srdreg.scid;
	s29 =	simm.s32 $0x3;
	s12 =	smul.u32 $0x500, s1  }
0x4: {  	s30 =	simm.s32 $0x3C00;
	s31 =	simm.s32 $0x2800;
	s10 =	smul.u32 $0x50000, s1  }
0x5: {  	[smem:$0x7FF] =	sst s3;
	s4 =	sadd.s32 $0x85200, s0;
	s15 =	smul.u32 $0x2800, s1  }
0x6: {  	s5 =	sadd.s32 $0xFE00, s0;
	s13 =	sand.u32 $0x1, s6;
	s16 =	smul.u32 $0x19000, s1  }
0x7: {  	s14 =	sadd.s32 $0xAE00, s0;
	s23 =	sadd.s32 $0xFA600, s0;
	s26 =	smul.u32 $0xC8, s1  }
0x8: {  	s7 =	sadd.s32 $0x121800, s0;
	s17 =	smul.u32 $0xC80, s1;
	p1 =	sgt.u32 s1, $0x1  }
0x9: {  	p2 =	slt.u32 s1, $0x2;
	_ =	strace $0x80000047;
	s9 =	ssub.s32 $0x2, s13  }
0xa: {  	p0 =	seq.s32 s13, $0x1;
	[dreg:$0x3] =	wrdreg s23;
	s8 =	sadd.s32 s12, s0  }
0xb: {  	s11 =	sshrl.u32 s9, $0x1;
	s24 =	sshrl.u32 s10, $0x2;
	s25 =	sshrl.u32 s15, $0x3  }
0xc: {  	s12 =	sadd.s32 s14, s12;
	s16 =	sshrl.u32 s16, $0x2;
	s18 =	sadd.s32 $0xC80, s26  }
0xd: {  	s19 =	sadd.s32 s23, s17;
	s15 =	sadd.s32 $0x2580, s26;
	s0 =	ssub.s32 s9, s11  }
0xe: {  	s8 =	sadd.s32 $0x5E00, s8;
	s9 =	sadd.s32 s24, s2;
	s13 =	sadd.s32 s14, s25  }
0xf: {  	s14 =	sadd.s32 s16, s2;
	[dreg:$0x4] =	wrdreg s19;
	s20 =	sshll.u32 s18, $0x7  }
0x10: {  	s19 =	sshll.u32 s18, $0x4;
	s22 =	sshll.u32 s15, $0x4;
	s10 =	sadd.s32 $0x4000, s9  }
0x11: {  	s11 =	sadd.s32 $0x8000, s9;
	s13 =	sadd.s32 $0x280, s13;
	s16 =	sadd.s32 s20, s2  }
0x12: {  	s20 =	sadd.s32 $0x1900, s26;
	s18 =	sadd.s32 s23, s19;
	[dreg:$0x7] =	wrdreg s22  }
0x13: {  	s24 =	sadd.s32 s7, s19;
	s28 =	sadd.s32 $0x10000, s9;
	s19 =	simm.s32 $0x2  }
0x14: {  	s22 =	simm.s32 $0x0;
	[dreg:$0x5] =	wrdreg s18;
	s21 =	sshll.u32 s20, $0x7  }
0x15: {  	s20 =	sshll.u32 s20, $0x4;
	[dreg:$0x9] =	wrdreg s24;
	s24 =	smax.u32 s0, $0x1  }
0x16: {  	s0 =	simm.s32 $0x80;
	s18 =	sadd.s32 s21, s2;
	s21 =	sshll.u32 s15, $0x7  }
.Ltmp0:
0x17: {  	s6 =	sadd.s32 s23, s20;
	s23 =	sadd.s32 s7, s17;
	(pc) =	sbr.rel .LBB2_1-.Ltmp0, $4  }
0x18: {  	s25 =	sadd.s32 s7, s20;
	s15 =	simm.s32 $0x7C00;
	[dreg:$0x6] =	wrdreg s6  }
0x19: {  	s17 =	simm.s32 $0x1;
	s21 =	sadd.s32 s21, s2;
	[dreg:$0x8] =	wrdreg s23  }
0x1a: {  	s20 =	simm.s32 $0x3B00;
	[dreg:$0xa] =	wrdreg s25;
	s26 =	sshrl.u32 s21, $0x3  }
0x1b: {  	v0 =	vimm.f32 $0.0e+00;
	s21 =	simm.s32 $0x3B80;
	[dreg:$0xb] =	wrdreg s26;
	s26 =	sadd.s32 $0xC000, s9  }
.LBB2_14:
0x1c: {  	s6 =	rddreg [dreg:$0x7]  }
0x1d: {  	s6 =	sadd.s32 s23, s6;
	s23 =	rddreg [dreg:$0xb]  }
0x1e: {  	[hbm:s6], [sflag:s25] =	dma.local [spmem:s23], $0xC80  }
0x1f: {  	_ =	swait.ge [sflag:s29], $0xC80  }
0x20: {  	[sflag:s29] =	ssyncset.done $0x0  }
0x21: {  	[sflag:s29] =	ssyncadd.s32 $0xFFFFF380  }
.LBB2_15:
0x22: {  	s22 =	sadd.s32 $0x1, s22  }
0x23: {  	p3 =	sne.s32 s22, s24  }
.Ltmp1:
0x24: {  	_ = 	snop;
	(pc) =	sbr.rel @!p3 .LBB2_16-.Ltmp1, $1  }
0x25: {  	_ =	sdelay $0x3  }
.LBB2_1:
0x26: {  	[tilespmem:s3], [sflag:$0x3] =	stream.linear.gather [hbm4b:s8+s3], $0x2800, $0x38;
	[tilespmem:$0x1FC00] =	vst v63  }
0x27: {  	_ =	swait.ge [sflag:s29], $0x2800  }
0x28: {  	[sflag:s29] =	ssyncset.done $0x0  }
0x29: {  	s25 =	simm.s32 $0x0;
	s23 =	simm.s32 $0x200;
	[sflag:s29] =	ssyncadd.s32 $0xFFFFD800  }
.LBB2_2:
0x2a: {  	p3 =	sne.s32 s23, $0xFE00;
	[tilespmem:s25+$0x3C70] =	vst v0  }
0x2b: {  	[tilespmem:s25+$0x3C00] =	vst v0  }
0x2c: {  	[tilespmem:s25+$0x3C10] =	vst v0  }
.Ltmp2:
0x2d: {  	[tilespmem:s25+$0x3C20] =	vst v0;
	(pc) =	sbr.rel @p3 .LBB2_2-.Ltmp2, $4  }
0x2e: {  	[tilespmem:s25+$0x3C30] =	vst v0  }
0x2f: {  	[tilespmem:s25+$0x3C40] =	vst v0  }
0x30: {  	[tilespmem:s25+$0x3C50] =	vst v0  }
0x31: {  	[tilespmem:s25+$0x3C60] =	vst v0;
	s25 =	sshra.s32 s23, $0x2;
	s23 =	sadd.s32 $0x200, s23  }
0x32: {  	[tilespmem:s25+$0x3C70] =	vst v0  }
0x33: {  	[tilespmem:s25+$0x3C00] =	vst v0  }
0x34: {  	[tilespmem:s25+$0x3C10] =	vst v0  }
0x35: {  	[tilespmem:s25+$0x3C20] =	vst v0  }
0x36: {  	[tilespmem:s25+$0x3C30] =	vst v0  }
0x37: {  	[tilespmem:s25+$0x3C40] =	vst v0  }
0x38: {  	[tilespmem:s25+$0x3C50] =	vst v0  }
0x39: {  	[tilespmem:s25+$0x3C60] =	vst v0  }
0x3a: {  	[spmem:s9] =	stream.linear.scatter [tilespmem:s30], [sflag:$0x3], $0x4000, $0x38;
	[tilespmem:$0x1FC00] =	vst v63  }
0x3b: {  	_ =	swait.ge [sflag:s29], $0x4000  }
0x3c: {  	[sflag:s29] =	ssyncset.done $0x0  }
0x3d: {  	[sflag:s29] =	ssyncadd.s32 $0xFFFFC000  }
0x3e: {  	[spmem:s10] =	stream.linear.scatter [tilespmem:s30], [sflag:$0x3], $0x4000, $0x38;
	[tilespmem:$0x1FC00] =	vst v63  }
0x3f: {  	_ =	swait.ge [sflag:s29], $0x4000  }
0x40: {  	[sflag:s29] =	ssyncset.done $0x0  }
0x41: {  	[sflag:s29] =	ssyncadd.s32 $0xFFFFC000  }
0x42: {  	[spmem:s11] =	stream.linear.scatter [tilespmem:s30], [sflag:$0x3], $0x4000, $0x38;
	[tilespmem:$0x1FC00] =	vst v63  }
0x43: {  	_ =	swait.ge [sflag:s29], $0x4000  }
0x44: {  	[sflag:s29] =	ssyncset.done $0x0  }
0x45: {  	[sflag:s29] =	ssyncadd.s32 $0xFFFFC000  }
0x46: {  	[spmem:s26] =	stream.linear.scatter [tilespmem:s30], [sflag:$0x3], $0x4000, $0x38;
	[tilespmem:$0x1FC00] =	vst v63  }
0x47: {  	_ =	swait.ge [sflag:s29], $0x4000  }
0x48: {  	[sflag:s29] =	ssyncset.done $0x0  }
0x49: {  	[sflag:s29] =	ssyncadd.s32 $0xFFFFC000  }
0x4a: {  	[spmem:s28] =	stream.linear.scatter [tilespmem:s30], [sflag:$0x3], $0x4000, $0x38;
	[tilespmem:$0x1FC00] =	vst v63  }
0x4b: {  	_ =	swait.ge [sflag:s29], $0x4000  }
0x4c: {  	[sflag:s29] =	ssyncset.done $0x0  }
0x4d: {  	[sflag:s29] =	ssyncadd.s32 $0xFFFFC000  }
.Ltmp3:
0x4e: {  	[bflag:$0x0] =	sbarrier.arrive $0xFFFF;
	(pc) =	sbr.rel @!p0 .LBB2_4-.Ltmp3, $4  }
0x4f: {  	[tilespmem:s31], [sflag:$0x3] =	stream.linear.gather [hbm4b:s12+s3], $0x1400, $0x38;
	[tilespmem:$0x1FC00] =	vst v63  }
0x50: {  	_ =	swait.ge [sflag:s29], $0x1400  }
0x51: {  	[sflag:s29] =	ssyncset.done $0x0  }
0x52: {  	[sflag:s29] =	ssyncadd.s32 $0xFFFFEC00  }
0x53: {  	s6 =	simm.s32 $0x0  }
0x54: {  	[tilespmem:s30], [sflag:$0x1] =	stream.indirect.gather [hbm4b:s5+s0], $0x80, s6, s0, $0xb8;
	[tilespmem:$0x1FC00] =	vst v63  }
0x55: {  	_ = 	snop  }
0x56: {  	[tilespmem:s15], [sflag:$0x2] =	stream.indirect.gather [hbm4b:s5+s0], $0x80, s0, s0, $0xb8;
	[tilespmem:$0x1FC00] =	vst v63  }
0x57: {  	_ =	swait.ge [sflag:s17], $0x4000  }
0x58: {  	[sflag:s17] =	ssyncset.done $0x0  }
0x59: {  	s25 =	simm.s32 $0x2800;
	[sflag:s17] =	ssyncadd.s32 $0xFFFFC000  }
0x5a: {  	[spmem:s2] =	stream.indirect.scatter.add.f32 [tilespmem:s30], [sflag:$0x3], $0x80, s25, s0, $0xb8;
	[tilespmem:$0x1FC00] =	vst v63  }
0x5b: {  	_ =	swait.ge [sflag:s29], $0x4000  }
0x5c: {  	[sflag:s29] =	ssyncset.done $0x0  }
0x5d: {  	s23 =	simm.s32 $0x100;
	[sflag:s29] =	ssyncadd.s32 $0xFFFFC000  }
0x5e: {  	[tilespmem:s30], [sflag:$0x1] =	stream.indirect.gather [hbm4b:s5+s0], $0x80, s23, s0, $0xb8;
	[tilespmem:$0x1FC00] =	vst v63  }
0x5f: {  	_ =	swait.ge [sflag:s19], $0x4000  }
0x60: {  	[sflag:s19] =	ssyncset.done $0x0  }
0x61: {  	s25 =	simm.s32 $0x2880;
	[sflag:s19] =	ssyncadd.s32 $0xFFFFC000  }
0x62: {  	[spmem:s2] =	stream.indirect.scatter.add.f32 [tilespmem:s15], [sflag:$0x3], $0x80, s25, s0, $0xb8;
	[tilespmem:$0x1FC00] =	vst v63  }
0x63: {  	_ =	swait.ge [sflag:s29], $0x4000  }
0x64: {  	[sflag:s29] =	ssyncset.done $0x0  }
0x65: {  	s23 =	simm.s32 $0x180;
	s25 =	simm.s32 $0x400;
	[sflag:s29] =	ssyncadd.s32 $0xFFFFC000  }
.LBB2_10:
0x66: {  	[tilespmem:s15], [sflag:$0x2] =	stream.indirect.gather [hbm4b:s5+s0], $0x80, s23, s0, $0xb8;
	[tilespmem:$0x1FC00] =	vst v63  }
0x67: {  	s6 =	smov.u32 s25  }
0x68: {  	p3 =	sne.s32 s25, $0x4800;
	s25 =	sadd.s32 $0x400, s25;
	_ =	swait.ge [sflag:s17], $0x4000  }
0x69: {  	s6 =	sshra.s32 s6, $0x2;
	[sflag:s17] =	ssyncset.done $0x0  }
0x6a: {  	s23 =	sadd.s32 $0x2800, s6;
	[sflag:s17] =	ssyncadd.s32 $0xFFFFC000  }
0x6b: {  	[spmem:s2] =	stream.indirect.scatter.add.f32 [tilespmem:s30], [sflag:$0x3], $0x80, s23, s0, $0xb8;
	[tilespmem:$0x1FC00] =	vst v63  }
0x6c: {  	_ =	swait.ge [sflag:s29], $0x4000  }
0x6d: {  	[sflag:s29] =	ssyncset.done $0x0  }
0x6e: {  	s23 =	sadd.s32 $0x100, s6;
	[sflag:s29] =	ssyncadd.s32 $0xFFFFC000  }
0x6f: {  	[tilespmem:s30], [sflag:$0x1] =	stream.indirect.gather [hbm4b:s5+s0], $0x80, s23, s0, $0xb8;
	[tilespmem:$0x1FC00] =	vst v63  }
0x70: {  	_ =	swait.ge [sflag:s19], $0x4000  }
0x71: {  	[sflag:s19] =	ssyncset.done $0x0  }
.Ltmp4:
0x72: {  	s23 =	sadd.s32 $0x2880, s6;
	[sflag:s19] =	ssyncadd.s32 $0xFFFFC000;
	(pc) =	sbr.rel @p3 .LBB2_10-.Ltmp4, $4  }
0x73: {  	[spmem:s2] =	stream.indirect.scatter.add.f32 [tilespmem:s15], [sflag:$0x3], $0x80, s23, s0, $0xb8;
	[tilespmem:$0x1FC00] =	vst v63  }
0x74: {  	_ =	swait.ge [sflag:s29], $0x4000  }
0x75: {  	[sflag:s29] =	ssyncset.done $0x0  }
0x76: {  	s23 =	sadd.s32 $0x180, s6;
	[sflag:s29] =	ssyncadd.s32 $0xFFFFC000  }
0x77: {  	[tilespmem:s15], [sflag:$0x2] =	stream.indirect.gather [hbm4b:s5+s0], $0x80, s23, s0, $0xb8;
	[tilespmem:$0x1FC00] =	vst v63  }
0x78: {  	_ =	swait.ge [sflag:s17], $0x4000  }
0x79: {  	[sflag:s17] =	ssyncset.done $0x0  }
0x7a: {  	[sflag:s17] =	ssyncadd.s32 $0xFFFFC000  }
0x7b: {  	[spmem:s2] =	stream.indirect.scatter.add.f32 [tilespmem:s30], [sflag:$0x3], $0x80, s20, s0, $0xb8;
	[tilespmem:$0x1FC00] =	vst v63  }
0x7c: {  	_ =	swait.ge [sflag:s29], $0x4000  }
0x7d: {  	[sflag:s29] =	ssyncset.done $0x0  }
0x7e: {  	[sflag:s29] =	ssyncadd.s32 $0xFFFFC000  }
0x7f: {  	_ =	swait.ge [sflag:s19], $0x4000  }
0x80: {  	[sflag:s19] =	ssyncset.done $0x0  }
0x81: {  	[sflag:s19] =	ssyncadd.s32 $0xFFFFC000  }
0x82: {  	[spmem:s2] =	stream.indirect.scatter.add.f32 [tilespmem:s15], [sflag:$0x3], $0x80, s21, s0, $0xb8;
	[tilespmem:$0x1FC00] =	vst v63  }
0x83: {  	_ =	swait.ge [sflag:s29], $0x4000  }
0x84: {  	[sflag:s29] =	ssyncset.done $0x0  }
0x85: {  	s6 =	simm.s32 $0x0;
	[sflag:s29] =	ssyncadd.s32 $0xFFFFC000  }
0x86: {  	[tilespmem:s31], [sflag:$0x3] =	stream.linear.gather [hbm4b:s13+s6], $0x1400, $0x38;
	[tilespmem:$0x1FC00] =	vst v63  }
0x87: {  	_ =	swait.ge [sflag:s29], $0x1400  }
0x88: {  	[sflag:s29] =	ssyncset.done $0x0  }
0x89: {  	s25 =	simm.s32 $0x1400;
	[sflag:s29] =	ssyncadd.s32 $0xFFFFEC00  }
0x8a: {  	[tilespmem:s30], [sflag:$0x1] =	stream.indirect.gather [hbm4b:s5+s0], $0x80, s25, s0, $0xb8;
	[tilespmem:$0x1FC00] =	vst v63  }
0x8b: {  	s23 =	simm.s32 $0x1480  }
0x8c: {  	[tilespmem:s15], [sflag:$0x2] =	stream.indirect.gather [hbm4b:s5+s0], $0x80, s23, s0, $0xb8;
	[tilespmem:$0x1FC00] =	vst v63  }
0x8d: {  	_ =	swait.ge [sflag:s17], $0x4000  }
0x8e: {  	[sflag:s17] =	ssyncset.done $0x0  }
0x8f: {  	s25 =	simm.s32 $0x2800;
	[sflag:s17] =	ssyncadd.s32 $0xFFFFC000  }
0x90: {  	[spmem:s2] =	stream.indirect.scatter.add.f32 [tilespmem:s30], [sflag:$0x3], $0x80, s25, s0, $0xb8;
	[tilespmem:$0x1FC00] =	vst v63  }
0x91: {  	_ =	swait.ge [sflag:s29], $0x4000  }
0x92: {  	[sflag:s29] =	ssyncset.done $0x0  }
0x93: {  	s23 =	simm.s32 $0x1500;
	[sflag:s29] =	ssyncadd.s32 $0xFFFFC000  }
0x94: {  	[tilespmem:s30], [sflag:$0x1] =	stream.indirect.gather [hbm4b:s5+s0], $0x80, s23, s0, $0xb8;
	[tilespmem:$0x1FC00] =	vst v63  }
0x95: {  	_ =	swait.ge [sflag:s19], $0x4000  }
0x96: {  	[sflag:s19] =	ssyncset.done $0x0  }
0x97: {  	s25 =	simm.s32 $0x2880;
	[sflag:s19] =	ssyncadd.s32 $0xFFFFC000  }
0x98: {  	[spmem:s2] =	stream.indirect.scatter.add.f32 [tilespmem:s15], [sflag:$0x3], $0x80, s25, s0, $0xb8;
	[tilespmem:$0x1FC00] =	vst v63  }
0x99: {  	_ =	swait.ge [sflag:s29], $0x4000  }
0x9a: {  	[sflag:s29] =	ssyncset.done $0x0  }
0x9b: {  	s23 =	simm.s32 $0x1580;
	s25 =	simm.s32 $0x400;
	[sflag:s29] =	ssyncadd.s32 $0xFFFFC000  }
.LBB2_12:
0x9c: {  	[tilespmem:s15], [sflag:$0x2] =	stream.indirect.gather [hbm4b:s5+s0], $0x80, s23, s0, $0xb8;
	[tilespmem:$0x1FC00] =	vst v63  }
0x9d: {  	s6 =	smov.u32 s25  }
0x9e: {  	p3 =	sne.s32 s25, $0x4800;
	s25 =	sadd.s32 $0x400, s25;
	_ =	swait.ge [sflag:s17], $0x4000  }
0x9f: {  	s6 =	sshra.s32 s6, $0x2;
	[sflag:s17] =	ssyncset.done $0x0  }
0xa0: {  	s23 =	sadd.s32 $0x2800, s6;
	[sflag:s17] =	ssyncadd.s32 $0xFFFFC000  }
0xa1: {  	[spmem:s2] =	stream.indirect.scatter.add.f32 [tilespmem:s30], [sflag:$0x3], $0x80, s23, s0, $0xb8;
	[tilespmem:$0x1FC00] =	vst v63  }
0xa2: {  	_ =	swait.ge [sflag:s29], $0x4000  }
0xa3: {  	[sflag:s29] =	ssyncset.done $0x0  }
0xa4: {  	s23 =	sadd.s32 $0x1500, s6;
	[sflag:s29] =	ssyncadd.s32 $0xFFFFC000  }
0xa5: {  	[tilespmem:s30], [sflag:$0x1] =	stream.indirect.gather [hbm4b:s5+s0], $0x80, s23, s0, $0xb8;
	[tilespmem:$0x1FC00] =	vst v63  }
0xa6: {  	_ =	swait.ge [sflag:s19], $0x4000  }
0xa7: {  	[sflag:s19] =	ssyncset.done $0x0  }
.Ltmp5:
0xa8: {  	s23 =	sadd.s32 $0x2880, s6;
	[sflag:s19] =	ssyncadd.s32 $0xFFFFC000;
	(pc) =	sbr.rel @p3 .LBB2_12-.Ltmp5, $4  }
0xa9: {  	[spmem:s2] =	stream.indirect.scatter.add.f32 [tilespmem:s15], [sflag:$0x3], $0x80, s23, s0, $0xb8;
	[tilespmem:$0x1FC00] =	vst v63  }
0xaa: {  	_ =	swait.ge [sflag:s29], $0x4000  }
0xab: {  	[sflag:s29] =	ssyncset.done $0x0  }
0xac: {  	s23 =	sadd.s32 $0x1580, s6;
	[sflag:s29] =	ssyncadd.s32 $0xFFFFC000  }
0xad: {  	[tilespmem:s15], [sflag:$0x2] =	stream.indirect.gather [hbm4b:s5+s0], $0x80, s23, s0, $0xb8;
	[tilespmem:$0x1FC00] =	vst v63  }
0xae: {  	_ =	swait.ge [sflag:s17], $0x4000  }
0xaf: {  	[sflag:s17] =	ssyncset.done $0x0  }
0xb0: {  	[sflag:s17] =	ssyncadd.s32 $0xFFFFC000  }
0xb1: {  	[spmem:s2] =	stream.indirect.scatter.add.f32 [tilespmem:s30], [sflag:$0x3], $0x80, s20, s0, $0xb8;
	[tilespmem:$0x1FC00] =	vst v63  }
0xb2: {  	_ =	swait.ge [sflag:s29], $0x4000  }
0xb3: {  	[sflag:s29] =	ssyncset.done $0x0  }
0xb4: {  	[sflag:s29] =	ssyncadd.s32 $0xFFFFC000  }
0xb5: {  	_ =	swait.ge [sflag:s19], $0x4000  }
0xb6: {  	[sflag:s19] =	ssyncset.done $0x0  }
0xb7: {  	[sflag:s19] =	ssyncadd.s32 $0xFFFFC000  }
0xb8: {  	[spmem:s2] =	stream.indirect.scatter.add.f32 [tilespmem:s15], [sflag:$0x3], $0x80, s21, s0, $0xb8;
	[tilespmem:$0x1FC00] =	vst v63  }
0xb9: {  	_ =	swait.ge [sflag:s29], $0x4000  }
0xba: {  	[sflag:s29] =	ssyncset.done $0x0  }
0xbb: {  	[sflag:s29] =	ssyncadd.s32 $0xFFFFC000  }
0xbc: {  	s6 =	sshll.u32 s1, $0x6;
	[bflag:$0x0] =	sbarrier.arrive $0xFFFF  }
0xbd: {  	s25 =	sor.u32 $0x1C03, s6;
	s6 =	sshrl.u32 s14, $0x3;
	s23 =	rddreg [dreg:$0x8]  }
0xbe: {  	[hbm:s23], [sflag:s25] =	dma.local [spmem:s6], $0xC80  }
0xbf: {  	_ =	swait.ge [sflag:s29], $0xC80  }
0xc0: {  	[sflag:s29] =	ssyncset.done $0x0  }
0xc1: {  	s6 =	sshrl.u32 s16, $0x3;
	s23 =	rddreg [dreg:$0x9];
	[sflag:s29] =	ssyncadd.s32 $0xFFFFF380  }
0xc2: {  	[hbm:s23], [sflag:s25] =	dma.local [spmem:s6], $0xC80  }
0xc3: {  	_ =	swait.ge [sflag:s29], $0xC80  }
0xc4: {  	[sflag:s29] =	ssyncset.done $0x0  }
0xc5: {  	s6 =	sshrl.u32 s18, $0x3;
	s23 =	rddreg [dreg:$0xa];
	[sflag:s29] =	ssyncadd.s32 $0xFFFFF380  }
0xc6: {  	[hbm:s23], [sflag:s25] =	dma.local [spmem:s6], $0xC80  }
.Ltmp6:
0xc7: {  	_ = 	snop;
	(pc) =	sbr.rel @p1 .LBB2_15-.Ltmp6, $4  }
.Ltmp7:
0xc8: {  	_ = 	snop;
	(pc) =	sbr.rel @!p1 .LBB2_14-.Ltmp7, $4  }
0xc9: {  	_ =	swait.ge [sflag:s29], $0xC80  }
0xca: {  	[sflag:s29] =	ssyncset.done $0x0  }
0xcb: {  	s23 =	smov.u32 s7;
	[sflag:s29] =	ssyncadd.s32 $0xFFFFF380  }
0xcc: {  	_ = 	snop  }
.LBB2_4:
0xcd: {  	s23 =	simm.s32 $0x0  }
0xce: {  	[tilespmem:s30], [sflag:$0x1] =	stream.indirect.gather [hbm4b:s4+s0], $0x80, s23, s0, $0xb8;
	[tilespmem:$0x1FC00] =	vst v63  }
0xcf: {  	_ = 	snop  }
0xd0: {  	[tilespmem:s15], [sflag:$0x2] =	stream.indirect.gather [hbm4b:s4+s0], $0x80, s0, s0, $0xb8;
	[tilespmem:$0x1FC00] =	vst v63  }
0xd1: {  	_ =	swait.ge [sflag:s17], $0x4000  }
0xd2: {  	[sflag:s17] =	ssyncset.done $0x0  }
0xd3: {  	s25 =	simm.s32 $0x2800;
	[sflag:s17] =	ssyncadd.s32 $0xFFFFC000  }
0xd4: {  	[spmem:s2] =	stream.indirect.scatter.add.f32 [tilespmem:s30], [sflag:$0x3], $0x80, s25, s0, $0xb8;
	[tilespmem:$0x1FC00] =	vst v63  }
0xd5: {  	_ =	swait.ge [sflag:s29], $0x4000  }
0xd6: {  	[sflag:s29] =	ssyncset.done $0x0  }
0xd7: {  	s6 =	simm.s32 $0x100;
	[sflag:s29] =	ssyncadd.s32 $0xFFFFC000  }
0xd8: {  	[tilespmem:s30], [sflag:$0x1] =	stream.indirect.gather [hbm4b:s4+s0], $0x80, s6, s0, $0xb8;
	[tilespmem:$0x1FC00] =	vst v63  }
0xd9: {  	_ =	swait.ge [sflag:s19], $0x4000  }
0xda: {  	[sflag:s19] =	ssyncset.done $0x0  }
0xdb: {  	s25 =	simm.s32 $0x2880;
	[sflag:s19] =	ssyncadd.s32 $0xFFFFC000  }
0xdc: {  	[spmem:s2] =	stream.indirect.scatter.add.f32 [tilespmem:s15], [sflag:$0x3], $0x80, s25, s0, $0xb8;
	[tilespmem:$0x1FC00] =	vst v63  }
0xdd: {  	_ =	swait.ge [sflag:s29], $0x4000  }
0xde: {  	[sflag:s29] =	ssyncset.done $0x0  }
0xdf: {  	s23 =	simm.s32 $0x180;
	s25 =	simm.s32 $0x400;
	[sflag:s29] =	ssyncadd.s32 $0xFFFFC000  }
.LBB2_5:
0xe0: {  	[tilespmem:s15], [sflag:$0x2] =	stream.indirect.gather [hbm4b:s4+s0], $0x80, s23, s0, $0xb8;
	[tilespmem:$0x1FC00] =	vst v63  }
0xe1: {  	s23 =	smov.u32 s25  }
0xe2: {  	p3 =	sne.s32 s25, $0x4800;
	s25 =	sadd.s32 $0x400, s25;
	_ =	swait.ge [sflag:s17], $0x4000  }
0xe3: {  	s23 =	sshra.s32 s23, $0x2;
	[sflag:s17] =	ssyncset.done $0x0  }
0xe4: {  	s6 =	sadd.s32 $0x2800, s23;
	[sflag:s17] =	ssyncadd.s32 $0xFFFFC000  }
0xe5: {  	[spmem:s2] =	stream.indirect.scatter.add.f32 [tilespmem:s30], [sflag:$0x3], $0x80, s6, s0, $0xb8;
	[tilespmem:$0x1FC00] =	vst v63  }
0xe6: {  	_ =	swait.ge [sflag:s29], $0x4000  }
0xe7: {  	[sflag:s29] =	ssyncset.done $0x0  }
0xe8: {  	s6 =	sadd.s32 $0x100, s23;
	[sflag:s29] =	ssyncadd.s32 $0xFFFFC000  }
0xe9: {  	[tilespmem:s30], [sflag:$0x1] =	stream.indirect.gather [hbm4b:s4+s0], $0x80, s6, s0, $0xb8;
	[tilespmem:$0x1FC00] =	vst v63  }
0xea: {  	_ =	swait.ge [sflag:s19], $0x4000  }
0xeb: {  	[sflag:s19] =	ssyncset.done $0x0  }
.Ltmp8:
0xec: {  	s6 =	sadd.s32 $0x2880, s23;
	[sflag:s19] =	ssyncadd.s32 $0xFFFFC000;
	(pc) =	sbr.rel @p3 .LBB2_5-.Ltmp8, $4  }
0xed: {  	[spmem:s2] =	stream.indirect.scatter.add.f32 [tilespmem:s15], [sflag:$0x3], $0x80, s6, s0, $0xb8;
	[tilespmem:$0x1FC00] =	vst v63  }
0xee: {  	_ =	swait.ge [sflag:s29], $0x4000  }
0xef: {  	[sflag:s29] =	ssyncset.done $0x0  }
0xf0: {  	s23 =	sadd.s32 $0x180, s23;
	[sflag:s29] =	ssyncadd.s32 $0xFFFFC000  }
0xf1: {  	[tilespmem:s15], [sflag:$0x2] =	stream.indirect.gather [hbm4b:s4+s0], $0x80, s23, s0, $0xb8;
	[tilespmem:$0x1FC00] =	vst v63  }
0xf2: {  	_ =	swait.ge [sflag:s17], $0x4000  }
0xf3: {  	[sflag:s17] =	ssyncset.done $0x0  }
0xf4: {  	[sflag:s17] =	ssyncadd.s32 $0xFFFFC000  }
0xf5: {  	[spmem:s2] =	stream.indirect.scatter.add.f32 [tilespmem:s30], [sflag:$0x3], $0x80, s20, s0, $0xb8;
	[tilespmem:$0x1FC00] =	vst v63  }
0xf6: {  	_ =	swait.ge [sflag:s29], $0x4000  }
0xf7: {  	[sflag:s29] =	ssyncset.done $0x0  }
0xf8: {  	[sflag:s29] =	ssyncadd.s32 $0xFFFFC000  }
0xf9: {  	_ =	swait.ge [sflag:s19], $0x4000  }
0xfa: {  	[sflag:s19] =	ssyncset.done $0x0  }
0xfb: {  	[sflag:s19] =	ssyncadd.s32 $0xFFFFC000  }
0xfc: {  	[spmem:s2] =	stream.indirect.scatter.add.f32 [tilespmem:s15], [sflag:$0x3], $0x80, s21, s0, $0xb8;
	[tilespmem:$0x1FC00] =	vst v63  }
0xfd: {  	_ =	swait.ge [sflag:s29], $0x4000  }
0xfe: {  	[sflag:s29] =	ssyncset.done $0x0  }
0xff: {  	s6 =	simm.s32 $0x0;
	[sflag:s29] =	ssyncadd.s32 $0xFFFFC000  }
0x100: {  	[tilespmem:s31], [sflag:$0x3] =	stream.linear.gather [hbm4b:s13+s6], $0x1400, $0x38;
	[tilespmem:$0x1FC00] =	vst v63  }
0x101: {  	_ =	swait.ge [sflag:s29], $0x1400  }
0x102: {  	[sflag:s29] =	ssyncset.done $0x0  }
0x103: {  	s25 =	simm.s32 $0x1400;
	[sflag:s29] =	ssyncadd.s32 $0xFFFFEC00  }
0x104: {  	[tilespmem:s30], [sflag:$0x1] =	stream.indirect.gather [hbm4b:s4+s0], $0x80, s25, s0, $0xb8;
	[tilespmem:$0x1FC00] =	vst v63  }
0x105: {  	s23 =	simm.s32 $0x1480  }
0x106: {  	[tilespmem:s15], [sflag:$0x2] =	stream.indirect.gather [hbm4b:s4+s0], $0x80, s23, s0, $0xb8;
	[tilespmem:$0x1FC00] =	vst v63  }
0x107: {  	_ =	swait.ge [sflag:s17], $0x4000  }
0x108: {  	[sflag:s17] =	ssyncset.done $0x0  }
0x109: {  	s25 =	simm.s32 $0x2800;
	[sflag:s17] =	ssyncadd.s32 $0xFFFFC000  }
0x10a: {  	[spmem:s2] =	stream.indirect.scatter.add.f32 [tilespmem:s30], [sflag:$0x3], $0x80, s25, s0, $0xb8;
	[tilespmem:$0x1FC00] =	vst v63  }
0x10b: {  	_ =	swait.ge [sflag:s29], $0x4000  }
0x10c: {  	[sflag:s29] =	ssyncset.done $0x0  }
0x10d: {  	s23 =	simm.s32 $0x1500;
	[sflag:s29] =	ssyncadd.s32 $0xFFFFC000  }
0x10e: {  	[tilespmem:s30], [sflag:$0x1] =	stream.indirect.gather [hbm4b:s4+s0], $0x80, s23, s0, $0xb8;
	[tilespmem:$0x1FC00] =	vst v63  }
0x10f: {  	_ =	swait.ge [sflag:s19], $0x4000  }
0x110: {  	[sflag:s19] =	ssyncset.done $0x0  }
0x111: {  	s25 =	simm.s32 $0x2880;
	[sflag:s19] =	ssyncadd.s32 $0xFFFFC000  }
0x112: {  	[spmem:s2] =	stream.indirect.scatter.add.f32 [tilespmem:s15], [sflag:$0x3], $0x80, s25, s0, $0xb8;
	[tilespmem:$0x1FC00] =	vst v63  }
0x113: {  	_ =	swait.ge [sflag:s29], $0x4000  }
0x114: {  	[sflag:s29] =	ssyncset.done $0x0  }
0x115: {  	s23 =	simm.s32 $0x1580;
	s25 =	simm.s32 $0x400;
	[sflag:s29] =	ssyncadd.s32 $0xFFFFC000  }
.LBB2_7:
0x116: {  	[tilespmem:s15], [sflag:$0x2] =	stream.indirect.gather [hbm4b:s4+s0], $0x80, s23, s0, $0xb8;
	[tilespmem:$0x1FC00] =	vst v63  }
0x117: {  	s6 =	smov.u32 s25  }
0x118: {  	p3 =	sne.s32 s25, $0x4800;
	s25 =	sadd.s32 $0x400, s25;
	_ =	swait.ge [sflag:s17], $0x4000  }
0x119: {  	s6 =	sshra.s32 s6, $0x2;
	[sflag:s17] =	ssyncset.done $0x0  }
0x11a: {  	s23 =	sadd.s32 $0x2800, s6;
	[sflag:s17] =	ssyncadd.s32 $0xFFFFC000  }
0x11b: {  	[spmem:s2] =	stream.indirect.scatter.add.f32 [tilespmem:s30], [sflag:$0x3], $0x80, s23, s0, $0xb8;
	[tilespmem:$0x1FC00] =	vst v63  }
0x11c: {  	_ =	swait.ge [sflag:s29], $0x4000  }
0x11d: {  	[sflag:s29] =	ssyncset.done $0x0  }
0x11e: {  	s23 =	sadd.s32 $0x1500, s6;
	[sflag:s29] =	ssyncadd.s32 $0xFFFFC000  }
0x11f: {  	[tilespmem:s30], [sflag:$0x1] =	stream.indirect.gather [hbm4b:s4+s0], $0x80, s23, s0, $0xb8;
	[tilespmem:$0x1FC00] =	vst v63  }
0x120: {  	_ =	swait.ge [sflag:s19], $0x4000  }
0x121: {  	[sflag:s19] =	ssyncset.done $0x0  }
.Ltmp9:
0x122: {  	s23 =	sadd.s32 $0x2880, s6;
	[sflag:s19] =	ssyncadd.s32 $0xFFFFC000;
	(pc) =	sbr.rel @p3 .LBB2_7-.Ltmp9, $4  }
0x123: {  	[spmem:s2] =	stream.indirect.scatter.add.f32 [tilespmem:s15], [sflag:$0x3], $0x80, s23, s0, $0xb8;
	[tilespmem:$0x1FC00] =	vst v63  }
0x124: {  	_ =	swait.ge [sflag:s29], $0x4000  }
0x125: {  	[sflag:s29] =	ssyncset.done $0x0  }
0x126: {  	s23 =	sadd.s32 $0x1580, s6;
	[sflag:s29] =	ssyncadd.s32 $0xFFFFC000  }
0x127: {  	[tilespmem:s15], [sflag:$0x2] =	stream.indirect.gather [hbm4b:s4+s0], $0x80, s23, s0, $0xb8;
	[tilespmem:$0x1FC00] =	vst v63  }
0x128: {  	_ =	swait.ge [sflag:s17], $0x4000  }
0x129: {  	[sflag:s17] =	ssyncset.done $0x0  }
0x12a: {  	[sflag:s17] =	ssyncadd.s32 $0xFFFFC000  }
0x12b: {  	[spmem:s2] =	stream.indirect.scatter.add.f32 [tilespmem:s30], [sflag:$0x3], $0x80, s20, s0, $0xb8;
	[tilespmem:$0x1FC00] =	vst v63  }
0x12c: {  	_ =	swait.ge [sflag:s29], $0x4000  }
0x12d: {  	[sflag:s29] =	ssyncset.done $0x0  }
0x12e: {  	[sflag:s29] =	ssyncadd.s32 $0xFFFFC000  }
0x12f: {  	_ =	swait.ge [sflag:s19], $0x4000  }
0x130: {  	[sflag:s19] =	ssyncset.done $0x0  }
0x131: {  	[sflag:s19] =	ssyncadd.s32 $0xFFFFC000  }
0x132: {  	[spmem:s2] =	stream.indirect.scatter.add.f32 [tilespmem:s15], [sflag:$0x3], $0x80, s21, s0, $0xb8;
	[tilespmem:$0x1FC00] =	vst v63  }
0x133: {  	_ =	swait.ge [sflag:s29], $0x4000  }
0x134: {  	[sflag:s29] =	ssyncset.done $0x0  }
0x135: {  	[sflag:s29] =	ssyncadd.s32 $0xFFFFC000  }
0x136: {  	s6 =	sshll.u32 s1, $0x6;
	[bflag:$0x0] =	sbarrier.arrive $0xFFFF  }
0x137: {  	s25 =	sor.u32 $0x1C03, s6;
	s6 =	sshrl.u32 s14, $0x3;
	s23 =	rddreg [dreg:$0x4]  }
0x138: {  	[hbm:s23], [sflag:s25] =	dma.local [spmem:s6], $0xC80  }
0x139: {  	_ =	swait.ge [sflag:s29], $0xC80  }
0x13a: {  	[sflag:s29] =	ssyncset.done $0x0  }
0x13b: {  	s6 =	sshrl.u32 s16, $0x3;
	s23 =	rddreg [dreg:$0x5];
	[sflag:s29] =	ssyncadd.s32 $0xFFFFF380  }
0x13c: {  	[hbm:s23], [sflag:s25] =	dma.local [spmem:s6], $0xC80  }
0x13d: {  	_ =	swait.ge [sflag:s29], $0xC80  }
0x13e: {  	[sflag:s29] =	ssyncset.done $0x0  }
0x13f: {  	s6 =	sshrl.u32 s18, $0x3;
	s23 =	rddreg [dreg:$0x6];
	[sflag:s29] =	ssyncadd.s32 $0xFFFFF380  }
0x140: {  	[hbm:s23], [sflag:s25] =	dma.local [spmem:s6], $0xC80  }
.Ltmp10:
0x141: {  	_ = 	snop;
	(pc) =	sbr.rel @p2 .LBB2_14-.Ltmp10, $4  }
.Ltmp11:
0x142: {  	_ = 	snop;
	(pc) =	sbr.rel @!p2 .LBB2_15-.Ltmp11, $4  }
0x143: {  	_ =	swait.ge [sflag:s29], $0xC80  }
0x144: {  	[sflag:s29] =	ssyncset.done $0x0  }
0x145: {  	s23 =	rddreg [dreg:$0x3];
	[sflag:s29] =	ssyncadd.s32 $0xFFFFF380  }
0x146: {  	_ = 	snop  }
.LBB2_16:
0x147: {  	_ =	sfence.sel $0x180000  }
0x148: {  	[bflag:$0x0] =	sbarrier.arrive $0xFFFF  }
0x149: {  	_ =	strace $0x90000047  }
0x14a: {  	[bflag:$0x2] =	sbarrier.arrive $0xFFFF  }
0x14b: {  	p0 =	sne.s32 s1, $0x0;
	s0 =	rddreg [dreg:$0x2]  }
0x14c: {  	s0 =	sadd.s32 @!p0 $0x100000, s0  }
0x14d: {  	[sflag:s0] =	ssyncadd.tile.s32 @!p0 $0x1;
	_ =	shalt  }
.Lfunc_end2:
_tile_overlayer_lowered:
.L_overlay_start_2:
0x14e: {  	(tag) =	ssettag $0x2  }
0x14f: {  	s0 =	rddreg [dreg:$0x0];
	s2 =	stileid.u32  }
0x150: {  	s1 =	rddreg [dreg:$0x1];
	p0 =	sne.s32 s2, $0x0  }
0x151: {  	s3 =	rddreg [dreg:$0x2];
	[bflag:$0x3] =	sbarrier.arrive $0xFFFF;
	s2 =	simm.s32 @!p0 $0x1C03  }
0x152: {  	[timem:s3], [sflag:s2] =	dma.local @!p0 [hbm:s0], s1  }
0x153: {  	s0 =	simm.s32 @!p0 $0x3  }
0x154: {  	_ =	swait.ge @!p0 [sflag:s0], s1  }
0x155: {  	s1 =	ssub.s32 @!p0 $0x0, s1;
	[sflag:s0] =	ssyncset.done @!p0 $0x0  }
0x156: {  	[sflag:s0] =	ssyncadd.s32 @!p0 s1  }
0x157: {  	[bflag:$0x3] =	sbarrier.arrive $0xFFFF  }
0x158: {  	_ =	shalt  }

// kernel: kernel.15.cloned.1.call-start
scs
__scs_entry_jumppad:
0x0: {  	(pc) =	sbr.rel $0x88, $3  }
0x1: {  	(tag) =	ssettag $0x0;
	lr =	simm.s32 $0x1  }
0x2: {  	[smem:$0x3F8B] =	sst lr;
	_ =	strace $0xD0000000  }
0x3: {  	_ = 	snop  }
0x4: {  	_ = 	snop  }
0x5: {  	_ = 	snop  }
0x6: {  	_ = 	snop  }
0x7: {  	_ = 	snop  }
__scs_overlays_trampoline_lowered:
0x8: {  	[smem:$0x3F9A] =	sst s0  }
0x9: {  	[smem:$0x3F9B] =	sst s1  }
0xa: {  	[smem:$0x3F9C] =	sst s2  }
0xb: {  	[smem:$0x3F9D] =	sst s3  }
0xc: {  	[smem:$0x3F9E] =	sst s4  }
0xd: {  	[smem:$0x3F9F] =	sst s5  }
0xe: {  	[smem:$0x3FA0] =	sst s6  }
0xf: {  	[smem:$0x3FA1] =	sst s7  }
0x10: {  	[smem:$0x3FA2] =	sst s8  }
0x11: {  	[smem:$0x3FA3] =	sst s9;
	s0 =	simm.s32 @!p0 $0x0  }
0x12: {  	s1 =	sld [smem:$0x3F89];
	s0 =	simm.s32 @p0 $0x1  }
0x13: {  	[smem:$0x3FA4] =	sst s0;
	s0 =	simm.s32 @!p1 $0x0  }
0x14: {  	s2 =	sld [smem:$0x3F88];
	s0 =	simm.s32 @p1 $0x1  }
0x15: {  	[smem:$0x3FA5] =	sst s0;
	s0 =	simm.s32 @!p2 $0x0  }
0x16: {  	s3 =	sld [smem:$0x3FDB];
	s0 =	simm.s32 @p2 $0x1  }
0x17: {  	s4 =	simm.s32 $0x1BF5;
	[smem:$0x3FA7] =	sst s0  }
0x18: {  	s0 =	sld [smem:$0x3F8A];
	_ =	swait.ge [sflag:s4], $0x0  }
0x19: {  	s7 =	sld [smem:$0x3F8B]  }
0x1a: {  	s8 =	sadd.s32 $0xFFFFE003, lr  }
0x1b: {  	s9 =	sadd.s32 $0xFFFFFEF7, lr;
	s5 =	simm.s32 $0xFFFFFFFF;
	p2 =	slt.u32 s8, $0xFFFFF086  }
0x1c: {  	p1 =	slt.u32 s9, $0xF7A;
	s5 =	simm.s32 @!p2 $0x0  }
0x1d: {  	s5 =	simm.s32 @p1 $0x1;
	p0 =	seq.s32 s7, s2  }
0x1e: {  	s7 =	smul.u32 @!p0 $0xF7A, s2;
	p2 =	seq.s32 @!p0 s5, $0x0  }
0x1f: {  	s9 =	smul.u32 $0xF7A, s1;
	s8 =	simm.s32 @!p0 $0x1BF5;
	p2 =	por !p2, p0  }
0x20: {  	[sflag:s8] =	ssyncset.s32 @!p0 $0xFFFFF086;
	s6 =	sadd.s32 @!p0 s3, s7;
	s7 =	simm.s32 @!p0 $0x108  }
0x21: {  	s3 =	sadd.s32 s3, s9;
	s6 =	sadd.s32 @!p0 $0x88, s6;
	s7 =	simm.s32 @p2 $0x1082  }
0x22: {  	[simem:s7], [sflag:s8] =	dma.local @!p0 [hbm:s6], $0xF7A  }
0x23: {  	s9 =	sor.u32 $0xD0000000, s2;
	s6 =	simm.s32 $0x108;
	_ =	swait.ge @!p0 [sflag:s8], $0x0  }
0x24: {  	s3 =	sadd.s32 $0x88, s3;
	s6 =	simm.s32 @!p1 $0x1082;
	[sflag:s4] =	ssyncset.s32 $0xFFFFF086  }
0x25: {  	[simem:s6], [sflag:s4] =	dma.local [hbm:s3], $0xF7A  }
0x26: {  	[smem:$0x3F8B] =	sst s1;
	(tag) =	ssettag s2;
	_ =	strace s9  }
0x27: {  	s1 =	sld [smem:$0x3F9B]  }
0x28: {  	s2 =	sld [smem:$0x3F9C]  }
0x29: {  	s4 =	sld [smem:$0x3F9E]  }
0x2a: {  	p0 =	seq.s32 s5, $0x0;
	s5 =	sld [smem:$0x3F9F]  }
0x2b: {  	s6 =	sld [smem:$0x3FA0]  }
0x2c: {  	s7 =	sld [smem:$0x3FA1]  }
0x2d: {  	s3 =	simm.s32 $0x108;
	s8 =	sld [smem:$0x3FA2]  }
0x2e: {  	s3 =	simm.s32 @!p0 $0x1082;
	s9 =	sld [smem:$0x3FA3]  }
0x2f: {  	lr =	sadd.s32 s0, s3;
	s0 =	sld [smem:$0x3F9A]  }
0x30: {  	s3 =	sld [smem:$0x3F9D]  }
0x31: {  	[smem:$0x3FA6] =	sst s10  }
0x32: {  	s10 =	sld [smem:$0x3FA4];
	_ =	sdelay $0x3  }
0x33: {  	p0 =	seq.s32 s10, $0x1;
	s10 =	sld [smem:$0x3FA6];
	_ =	sdelay $0x3  }
0x34: {  	[smem:$0x3FA6] =	sst s10  }
0x35: {  	s10 =	sld [smem:$0x3FA5];
	_ =	sdelay $0x3  }
0x36: {  	p1 =	seq.s32 s10, $0x1;
	s10 =	sld [smem:$0x3FA6];
	_ =	sdelay $0x3  }
0x37: {  	[smem:$0x3FA6] =	sst s10  }
0x38: {  	s10 =	sld [smem:$0x3FA7]  }
0x39: {  	_ = 	snop;
	(pc) =	sbr.ind lr, $3  }
0x3a: {  	_ = 	snop  }
0x3b: {  	_ = 	snop  }
0x3c: {  	p2 =	seq.s32 s10, $0x1;
	s10 =	sld [smem:$0x3FA6]  }
0x3d: {  	_ =	shalt  }
0x3e: {  	_ =	shalt  }
0x3f: {  	_ =	shalt  }
0x40: {  	_ =	shalt  }
0x41: {  	_ =	shalt  }
0x42: {  	_ =	shalt  }
0x43: {  	_ =	shalt  }
0x44: {  	_ =	shalt  }
0x45: {  	_ =	shalt  }
0x46: {  	_ =	shalt  }
0x47: {  	_ =	shalt  }
0x48: {  	_ =	shalt  }
0x49: {  	_ =	shalt  }
0x4a: {  	_ =	shalt  }
0x4b: {  	_ =	shalt  }
0x4c: {  	_ =	shalt  }
0x4d: {  	_ =	shalt  }
0x4e: {  	_ =	shalt  }
0x4f: {  	_ =	shalt  }
0x50: {  	_ =	shalt  }
0x51: {  	_ =	shalt  }
0x52: {  	_ =	shalt  }
0x53: {  	_ =	shalt  }
0x54: {  	_ =	shalt  }
0x55: {  	_ =	shalt  }
0x56: {  	_ =	shalt  }
0x57: {  	_ =	shalt  }
0x58: {  	_ =	shalt  }
0x59: {  	_ =	shalt  }
0x5a: {  	_ =	shalt  }
0x5b: {  	_ =	shalt  }
0x5c: {  	_ =	shalt  }
0x5d: {  	_ =	shalt  }
0x5e: {  	_ =	shalt  }
0x5f: {  	_ =	shalt  }
0x60: {  	_ =	shalt  }
0x61: {  	_ =	shalt  }
0x62: {  	_ =	shalt  }
0x63: {  	_ =	shalt  }
0x64: {  	_ =	shalt  }
0x65: {  	_ =	shalt  }
0x66: {  	_ =	shalt  }
0x67: {  	_ =	shalt  }
0x68: {  	_ =	shalt  }
0x69: {  	_ =	shalt  }
0x6a: {  	_ =	shalt  }
0x6b: {  	_ =	shalt  }
0x6c: {  	_ =	shalt  }
0x6d: {  	_ =	shalt  }
0x6e: {  	_ =	shalt  }
0x6f: {  	_ =	shalt  }
0x70: {  	_ =	shalt  }
0x71: {  	_ =	shalt  }
0x72: {  	_ =	shalt  }
0x73: {  	_ =	shalt  }
0x74: {  	_ =	shalt  }
0x75: {  	_ =	shalt  }
0x76: {  	_ =	shalt  }
0x77: {  	_ =	shalt  }
0x78: {  	_ =	shalt  }
0x79: {  	_ =	shalt  }
0x7a: {  	_ =	shalt  }
0x7b: {  	_ =	shalt  }
0x7c: {  	_ =	shalt  }
0x7d: {  	_ =	shalt  }
0x7e: {  	_ =	shalt  }
0x7f: {  	_ =	shalt  }
0x80: {  	_ =	shalt  }
0x81: {  	_ =	shalt  }
0x82: {  	_ =	shalt  }
0x83: {  	_ =	shalt  }
0x84: {  	_ =	shalt  }
0x85: {  	_ =	shalt  }
0x86: {  	_ =	shalt  }
0x87: {  	_ =	shalt  }
.Lfunc_end0:
.L_simem_size_0:
called_computation.1_lowered:
.L_overlay_start_0:
0x88: {  	s2 =	sld [smem:$0x3FD9]  }
0x89: {  	s3 =	sld [smem:$0x3FFE];
	_ =	sdelay $0x1  }
0x8a: {  	s1 =	srdreg.scid  }
0x8b: {  	s0 =	sand.u32 $0x1, s1  }
0x8c: {  	s16 =	sshll.u32 s0, $0xA;
	s2 =	sadd.s32 s3, s2  }
0x8d: {  	s2 =	sadd.s32 s2, s16  }
0x8e: {  	[smem:$0x3FB2] =	sst s2  }
0x8f: {  	_ = 	snop  }
0x90: {  	(tm) =	ssettm $0x1  }
0x91: {  	s17 =	sld [smem:$0x3FFB];
	_ =	sdelay $0x3  }
0x92: {  	_ =	strace s17  }
0x93: {  	s2 =	sld [smem:$0x3FFC];
	_ =	sdelay $0x3  }
0x94: {  	_ =	strace s2  }
0x95: {  	s2 =	sld [smem:$0x3FFD];
	_ =	sdelay $0x3  }
0x96: {  	_ =	strace s2  }
0x97: {  	_ =	strace $0x8FFFFFFF  }
0x98: {  	s18 =	sld [smem:$0x3FDB];
	_ =	sdelay $0x1  }
0x99: {  	s19 =	simm.s32 $_scs_section_size  }
0x9a: {  	s4 =	simm.s32 $_size__tile_overlayer_lowered;
	s5 =	simm.s32 $_tile_overlayer_lowered  }
0x9b: {  	s22 =	simm.s32 $0x1BFF;
	s21 =	sshll.u32 s5, $0x1;
	s2 =	sadd.s32 s19, s18  }
0x9c: {  	s6 =	simm.s32 $0x0;
	s20 =	sshll.u32 s4, $0x1;
	s4 =	sadd.s32 s21, s2  }
0x9d: {  	[timem:s6], [sflag:s22] =	dma.local [hbm:s4], s20  }
0x9e: {  	_ =	swait.ge [sflag:s22], s20  }
0x9f: {  	s3 =	ssub.s32 $0x0, s20;
	[sflag:s22] =	ssyncset.done $0x0  }
0xa0: {  	[sflag:s22] =	ssyncadd.s32 s3;
	_ =	sdelay $0x1  }
0xa1: {  	s23 =	simm.s32 $0x1B8B  }
0xa2: {  	_ =	swait.ge [sflag:s23], $0x1  }
0xa3: {  	[sflag:s23] =	ssyncset.done $0x0  }
0xa4: {  	s25 =	simm.s32 $0x1B8E;
	s24 =	sld [smem:$0x3FFE];
	[sflag:s23] =	ssyncadd.s32 $0xFFFFFFFF  }
0xa5: {  	s26 =	simm.s32 $execute0_lowered;
	[smem:$0x3FD2] =	sst s25  }
0xa6: {  	s4 =	sshll.u32 s26, $0x1;
	_ =	strace $0x80000049;
	[dreg:$0x1] =	wrdreg $0xFFFFFFFF  }
0xa7: {  	s28 =	simm.s32 $_size_execute0_lowered;
	s2 =	sadd.s32 s2, s4;
	[dreg:$0x0] =	wrdreg $0x0  }
0xa8: {  	s4 =	sshll.u32 s28, $0x1;
	[dreg:$0x2] =	wrdreg s2  }
0xa9: {  	[dreg:$0x3] =	wrdreg s4  }
0xaa: {  	[dreg:$0x4] =	wrdreg $0xC0  }
0xab: {  	_ =	task [dreg:s6], $0x5FFFF  }
0xac: {  	[dreg:$0x1] =	wrdreg $0xFFFFFFFF  }
0xad: {  	[dreg:$0x0] =	wrdreg $0x60  }
0xae: {  	[dreg:$0x2] =	wrdreg s24  }
0xaf: {  	[dreg:$0x3] =	wrdreg $0xBC000  }
0xb0: {  	[dreg:$0x4] =	wrdreg $0x9  }
0xb1: {  	_ =	task.clear_ibuf [dreg:s6], $0x5FFFF;
	_ =	strace $0x90000049  }
0xb2: {  	s29 =	simm.s32 $0x9;
	_ =	strace $0x8000004B  }
0xb3: {  	_ =	swait.ge [sflag:s29], $0x1  }
0xb4: {  	[sflag:s29] =	ssyncadd.s32 $0xFFFFFFFF  }
0xb5: {  	_ =	strace $0x9000004B  }
0xb6: {  	_ =	sfence  }
0xb7: {  	s30 =	sld [smem:$0x0];
	_ =	sdelay $0x2  }
0xb8: {  	s31 =	sshll.u32 s1, $0xD;
	s1 =	sshrl.u32 s1, $0x2  }
0xb9: {  	s3 =	sand.u32 $0x4000, s31;
	s1 =	sadd.s32 s1, s30  }
0xba: {  	s0 =	sor.u32 s3, s0;
	s1 =	sshll.u32 s1, $0x11  }
0xbb: {  	s0 =	sor.u32 s1, s0  }
0xbc: {  	s0 =	sadd.s32 $0x8F2B, s0  }
0xbd: {  	[sflag:s0] =	ssyncadd.remote.s32 $0x1  }
0xbe: {  	_ =	sfence.sel $0xFFFF  }
0xbf: {  	[dreg:$0x0] =	wrdreg $0xFFFFFFFF;
	(pc) =	sbr.abs _section_cstart, $3  }
0xc0: {  	[dreg:$0x1] =	wrdreg $0xFFFFFFFF  }
0xc1: {  	_ =	task.clear_ibuf [dreg:s6], $0x2FFFF;
	_ =	strace $0x9FFFFFFF  }
0xc2: {  	(tm) =	ssettm $0x7FFFFFFF  }
0xc3: {  	_ =	shalt  }
tec
execute0_lowered:
.L_overlay_start_1:
0x0: {  	(tag) =	ssettag $0x1  }
0x1: {  	s0 =	rddreg [dreg:$0x0]  }
0x2: {  	s2 =	rddreg [dreg:$0x1];
	s3 =	simm.s32 $0x0;
	s1 =	stileid.u32  }
0x3: {  	s6 =	srdreg.scid;
	s29 =	simm.s32 $0x3;
	s12 =	smul.u32 $0x500, s1  }
0x4: {  	s30 =	simm.s32 $0x3C00;
	s31 =	simm.s32 $0x2800;
	s10 =	smul.u32 $0x50000, s1  }
0x5: {  	[smem:$0x7FF] =	sst s3;
	s4 =	sadd.s32 $0x5E400, s0;
	s15 =	smul.u32 $0x2800, s1  }
0x6: {  	s5 =	sadd.s32 $0xD3800, s0;
	s13 =	sand.u32 $0x1, s6;
	s16 =	smul.u32 $0x19000, s1  }
0x7: {  	s14 =	sadd.s32 $0xAE00, s0;
	s23 =	sadd.s32 $0x148C00, s0;
	s26 =	smul.u32 $0xC8, s1  }
0x8: {  	s7 =	sadd.s32 $0x16FE00, s0;
	s17 =	smul.u32 $0xC80, s1;
	p1 =	sgt.u32 s1, $0x1  }
0x9: {  	p2 =	slt.u32 s1, $0x2;
	_ =	strace $0x8000004A;
	s9 =	ssub.s32 $0x2, s13  }
0xa: {  	p0 =	seq.s32 s13, $0x1;
	[dreg:$0x3] =	wrdreg s23;
	s8 =	sadd.s32 s12, s0  }
0xb: {  	s11 =	sshrl.u32 s9, $0x1;
	s24 =	sshrl.u32 s10, $0x2;
	s25 =	sshrl.u32 s15, $0x3  }
0xc: {  	s12 =	sadd.s32 s14, s12;
	s16 =	sshrl.u32 s16, $0x2;
	s18 =	sadd.s32 $0xC80, s26  }
0xd: {  	s19 =	sadd.s32 s23, s17;
	s15 =	sadd.s32 $0x2580, s26;
	s0 =	ssub.s32 s9, s11  }
0xe: {  	s8 =	sadd.s32 $0x5E00, s8;
	s9 =	sadd.s32 s24, s2;
	s13 =	sadd.s32 s14, s25  }
0xf: {  	s14 =	sadd.s32 s16, s2;
	[dreg:$0x4] =	wrdreg s19;
	s20 =	sshll.u32 s18, $0x7  }
0x10: {  	s19 =	sshll.u32 s18, $0x4;
	s22 =	sshll.u32 s15, $0x4;
	s10 =	sadd.s32 $0x4000, s9  }
0x11: {  	s11 =	sadd.s32 $0x8000, s9;
	s13 =	sadd.s32 $0x280, s13;
	s16 =	sadd.s32 s20, s2  }
0x12: {  	s20 =	sadd.s32 $0x1900, s26;
	s18 =	sadd.s32 s23, s19;
	[dreg:$0x7] =	wrdreg s22  }
0x13: {  	s24 =	sadd.s32 s7, s19;
	s28 =	sadd.s32 $0x10000, s9;
	s19 =	simm.s32 $0x2  }
0x14: {  	s22 =	simm.s32 $0x0;
	[dreg:$0x5] =	wrdreg s18;
	s21 =	sshll.u32 s20, $0x7  }
0x15: {  	s20 =	sshll.u32 s20, $0x4;
	[dreg:$0x9] =	wrdreg s24;
	s24 =	smax.u32 s0, $0x1  }
0x16: {  	s0 =	simm.s32 $0x80;
	s18 =	sadd.s32 s21, s2;
	s21 =	sshll.u32 s15, $0x7  }
.Ltmp0:
0x17: {  	s6 =	sadd.s32 s23, s20;
	s23 =	sadd.s32 s7, s17;
	(pc) =	sbr.rel .LBB2_1-.Ltmp0, $4  }
0x18: {  	s25 =	sadd.s32 s7, s20;
	s15 =	simm.s32 $0x7C00;
	[dreg:$0x6] =	wrdreg s6  }
0x19: {  	s17 =	simm.s32 $0x1;
	s21 =	sadd.s32 s21, s2;
	[dreg:$0x8] =	wrdreg s23  }
0x1a: {  	s20 =	simm.s32 $0x3B00;
	[dreg:$0xa] =	wrdreg s25;
	s26 =	sshrl.u32 s21, $0x3  }
0x1b: {  	v0 =	vimm.f32 $0.0e+00;
	s21 =	simm.s32 $0x3B80;
	[dreg:$0xb] =	wrdreg s26;
	s26 =	sadd.s32 $0xC000, s9  }
.LBB2_14:
0x1c: {  	s6 =	rddreg [dreg:$0x7]  }
0x1d: {  	s6 =	sadd.s32 s23, s6;
	s23 =	rddreg [dreg:$0xb]  }
0x1e: {  	[hbm:s6], [sflag:s25] =	dma.local [spmem:s23], $0xC80  }
0x1f: {  	_ =	swait.ge [sflag:s29], $0xC80  }
0x20: {  	[sflag:s29] =	ssyncset.done $0x0  }
0x21: {  	[sflag:s29] =	ssyncadd.s32 $0xFFFFF380  }
.LBB2_15:
0x22: {  	s22 =	sadd.s32 $0x1, s22  }
0x23: {  	p3 =	sne.s32 s22, s24  }
.Ltmp1:
0x24: {  	_ = 	snop;
	(pc) =	sbr.rel @!p3 .LBB2_16-.Ltmp1, $1  }
0x25: {  	_ =	sdelay $0x3  }
.LBB2_1:
0x26: {  	[tilespmem:s3], [sflag:$0x3] =	stream.linear.gather [hbm4b:s8+s3], $0x2800, $0x38;
	[tilespmem:$0x1FC00] =	vst v63  }
0x27: {  	_ =	swait.ge [sflag:s29], $0x2800  }
0x28: {  	[sflag:s29] =	ssyncset.done $0x0  }
0x29: {  	s25 =	simm.s32 $0x0;
	s23 =	simm.s32 $0x200;
	[sflag:s29] =	ssyncadd.s32 $0xFFFFD800  }
.LBB2_2:
0x2a: {  	p3 =	sne.s32 s23, $0xFE00;
	[tilespmem:s25+$0x3C70] =	vst v0  }
0x2b: {  	[tilespmem:s25+$0x3C00] =	vst v0  }
0x2c: {  	[tilespmem:s25+$0x3C10] =	vst v0  }
.Ltmp2:
0x2d: {  	[tilespmem:s25+$0x3C20] =	vst v0;
	(pc) =	sbr.rel @p3 .LBB2_2-.Ltmp2, $4  }
0x2e: {  	[tilespmem:s25+$0x3C30] =	vst v0  }
0x2f: {  	[tilespmem:s25+$0x3C40] =	vst v0  }
0x30: {  	[tilespmem:s25+$0x3C50] =	vst v0  }
0x31: {  	[tilespmem:s25+$0x3C60] =	vst v0;
	s25 =	sshra.s32 s23, $0x2;
	s23 =	sadd.s32 $0x200, s23  }
0x32: {  	[tilespmem:s25+$0x3C70] =	vst v0  }
0x33: {  	[tilespmem:s25+$0x3C00] =	vst v0  }
0x34: {  	[tilespmem:s25+$0x3C10] =	vst v0  }
0x35: {  	[tilespmem:s25+$0x3C20] =	vst v0  }
0x36: {  	[tilespmem:s25+$0x3C30] =	vst v0  }
0x37: {  	[tilespmem:s25+$0x3C40] =	vst v0  }
0x38: {  	[tilespmem:s25+$0x3C50] =	vst v0  }
0x39: {  	[tilespmem:s25+$0x3C60] =	vst v0  }
0x3a: {  	[spmem:s9] =	stream.linear.scatter [tilespmem:s30], [sflag:$0x3], $0x4000, $0x38;
	[tilespmem:$0x1FC00] =	vst v63  }
0x3b: {  	_ =	swait.ge [sflag:s29], $0x4000  }
0x3c: {  	[sflag:s29] =	ssyncset.done $0x0  }
0x3d: {  	[sflag:s29] =	ssyncadd.s32 $0xFFFFC000  }
0x3e: {  	[spmem:s10] =	stream.linear.scatter [tilespmem:s30], [sflag:$0x3], $0x4000, $0x38;
	[tilespmem:$0x1FC00] =	vst v63  }
0x3f: {  	_ =	swait.ge [sflag:s29], $0x4000  }
0x40: {  	[sflag:s29] =	ssyncset.done $0x0  }
0x41: {  	[sflag:s29] =	ssyncadd.s32 $0xFFFFC000  }
0x42: {  	[spmem:s11] =	stream.linear.scatter [tilespmem:s30], [sflag:$0x3], $0x4000, $0x38;
	[tilespmem:$0x1FC00] =	vst v63  }
0x43: {  	_ =	swait.ge [sflag:s29], $0x4000  }
0x44: {  	[sflag:s29] =	ssyncset.done $0x0  }
0x45: {  	[sflag:s29] =	ssyncadd.s32 $0xFFFFC000  }
0x46: {  	[spmem:s26] =	stream.linear.scatter [tilespmem:s30], [sflag:$0x3], $0x4000, $0x38;
	[tilespmem:$0x1FC00] =	vst v63  }
0x47: {  	_ =	swait.ge [sflag:s29], $0x4000  }
0x48: {  	[sflag:s29] =	ssyncset.done $0x0  }
0x49: {  	[sflag:s29] =	ssyncadd.s32 $0xFFFFC000  }
0x4a: {  	[spmem:s28] =	stream.linear.scatter [tilespmem:s30], [sflag:$0x3], $0x4000, $0x38;
	[tilespmem:$0x1FC00] =	vst v63  }
0x4b: {  	_ =	swait.ge [sflag:s29], $0x4000  }
0x4c: {  	[sflag:s29] =	ssyncset.done $0x0  }
0x4d: {  	[sflag:s29] =	ssyncadd.s32 $0xFFFFC000  }
.Ltmp3:
0x4e: {  	[bflag:$0x0] =	sbarrier.arrive $0xFFFF;
	(pc) =	sbr.rel @!p0 .LBB2_4-.Ltmp3, $4  }
0x4f: {  	[tilespmem:s31], [sflag:$0x3] =	stream.linear.gather [hbm4b:s12+s3], $0x1400, $0x38;
	[tilespmem:$0x1FC00] =	vst v63  }
0x50: {  	_ =	swait.ge [sflag:s29], $0x1400  }
0x51: {  	[sflag:s29] =	ssyncset.done $0x0  }
0x52: {  	[sflag:s29] =	ssyncadd.s32 $0xFFFFEC00  }
0x53: {  	s6 =	simm.s32 $0x0  }
0x54: {  	[tilespmem:s30], [sflag:$0x1] =	stream.indirect.gather [hbm4b:s5+s0], $0x80, s6, s0, $0xb8;
	[tilespmem:$0x1FC00] =	vst v63  }
0x55: {  	_ = 	snop  }
0x56: {  	[tilespmem:s15], [sflag:$0x2] =	stream.indirect.gather [hbm4b:s5+s0], $0x80, s0, s0, $0xb8;
	[tilespmem:$0x1FC00] =	vst v63  }
0x57: {  	_ =	swait.ge [sflag:s17], $0x4000  }
0x58: {  	[sflag:s17] =	ssyncset.done $0x0  }
0x59: {  	s25 =	simm.s32 $0x2800;
	[sflag:s17] =	ssyncadd.s32 $0xFFFFC000  }
0x5a: {  	[spmem:s2] =	stream.indirect.scatter.add.f32 [tilespmem:s30], [sflag:$0x3], $0x80, s25, s0, $0xb8;
	[tilespmem:$0x1FC00] =	vst v63  }
0x5b: {  	_ =	swait.ge [sflag:s29], $0x4000  }
0x5c: {  	[sflag:s29] =	ssyncset.done $0x0  }
0x5d: {  	s23 =	simm.s32 $0x100;
	[sflag:s29] =	ssyncadd.s32 $0xFFFFC000  }
0x5e: {  	[tilespmem:s30], [sflag:$0x1] =	stream.indirect.gather [hbm4b:s5+s0], $0x80, s23, s0, $0xb8;
	[tilespmem:$0x1FC00] =	vst v63  }
0x5f: {  	_ =	swait.ge [sflag:s19], $0x4000  }
0x60: {  	[sflag:s19] =	ssyncset.done $0x0  }
0x61: {  	s25 =	simm.s32 $0x2880;
	[sflag:s19] =	ssyncadd.s32 $0xFFFFC000  }
0x62: {  	[spmem:s2] =	stream.indirect.scatter.add.f32 [tilespmem:s15], [sflag:$0x3], $0x80, s25, s0, $0xb8;
	[tilespmem:$0x1FC00] =	vst v63  }
0x63: {  	_ =	swait.ge [sflag:s29], $0x4000  }
0x64: {  	[sflag:s29] =	ssyncset.done $0x0  }
0x65: {  	s23 =	simm.s32 $0x180;
	s25 =	simm.s32 $0x400;
	[sflag:s29] =	ssyncadd.s32 $0xFFFFC000  }
.LBB2_10:
0x66: {  	[tilespmem:s15], [sflag:$0x2] =	stream.indirect.gather [hbm4b:s5+s0], $0x80, s23, s0, $0xb8;
	[tilespmem:$0x1FC00] =	vst v63  }
0x67: {  	s6 =	smov.u32 s25  }
0x68: {  	p3 =	sne.s32 s25, $0x4800;
	s25 =	sadd.s32 $0x400, s25;
	_ =	swait.ge [sflag:s17], $0x4000  }
0x69: {  	s6 =	sshra.s32 s6, $0x2;
	[sflag:s17] =	ssyncset.done $0x0  }
0x6a: {  	s23 =	sadd.s32 $0x2800, s6;
	[sflag:s17] =	ssyncadd.s32 $0xFFFFC000  }
0x6b: {  	[spmem:s2] =	stream.indirect.scatter.add.f32 [tilespmem:s30], [sflag:$0x3], $0x80, s23, s0, $0xb8;
	[tilespmem:$0x1FC00] =	vst v63  }
0x6c: {  	_ =	swait.ge [sflag:s29], $0x4000  }
0x6d: {  	[sflag:s29] =	ssyncset.done $0x0  }
0x6e: {  	s23 =	sadd.s32 $0x100, s6;
	[sflag:s29] =	ssyncadd.s32 $0xFFFFC000  }
0x6f: {  	[tilespmem:s30], [sflag:$0x1] =	stream.indirect.gather [hbm4b:s5+s0], $0x80, s23, s0, $0xb8;
	[tilespmem:$0x1FC00] =	vst v63  }
0x70: {  	_ =	swait.ge [sflag:s19], $0x4000  }
0x71: {  	[sflag:s19] =	ssyncset.done $0x0  }
.Ltmp4:
0x72: {  	s23 =	sadd.s32 $0x2880, s6;
	[sflag:s19] =	ssyncadd.s32 $0xFFFFC000;
	(pc) =	sbr.rel @p3 .LBB2_10-.Ltmp4, $4  }
0x73: {  	[spmem:s2] =	stream.indirect.scatter.add.f32 [tilespmem:s15], [sflag:$0x3], $0x80, s23, s0, $0xb8;
	[tilespmem:$0x1FC00] =	vst v63  }
0x74: {  	_ =	swait.ge [sflag:s29], $0x4000  }
0x75: {  	[sflag:s29] =	ssyncset.done $0x0  }
0x76: {  	s23 =	sadd.s32 $0x180, s6;
	[sflag:s29] =	ssyncadd.s32 $0xFFFFC000  }
0x77: {  	[tilespmem:s15], [sflag:$0x2] =	stream.indirect.gather [hbm4b:s5+s0], $0x80, s23, s0, $0xb8;
	[tilespmem:$0x1FC00] =	vst v63  }
0x78: {  	_ =	swait.ge [sflag:s17], $0x4000  }
0x79: {  	[sflag:s17] =	ssyncset.done $0x0  }
0x7a: {  	[sflag:s17] =	ssyncadd.s32 $0xFFFFC000  }
0x7b: {  	[spmem:s2] =	stream.indirect.scatter.add.f32 [tilespmem:s30], [sflag:$0x3], $0x80, s20, s0, $0xb8;
	[tilespmem:$0x1FC00] =	vst v63  }
0x7c: {  	_ =	swait.ge [sflag:s29], $0x4000  }
0x7d: {  	[sflag:s29] =	ssyncset.done $0x0  }
0x7e: {  	[sflag:s29] =	ssyncadd.s32 $0xFFFFC000  }
0x7f: {  	_ =	swait.ge [sflag:s19], $0x4000  }
0x80: {  	[sflag:s19] =	ssyncset.done $0x0  }
0x81: {  	[sflag:s19] =	ssyncadd.s32 $0xFFFFC000  }
0x82: {  	[spmem:s2] =	stream.indirect.scatter.add.f32 [tilespmem:s15], [sflag:$0x3], $0x80, s21, s0, $0xb8;
	[tilespmem:$0x1FC00] =	vst v63  }
0x83: {  	_ =	swait.ge [sflag:s29], $0x4000  }
0x84: {  	[sflag:s29] =	ssyncset.done $0x0  }
0x85: {  	s6 =	simm.s32 $0x0;
	[sflag:s29] =	ssyncadd.s32 $0xFFFFC000  }
0x86: {  	[tilespmem:s31], [sflag:$0x3] =	stream.linear.gather [hbm4b:s13+s6], $0x1400, $0x38;
	[tilespmem:$0x1FC00] =	vst v63  }
0x87: {  	_ =	swait.ge [sflag:s29], $0x1400  }
0x88: {  	[sflag:s29] =	ssyncset.done $0x0  }
0x89: {  	s25 =	simm.s32 $0x1400;
	[sflag:s29] =	ssyncadd.s32 $0xFFFFEC00  }
0x8a: {  	[tilespmem:s30], [sflag:$0x1] =	stream.indirect.gather [hbm4b:s5+s0], $0x80, s25, s0, $0xb8;
	[tilespmem:$0x1FC00] =	vst v63  }
0x8b: {  	s23 =	simm.s32 $0x1480  }
0x8c: {  	[tilespmem:s15], [sflag:$0x2] =	stream.indirect.gather [hbm4b:s5+s0], $0x80, s23, s0, $0xb8;
	[tilespmem:$0x1FC00] =	vst v63  }
0x8d: {  	_ =	swait.ge [sflag:s17], $0x4000  }
0x8e: {  	[sflag:s17] =	ssyncset.done $0x0  }
0x8f: {  	s25 =	simm.s32 $0x2800;
	[sflag:s17] =	ssyncadd.s32 $0xFFFFC000  }
0x90: {  	[spmem:s2] =	stream.indirect.scatter.add.f32 [tilespmem:s30], [sflag:$0x3], $0x80, s25, s0, $0xb8;
	[tilespmem:$0x1FC00] =	vst v63  }
0x91: {  	_ =	swait.ge [sflag:s29], $0x4000  }
0x92: {  	[sflag:s29] =	ssyncset.done $0x0  }
0x93: {  	s23 =	simm.s32 $0x1500;
	[sflag:s29] =	ssyncadd.s32 $0xFFFFC000  }
0x94: {  	[tilespmem:s30], [sflag:$0x1] =	stream.indirect.gather [hbm4b:s5+s0], $0x80, s23, s0, $0xb8;
	[tilespmem:$0x1FC00] =	vst v63  }
0x95: {  	_ =	swait.ge [sflag:s19], $0x4000  }
0x96: {  	[sflag:s19] =	ssyncset.done $0x0  }
0x97: {  	s25 =	simm.s32 $0x2880;
	[sflag:s19] =	ssyncadd.s32 $0xFFFFC000  }
0x98: {  	[spmem:s2] =	stream.indirect.scatter.add.f32 [tilespmem:s15], [sflag:$0x3], $0x80, s25, s0, $0xb8;
	[tilespmem:$0x1FC00] =	vst v63  }
0x99: {  	_ =	swait.ge [sflag:s29], $0x4000  }
0x9a: {  	[sflag:s29] =	ssyncset.done $0x0  }
0x9b: {  	s23 =	simm.s32 $0x1580;
	s25 =	simm.s32 $0x400;
	[sflag:s29] =	ssyncadd.s32 $0xFFFFC000  }
.LBB2_12:
0x9c: {  	[tilespmem:s15], [sflag:$0x2] =	stream.indirect.gather [hbm4b:s5+s0], $0x80, s23, s0, $0xb8;
	[tilespmem:$0x1FC00] =	vst v63  }
0x9d: {  	s6 =	smov.u32 s25  }
0x9e: {  	p3 =	sne.s32 s25, $0x4800;
	s25 =	sadd.s32 $0x400, s25;
	_ =	swait.ge [sflag:s17], $0x4000  }
0x9f: {  	s6 =	sshra.s32 s6, $0x2;
	[sflag:s17] =	ssyncset.done $0x0  }
0xa0: {  	s23 =	sadd.s32 $0x2800, s6;
	[sflag:s17] =	ssyncadd.s32 $0xFFFFC000  }
0xa1: {  	[spmem:s2] =	stream.indirect.scatter.add.f32 [tilespmem:s30], [sflag:$0x3], $0x80, s23, s0, $0xb8;
	[tilespmem:$0x1FC00] =	vst v63  }
0xa2: {  	_ =	swait.ge [sflag:s29], $0x4000  }
0xa3: {  	[sflag:s29] =	ssyncset.done $0x0  }
0xa4: {  	s23 =	sadd.s32 $0x1500, s6;
	[sflag:s29] =	ssyncadd.s32 $0xFFFFC000  }
0xa5: {  	[tilespmem:s30], [sflag:$0x1] =	stream.indirect.gather [hbm4b:s5+s0], $0x80, s23, s0, $0xb8;
	[tilespmem:$0x1FC00] =	vst v63  }
0xa6: {  	_ =	swait.ge [sflag:s19], $0x4000  }
0xa7: {  	[sflag:s19] =	ssyncset.done $0x0  }
.Ltmp5:
0xa8: {  	s23 =	sadd.s32 $0x2880, s6;
	[sflag:s19] =	ssyncadd.s32 $0xFFFFC000;
	(pc) =	sbr.rel @p3 .LBB2_12-.Ltmp5, $4  }
0xa9: {  	[spmem:s2] =	stream.indirect.scatter.add.f32 [tilespmem:s15], [sflag:$0x3], $0x80, s23, s0, $0xb8;
	[tilespmem:$0x1FC00] =	vst v63  }
0xaa: {  	_ =	swait.ge [sflag:s29], $0x4000  }
0xab: {  	[sflag:s29] =	ssyncset.done $0x0  }
0xac: {  	s23 =	sadd.s32 $0x1580, s6;
	[sflag:s29] =	ssyncadd.s32 $0xFFFFC000  }
0xad: {  	[tilespmem:s15], [sflag:$0x2] =	stream.indirect.gather [hbm4b:s5+s0], $0x80, s23, s0, $0xb8;
	[tilespmem:$0x1FC00] =	vst v63  }
0xae: {  	_ =	swait.ge [sflag:s17], $0x4000  }
0xaf: {  	[sflag:s17] =	ssyncset.done $0x0  }
0xb0: {  	[sflag:s17] =	ssyncadd.s32 $0xFFFFC000  }
0xb1: {  	[spmem:s2] =	stream.indirect.scatter.add.f32 [tilespmem:s30], [sflag:$0x3], $0x80, s20, s0, $0xb8;
	[tilespmem:$0x1FC00] =	vst v63  }
0xb2: {  	_ =	swait.ge [sflag:s29], $0x4000  }
0xb3: {  	[sflag:s29] =	ssyncset.done $0x0  }
0xb4: {  	[sflag:s29] =	ssyncadd.s32 $0xFFFFC000  }
0xb5: {  	_ =	swait.ge [sflag:s19], $0x4000  }
0xb6: {  	[sflag:s19] =	ssyncset.done $0x0  }
0xb7: {  	[sflag:s19] =	ssyncadd.s32 $0xFFFFC000  }
0xb8: {  	[spmem:s2] =	stream.indirect.scatter.add.f32 [tilespmem:s15], [sflag:$0x3], $0x80, s21, s0, $0xb8;
	[tilespmem:$0x1FC00] =	vst v63  }
0xb9: {  	_ =	swait.ge [sflag:s29], $0x4000  }
0xba: {  	[sflag:s29] =	ssyncset.done $0x0  }
0xbb: {  	[sflag:s29] =	ssyncadd.s32 $0xFFFFC000  }
0xbc: {  	s6 =	sshll.u32 s1, $0x6;
	[bflag:$0x0] =	sbarrier.arrive $0xFFFF  }
0xbd: {  	s25 =	sor.u32 $0x1C03, s6;
	s6 =	sshrl.u32 s14, $0x3;
	s23 =	rddreg [dreg:$0x8]  }
0xbe: {  	[hbm:s23], [sflag:s25] =	dma.local [spmem:s6], $0xC80  }
0xbf: {  	_ =	swait.ge [sflag:s29], $0xC80  }
0xc0: {  	[sflag:s29] =	ssyncset.done $0x0  }
0xc1: {  	s6 =	sshrl.u32 s16, $0x3;
	s23 =	rddreg [dreg:$0x9];
	[sflag:s29] =	ssyncadd.s32 $0xFFFFF380  }
0xc2: {  	[hbm:s23], [sflag:s25] =	dma.local [spmem:s6], $0xC80  }
0xc3: {  	_ =	swait.ge [sflag:s29], $0xC80  }
0xc4: {  	[sflag:s29] =	ssyncset.done $0x0  }
0xc5: {  	s6 =	sshrl.u32 s18, $0x3;
	s23 =	rddreg [dreg:$0xa];
	[sflag:s29] =	ssyncadd.s32 $0xFFFFF380  }
0xc6: {  	[hbm:s23], [sflag:s25] =	dma.local [spmem:s6], $0xC80  }
.Ltmp6:
0xc7: {  	_ = 	snop;
	(pc) =	sbr.rel @p1 .LBB2_15-.Ltmp6, $4  }
.Ltmp7:
0xc8: {  	_ = 	snop;
	(pc) =	sbr.rel @!p1 .LBB2_14-.Ltmp7, $4  }
0xc9: {  	_ =	swait.ge [sflag:s29], $0xC80  }
0xca: {  	[sflag:s29] =	ssyncset.done $0x0  }
0xcb: {  	s23 =	smov.u32 s7;
	[sflag:s29] =	ssyncadd.s32 $0xFFFFF380  }
0xcc: {  	_ = 	snop  }
.LBB2_4:
0xcd: {  	s23 =	simm.s32 $0x0  }
0xce: {  	[tilespmem:s30], [sflag:$0x1] =	stream.indirect.gather [hbm4b:s4+s0], $0x80, s23, s0, $0xb8;
	[tilespmem:$0x1FC00] =	vst v63  }
0xcf: {  	_ = 	snop  }
0xd0: {  	[tilespmem:s15], [sflag:$0x2] =	stream.indirect.gather [hbm4b:s4+s0], $0x80, s0, s0, $0xb8;
	[tilespmem:$0x1FC00] =	vst v63  }
0xd1: {  	_ =	swait.ge [sflag:s17], $0x4000  }
0xd2: {  	[sflag:s17] =	ssyncset.done $0x0  }
0xd3: {  	s25 =	simm.s32 $0x2800;
	[sflag:s17] =	ssyncadd.s32 $0xFFFFC000  }
0xd4: {  	[spmem:s2] =	stream.indirect.scatter.add.f32 [tilespmem:s30], [sflag:$0x3], $0x80, s25, s0, $0xb8;
	[tilespmem:$0x1FC00] =	vst v63  }
0xd5: {  	_ =	swait.ge [sflag:s29], $0x4000  }
0xd6: {  	[sflag:s29] =	ssyncset.done $0x0  }
0xd7: {  	s6 =	simm.s32 $0x100;
	[sflag:s29] =	ssyncadd.s32 $0xFFFFC000  }
0xd8: {  	[tilespmem:s30], [sflag:$0x1] =	stream.indirect.gather [hbm4b:s4+s0], $0x80, s6, s0, $0xb8;
	[tilespmem:$0x1FC00] =	vst v63  }
0xd9: {  	_ =	swait.ge [sflag:s19], $0x4000  }
0xda: {  	[sflag:s19] =	ssyncset.done $0x0  }
0xdb: {  	s25 =	simm.s32 $0x2880;
	[sflag:s19] =	ssyncadd.s32 $0xFFFFC000  }
0xdc: {  	[spmem:s2] =	stream.indirect.scatter.add.f32 [tilespmem:s15], [sflag:$0x3], $0x80, s25, s0, $0xb8;
	[tilespmem:$0x1FC00] =	vst v63  }
0xdd: {  	_ =	swait.ge [sflag:s29], $0x4000  }
0xde: {  	[sflag:s29] =	ssyncset.done $0x0  }
0xdf: {  	s23 =	simm.s32 $0x180;
	s25 =	simm.s32 $0x400;
	[sflag:s29] =	ssyncadd.s32 $0xFFFFC000  }
.LBB2_5:
0xe0: {  	[tilespmem:s15], [sflag:$0x2] =	stream.indirect.gather [hbm4b:s4+s0], $0x80, s23, s0, $0xb8;
	[tilespmem:$0x1FC00] =	vst v63  }
0xe1: {  	s23 =	smov.u32 s25  }
0xe2: {  	p3 =	sne.s32 s25, $0x4800;
	s25 =	sadd.s32 $0x400, s25;
	_ =	swait.ge [sflag:s17], $0x4000  }
0xe3: {  	s23 =	sshra.s32 s23, $0x2;
	[sflag:s17] =	ssyncset.done $0x0  }
0xe4: {  	s6 =	sadd.s32 $0x2800, s23;
	[sflag:s17] =	ssyncadd.s32 $0xFFFFC000  }
0xe5: {  	[spmem:s2] =	stream.indirect.scatter.add.f32 [tilespmem:s30], [sflag:$0x3], $0x80, s6, s0, $0xb8;
	[tilespmem:$0x1FC00] =	vst v63  }
0xe6: {  	_ =	swait.ge [sflag:s29], $0x4000  }
0xe7: {  	[sflag:s29] =	ssyncset.done $0x0  }
0xe8: {  	s6 =	sadd.s32 $0x100, s23;
	[sflag:s29] =	ssyncadd.s32 $0xFFFFC000  }
0xe9: {  	[tilespmem:s30], [sflag:$0x1] =	stream.indirect.gather [hbm4b:s4+s0], $0x80, s6, s0, $0xb8;
	[tilespmem:$0x1FC00] =	vst v63  }
0xea: {  	_ =	swait.ge [sflag:s19], $0x4000  }
0xeb: {  	[sflag:s19] =	ssyncset.done $0x0  }
.Ltmp8:
0xec: {  	s6 =	sadd.s32 $0x2880, s23;
	[sflag:s19] =	ssyncadd.s32 $0xFFFFC000;
	(pc) =	sbr.rel @p3 .LBB2_5-.Ltmp8, $4  }
0xed: {  	[spmem:s2] =	stream.indirect.scatter.add.f32 [tilespmem:s15], [sflag:$0x3], $0x80, s6, s0, $0xb8;
	[tilespmem:$0x1FC00] =	vst v63  }
0xee: {  	_ =	swait.ge [sflag:s29], $0x4000  }
0xef: {  	[sflag:s29] =	ssyncset.done $0x0  }
0xf0: {  	s23 =	sadd.s32 $0x180, s23;
	[sflag:s29] =	ssyncadd.s32 $0xFFFFC000  }
0xf1: {  	[tilespmem:s15], [sflag:$0x2] =	stream.indirect.gather [hbm4b:s4+s0], $0x80, s23, s0, $0xb8;
	[tilespmem:$0x1FC00] =	vst v63  }
0xf2: {  	_ =	swait.ge [sflag:s17], $0x4000  }
0xf3: {  	[sflag:s17] =	ssyncset.done $0x0  }
0xf4: {  	[sflag:s17] =	ssyncadd.s32 $0xFFFFC000  }
0xf5: {  	[spmem:s2] =	stream.indirect.scatter.add.f32 [tilespmem:s30], [sflag:$0x3], $0x80, s20, s0, $0xb8;
	[tilespmem:$0x1FC00] =	vst v63  }
0xf6: {  	_ =	swait.ge [sflag:s29], $0x4000  }
0xf7: {  	[sflag:s29] =	ssyncset.done $0x0  }
0xf8: {  	[sflag:s29] =	ssyncadd.s32 $0xFFFFC000  }
0xf9: {  	_ =	swait.ge [sflag:s19], $0x4000  }
0xfa: {  	[sflag:s19] =	ssyncset.done $0x0  }
0xfb: {  	[sflag:s19] =	ssyncadd.s32 $0xFFFFC000  }
0xfc: {  	[spmem:s2] =	stream.indirect.scatter.add.f32 [tilespmem:s15], [sflag:$0x3], $0x80, s21, s0, $0xb8;
	[tilespmem:$0x1FC00] =	vst v63  }
0xfd: {  	_ =	swait.ge [sflag:s29], $0x4000  }
0xfe: {  	[sflag:s29] =	ssyncset.done $0x0  }
0xff: {  	s6 =	simm.s32 $0x0;
	[sflag:s29] =	ssyncadd.s32 $0xFFFFC000  }
0x100: {  	[tilespmem:s31], [sflag:$0x3] =	stream.linear.gather [hbm4b:s13+s6], $0x1400, $0x38;
	[tilespmem:$0x1FC00] =	vst v63  }
0x101: {  	_ =	swait.ge [sflag:s29], $0x1400  }
0x102: {  	[sflag:s29] =	ssyncset.done $0x0  }
0x103: {  	s25 =	simm.s32 $0x1400;
	[sflag:s29] =	ssyncadd.s32 $0xFFFFEC00  }
0x104: {  	[tilespmem:s30], [sflag:$0x1] =	stream.indirect.gather [hbm4b:s4+s0], $0x80, s25, s0, $0xb8;
	[tilespmem:$0x1FC00] =	vst v63  }
0x105: {  	s23 =	simm.s32 $0x1480  }
0x106: {  	[tilespmem:s15], [sflag:$0x2] =	stream.indirect.gather [hbm4b:s4+s0], $0x80, s23, s0, $0xb8;
	[tilespmem:$0x1FC00] =	vst v63  }
0x107: {  	_ =	swait.ge [sflag:s17], $0x4000  }
0x108: {  	[sflag:s17] =	ssyncset.done $0x0  }
0x109: {  	s25 =	simm.s32 $0x2800;
	[sflag:s17] =	ssyncadd.s32 $0xFFFFC000  }
0x10a: {  	[spmem:s2] =	stream.indirect.scatter.add.f32 [tilespmem:s30], [sflag:$0x3], $0x80, s25, s0, $0xb8;
	[tilespmem:$0x1FC00] =	vst v63  }
0x10b: {  	_ =	swait.ge [sflag:s29], $0x4000  }
0x10c: {  	[sflag:s29] =	ssyncset.done $0x0  }
0x10d: {  	s23 =	simm.s32 $0x1500;
	[sflag:s29] =	ssyncadd.s32 $0xFFFFC000  }
0x10e: {  	[tilespmem:s30], [sflag:$0x1] =	stream.indirect.gather [hbm4b:s4+s0], $0x80, s23, s0, $0xb8;
	[tilespmem:$0x1FC00] =	vst v63  }
0x10f: {  	_ =	swait.ge [sflag:s19], $0x4000  }
0x110: {  	[sflag:s19] =	ssyncset.done $0x0  }
0x111: {  	s25 =	simm.s32 $0x2880;
	[sflag:s19] =	ssyncadd.s32 $0xFFFFC000  }
0x112: {  	[spmem:s2] =	stream.indirect.scatter.add.f32 [tilespmem:s15], [sflag:$0x3], $0x80, s25, s0, $0xb8;
	[tilespmem:$0x1FC00] =	vst v63  }
0x113: {  	_ =	swait.ge [sflag:s29], $0x4000  }
0x114: {  	[sflag:s29] =	ssyncset.done $0x0  }
0x115: {  	s23 =	simm.s32 $0x1580;
	s25 =	simm.s32 $0x400;
	[sflag:s29] =	ssyncadd.s32 $0xFFFFC000  }
.LBB2_7:
0x116: {  	[tilespmem:s15], [sflag:$0x2] =	stream.indirect.gather [hbm4b:s4+s0], $0x80, s23, s0, $0xb8;
	[tilespmem:$0x1FC00] =	vst v63  }
0x117: {  	s6 =	smov.u32 s25  }
0x118: {  	p3 =	sne.s32 s25, $0x4800;
	s25 =	sadd.s32 $0x400, s25;
	_ =	swait.ge [sflag:s17], $0x4000  }
0x119: {  	s6 =	sshra.s32 s6, $0x2;
	[sflag:s17] =	ssyncset.done $0x0  }
0x11a: {  	s23 =	sadd.s32 $0x2800, s6;
	[sflag:s17] =	ssyncadd.s32 $0xFFFFC000  }
0x11b: {  	[spmem:s2] =	stream.indirect.scatter.add.f32 [tilespmem:s30], [sflag:$0x3], $0x80, s23, s0, $0xb8;
	[tilespmem:$0x1FC00] =	vst v63  }
0x11c: {  	_ =	swait.ge [sflag:s29], $0x4000  }
0x11d: {  	[sflag:s29] =	ssyncset.done $0x0  }
0x11e: {  	s23 =	sadd.s32 $0x1500, s6;
	[sflag:s29] =	ssyncadd.s32 $0xFFFFC000  }
0x11f: {  	[tilespmem:s30], [sflag:$0x1] =	stream.indirect.gather [hbm4b:s4+s0], $0x80, s23, s0, $0xb8;
	[tilespmem:$0x1FC00] =	vst v63  }
0x120: {  	_ =	swait.ge [sflag:s19], $0x4000  }
0x121: {  	[sflag:s19] =	ssyncset.done $0x0  }
.Ltmp9:
0x122: {  	s23 =	sadd.s32 $0x2880, s6;
	[sflag:s19] =	ssyncadd.s32 $0xFFFFC000;
	(pc) =	sbr.rel @p3 .LBB2_7-.Ltmp9, $4  }
0x123: {  	[spmem:s2] =	stream.indirect.scatter.add.f32 [tilespmem:s15], [sflag:$0x3], $0x80, s23, s0, $0xb8;
	[tilespmem:$0x1FC00] =	vst v63  }
0x124: {  	_ =	swait.ge [sflag:s29], $0x4000  }
0x125: {  	[sflag:s29] =	ssyncset.done $0x0  }
0x126: {  	s23 =	sadd.s32 $0x1580, s6;
	[sflag:s29] =	ssyncadd.s32 $0xFFFFC000  }
0x127: {  	[tilespmem:s15], [sflag:$0x2] =	stream.indirect.gather [hbm4b:s4+s0], $0x80, s23, s0, $0xb8;
	[tilespmem:$0x1FC00] =	vst v63  }
0x128: {  	_ =	swait.ge [sflag:s17], $0x4000  }
0x129: {  	[sflag:s17] =	ssyncset.done $0x0  }
0x12a: {  	[sflag:s17] =	ssyncadd.s32 $0xFFFFC000  }
0x12b: {  	[spmem:s2] =	stream.indirect.scatter.add.f32 [tilespmem:s30], [sflag:$0x3], $0x80, s20, s0, $0xb8;
	[tilespmem:$0x1FC00] =	vst v63  }
0x12c: {  	_ =	swait.ge [sflag:s29], $0x4000  }
0x12d: {  	[sflag:s29] =	ssyncset.done $0x0  }
0x12e: {  	[sflag:s29] =	ssyncadd.s32 $0xFFFFC000  }
0x12f: {  	_ =	swait.ge [sflag:s19], $0x4000  }
0x130: {  	[sflag:s19] =	ssyncset.done $0x0  }
0x131: {  	[sflag:s19] =	ssyncadd.s32 $0xFFFFC000  }
0x132: {  	[spmem:s2] =	stream.indirect.scatter.add.f32 [tilespmem:s15], [sflag:$0x3], $0x80, s21, s0, $0xb8;
	[tilespmem:$0x1FC00] =	vst v63  }
0x133: {  	_ =	swait.ge [sflag:s29], $0x4000  }
0x134: {  	[sflag:s29] =	ssyncset.done $0x0  }
0x135: {  	[sflag:s29] =	ssyncadd.s32 $0xFFFFC000  }
0x136: {  	s6 =	sshll.u32 s1, $0x6;
	[bflag:$0x0] =	sbarrier.arrive $0xFFFF  }
0x137: {  	s25 =	sor.u32 $0x1C03, s6;
	s6 =	sshrl.u32 s14, $0x3;
	s23 =	rddreg [dreg:$0x4]  }
0x138: {  	[hbm:s23], [sflag:s25] =	dma.local [spmem:s6], $0xC80  }
0x139: {  	_ =	swait.ge [sflag:s29], $0xC80  }
0x13a: {  	[sflag:s29] =	ssyncset.done $0x0  }
0x13b: {  	s6 =	sshrl.u32 s16, $0x3;
	s23 =	rddreg [dreg:$0x5];
	[sflag:s29] =	ssyncadd.s32 $0xFFFFF380  }
0x13c: {  	[hbm:s23], [sflag:s25] =	dma.local [spmem:s6], $0xC80  }
0x13d: {  	_ =	swait.ge [sflag:s29], $0xC80  }
0x13e: {  	[sflag:s29] =	ssyncset.done $0x0  }
0x13f: {  	s6 =	sshrl.u32 s18, $0x3;
	s23 =	rddreg [dreg:$0x6];
	[sflag:s29] =	ssyncadd.s32 $0xFFFFF380  }
0x140: {  	[hbm:s23], [sflag:s25] =	dma.local [spmem:s6], $0xC80  }
.Ltmp10:
0x141: {  	_ = 	snop;
	(pc) =	sbr.rel @p2 .LBB2_14-.Ltmp10, $4  }
.Ltmp11:
0x142: {  	_ = 	snop;
	(pc) =	sbr.rel @!p2 .LBB2_15-.Ltmp11, $4  }
0x143: {  	_ =	swait.ge [sflag:s29], $0xC80  }
0x144: {  	[sflag:s29] =	ssyncset.done $0x0  }
0x145: {  	s23 =	rddreg [dreg:$0x3];
	[sflag:s29] =	ssyncadd.s32 $0xFFFFF380  }
0x146: {  	_ = 	snop  }
.LBB2_16:
0x147: {  	_ =	sfence.sel $0x180000  }
0x148: {  	[bflag:$0x0] =	sbarrier.arrive $0xFFFF  }
0x149: {  	_ =	strace $0x9000004A  }
0x14a: {  	[bflag:$0x2] =	sbarrier.arrive $0xFFFF  }
0x14b: {  	p0 =	sne.s32 s1, $0x0;
	s0 =	rddreg [dreg:$0x2]  }
0x14c: {  	s0 =	sadd.s32 @!p0 $0x100000, s0  }
0x14d: {  	[sflag:s0] =	ssyncadd.tile.s32 @!p0 $0x1;
	_ =	shalt  }
.Lfunc_end2:
_tile_overlayer_lowered:
.L_overlay_start_2:
0x14e: {  	(tag) =	ssettag $0x2  }
0x14f: {  	s0 =	rddreg [dreg:$0x0];
	s2 =	stileid.u32  }
0x150: {  	s1 =	rddreg [dreg:$0x1];
	p0 =	sne.s32 s2, $0x0  }
0x151: {  	s3 =	rddreg [dreg:$0x2];
	[bflag:$0x3] =	sbarrier.arrive $0xFFFF;
	s2 =	simm.s32 @!p0 $0x1C03  }
0x152: {  	[timem:s3], [sflag:s2] =	dma.local @!p0 [hbm:s0], s1  }
0x153: {  	s0 =	simm.s32 @!p0 $0x3  }
0x154: {  	_ =	swait.ge @!p0 [sflag:s0], s1  }
0x155: {  	s1 =	ssub.s32 @!p0 $0x0, s1;
	[sflag:s0] =	ssyncset.done @!p0 $0x0  }
0x156: {  	[sflag:s0] =	ssyncadd.s32 @!p0 s1  }
0x157: {  	[bflag:$0x3] =	sbarrier.arrive $0xFFFF  }
0x158: {  	_ =	shalt  }

// kernel: kernel.18.cloned.1.call-start
scs
__scs_entry_jumppad:
0x0: {  	(pc) =	sbr.rel $0x88, $3  }
0x1: {  	(tag) =	ssettag $0x0;
	lr =	simm.s32 $0x1  }
0x2: {  	[smem:$0x3F8B] =	sst lr;
	_ =	strace $0xD0000000  }
0x3: {  	_ = 	snop  }
0x4: {  	_ = 	snop  }
0x5: {  	_ = 	snop  }
0x6: {  	_ = 	snop  }
0x7: {  	_ = 	snop  }
__scs_overlays_trampoline_lowered:
0x8: {  	[smem:$0x3F9A] =	sst s0  }
0x9: {  	[smem:$0x3F9B] =	sst s1  }
0xa: {  	[smem:$0x3F9C] =	sst s2  }
0xb: {  	[smem:$0x3F9D] =	sst s3  }
0xc: {  	[smem:$0x3F9E] =	sst s4  }
0xd: {  	[smem:$0x3F9F] =	sst s5  }
0xe: {  	[smem:$0x3FA0] =	sst s6  }
0xf: {  	[smem:$0x3FA1] =	sst s7  }
0x10: {  	[smem:$0x3FA2] =	sst s8  }
0x11: {  	[smem:$0x3FA3] =	sst s9;
	s0 =	simm.s32 @!p0 $0x0  }
0x12: {  	s1 =	sld [smem:$0x3F89];
	s0 =	simm.s32 @p0 $0x1  }
0x13: {  	[smem:$0x3FA4] =	sst s0;
	s0 =	simm.s32 @!p1 $0x0  }
0x14: {  	s2 =	sld [smem:$0x3F88];
	s0 =	simm.s32 @p1 $0x1  }
0x15: {  	[smem:$0x3FA5] =	sst s0;
	s0 =	simm.s32 @!p2 $0x0  }
0x16: {  	s3 =	sld [smem:$0x3FDB];
	s0 =	simm.s32 @p2 $0x1  }
0x17: {  	s4 =	simm.s32 $0x1BF5;
	[smem:$0x3FA7] =	sst s0  }
0x18: {  	s0 =	sld [smem:$0x3F8A];
	_ =	swait.ge [sflag:s4], $0x0  }
0x19: {  	s7 =	sld [smem:$0x3F8B]  }
0x1a: {  	s8 =	sadd.s32 $0xFFFFE003, lr  }
0x1b: {  	s9 =	sadd.s32 $0xFFFFFEF7, lr;
	s5 =	simm.s32 $0xFFFFFFFF;
	p2 =	slt.u32 s8, $0xFFFFF086  }
0x1c: {  	p1 =	slt.u32 s9, $0xF7A;
	s5 =	simm.s32 @!p2 $0x0  }
0x1d: {  	s5 =	simm.s32 @p1 $0x1;
	p0 =	seq.s32 s7, s2  }
0x1e: {  	s7 =	smul.u32 @!p0 $0xF7A, s2;
	p2 =	seq.s32 @!p0 s5, $0x0  }
0x1f: {  	s9 =	smul.u32 $0xF7A, s1;
	s8 =	simm.s32 @!p0 $0x1BF5;
	p2 =	por !p2, p0  }
0x20: {  	[sflag:s8] =	ssyncset.s32 @!p0 $0xFFFFF086;
	s6 =	sadd.s32 @!p0 s3, s7;
	s7 =	simm.s32 @!p0 $0x108  }
0x21: {  	s3 =	sadd.s32 s3, s9;
	s6 =	sadd.s32 @!p0 $0x88, s6;
	s7 =	simm.s32 @p2 $0x1082  }
0x22: {  	[simem:s7], [sflag:s8] =	dma.local @!p0 [hbm:s6], $0xF7A  }
0x23: {  	s9 =	sor.u32 $0xD0000000, s2;
	s6 =	simm.s32 $0x108;
	_ =	swait.ge @!p0 [sflag:s8], $0x0  }
0x24: {  	s3 =	sadd.s32 $0x88, s3;
	s6 =	simm.s32 @!p1 $0x1082;
	[sflag:s4] =	ssyncset.s32 $0xFFFFF086  }
0x25: {  	[simem:s6], [sflag:s4] =	dma.local [hbm:s3], $0xF7A  }
0x26: {  	[smem:$0x3F8B] =	sst s1;
	(tag) =	ssettag s2;
	_ =	strace s9  }
0x27: {  	s1 =	sld [smem:$0x3F9B]  }
0x28: {  	s2 =	sld [smem:$0x3F9C]  }
0x29: {  	s4 =	sld [smem:$0x3F9E]  }
0x2a: {  	p0 =	seq.s32 s5, $0x0;
	s5 =	sld [smem:$0x3F9F]  }
0x2b: {  	s6 =	sld [smem:$0x3FA0]  }
0x2c: {  	s7 =	sld [smem:$0x3FA1]  }
0x2d: {  	s3 =	simm.s32 $0x108;
	s8 =	sld [smem:$0x3FA2]  }
0x2e: {  	s3 =	simm.s32 @!p0 $0x1082;
	s9 =	sld [smem:$0x3FA3]  }
0x2f: {  	lr =	sadd.s32 s0, s3;
	s0 =	sld [smem:$0x3F9A]  }
0x30: {  	s3 =	sld [smem:$0x3F9D]  }
0x31: {  	[smem:$0x3FA6] =	sst s10  }
0x32: {  	s10 =	sld [smem:$0x3FA4];
	_ =	sdelay $0x3  }
0x33: {  	p0 =	seq.s32 s10, $0x1;
	s10 =	sld [smem:$0x3FA6];
	_ =	sdelay $0x3  }
0x34: {  	[smem:$0x3FA6] =	sst s10  }
0x35: {  	s10 =	sld [smem:$0x3FA5];
	_ =	sdelay $0x3  }
0x36: {  	p1 =	seq.s32 s10, $0x1;
	s10 =	sld [smem:$0x3FA6];
	_ =	sdelay $0x3  }
0x37: {  	[smem:$0x3FA6] =	sst s10  }
0x38: {  	s10 =	sld [smem:$0x3FA7]  }
0x39: {  	_ = 	snop;
	(pc) =	sbr.ind lr, $3  }
0x3a: {  	_ = 	snop  }
0x3b: {  	_ = 	snop  }
0x3c: {  	p2 =	seq.s32 s10, $0x1;
	s10 =	sld [smem:$0x3FA6]  }
0x3d: {  	_ =	shalt  }
0x3e: {  	_ =	shalt  }
0x3f: {  	_ =	shalt  }
0x40: {  	_ =	shalt  }
0x41: {  	_ =	shalt  }
0x42: {  	_ =	shalt  }
0x43: {  	_ =	shalt  }
0x44: {  	_ =	shalt  }
0x45: {  	_ =	shalt  }
0x46: {  	_ =	shalt  }
0x47: {  	_ =	shalt  }
0x48: {  	_ =	shalt  }
0x49: {  	_ =	shalt  }
0x4a: {  	_ =	shalt  }
0x4b: {  	_ =	shalt  }
0x4c: {  	_ =	shalt  }
0x4d: {  	_ =	shalt  }
0x4e: {  	_ =	shalt  }
0x4f: {  	_ =	shalt  }
0x50: {  	_ =	shalt  }
0x51: {  	_ =	shalt  }
0x52: {  	_ =	shalt  }
0x53: {  	_ =	shalt  }
0x54: {  	_ =	shalt  }
0x55: {  	_ =	shalt  }
0x56: {  	_ =	shalt  }
0x57: {  	_ =	shalt  }
0x58: {  	_ =	shalt  }
0x59: {  	_ =	shalt  }
0x5a: {  	_ =	shalt  }
0x5b: {  	_ =	shalt  }
0x5c: {  	_ =	shalt  }
0x5d: {  	_ =	shalt  }
0x5e: {  	_ =	shalt  }
0x5f: {  	_ =	shalt  }
0x60: {  	_ =	shalt  }
0x61: {  	_ =	shalt  }
0x62: {  	_ =	shalt  }
0x63: {  	_ =	shalt  }
0x64: {  	_ =	shalt  }
0x65: {  	_ =	shalt  }
0x66: {  	_ =	shalt  }
0x67: {  	_ =	shalt  }
0x68: {  	_ =	shalt  }
0x69: {  	_ =	shalt  }
0x6a: {  	_ =	shalt  }
0x6b: {  	_ =	shalt  }
0x6c: {  	_ =	shalt  }
0x6d: {  	_ =	shalt  }
0x6e: {  	_ =	shalt  }
0x6f: {  	_ =	shalt  }
0x70: {  	_ =	shalt  }
0x71: {  	_ =	shalt  }
0x72: {  	_ =	shalt  }
0x73: {  	_ =	shalt  }
0x74: {  	_ =	shalt  }
0x75: {  	_ =	shalt  }
0x76: {  	_ =	shalt  }
0x77: {  	_ =	shalt  }
0x78: {  	_ =	shalt  }
0x79: {  	_ =	shalt  }
0x7a: {  	_ =	shalt  }
0x7b: {  	_ =	shalt  }
0x7c: {  	_ =	shalt  }
0x7d: {  	_ =	shalt  }
0x7e: {  	_ =	shalt  }
0x7f: {  	_ =	shalt  }
0x80: {  	_ =	shalt  }
0x81: {  	_ =	shalt  }
0x82: {  	_ =	shalt  }
0x83: {  	_ =	shalt  }
0x84: {  	_ =	shalt  }
0x85: {  	_ =	shalt  }
0x86: {  	_ =	shalt  }
0x87: {  	_ =	shalt  }
.Lfunc_end0:
.L_simem_size_0:
called_computation.2_lowered:
.L_overlay_start_0:
0x88: {  	s2 =	sld [smem:$0x3FD9]  }
0x89: {  	s3 =	sld [smem:$0x3FFE];
	_ =	sdelay $0x1  }
0x8a: {  	s1 =	srdreg.scid  }
0x8b: {  	s0 =	sand.u32 $0x1, s1  }
0x8c: {  	s16 =	sshll.u32 s0, $0xA;
	s2 =	sadd.s32 s3, s2  }
0x8d: {  	s2 =	sadd.s32 s2, s16  }
0x8e: {  	[smem:$0x3FB2] =	sst s2  }
0x8f: {  	_ = 	snop  }
0x90: {  	(tm) =	ssettm $0x1  }
0x91: {  	s17 =	sld [smem:$0x3FFB];
	_ =	sdelay $0x3  }
0x92: {  	_ =	strace s17  }
0x93: {  	s2 =	sld [smem:$0x3FFC];
	_ =	sdelay $0x3  }
0x94: {  	_ =	strace s2  }
0x95: {  	s2 =	sld [smem:$0x3FFD];
	_ =	sdelay $0x3  }
0x96: {  	_ =	strace s2  }
0x97: {  	_ =	strace $0x8FFFFFFF  }
0x98: {  	s18 =	sld [smem:$0x3FDB];
	_ =	sdelay $0x1  }
0x99: {  	s19 =	simm.s32 $_scs_section_size  }
0x9a: {  	s4 =	simm.s32 $_size__tile_overlayer_lowered;
	s5 =	simm.s32 $_tile_overlayer_lowered  }
0x9b: {  	s22 =	simm.s32 $0x1BFF;
	s21 =	sshll.u32 s5, $0x1;
	s2 =	sadd.s32 s19, s18  }
0x9c: {  	s6 =	simm.s32 $0x0;
	s20 =	sshll.u32 s4, $0x1;
	s4 =	sadd.s32 s21, s2  }
0x9d: {  	[timem:s6], [sflag:s22] =	dma.local [hbm:s4], s20  }
0x9e: {  	_ =	swait.ge [sflag:s22], s20  }
0x9f: {  	s3 =	ssub.s32 $0x0, s20;
	[sflag:s22] =	ssyncset.done $0x0  }
0xa0: {  	[sflag:s22] =	ssyncadd.s32 s3;
	_ =	sdelay $0x1  }
0xa1: {  	s23 =	simm.s32 $0x1B8B  }
0xa2: {  	_ =	swait.ge [sflag:s23], $0x1  }
0xa3: {  	[sflag:s23] =	ssyncset.done $0x0  }
0xa4: {  	s25 =	simm.s32 $0x1B8E;
	s24 =	sld [smem:$0x3FFE];
	[sflag:s23] =	ssyncadd.s32 $0xFFFFFFFF  }
0xa5: {  	s26 =	simm.s32 $execute0_lowered;
	[smem:$0x3FD2] =	sst s25  }
0xa6: {  	s4 =	sshll.u32 s26, $0x1;
	_ =	strace $0x8000004C;
	[dreg:$0x1] =	wrdreg $0xFFFFFFFF  }
0xa7: {  	s28 =	simm.s32 $_size_execute0_lowered;
	s2 =	sadd.s32 s2, s4;
	[dreg:$0x0] =	wrdreg $0x0  }
0xa8: {  	s4 =	sshll.u32 s28, $0x1;
	[dreg:$0x2] =	wrdreg s2  }
0xa9: {  	[dreg:$0x3] =	wrdreg s4  }
0xaa: {  	[dreg:$0x4] =	wrdreg $0xC0  }
0xab: {  	_ =	task [dreg:s6], $0x5FFFF  }
0xac: {  	[dreg:$0x1] =	wrdreg $0xFFFFFFFF  }
0xad: {  	[dreg:$0x0] =	wrdreg $0x60  }
0xae: {  	[dreg:$0x2] =	wrdreg s24  }
0xaf: {  	[dreg:$0x3] =	wrdreg $0xBC000  }
0xb0: {  	[dreg:$0x4] =	wrdreg $0x9  }
0xb1: {  	_ =	task.clear_ibuf [dreg:s6], $0x5FFFF;
	_ =	strace $0x9000004C  }
0xb2: {  	s29 =	simm.s32 $0x9;
	_ =	strace $0x8000004E  }
0xb3: {  	_ =	swait.ge [sflag:s29], $0x1  }
0xb4: {  	[sflag:s29] =	ssyncadd.s32 $0xFFFFFFFF  }
0xb5: {  	_ =	strace $0x9000004E  }
0xb6: {  	_ =	sfence  }
0xb7: {  	s30 =	sld [smem:$0x0];
	_ =	sdelay $0x2  }
0xb8: {  	s31 =	sshll.u32 s1, $0xD;
	s1 =	sshrl.u32 s1, $0x2  }
0xb9: {  	s3 =	sand.u32 $0x4000, s31;
	s1 =	sadd.s32 s1, s30  }
0xba: {  	s0 =	sor.u32 s3, s0;
	s1 =	sshll.u32 s1, $0x11  }
0xbb: {  	s0 =	sor.u32 s1, s0  }
0xbc: {  	s0 =	sadd.s32 $0x8F2B, s0  }
0xbd: {  	[sflag:s0] =	ssyncadd.remote.s32 $0x1  }
0xbe: {  	_ =	sfence.sel $0xFFFF  }
0xbf: {  	[dreg:$0x0] =	wrdreg $0xFFFFFFFF;
	(pc) =	sbr.abs _section_cstart, $3  }
0xc0: {  	[dreg:$0x1] =	wrdreg $0xFFFFFFFF  }
0xc1: {  	_ =	task.clear_ibuf [dreg:s6], $0x2FFFF;
	_ =	strace $0x9FFFFFFF  }
0xc2: {  	(tm) =	ssettm $0x7FFFFFFF  }
0xc3: {  	_ =	shalt  }
tec
execute0_lowered:
.L_overlay_start_1:
0x0: {  	(tag) =	ssettag $0x1  }
0x1: {  	s0 =	rddreg [dreg:$0x0]  }
0x2: {  	s2 =	rddreg [dreg:$0x1];
	s3 =	simm.s32 $0x0;
	s1 =	stileid.u32  }
0x3: {  	s6 =	srdreg.scid;
	s29 =	simm.s32 $0x3;
	s12 =	smul.u32 $0x500, s1  }
0x4: {  	s30 =	simm.s32 $0x3C00;
	s31 =	simm.s32 $0x2800;
	s10 =	smul.u32 $0x50000, s1  }
0x5: {  	[smem:$0x7FF] =	sst s3;
	s4 =	sadd.s32 $0x5E000, s0;
	s15 =	smul.u32 $0x2800, s1  }
0x6: {  	s5 =	sadd.s32 $0xD3400, s0;
	s13 =	sand.u32 $0x1, s6;
	s16 =	smul.u32 $0x19000, s1  }
0x7: {  	s14 =	sadd.s32 $0xAE00, s0;
	s23 =	sadd.s32 $0x148800, s0;
	s26 =	smul.u32 $0xC8, s1  }
0x8: {  	s7 =	sadd.s32 $0x16FA00, s0;
	s17 =	smul.u32 $0xC80, s1;
	p1 =	sgt.u32 s1, $0x1  }
0x9: {  	p2 =	slt.u32 s1, $0x2;
	_ =	strace $0x8000004D;
	s9 =	ssub.s32 $0x2, s13  }
0xa: {  	p0 =	seq.s32 s13, $0x1;
	[dreg:$0x3] =	wrdreg s23;
	s8 =	sadd.s32 s12, s0  }
0xb: {  	s11 =	sshrl.u32 s9, $0x1;
	s24 =	sshrl.u32 s10, $0x2;
	s25 =	sshrl.u32 s15, $0x3  }
0xc: {  	s12 =	sadd.s32 s14, s12;
	s16 =	sshrl.u32 s16, $0x2;
	s18 =	sadd.s32 $0xC80, s26  }
0xd: {  	s19 =	sadd.s32 s23, s17;
	s15 =	sadd.s32 $0x2580, s26;
	s0 =	ssub.s32 s9, s11  }
0xe: {  	s8 =	sadd.s32 $0x5E00, s8;
	s9 =	sadd.s32 s24, s2;
	s13 =	sadd.s32 s14, s25  }
0xf: {  	s14 =	sadd.s32 s16, s2;
	[dreg:$0x4] =	wrdreg s19;
	s20 =	sshll.u32 s18, $0x7  }
0x10: {  	s19 =	sshll.u32 s18, $0x4;
	s22 =	sshll.u32 s15, $0x4;
	s10 =	sadd.s32 $0x4000, s9  }
0x11: {  	s11 =	sadd.s32 $0x8000, s9;
	s13 =	sadd.s32 $0x280, s13;
	s16 =	sadd.s32 s20, s2  }
0x12: {  	s20 =	sadd.s32 $0x1900, s26;
	s18 =	sadd.s32 s23, s19;
	[dreg:$0x7] =	wrdreg s22  }
0x13: {  	s24 =	sadd.s32 s7, s19;
	s28 =	sadd.s32 $0x10000, s9;
	s19 =	simm.s32 $0x2  }
0x14: {  	s22 =	simm.s32 $0x0;
	[dreg:$0x5] =	wrdreg s18;
	s21 =	sshll.u32 s20, $0x7  }
0x15: {  	s20 =	sshll.u32 s20, $0x4;
	[dreg:$0x9] =	wrdreg s24;
	s24 =	smax.u32 s0, $0x1  }
0x16: {  	s0 =	simm.s32 $0x80;
	s18 =	sadd.s32 s21, s2;
	s21 =	sshll.u32 s15, $0x7  }
.Ltmp0:
0x17: {  	s6 =	sadd.s32 s23, s20;
	s23 =	sadd.s32 s7, s17;
	(pc) =	sbr.rel .LBB2_1-.Ltmp0, $4  }
0x18: {  	s25 =	sadd.s32 s7, s20;
	s15 =	simm.s32 $0x7C00;
	[dreg:$0x6] =	wrdreg s6  }
0x19: {  	s17 =	simm.s32 $0x1;
	s21 =	sadd.s32 s21, s2;
	[dreg:$0x8] =	wrdreg s23  }
0x1a: {  	s20 =	simm.s32 $0x3B00;
	[dreg:$0xa] =	wrdreg s25;
	s26 =	sshrl.u32 s21, $0x3  }
0x1b: {  	v0 =	vimm.f32 $0.0e+00;
	s21 =	simm.s32 $0x3B80;
	[dreg:$0xb] =	wrdreg s26;
	s26 =	sadd.s32 $0xC000, s9  }
.LBB2_14:
0x1c: {  	s6 =	rddreg [dreg:$0x7]  }
0x1d: {  	s6 =	sadd.s32 s23, s6;
	s23 =	rddreg [dreg:$0xb]  }
0x1e: {  	[hbm:s6], [sflag:s25] =	dma.local [spmem:s23], $0xC80  }
0x1f: {  	_ =	swait.ge [sflag:s29], $0xC80  }
0x20: {  	[sflag:s29] =	ssyncset.done $0x0  }
0x21: {  	[sflag:s29] =	ssyncadd.s32 $0xFFFFF380  }
.LBB2_15:
0x22: {  	s22 =	sadd.s32 $0x1, s22  }
0x23: {  	p3 =	sne.s32 s22, s24  }
.Ltmp1:
0x24: {  	_ = 	snop;
	(pc) =	sbr.rel @!p3 .LBB2_16-.Ltmp1, $1  }
0x25: {  	_ =	sdelay $0x3  }
.LBB2_1:
0x26: {  	[tilespmem:s3], [sflag:$0x3] =	stream.linear.gather [hbm4b:s8+s3], $0x2800, $0x38;
	[tilespmem:$0x1FC00] =	vst v63  }
0x27: {  	_ =	swait.ge [sflag:s29], $0x2800  }
0x28: {  	[sflag:s29] =	ssyncset.done $0x0  }
0x29: {  	s25 =	simm.s32 $0x0;
	s23 =	simm.s32 $0x200;
	[sflag:s29] =	ssyncadd.s32 $0xFFFFD800  }
.LBB2_2:
0x2a: {  	p3 =	sne.s32 s23, $0xFE00;
	[tilespmem:s25+$0x3C70] =	vst v0  }
0x2b: {  	[tilespmem:s25+$0x3C00] =	vst v0  }
0x2c: {  	[tilespmem:s25+$0x3C10] =	vst v0  }
.Ltmp2:
0x2d: {  	[tilespmem:s25+$0x3C20] =	vst v0;
	(pc) =	sbr.rel @p3 .LBB2_2-.Ltmp2, $4  }
0x2e: {  	[tilespmem:s25+$0x3C30] =	vst v0  }
0x2f: {  	[tilespmem:s25+$0x3C40] =	vst v0  }
0x30: {  	[tilespmem:s25+$0x3C50] =	vst v0  }
0x31: {  	[tilespmem:s25+$0x3C60] =	vst v0;
	s25 =	sshra.s32 s23, $0x2;
	s23 =	sadd.s32 $0x200, s23  }
0x32: {  	[tilespmem:s25+$0x3C70] =	vst v0  }
0x33: {  	[tilespmem:s25+$0x3C00] =	vst v0  }
0x34: {  	[tilespmem:s25+$0x3C10] =	vst v0  }
0x35: {  	[tilespmem:s25+$0x3C20] =	vst v0  }
0x36: {  	[tilespmem:s25+$0x3C30] =	vst v0  }
0x37: {  	[tilespmem:s25+$0x3C40] =	vst v0  }
0x38: {  	[tilespmem:s25+$0x3C50] =	vst v0  }
0x39: {  	[tilespmem:s25+$0x3C60] =	vst v0  }
0x3a: {  	[spmem:s9] =	stream.linear.scatter [tilespmem:s30], [sflag:$0x3], $0x4000, $0x38;
	[tilespmem:$0x1FC00] =	vst v63  }
0x3b: {  	_ =	swait.ge [sflag:s29], $0x4000  }
0x3c: {  	[sflag:s29] =	ssyncset.done $0x0  }
0x3d: {  	[sflag:s29] =	ssyncadd.s32 $0xFFFFC000  }
0x3e: {  	[spmem:s10] =	stream.linear.scatter [tilespmem:s30], [sflag:$0x3], $0x4000, $0x38;
	[tilespmem:$0x1FC00] =	vst v63  }
0x3f: {  	_ =	swait.ge [sflag:s29], $0x4000  }
0x40: {  	[sflag:s29] =	ssyncset.done $0x0  }
0x41: {  	[sflag:s29] =	ssyncadd.s32 $0xFFFFC000  }
0x42: {  	[spmem:s11] =	stream.linear.scatter [tilespmem:s30], [sflag:$0x3], $0x4000, $0x38;
	[tilespmem:$0x1FC00] =	vst v63  }
0x43: {  	_ =	swait.ge [sflag:s29], $0x4000  }
0x44: {  	[sflag:s29] =	ssyncset.done $0x0  }
0x45: {  	[sflag:s29] =	ssyncadd.s32 $0xFFFFC000  }
0x46: {  	[spmem:s26] =	stream.linear.scatter [tilespmem:s30], [sflag:$0x3], $0x4000, $0x38;
	[tilespmem:$0x1FC00] =	vst v63  }
0x47: {  	_ =	swait.ge [sflag:s29], $0x4000  }
0x48: {  	[sflag:s29] =	ssyncset.done $0x0  }
0x49: {  	[sflag:s29] =	ssyncadd.s32 $0xFFFFC000  }
0x4a: {  	[spmem:s28] =	stream.linear.scatter [tilespmem:s30], [sflag:$0x3], $0x4000, $0x38;
	[tilespmem:$0x1FC00] =	vst v63  }
0x4b: {  	_ =	swait.ge [sflag:s29], $0x4000  }
0x4c: {  	[sflag:s29] =	ssyncset.done $0x0  }
0x4d: {  	[sflag:s29] =	ssyncadd.s32 $0xFFFFC000  }
.Ltmp3:
0x4e: {  	[bflag:$0x0] =	sbarrier.arrive $0xFFFF;
	(pc) =	sbr.rel @!p0 .LBB2_4-.Ltmp3, $4  }
0x4f: {  	[tilespmem:s31], [sflag:$0x3] =	stream.linear.gather [hbm4b:s12+s3], $0x1400, $0x38;
	[tilespmem:$0x1FC00] =	vst v63  }
0x50: {  	_ =	swait.ge [sflag:s29], $0x1400  }
0x51: {  	[sflag:s29] =	ssyncset.done $0x0  }
0x52: {  	[sflag:s29] =	ssyncadd.s32 $0xFFFFEC00  }
0x53: {  	s6 =	simm.s32 $0x0  }
0x54: {  	[tilespmem:s30], [sflag:$0x1] =	stream.indirect.gather [hbm4b:s5+s0], $0x80, s6, s0, $0xb8;
	[tilespmem:$0x1FC00] =	vst v63  }
0x55: {  	_ = 	snop  }
0x56: {  	[tilespmem:s15], [sflag:$0x2] =	stream.indirect.gather [hbm4b:s5+s0], $0x80, s0, s0, $0xb8;
	[tilespmem:$0x1FC00] =	vst v63  }
0x57: {  	_ =	swait.ge [sflag:s17], $0x4000  }
0x58: {  	[sflag:s17] =	ssyncset.done $0x0  }
0x59: {  	s25 =	simm.s32 $0x2800;
	[sflag:s17] =	ssyncadd.s32 $0xFFFFC000  }
0x5a: {  	[spmem:s2] =	stream.indirect.scatter.add.f32 [tilespmem:s30], [sflag:$0x3], $0x80, s25, s0, $0xb8;
	[tilespmem:$0x1FC00] =	vst v63  }
0x5b: {  	_ =	swait.ge [sflag:s29], $0x4000  }
0x5c: {  	[sflag:s29] =	ssyncset.done $0x0  }
0x5d: {  	s23 =	simm.s32 $0x100;
	[sflag:s29] =	ssyncadd.s32 $0xFFFFC000  }
0x5e: {  	[tilespmem:s30], [sflag:$0x1] =	stream.indirect.gather [hbm4b:s5+s0], $0x80, s23, s0, $0xb8;
	[tilespmem:$0x1FC00] =	vst v63  }
0x5f: {  	_ =	swait.ge [sflag:s19], $0x4000  }
0x60: {  	[sflag:s19] =	ssyncset.done $0x0  }
0x61: {  	s25 =	simm.s32 $0x2880;
	[sflag:s19] =	ssyncadd.s32 $0xFFFFC000  }
0x62: {  	[spmem:s2] =	stream.indirect.scatter.add.f32 [tilespmem:s15], [sflag:$0x3], $0x80, s25, s0, $0xb8;
	[tilespmem:$0x1FC00] =	vst v63  }
0x63: {  	_ =	swait.ge [sflag:s29], $0x4000  }
0x64: {  	[sflag:s29] =	ssyncset.done $0x0  }
0x65: {  	s23 =	simm.s32 $0x180;
	s25 =	simm.s32 $0x400;
	[sflag:s29] =	ssyncadd.s32 $0xFFFFC000  }
.LBB2_10:
0x66: {  	[tilespmem:s15], [sflag:$0x2] =	stream.indirect.gather [hbm4b:s5+s0], $0x80, s23, s0, $0xb8;
	[tilespmem:$0x1FC00] =	vst v63  }
0x67: {  	s6 =	smov.u32 s25  }
0x68: {  	p3 =	sne.s32 s25, $0x4800;
	s25 =	sadd.s32 $0x400, s25;
	_ =	swait.ge [sflag:s17], $0x4000  }
0x69: {  	s6 =	sshra.s32 s6, $0x2;
	[sflag:s17] =	ssyncset.done $0x0  }
0x6a: {  	s23 =	sadd.s32 $0x2800, s6;
	[sflag:s17] =	ssyncadd.s32 $0xFFFFC000  }
0x6b: {  	[spmem:s2] =	stream.indirect.scatter.add.f32 [tilespmem:s30], [sflag:$0x3], $0x80, s23, s0, $0xb8;
	[tilespmem:$0x1FC00] =	vst v63  }
0x6c: {  	_ =	swait.ge [sflag:s29], $0x4000  }
0x6d: {  	[sflag:s29] =	ssyncset.done $0x0  }
0x6e: {  	s23 =	sadd.s32 $0x100, s6;
	[sflag:s29] =	ssyncadd.s32 $0xFFFFC000  }
0x6f: {  	[tilespmem:s30], [sflag:$0x1] =	stream.indirect.gather [hbm4b:s5+s0], $0x80, s23, s0, $0xb8;
	[tilespmem:$0x1FC00] =	vst v63  }
0x70: {  	_ =	swait.ge [sflag:s19], $0x4000  }
0x71: {  	[sflag:s19] =	ssyncset.done $0x0  }
.Ltmp4:
0x72: {  	s23 =	sadd.s32 $0x2880, s6;
	[sflag:s19] =	ssyncadd.s32 $0xFFFFC000;
	(pc) =	sbr.rel @p3 .LBB2_10-.Ltmp4, $4  }
0x73: {  	[spmem:s2] =	stream.indirect.scatter.add.f32 [tilespmem:s15], [sflag:$0x3], $0x80, s23, s0, $0xb8;
	[tilespmem:$0x1FC00] =	vst v63  }
0x74: {  	_ =	swait.ge [sflag:s29], $0x4000  }
0x75: {  	[sflag:s29] =	ssyncset.done $0x0  }
0x76: {  	s23 =	sadd.s32 $0x180, s6;
	[sflag:s29] =	ssyncadd.s32 $0xFFFFC000  }
0x77: {  	[tilespmem:s15], [sflag:$0x2] =	stream.indirect.gather [hbm4b:s5+s0], $0x80, s23, s0, $0xb8;
	[tilespmem:$0x1FC00] =	vst v63  }
0x78: {  	_ =	swait.ge [sflag:s17], $0x4000  }
0x79: {  	[sflag:s17] =	ssyncset.done $0x0  }
0x7a: {  	[sflag:s17] =	ssyncadd.s32 $0xFFFFC000  }
0x7b: {  	[spmem:s2] =	stream.indirect.scatter.add.f32 [tilespmem:s30], [sflag:$0x3], $0x80, s20, s0, $0xb8;
	[tilespmem:$0x1FC00] =	vst v63  }
0x7c: {  	_ =	swait.ge [sflag:s29], $0x4000  }
0x7d: {  	[sflag:s29] =	ssyncset.done $0x0  }
0x7e: {  	[sflag:s29] =	ssyncadd.s32 $0xFFFFC000  }
0x7f: {  	_ =	swait.ge [sflag:s19], $0x4000  }
0x80: {  	[sflag:s19] =	ssyncset.done $0x0  }
0x81: {  	[sflag:s19] =	ssyncadd.s32 $0xFFFFC000  }
0x82: {  	[spmem:s2] =	stream.indirect.scatter.add.f32 [tilespmem:s15], [sflag:$0x3], $0x80, s21, s0, $0xb8;
	[tilespmem:$0x1FC00] =	vst v63  }
0x83: {  	_ =	swait.ge [sflag:s29], $0x4000  }
0x84: {  	[sflag:s29] =	ssyncset.done $0x0  }
0x85: {  	s6 =	simm.s32 $0x0;
	[sflag:s29] =	ssyncadd.s32 $0xFFFFC000  }
0x86: {  	[tilespmem:s31], [sflag:$0x3] =	stream.linear.gather [hbm4b:s13+s6], $0x1400, $0x38;
	[tilespmem:$0x1FC00] =	vst v63  }
0x87: {  	_ =	swait.ge [sflag:s29], $0x1400  }
0x88: {  	[sflag:s29] =	ssyncset.done $0x0  }
0x89: {  	s25 =	simm.s32 $0x1400;
	[sflag:s29] =	ssyncadd.s32 $0xFFFFEC00  }
0x8a: {  	[tilespmem:s30], [sflag:$0x1] =	stream.indirect.gather [hbm4b:s5+s0], $0x80, s25, s0, $0xb8;
	[tilespmem:$0x1FC00] =	vst v63  }
0x8b: {  	s23 =	simm.s32 $0x1480  }
0x8c: {  	[tilespmem:s15], [sflag:$0x2] =	stream.indirect.gather [hbm4b:s5+s0], $0x80, s23, s0, $0xb8;
	[tilespmem:$0x1FC00] =	vst v63  }
0x8d: {  	_ =	swait.ge [sflag:s17], $0x4000  }
0x8e: {  	[sflag:s17] =	ssyncset.done $0x0  }
0x8f: {  	s25 =	simm.s32 $0x2800;
	[sflag:s17] =	ssyncadd.s32 $0xFFFFC000  }
0x90: {  	[spmem:s2] =	stream.indirect.scatter.add.f32 [tilespmem:s30], [sflag:$0x3], $0x80, s25, s0, $0xb8;
	[tilespmem:$0x1FC00] =	vst v63  }
0x91: {  	_ =	swait.ge [sflag:s29], $0x4000  }
0x92: {  	[sflag:s29] =	ssyncset.done $0x0  }
0x93: {  	s23 =	simm.s32 $0x1500;
	[sflag:s29] =	ssyncadd.s32 $0xFFFFC000  }
0x94: {  	[tilespmem:s30], [sflag:$0x1] =	stream.indirect.gather [hbm4b:s5+s0], $0x80, s23, s0, $0xb8;
	[tilespmem:$0x1FC00] =	vst v63  }
0x95: {  	_ =	swait.ge [sflag:s19], $0x4000  }
0x96: {  	[sflag:s19] =	ssyncset.done $0x0  }
0x97: {  	s25 =	simm.s32 $0x2880;
	[sflag:s19] =	ssyncadd.s32 $0xFFFFC000  }
0x98: {  	[spmem:s2] =	stream.indirect.scatter.add.f32 [tilespmem:s15], [sflag:$0x3], $0x80, s25, s0, $0xb8;
	[tilespmem:$0x1FC00] =	vst v63  }
0x99: {  	_ =	swait.ge [sflag:s29], $0x4000  }
0x9a: {  	[sflag:s29] =	ssyncset.done $0x0  }
0x9b: {  	s23 =	simm.s32 $0x1580;
	s25 =	simm.s32 $0x400;
	[sflag:s29] =	ssyncadd.s32 $0xFFFFC000  }
.LBB2_12:
0x9c: {  	[tilespmem:s15], [sflag:$0x2] =	stream.indirect.gather [hbm4b:s5+s0], $0x80, s23, s0, $0xb8;
	[tilespmem:$0x1FC00] =	vst v63  }
0x9d: {  	s6 =	smov.u32 s25  }
0x9e: {  	p3 =	sne.s32 s25, $0x4800;
	s25 =	sadd.s32 $0x400, s25;
	_ =	swait.ge [sflag:s17], $0x4000  }
0x9f: {  	s6 =	sshra.s32 s6, $0x2;
	[sflag:s17] =	ssyncset.done $0x0  }
0xa0: {  	s23 =	sadd.s32 $0x2800, s6;
	[sflag:s17] =	ssyncadd.s32 $0xFFFFC000  }
0xa1: {  	[spmem:s2] =	stream.indirect.scatter.add.f32 [tilespmem:s30], [sflag:$0x3], $0x80, s23, s0, $0xb8;
	[tilespmem:$0x1FC00] =	vst v63  }
0xa2: {  	_ =	swait.ge [sflag:s29], $0x4000  }
0xa3: {  	[sflag:s29] =	ssyncset.done $0x0  }
0xa4: {  	s23 =	sadd.s32 $0x1500, s6;
	[sflag:s29] =	ssyncadd.s32 $0xFFFFC000  }
0xa5: {  	[tilespmem:s30], [sflag:$0x1] =	stream.indirect.gather [hbm4b:s5+s0], $0x80, s23, s0, $0xb8;
	[tilespmem:$0x1FC00] =	vst v63  }
0xa6: {  	_ =	swait.ge [sflag:s19], $0x4000  }
0xa7: {  	[sflag:s19] =	ssyncset.done $0x0  }
.Ltmp5:
0xa8: {  	s23 =	sadd.s32 $0x2880, s6;
	[sflag:s19] =	ssyncadd.s32 $0xFFFFC000;
	(pc) =	sbr.rel @p3 .LBB2_12-.Ltmp5, $4  }
0xa9: {  	[spmem:s2] =	stream.indirect.scatter.add.f32 [tilespmem:s15], [sflag:$0x3], $0x80, s23, s0, $0xb8;
	[tilespmem:$0x1FC00] =	vst v63  }
0xaa: {  	_ =	swait.ge [sflag:s29], $0x4000  }
0xab: {  	[sflag:s29] =	ssyncset.done $0x0  }
0xac: {  	s23 =	sadd.s32 $0x1580, s6;
	[sflag:s29] =	ssyncadd.s32 $0xFFFFC000  }
0xad: {  	[tilespmem:s15], [sflag:$0x2] =	stream.indirect.gather [hbm4b:s5+s0], $0x80, s23, s0, $0xb8;
	[tilespmem:$0x1FC00] =	vst v63  }
0xae: {  	_ =	swait.ge [sflag:s17], $0x4000  }
0xaf: {  	[sflag:s17] =	ssyncset.done $0x0  }
0xb0: {  	[sflag:s17] =	ssyncadd.s32 $0xFFFFC000  }
0xb1: {  	[spmem:s2] =	stream.indirect.scatter.add.f32 [tilespmem:s30], [sflag:$0x3], $0x80, s20, s0, $0xb8;
	[tilespmem:$0x1FC00] =	vst v63  }
0xb2: {  	_ =	swait.ge [sflag:s29], $0x4000  }
0xb3: {  	[sflag:s29] =	ssyncset.done $0x0  }
0xb4: {  	[sflag:s29] =	ssyncadd.s32 $0xFFFFC000  }
0xb5: {  	_ =	swait.ge [sflag:s19], $0x4000  }
0xb6: {  	[sflag:s19] =	ssyncset.done $0x0  }
0xb7: {  	[sflag:s19] =	ssyncadd.s32 $0xFFFFC000  }
0xb8: {  	[spmem:s2] =	stream.indirect.scatter.add.f32 [tilespmem:s15], [sflag:$0x3], $0x80, s21, s0, $0xb8;
	[tilespmem:$0x1FC00] =	vst v63  }
0xb9: {  	_ =	swait.ge [sflag:s29], $0x4000  }
0xba: {  	[sflag:s29] =	ssyncset.done $0x0  }
0xbb: {  	[sflag:s29] =	ssyncadd.s32 $0xFFFFC000  }
0xbc: {  	s6 =	sshll.u32 s1, $0x6;
	[bflag:$0x0] =	sbarrier.arrive $0xFFFF  }
0xbd: {  	s25 =	sor.u32 $0x1C03, s6;
	s6 =	sshrl.u32 s14, $0x3;
	s23 =	rddreg [dreg:$0x8]  }
0xbe: {  	[hbm:s23], [sflag:s25] =	dma.local [spmem:s6], $0xC80  }
0xbf: {  	_ =	swait.ge [sflag:s29], $0xC80  }
0xc0: {  	[sflag:s29] =	ssyncset.done $0x0  }
0xc1: {  	s6 =	sshrl.u32 s16, $0x3;
	s23 =	rddreg [dreg:$0x9];
	[sflag:s29] =	ssyncadd.s32 $0xFFFFF380  }
0xc2: {  	[hbm:s23], [sflag:s25] =	dma.local [spmem:s6], $0xC80  }
0xc3: {  	_ =	swait.ge [sflag:s29], $0xC80  }
0xc4: {  	[sflag:s29] =	ssyncset.done $0x0  }
0xc5: {  	s6 =	sshrl.u32 s18, $0x3;
	s23 =	rddreg [dreg:$0xa];
	[sflag:s29] =	ssyncadd.s32 $0xFFFFF380  }
0xc6: {  	[hbm:s23], [sflag:s25] =	dma.local [spmem:s6], $0xC80  }
.Ltmp6:
0xc7: {  	_ = 	snop;
	(pc) =	sbr.rel @p1 .LBB2_15-.Ltmp6, $4  }
.Ltmp7:
0xc8: {  	_ = 	snop;
	(pc) =	sbr.rel @!p1 .LBB2_14-.Ltmp7, $4  }
0xc9: {  	_ =	swait.ge [sflag:s29], $0xC80  }
0xca: {  	[sflag:s29] =	ssyncset.done $0x0  }
0xcb: {  	s23 =	smov.u32 s7;
	[sflag:s29] =	ssyncadd.s32 $0xFFFFF380  }
0xcc: {  	_ = 	snop  }
.LBB2_4:
0xcd: {  	s23 =	simm.s32 $0x0  }
0xce: {  	[tilespmem:s30], [sflag:$0x1] =	stream.indirect.gather [hbm4b:s4+s0], $0x80, s23, s0, $0xb8;
	[tilespmem:$0x1FC00] =	vst v63  }
0xcf: {  	_ = 	snop  }
0xd0: {  	[tilespmem:s15], [sflag:$0x2] =	stream.indirect.gather [hbm4b:s4+s0], $0x80, s0, s0, $0xb8;
	[tilespmem:$0x1FC00] =	vst v63  }
0xd1: {  	_ =	swait.ge [sflag:s17], $0x4000  }
0xd2: {  	[sflag:s17] =	ssyncset.done $0x0  }
0xd3: {  	s25 =	simm.s32 $0x2800;
	[sflag:s17] =	ssyncadd.s32 $0xFFFFC000  }
0xd4: {  	[spmem:s2] =	stream.indirect.scatter.add.f32 [tilespmem:s30], [sflag:$0x3], $0x80, s25, s0, $0xb8;
	[tilespmem:$0x1FC00] =	vst v63  }
0xd5: {  	_ =	swait.ge [sflag:s29], $0x4000  }
0xd6: {  	[sflag:s29] =	ssyncset.done $0x0  }
0xd7: {  	s6 =	simm.s32 $0x100;
	[sflag:s29] =	ssyncadd.s32 $0xFFFFC000  }
0xd8: {  	[tilespmem:s30], [sflag:$0x1] =	stream.indirect.gather [hbm4b:s4+s0], $0x80, s6, s0, $0xb8;
	[tilespmem:$0x1FC00] =	vst v63  }
0xd9: {  	_ =	swait.ge [sflag:s19], $0x4000  }
0xda: {  	[sflag:s19] =	ssyncset.done $0x0  }
0xdb: {  	s25 =	simm.s32 $0x2880;
	[sflag:s19] =	ssyncadd.s32 $0xFFFFC000  }
0xdc: {  	[spmem:s2] =	stream.indirect.scatter.add.f32 [tilespmem:s15], [sflag:$0x3], $0x80, s25, s0, $0xb8;
	[tilespmem:$0x1FC00] =	vst v63  }
0xdd: {  	_ =	swait.ge [sflag:s29], $0x4000  }
0xde: {  	[sflag:s29] =	ssyncset.done $0x0  }
0xdf: {  	s23 =	simm.s32 $0x180;
	s25 =	simm.s32 $0x400;
	[sflag:s29] =	ssyncadd.s32 $0xFFFFC000  }
.LBB2_5:
0xe0: {  	[tilespmem:s15], [sflag:$0x2] =	stream.indirect.gather [hbm4b:s4+s0], $0x80, s23, s0, $0xb8;
	[tilespmem:$0x1FC00] =	vst v63  }
0xe1: {  	s23 =	smov.u32 s25  }
0xe2: {  	p3 =	sne.s32 s25, $0x4800;
	s25 =	sadd.s32 $0x400, s25;
	_ =	swait.ge [sflag:s17], $0x4000  }
0xe3: {  	s23 =	sshra.s32 s23, $0x2;
	[sflag:s17] =	ssyncset.done $0x0  }
0xe4: {  	s6 =	sadd.s32 $0x2800, s23;
	[sflag:s17] =	ssyncadd.s32 $0xFFFFC000  }
0xe5: {  	[spmem:s2] =	stream.indirect.scatter.add.f32 [tilespmem:s30], [sflag:$0x3], $0x80, s6, s0, $0xb8;
	[tilespmem:$0x1FC00] =	vst v63  }
0xe6: {  	_ =	swait.ge [sflag:s29], $0x4000  }
0xe7: {  	[sflag:s29] =	ssyncset.done $0x0  }
0xe8: {  	s6 =	sadd.s32 $0x100, s23;
	[sflag:s29] =	ssyncadd.s32 $0xFFFFC000  }
0xe9: {  	[tilespmem:s30], [sflag:$0x1] =	stream.indirect.gather [hbm4b:s4+s0], $0x80, s6, s0, $0xb8;
	[tilespmem:$0x1FC00] =	vst v63  }
0xea: {  	_ =	swait.ge [sflag:s19], $0x4000  }
0xeb: {  	[sflag:s19] =	ssyncset.done $0x0  }
.Ltmp8:
0xec: {  	s6 =	sadd.s32 $0x2880, s23;
	[sflag:s19] =	ssyncadd.s32 $0xFFFFC000;
	(pc) =	sbr.rel @p3 .LBB2_5-.Ltmp8, $4  }
0xed: {  	[spmem:s2] =	stream.indirect.scatter.add.f32 [tilespmem:s15], [sflag:$0x3], $0x80, s6, s0, $0xb8;
	[tilespmem:$0x1FC00] =	vst v63  }
0xee: {  	_ =	swait.ge [sflag:s29], $0x4000  }
0xef: {  	[sflag:s29] =	ssyncset.done $0x0  }
0xf0: {  	s23 =	sadd.s32 $0x180, s23;
	[sflag:s29] =	ssyncadd.s32 $0xFFFFC000  }
0xf1: {  	[tilespmem:s15], [sflag:$0x2] =	stream.indirect.gather [hbm4b:s4+s0], $0x80, s23, s0, $0xb8;
	[tilespmem:$0x1FC00] =	vst v63  }
0xf2: {  	_ =	swait.ge [sflag:s17], $0x4000  }
0xf3: {  	[sflag:s17] =	ssyncset.done $0x0  }
0xf4: {  	[sflag:s17] =	ssyncadd.s32 $0xFFFFC000  }
0xf5: {  	[spmem:s2] =	stream.indirect.scatter.add.f32 [tilespmem:s30], [sflag:$0x3], $0x80, s20, s0, $0xb8;
	[tilespmem:$0x1FC00] =	vst v63  }
0xf6: {  	_ =	swait.ge [sflag:s29], $0x4000  }
0xf7: {  	[sflag:s29] =	ssyncset.done $0x0  }
0xf8: {  	[sflag:s29] =	ssyncadd.s32 $0xFFFFC000  }
0xf9: {  	_ =	swait.ge [sflag:s19], $0x4000  }
0xfa: {  	[sflag:s19] =	ssyncset.done $0x0  }
0xfb: {  	[sflag:s19] =	ssyncadd.s32 $0xFFFFC000  }
0xfc: {  	[spmem:s2] =	stream.indirect.scatter.add.f32 [tilespmem:s15], [sflag:$0x3], $0x80, s21, s0, $0xb8;
	[tilespmem:$0x1FC00] =	vst v63  }
0xfd: {  	_ =	swait.ge [sflag:s29], $0x4000  }
0xfe: {  	[sflag:s29] =	ssyncset.done $0x0  }
0xff: {  	s6 =	simm.s32 $0x0;
	[sflag:s29] =	ssyncadd.s32 $0xFFFFC000  }
0x100: {  	[tilespmem:s31], [sflag:$0x3] =	stream.linear.gather [hbm4b:s13+s6], $0x1400, $0x38;
	[tilespmem:$0x1FC00] =	vst v63  }
0x101: {  	_ =	swait.ge [sflag:s29], $0x1400  }
0x102: {  	[sflag:s29] =	ssyncset.done $0x0  }
0x103: {  	s25 =	simm.s32 $0x1400;
	[sflag:s29] =	ssyncadd.s32 $0xFFFFEC00  }
0x104: {  	[tilespmem:s30], [sflag:$0x1] =	stream.indirect.gather [hbm4b:s4+s0], $0x80, s25, s0, $0xb8;
	[tilespmem:$0x1FC00] =	vst v63  }
0x105: {  	s23 =	simm.s32 $0x1480  }
0x106: {  	[tilespmem:s15], [sflag:$0x2] =	stream.indirect.gather [hbm4b:s4+s0], $0x80, s23, s0, $0xb8;
	[tilespmem:$0x1FC00] =	vst v63  }
0x107: {  	_ =	swait.ge [sflag:s17], $0x4000  }
0x108: {  	[sflag:s17] =	ssyncset.done $0x0  }
0x109: {  	s25 =	simm.s32 $0x2800;
	[sflag:s17] =	ssyncadd.s32 $0xFFFFC000  }
0x10a: {  	[spmem:s2] =	stream.indirect.scatter.add.f32 [tilespmem:s30], [sflag:$0x3], $0x80, s25, s0, $0xb8;
	[tilespmem:$0x1FC00] =	vst v63  }
0x10b: {  	_ =	swait.ge [sflag:s29], $0x4000  }
0x10c: {  	[sflag:s29] =	ssyncset.done $0x0  }
0x10d: {  	s23 =	simm.s32 $0x1500;
	[sflag:s29] =	ssyncadd.s32 $0xFFFFC000  }
0x10e: {  	[tilespmem:s30], [sflag:$0x1] =	stream.indirect.gather [hbm4b:s4+s0], $0x80, s23, s0, $0xb8;
	[tilespmem:$0x1FC00] =	vst v63  }
0x10f: {  	_ =	swait.ge [sflag:s19], $0x4000  }
0x110: {  	[sflag:s19] =	ssyncset.done $0x0  }
0x111: {  	s25 =	simm.s32 $0x2880;
	[sflag:s19] =	ssyncadd.s32 $0xFFFFC000  }
0x112: {  	[spmem:s2] =	stream.indirect.scatter.add.f32 [tilespmem:s15], [sflag:$0x3], $0x80, s25, s0, $0xb8;
	[tilespmem:$0x1FC00] =	vst v63  }
0x113: {  	_ =	swait.ge [sflag:s29], $0x4000  }
0x114: {  	[sflag:s29] =	ssyncset.done $0x0  }
0x115: {  	s23 =	simm.s32 $0x1580;
	s25 =	simm.s32 $0x400;
	[sflag:s29] =	ssyncadd.s32 $0xFFFFC000  }
.LBB2_7:
0x116: {  	[tilespmem:s15], [sflag:$0x2] =	stream.indirect.gather [hbm4b:s4+s0], $0x80, s23, s0, $0xb8;
	[tilespmem:$0x1FC00] =	vst v63  }
0x117: {  	s6 =	smov.u32 s25  }
0x118: {  	p3 =	sne.s32 s25, $0x4800;
	s25 =	sadd.s32 $0x400, s25;
	_ =	swait.ge [sflag:s17], $0x4000  }
0x119: {  	s6 =	sshra.s32 s6, $0x2;
	[sflag:s17] =	ssyncset.done $0x0  }
0x11a: {  	s23 =	sadd.s32 $0x2800, s6;
	[sflag:s17] =	ssyncadd.s32 $0xFFFFC000  }
0x11b: {  	[spmem:s2] =	stream.indirect.scatter.add.f32 [tilespmem:s30], [sflag:$0x3], $0x80, s23, s0, $0xb8;
	[tilespmem:$0x1FC00] =	vst v63  }
0x11c: {  	_ =	swait.ge [sflag:s29], $0x4000  }
0x11d: {  	[sflag:s29] =	ssyncset.done $0x0  }
0x11e: {  	s23 =	sadd.s32 $0x1500, s6;
	[sflag:s29] =	ssyncadd.s32 $0xFFFFC000  }
0x11f: {  	[tilespmem:s30], [sflag:$0x1] =	stream.indirect.gather [hbm4b:s4+s0], $0x80, s23, s0, $0xb8;
	[tilespmem:$0x1FC00] =	vst v63  }
0x120: {  	_ =	swait.ge [sflag:s19], $0x4000  }
0x121: {  	[sflag:s19] =	ssyncset.done $0x0  }
.Ltmp9:
0x122: {  	s23 =	sadd.s32 $0x2880, s6;
	[sflag:s19] =	ssyncadd.s32 $0xFFFFC000;
	(pc) =	sbr.rel @p3 .LBB2_7-.Ltmp9, $4  }
0x123: {  	[spmem:s2] =	stream.indirect.scatter.add.f32 [tilespmem:s15], [sflag:$0x3], $0x80, s23, s0, $0xb8;
	[tilespmem:$0x1FC00] =	vst v63  }
0x124: {  	_ =	swait.ge [sflag:s29], $0x4000  }
0x125: {  	[sflag:s29] =	ssyncset.done $0x0  }
0x126: {  	s23 =	sadd.s32 $0x1580, s6;
	[sflag:s29] =	ssyncadd.s32 $0xFFFFC000  }
0x127: {  	[tilespmem:s15], [sflag:$0x2] =	stream.indirect.gather [hbm4b:s4+s0], $0x80, s23, s0, $0xb8;
	[tilespmem:$0x1FC00] =	vst v63  }
0x128: {  	_ =	swait.ge [sflag:s17], $0x4000  }
0x129: {  	[sflag:s17] =	ssyncset.done $0x0  }
0x12a: {  	[sflag:s17] =	ssyncadd.s32 $0xFFFFC000  }
0x12b: {  	[spmem:s2] =	stream.indirect.scatter.add.f32 [tilespmem:s30], [sflag:$0x3], $0x80, s20, s0, $0xb8;
	[tilespmem:$0x1FC00] =	vst v63  }
0x12c: {  	_ =	swait.ge [sflag:s29], $0x4000  }
0x12d: {  	[sflag:s29] =	ssyncset.done $0x0  }
0x12e: {  	[sflag:s29] =	ssyncadd.s32 $0xFFFFC000  }
0x12f: {  	_ =	swait.ge [sflag:s19], $0x4000  }
0x130: {  	[sflag:s19] =	ssyncset.done $0x0  }
0x131: {  	[sflag:s19] =	ssyncadd.s32 $0xFFFFC000  }
0x132: {  	[spmem:s2] =	stream.indirect.scatter.add.f32 [tilespmem:s15], [sflag:$0x3], $0x80, s21, s0, $0xb8;
	[tilespmem:$0x1FC00] =	vst v63  }
0x133: {  	_ =	swait.ge [sflag:s29], $0x4000  }
0x134: {  	[sflag:s29] =	ssyncset.done $0x0  }
0x135: {  	[sflag:s29] =	ssyncadd.s32 $0xFFFFC000  }
0x136: {  	s6 =	sshll.u32 s1, $0x6;
	[bflag:$0x0] =	sbarrier.arrive $0xFFFF  }
0x137: {  	s25 =	sor.u32 $0x1C03, s6;
	s6 =	sshrl.u32 s14, $0x3;
	s23 =	rddreg [dreg:$0x4]  }
0x138: {  	[hbm:s23], [sflag:s25] =	dma.local [spmem:s6], $0xC80  }
0x139: {  	_ =	swait.ge [sflag:s29], $0xC80  }
0x13a: {  	[sflag:s29] =	ssyncset.done $0x0  }
0x13b: {  	s6 =	sshrl.u32 s16, $0x3;
	s23 =	rddreg [dreg:$0x5];
	[sflag:s29] =	ssyncadd.s32 $0xFFFFF380  }
0x13c: {  	[hbm:s23], [sflag:s25] =	dma.local [spmem:s6], $0xC80  }
0x13d: {  	_ =	swait.ge [sflag:s29], $0xC80  }
0x13e: {  	[sflag:s29] =	ssyncset.done $0x0  }
0x13f: {  	s6 =	sshrl.u32 s18, $0x3;
	s23 =	rddreg [dreg:$0x6];
	[sflag:s29] =	ssyncadd.s32 $0xFFFFF380  }
0x140: {  	[hbm:s23], [sflag:s25] =	dma.local [spmem:s6], $0xC80  }
.Ltmp10:
0x141: {  	_ = 	snop;
	(pc) =	sbr.rel @p2 .LBB2_14-.Ltmp10, $4  }
.Ltmp11:
0x142: {  	_ = 	snop;
	(pc) =	sbr.rel @!p2 .LBB2_15-.Ltmp11, $4  }
0x143: {  	_ =	swait.ge [sflag:s29], $0xC80  }
0x144: {  	[sflag:s29] =	ssyncset.done $0x0  }
0x145: {  	s23 =	rddreg [dreg:$0x3];
	[sflag:s29] =	ssyncadd.s32 $0xFFFFF380  }
0x146: {  	_ = 	snop  }
.LBB2_16:
0x147: {  	_ =	sfence.sel $0x180000  }
0x148: {  	[bflag:$0x0] =	sbarrier.arrive $0xFFFF  }
0x149: {  	_ =	strace $0x9000004D  }
0x14a: {  	[bflag:$0x2] =	sbarrier.arrive $0xFFFF  }
0x14b: {  	p0 =	sne.s32 s1, $0x0;
	s0 =	rddreg [dreg:$0x2]  }
0x14c: {  	s0 =	sadd.s32 @!p0 $0x100000, s0  }
0x14d: {  	[sflag:s0] =	ssyncadd.tile.s32 @!p0 $0x1;
	_ =	shalt  }
.Lfunc_end2:
_tile_overlayer_lowered:
.L_overlay_start_2:
0x14e: {  	(tag) =	ssettag $0x2  }
0x14f: {  	s0 =	rddreg [dreg:$0x0];
	s2 =	stileid.u32  }
0x150: {  	s1 =	rddreg [dreg:$0x1];
	p0 =	sne.s32 s2, $0x0  }
0x151: {  	s3 =	rddreg [dreg:$0x2];
	[bflag:$0x3] =	sbarrier.arrive $0xFFFF;
	s2 =	simm.s32 @!p0 $0x1C03  }
0x152: {  	[timem:s3], [sflag:s2] =	dma.local @!p0 [hbm:s0], s1  }
0x153: {  	s0 =	simm.s32 @!p0 $0x3  }
0x154: {  	_ =	swait.ge @!p0 [sflag:s0], s1  }
0x155: {  	s1 =	ssub.s32 @!p0 $0x0, s1;
	[sflag:s0] =	ssyncset.done @!p0 $0x0  }
0x156: {  	[sflag:s0] =	ssyncadd.s32 @!p0 s1  }
0x157: {  	[bflag:$0x3] =	sbarrier.arrive $0xFFFF  }
0x158: {  	_ =	shalt  }

</sc_bundles>
